<compile_context>
chip_gen: v7x
topology: tpu7x:2x2x1
jax: 0.10.2.dev20260603
libtpu: 0.0.44.dev20260713+nightly
codegen_flags: <defaults>
</compile_context>

<pallas_src>
import functools

import jax
import jax.numpy as jnp
from jax import lax
from jax.experimental import pallas as pl
from jax.experimental.pallas import tpu as pltpu
from jax.experimental.pallas import tpu_sc as plsc

B = 16
C = 1024
T_PROMPT = 150
T_TEXT = 1024
T_SPEECH = 2048
LEN_COND = 152
T_OUT = LEN_COND + T_TEXT + T_SPEECH

NC = 2
NS = 16
NW = NC * NS

W_P = 75
W_PG = 80
W_T = 64
W_S = 64


def _cond_rows_tc(speaker_emb, emotion_adv, spkr_W, spkr_b, emo_W, emo_b):

    def body(spk, emo, w_ref, b_ref, ew_ref, eb_ref, out):
        proj = jnp.dot(spk[...], w_ref[...], preferred_element_type=jnp.float32)
        out[0] = proj + b_ref[...]
        out[1] = emo[...] * ew_ref[...] + eb_ref[...]

    return pl.pallas_call(
        body,
        out_shape=jax.ShapeDtypeStruct((2, B, C), jnp.float32),
    )(speaker_emb, emotion_adv.reshape(B, 1), spkr_W,
      spkr_b.reshape(1, C), emo_W, emo_b.reshape(1, C))


def _sc_embed(cond2, p_idx, t_idx, s_idx, t_tab, s_tab, t_pos, s_pos):
    mesh = plsc.VectorSubcoreMesh(
        core_axis_name="c", subcore_axis_name="s", num_cores=NC, num_subcores=NS)

    @functools.partial(
        pl.kernel,
        out_type=jax.ShapeDtypeStruct((B * T_OUT, 8, 128), jnp.float32),
        mesh=mesh,
        scratch_types=[
            pltpu.VMEM((W_PG,), jnp.int32),
            pltpu.VMEM((W_T,), jnp.int32),
            pltpu.VMEM((W_PG, 8, 128), jnp.float32),
            pltpu.SemaphoreType.DMA,
        ],
    )
    def body(cond2_h, p_idx_h, t_idx_h, s_idx_h, t_tab_h, s_tab_h, t_pos_h,
             s_pos_h, out_h, idx_p, idx_c, buf, sem):
        w = lax.axis_index("s") * NC + lax.axis_index("c")
        b = w // 2
        h = w % 2
        out_b = b * T_OUT

        pltpu.sync_copy(cond2_h.at[pl.ds(h * B + b, 1)], buf.at[pl.ds(0, 1)])
        pltpu.sync_copy(buf.at[pl.ds(0, 1)],
                        out_h.at[pl.ds(out_b + h * (LEN_COND - 1), 1)])

        pltpu.sync_copy(p_idx_h.at[pl.ds(w * W_PG, W_PG)], idx_p)
        pltpu.sync_copy(s_pos_h.at[pl.ds(h * W_P, W_PG)], buf)
        pltpu.async_copy(s_tab_h.at[idx_p], buf, sem, add=True).wait()
        pltpu.sync_copy(buf.at[pl.ds(0, W_P)],
                        out_h.at[pl.ds(out_b + 1 + h * W_P, W_P)])

        for i in range(T_TEXT * B // W_T // NW):
            task = w + NW * i
            tb = task // (T_TEXT // W_T)
            tc = task % (T_TEXT // W_T)
            pltpu.sync_copy(t_idx_h.at[pl.ds(task * W_T, W_T)], idx_c)
            pltpu.sync_copy(t_pos_h.at[pl.ds(tc * W_T, W_T)], buf.at[pl.ds(0, W_T)])
            pltpu.async_copy(t_tab_h.at[idx_c], buf.at[pl.ds(0, W_T)], sem,
                             add=True).wait()
            pltpu.sync_copy(buf.at[pl.ds(0, W_T)],
                            out_h.at[pl.ds(tb * T_OUT + LEN_COND + tc * W_T, W_T)])

        for i in range(T_SPEECH * B // W_S // NW):
            task = w + NW * i
            sb = task // (T_SPEECH // W_S)
            sc = task % (T_SPEECH // W_S)
            pltpu.sync_copy(s_idx_h.at[pl.ds(task * W_S, W_S)], idx_c)
            pltpu.sync_copy(s_pos_h.at[pl.ds(sc * W_S, W_S)], buf.at[pl.ds(0, W_S)])
            pltpu.async_copy(s_tab_h.at[idx_c], buf.at[pl.ds(0, W_S)], sem,
                             add=True).wait()
            pltpu.sync_copy(
                buf.at[pl.ds(0, W_S)],
                out_h.at[pl.ds(sb * T_OUT + LEN_COND + T_TEXT + sc * W_S, W_S)])

    return body(cond2, p_idx, t_idx, s_idx, t_tab, s_tab, t_pos, s_pos)


def kernel(speaker_emb, cond_prompt_speech_tokens, emotion_adv, text_tokens,
           speech_tokens, text_emb_table, speech_emb_table, text_pos_table,
           speech_pos_table, spkr_W, spkr_b, emo_W, emo_b):
    cond2 = _cond_rows_tc(speaker_emb, emotion_adv, spkr_W, spkr_b, emo_W, emo_b)

    p_idx = jnp.pad(
        cond_prompt_speech_tokens.astype(jnp.int32).reshape(B * 2, W_P),
        ((0, 0), (0, W_PG - W_P))).reshape(-1)
    t_idx = text_tokens.astype(jnp.int32).reshape(-1)
    s_idx = speech_tokens.astype(jnp.int32).reshape(-1)

    out = _sc_embed(
        cond2.reshape(2 * B, 8, 128), p_idx, t_idx, s_idx,
        text_emb_table.reshape(-1, 8, 128), speech_emb_table.reshape(-1, 8, 128),
        text_pos_table.reshape(-1, 8, 128), speech_pos_table.reshape(-1, 8, 128))
    return (out.reshape(B, T_OUT, C), LEN_COND)

# --- scband reference (transcript-rebuilt; emitter-appended) ---
"""Pipeline reference for scband-embedder-16930761081113 (READ-ONLY COPY).

The authoritative reference and input builder live on the scoring server;
editing this copy changes nothing except your own understanding.
"""

import jax, jax.numpy as jnp
import numpy as np

N_CHANNELS = 1024
TEXT_VOCAB = 704
SPEECH_VOCAB = 8194
SPK_DIM = 256
MAX_TEXT = 2048
MAX_SPEECH = 4096


def setup_inputs(seed: int = 0) -> dict:
    key = jax.random.key(seed)
    ks = jax.random.split(key, 12)
    B = 16
    T_PROMPT = 150
    T_TEXT = 1024
    T_SPEECH = 2048
    speaker_emb = jax.random.normal(ks[0], (B, SPK_DIM), dtype=jnp.float32)
    cond_prompt_speech_tokens = jax.random.randint(ks[1], (B, T_PROMPT), 0, SPEECH_VOCAB, dtype=jnp.int64 if jax.config.jax_enable_x64 else jnp.int32)
    emotion_adv = jax.random.uniform(ks[2], (B, 1, 1), dtype=jnp.float32)
    text_tokens = jax.random.randint(ks[3], (B, T_TEXT), 0, TEXT_VOCAB, dtype=jnp.int64 if jax.config.jax_enable_x64 else jnp.int32)
    speech_tokens = jax.random.randint(ks[4], (B, T_SPEECH), 0, SPEECH_VOCAB, dtype=jnp.int64 if jax.config.jax_enable_x64 else jnp.int32)
    # learned parameters
    text_emb_table = jax.random.normal(ks[5], (TEXT_VOCAB, N_CHANNELS), dtype=jnp.float32) * 0.02
    speech_emb_table = jax.random.normal(ks[6], (SPEECH_VOCAB, N_CHANNELS), dtype=jnp.float32) * 0.02
    text_pos_table = jax.random.normal(ks[7], (MAX_TEXT, N_CHANNELS), dtype=jnp.float32) * 0.02
    speech_pos_table = jax.random.normal(ks[8], (MAX_SPEECH, N_CHANNELS), dtype=jnp.float32) * 0.02
    spkr_W = jax.random.normal(ks[9], (SPK_DIM, N_CHANNELS), dtype=jnp.float32) * (1.0 / np.sqrt(SPK_DIM))
    spkr_b = jnp.zeros((N_CHANNELS,), dtype=jnp.float32)
    emo_W = jax.random.normal(ks[10], (1, N_CHANNELS), dtype=jnp.float32)
    emo_b = jnp.zeros((N_CHANNELS,), dtype=jnp.float32)
    return {
        'speaker_emb': speaker_emb,
        'cond_prompt_speech_tokens': cond_prompt_speech_tokens,
        'emotion_adv': emotion_adv,
        'text_tokens': text_tokens,
        'speech_tokens': speech_tokens,
        'text_emb_table': text_emb_table,
        'speech_emb_table': speech_emb_table,
        'text_pos_table': text_pos_table,
        'speech_pos_table': speech_pos_table,
        'spkr_W': spkr_W,
        'spkr_b': spkr_b,
        'emo_W': emo_W,
        'emo_b': emo_b,
    }


def reference(speaker_emb, cond_prompt_speech_tokens, emotion_adv, text_tokens, speech_tokens,
              text_emb_table, speech_emb_table, text_pos_table, speech_pos_table,
              spkr_W, spkr_b, emo_W, emo_b):
    B = text_tokens.shape[0]
    Tp = cond_prompt_speech_tokens.shape[1]
    Tt = text_tokens.shape[1]
    Ts = speech_tokens.shape[1]
    # cond prompt speech embedding + learned position embedding (position-indexed)
    prompt_emb = jnp.take(speech_emb_table, cond_prompt_speech_tokens, axis=0) + speech_pos_table[:Tp][None, :, :]
    # cond encoder: speaker projection -> (B,1,C)
    cond_spkr = (speaker_emb.reshape(-1, speaker_emb.shape[-1]) @ spkr_W + spkr_b)[:, None, :]
    # emotion adv fc: (B,1,1) -> (B,1,C)
    cond_emo = (emotion_adv.reshape(-1, 1) @ emo_W + emo_b)[:, None, :]
    cond_emb = jnp.concatenate([cond_spkr, prompt_emb, cond_emo], axis=1)
    # text / speech token embeddings with learned pos embeddings
    text_emb = jnp.take(text_emb_table, text_tokens, axis=0) + text_pos_table[:Tt][None, :, :]
    speech_emb = jnp.take(speech_emb_table, speech_tokens, axis=0) + speech_pos_table[:Ts][None, :, :]
    len_cond = cond_emb.shape[1]
    if cond_emb.shape[0] != text_emb.shape[0]:
        cond_emb = jnp.broadcast_to(cond_emb, (text_emb.shape[0], cond_emb.shape[1], cond_emb.shape[2]))
    embeds = jnp.concatenate([cond_emb, text_emb, speech_emb], axis=1)
    return (embeds, len_cond)

if __name__ == "__main__":
    import jax
    _d = setup_inputs()
    print(jax.jit(kernel)(*tuple(_d.values())))

</pallas_src>

<mosaic_0001>
#map = affine_map<(d0, d1) -> (0, 0, 0)>
#map1 = affine_map<(d0, d1) -> (0)>
module attributes {stable_mosaic.version = 14 : i64} {
  func.func @body(%arg0: i32, %arg1: i32, %arg2: memref<32x8x128xf32, #tpu.memory_space<hbm>>, %arg3: memref<2560xi32, #tpu.memory_space<hbm>>, %arg4: memref<16384xi32, #tpu.memory_space<hbm>>, %arg5: memref<32768xi32, #tpu.memory_space<hbm>>, %arg6: memref<704x8x128xf32, #tpu.memory_space<hbm>>, %arg7: memref<8194x8x128xf32, #tpu.memory_space<hbm>>, %arg8: memref<2048x8x128xf32, #tpu.memory_space<hbm>>, %arg9: memref<4096x8x128xf32, #tpu.memory_space<hbm>>, %arg10: memref<51584x8x128xf32, #tpu.memory_space<hbm>>, %arg11: memref<80xi32, #tpu.memory_space<vmem>>, %arg12: memref<64xi32, #tpu.memory_space<vmem>>, %arg13: memref<80x8x128xf32, #tpu.memory_space<vmem>>, %arg14: memref<!tpu.dma_semaphore, #tpu.memory_space<semaphore_mem>>) attributes {dimension_semantics = [#tpu.dimension_semantics<core_parallel>, #tpu.dimension_semantics<subcore_parallel>], iteration_bounds = array<i64: 2, 16>, scalar_prefetch = 0 : i64, scratch_operands = 4 : i64, tpu.core_type = #tpu.core_type<sc_vector_subcore>, window_params = [{transform_indices = #map}, {transform_indices = #map1}, {transform_indices = #map1}, {transform_indices = #map1}, {transform_indices = #map}, {transform_indices = #map}, {transform_indices = #map}, {transform_indices = #map}, {transform_indices = #map}]} {
    %mul3A = arith.constant 2 : i32
    %mul3A_0 = arith.muli %arg1, %mul3A : i32
    %add3A = arith.addi %mul3A_0, %arg0 : i32
    %jit3A = arith.constant 2 : i32
    %div3A = arith.divsi %add3A, %jit3A : i32
    %sign3A = arith.constant 0 : i32
    %sign3A_1 = arith.cmpi sgt, %add3A, %sign3A : i32
    %sign3A_2 = arith.extui %sign3A_1 : i1 to i32
    %sign3A_3 = arith.constant 0 : i32
    %sign3A_4 = arith.cmpi slt, %add3A, %sign3A_3 : i32
    %sign3A_5 = arith.extui %sign3A_4 : i1 to i32
    %sign3A_6 = arith.subi %sign3A_2, %sign3A_5 : i32
    %sign3A_7 = arith.constant 0 : i32
    %sign3A_8 = arith.cmpi sgt, %jit3A, %sign3A_7 : i32
    %sign3A_9 = arith.extui %sign3A_8 : i1 to i32
    %sign3A_10 = arith.constant 0 : i32
    %sign3A_11 = arith.cmpi slt, %jit3A, %sign3A_10 : i32
    %sign3A_12 = arith.extui %sign3A_11 : i1 to i32
    %sign3A_13 = arith.subi %sign3A_9, %sign3A_12 : i32
    %ne3A = arith.cmpi ne, %sign3A_6, %sign3A_13 : i32
    %rem3A = arith.remsi %add3A, %jit3A : i32
    %ne3A_14 = arith.constant 0 : i32
    %ne3A_15 = arith.cmpi ne, %rem3A, %ne3A_14 : i32
    %and3A = arith.andi %ne3A, %ne3A_15 : i1
    %sub3A = arith.constant 1 : i32
    %sub3A_16 = arith.subi %div3A, %sub3A : i32
    %select_n3A = arith.select %and3A, %sub3A_16, %div3A : i32
    %jit3A_17 = arith.constant 2 : i32
    %eq3A = arith.constant 0 : i32
    %eq3A_18 = arith.cmpi eq, %jit3A_17, %eq3A : i32
    %jit3A_19 = arith.constant 1 : i32
    %select_n3A_20 = arith.select %eq3A_18, %jit3A_19, %jit3A_17 : i32
    %rem3A_21 = arith.remsi %add3A, %select_n3A_20 : i32
    %ne3A_22 = arith.constant 0 : i32
    %ne3A_23 = arith.cmpi ne, %rem3A_21, %ne3A_22 : i32
    %lt3A = arith.constant 0 : i32
    %lt3A_24 = arith.cmpi slt, %rem3A_21, %lt3A : i32
    %lt3A_25 = arith.constant 0 : i32
    %lt3A_26 = arith.cmpi slt, %select_n3A_20, %lt3A_25 : i32
    %ne3A_27 = arith.xori %lt3A_24, %lt3A_26 : i1
    %and3A_28 = arith.andi %ne3A_27, %ne3A_23 : i1
    %add3A_29 = arith.addi %rem3A_21, %select_n3A_20 : i32
    %select_n3A_30 = arith.select %and3A_28, %add3A_29, %rem3A_21 : i32
    %mul3A_31 = arith.constant 3224 : i32
    %mul3A_32 = arith.muli %select_n3A, %mul3A_31 : i32
    %mul3A_33 = arith.constant 16 : i32
    %mul3A_34 = arith.muli %select_n3A_30, %mul3A_33 : i32
    %add3A_35 = arith.addi %mul3A_34, %select_n3A : i32
    "tpu.region"() ({
      %run_scoped3A = tpu.sem_alloc : memref<!tpu.dma_semaphore, #tpu.memory_space<semaphore_mem>>
      %dma_start3A_1742 = arith.constant 0 : i32
      %dma_start3A_1743 = arith.constant 0 : i32
      %dma_start3A_1744 = arith.constant 0 : i32
      %dma_start3A_1745 = tpu.memref_slice %arg13[%dma_start3A_1742, %dma_start3A_1743, %dma_start3A_1744] : memref<80x8x128xf32, #tpu.memory_space<vmem>> -> memref<1x8x128xf32, #tpu.memory_space<vmem>>
      %dma_start3A_1746 = arith.constant 0 : i32
      %dma_start3A_1747 = arith.constant 0 : i32
      %dma_start3A_1748 = tpu.memref_slice %arg2[%add3A_35, %dma_start3A_1746, %dma_start3A_1747] : memref<32x8x128xf32, #tpu.memory_space<hbm>> -> memref<1x8x128xf32, #tpu.memory_space<hbm>>
      %dma_start3A_1749 = arith.constant 0 : i32
      %dma_start3A_1750 = arith.constant 0 : i32
      %dma_start3A_1751 = arith.constant 0 : i32
      %dma_start3A_1752 = tpu.memref_slice %arg13[%dma_start3A_1749, %dma_start3A_1750, %dma_start3A_1751] : memref<80x8x128xf32, #tpu.memory_space<vmem>> -> memref<1x8x128xf32, #tpu.memory_space<vmem>>
      %dma_start3A_1753 = arith.constant 0 : i32
      %dma_start3A_1754 = arith.constant 0 : i32
      %dma_start3A_1755 = tpu.memref_slice %arg2[%add3A_35, %dma_start3A_1753, %dma_start3A_1754] : memref<32x8x128xf32, #tpu.memory_space<hbm>> -> memref<1x8x128xf32, #tpu.memory_space<hbm>>
      tpu.enqueue_dma source(%dma_start3A_1755 : memref<1x8x128xf32, #tpu.memory_space<hbm>>) target(%dma_start3A_1752 : memref<1x8x128xf32, #tpu.memory_space<vmem>>) target_semaphore(%run_scoped3A : memref<!tpu.dma_semaphore, #tpu.memory_space<semaphore_mem>>)
      %dma_wait3A_1756 = arith.constant 0 : i32
      %dma_wait3A_1757 = arith.constant 0 : i32
      %dma_wait3A_1758 = arith.constant 0 : i32
      %dma_wait3A_1759 = tpu.memref_slice %arg13[%dma_wait3A_1756, %dma_wait3A_1757, %dma_wait3A_1758] : memref<80x8x128xf32, #tpu.memory_space<vmem>> -> memref<1x8x128xf32, #tpu.memory_space<vmem>>
      %dma_wait3A_1760 = arith.constant 0 : i32
      %dma_wait3A_1761 = arith.constant 0 : i32
      %dma_wait3A_1762 = tpu.memref_slice %arg2[%add3A_35, %dma_wait3A_1760, %dma_wait3A_1761] : memref<32x8x128xf32, #tpu.memory_space<hbm>> -> memref<1x8x128xf32, #tpu.memory_space<hbm>>
      %dma_wait3A_1763 = arith.constant 0 : i32
      %dma_wait3A_1764 = arith.constant 0 : i32
      %dma_wait3A_1765 = arith.constant 0 : i32
      %dma_wait3A_1766 = tpu.memref_slice %arg13[%dma_wait3A_1763, %dma_wait3A_1764, %dma_wait3A_1765] : memref<80x8x128xf32, #tpu.memory_space<vmem>> -> memref<1x8x128xf32, #tpu.memory_space<vmem>>
      %dma_wait3A_1767 = arith.constant 0 : i32
      %dma_wait3A_1768 = arith.constant 0 : i32
      %dma_wait3A_1769 = tpu.memref_slice %arg2[%add3A_35, %dma_wait3A_1767, %dma_wait3A_1768] : memref<32x8x128xf32, #tpu.memory_space<hbm>> -> memref<1x8x128xf32, #tpu.memory_space<hbm>>
      tpu.wait_dma2 semaphore(%run_scoped3A : memref<!tpu.dma_semaphore, #tpu.memory_space<semaphore_mem>>) src(%dma_wait3A_1769 : memref<1x8x128xf32, #tpu.memory_space<hbm>>) dst(%dma_wait3A_1766 : memref<1x8x128xf32, #tpu.memory_space<vmem>>)
      tpu.yield
    }) : () -> ()
    %mul3A_36 = arith.constant 151 : i32
    %mul3A_37 = arith.muli %select_n3A_30, %mul3A_36 : i32
    %add3A_38 = arith.addi %mul3A_32, %mul3A_37 : i32
    "tpu.region"() ({
      %run_scoped3A = tpu.sem_alloc : memref<!tpu.dma_semaphore, #tpu.memory_space<semaphore_mem>>
      %dma_start3A_1742 = arith.constant 0 : i32
      %dma_start3A_1743 = arith.constant 0 : i32
      %dma_start3A_1744 = arith.constant 0 : i32
      %dma_start3A_1745 = tpu.memref_slice %arg13[%dma_start3A_1742, %dma_start3A_1743, %dma_start3A_1744] : memref<80x8x128xf32, #tpu.memory_space<vmem>> -> memref<1x8x128xf32, #tpu.memory_space<vmem>>
      %dma_start3A_1746 = arith.constant 0 : i32
      %dma_start3A_1747 = arith.constant 0 : i32
      %dma_start3A_1748 = tpu.memref_slice %arg10[%add3A_38, %dma_start3A_1746, %dma_start3A_1747] : memref<51584x8x128xf32, #tpu.memory_space<hbm>> -> memref<1x8x128xf32, #tpu.memory_space<hbm>>
      %dma_start3A_1749 = arith.constant 0 : i32
      %dma_start3A_1750 = arith.constant 0 : i32
      %dma_start3A_1751 = tpu.memref_slice %arg10[%add3A_38, %dma_start3A_1749, %dma_start3A_1750] : memref<51584x8x128xf32, #tpu.memory_space<hbm>> -> memref<1x8x128xf32, #tpu.memory_space<hbm>>
      %dma_start3A_1752 = arith.constant 0 : i32
      %dma_start3A_1753 = arith.constant 0 : i32
      %dma_start3A_1754 = arith.constant 0 : i32
      %dma_start3A_1755 = tpu.memref_slice %arg13[%dma_start3A_1752, %dma_start3A_1753, %dma_start3A_1754] : memref<80x8x128xf32, #tpu.memory_space<vmem>> -> memref<1x8x128xf32, #tpu.memory_space<vmem>>
      tpu.enqueue_dma source(%dma_start3A_1755 : memref<1x8x128xf32, #tpu.memory_space<vmem>>) target(%dma_start3A_1751 : memref<1x8x128xf32, #tpu.memory_space<hbm>>) target_semaphore(%run_scoped3A : memref<!tpu.dma_semaphore, #tpu.memory_space<semaphore_mem>>)
      %dma_wait3A_1756 = arith.constant 0 : i32
      %dma_wait3A_1757 = arith.constant 0 : i32
      %dma_wait3A_1758 = arith.constant 0 : i32
      %dma_wait3A_1759 = tpu.memref_slice %arg13[%dma_wait3A_1756, %dma_wait3A_1757, %dma_wait3A_1758] : memref<80x8x128xf32, #tpu.memory_space<vmem>> -> memref<1x8x128xf32, #tpu.memory_space<vmem>>
      %dma_wait3A_1760 = arith.constant 0 : i32
      %dma_wait3A_1761 = arith.constant 0 : i32
      %dma_wait3A_1762 = tpu.memref_slice %arg10[%add3A_38, %dma_wait3A_1760, %dma_wait3A_1761] : memref<51584x8x128xf32, #tpu.memory_space<hbm>> -> memref<1x8x128xf32, #tpu.memory_space<hbm>>
      %dma_wait3A_1763 = arith.constant 0 : i32
      %dma_wait3A_1764 = arith.constant 0 : i32
      %dma_wait3A_1765 = tpu.memref_slice %arg10[%add3A_38, %dma_wait3A_1763, %dma_wait3A_1764] : memref<51584x8x128xf32, #tpu.memory_space<hbm>> -> memref<1x8x128xf32, #tpu.memory_space<hbm>>
      %dma_wait3A_1766 = arith.constant 0 : i32
      %dma_wait3A_1767 = arith.constant 0 : i32
      %dma_wait3A_1768 = arith.constant 0 : i32
      %dma_wait3A_1769 = tpu.memref_slice %arg13[%dma_wait3A_1766, %dma_wait3A_1767, %dma_wait3A_1768] : memref<80x8x128xf32, #tpu.memory_space<vmem>> -> memref<1x8x128xf32, #tpu.memory_space<vmem>>
      tpu.wait_dma2 semaphore(%run_scoped3A : memref<!tpu.dma_semaphore, #tpu.memory_space<semaphore_mem>>) src(%dma_wait3A_1769 : memref<1x8x128xf32, #tpu.memory_space<vmem>>) dst(%dma_wait3A_1765 : memref<1x8x128xf32, #tpu.memory_space<hbm>>)
      tpu.yield
    }) : () -> ()
    %mul3A_39 = arith.constant 80 : i32
    %mul3A_40 = arith.muli %add3A, %mul3A_39 : i32
    "tpu.region"() ({
      %run_scoped3A = tpu.sem_alloc : memref<!tpu.dma_semaphore, #tpu.memory_space<semaphore_mem>>
      %dma_start3A_1742 = tpu.memref_slice %arg3[%mul3A_40] : memref<2560xi32, #tpu.memory_space<hbm>> -> memref<80xi32, #tpu.memory_space<hbm>>
      %dma_start3A_1743 = tpu.memref_slice %arg3[%mul3A_40] : memref<2560xi32, #tpu.memory_space<hbm>> -> memref<80xi32, #tpu.memory_space<hbm>>
      tpu.enqueue_dma source(%dma_start3A_1743 : memref<80xi32, #tpu.memory_space<hbm>>) target(%arg11 : memref<80xi32, #tpu.memory_space<vmem>>) target_semaphore(%run_scoped3A : memref<!tpu.dma_semaphore, #tpu.memory_space<semaphore_mem>>)
      %dma_wait3A_1744 = tpu.memref_slice %arg3[%mul3A_40] : memref<2560xi32, #tpu.memory_space<hbm>> -> memref<80xi32, #tpu.memory_space<hbm>>
      %dma_wait3A_1745 = tpu.memref_slice %arg3[%mul3A_40] : memref<2560xi32, #tpu.memory_space<hbm>> -> memref<80xi32, #tpu.memory_space<hbm>>
      tpu.wait_dma2 semaphore(%run_scoped3A : memref<!tpu.dma_semaphore, #tpu.memory_space<semaphore_mem>>) src(%dma_wait3A_1745 : memref<80xi32, #tpu.memory_space<hbm>>) dst(%arg11 : memref<80xi32, #tpu.memory_space<vmem>>)
      tpu.yield
    }) : () -> ()
    %mul3A_41 = arith.constant 75 : i32
    %mul3A_42 = arith.muli %select_n3A_30, %mul3A_41 : i32
    "tpu.region"() ({
      %run_scoped3A = tpu.sem_alloc : memref<!tpu.dma_semaphore, #tpu.memory_space<semaphore_mem>>
      %dma_start3A_1742 = arith.constant 0 : i32
      %dma_start3A_1743 = arith.constant 0 : i32
      %dma_start3A_1744 = tpu.memref_slice %arg9[%mul3A_42, %dma_start3A_1742, %dma_start3A_1743] : memref<4096x8x128xf32, #tpu.memory_space<hbm>> -> memref<80x8x128xf32, #tpu.memory_space<hbm>>
      %dma_start3A_1745 = arith.constant 0 : i32
      %dma_start3A_1746 = arith.constant 0 : i32
      %dma_start3A_1747 = tpu.memref_slice %arg9[%mul3A_42, %dma_start3A_1745, %dma_start3A_1746] : memref<4096x8x128xf32, #tpu.memory_space<hbm>> -> memref<80x8x128xf32, #tpu.memory_space<hbm>>
      tpu.enqueue_dma source(%dma_start3A_1747 : memref<80x8x128xf32, #tpu.memory_space<hbm>>) target(%arg13 : memref<80x8x128xf32, #tpu.memory_space<vmem>>) target_semaphore(%run_scoped3A : memref<!tpu.dma_semaphore, #tpu.memory_space<semaphore_mem>>)
      %dma_wait3A_1748 = arith.constant 0 : i32
      %dma_wait3A_1749 = arith.constant 0 : i32
      %dma_wait3A_1750 = tpu.memref_slice %arg9[%mul3A_42, %dma_wait3A_1748, %dma_wait3A_1749] : memref<4096x8x128xf32, #tpu.memory_space<hbm>> -> memref<80x8x128xf32, #tpu.memory_space<hbm>>
      %dma_wait3A_1751 = arith.constant 0 : i32
      %dma_wait3A_1752 = arith.constant 0 : i32
      %dma_wait3A_1753 = tpu.memref_slice %arg9[%mul3A_42, %dma_wait3A_1751, %dma_wait3A_1752] : memref<4096x8x128xf32, #tpu.memory_space<hbm>> -> memref<80x8x128xf32, #tpu.memory_space<hbm>>
      tpu.wait_dma2 semaphore(%run_scoped3A : memref<!tpu.dma_semaphore, #tpu.memory_space<semaphore_mem>>) src(%dma_wait3A_1753 : memref<80x8x128xf32, #tpu.memory_space<hbm>>) dst(%arg13 : memref<80x8x128xf32, #tpu.memory_space<vmem>>)
      tpu.yield
    }) : () -> ()
    %dma_start3A = arith.constant 0 : i32
    %dma_start3A_43 = arith.constant 0 : i32
    %dma_start3A_44 = arith.constant 0 : i32
    %dma_start3A_45 = tpu.memref_slice %arg7[%dma_start3A, %dma_start3A_43, %dma_start3A_44] : memref<8194x8x128xf32, #tpu.memory_space<hbm>> -> memref<8194x8x128xf32, #tpu.memory_space<hbm>>
    tpu.enqueue_indirect_dma source(%dma_start3A_45 : memref<8194x8x128xf32, #tpu.memory_space<hbm>>) target(%arg13 : memref<80x8x128xf32, #tpu.memory_space<vmem>>) offsets(%arg11 : memref<80xi32, #tpu.memory_space<vmem>>) semaphore(%arg14 : memref<!tpu.dma_semaphore, #tpu.memory_space<semaphore_mem>>) {add = true}
    %dma_wait3A = arith.constant 0 : i32
    %dma_wait3A_46 = arith.constant 0 : i32
    %dma_wait3A_47 = arith.constant 0 : i32
    %dma_wait3A_48 = tpu.memref_slice %arg7[%dma_wait3A, %dma_wait3A_46, %dma_wait3A_47] : memref<8194x8x128xf32, #tpu.memory_space<hbm>> -> memref<8194x8x128xf32, #tpu.memory_space<hbm>>
    tpu.wait_indirect_dma semaphore(%arg14 : memref<!tpu.dma_semaphore, #tpu.memory_space<semaphore_mem>>) src(%dma_wait3A_48 : memref<8194x8x128xf32, #tpu.memory_space<hbm>>) dst(%arg13 : memref<80x8x128xf32, #tpu.memory_space<vmem>>)
    %add3A_49 = arith.constant 1 : i32
    %add3A_50 = arith.addi %mul3A_32, %add3A_49 : i32
    %mul3A_51 = arith.constant 75 : i32
    %mul3A_52 = arith.muli %select_n3A_30, %mul3A_51 : i32
    %add3A_53 = arith.addi %add3A_50, %mul3A_52 : i32
    "tpu.region"() ({
      %run_scoped3A = tpu.sem_alloc : memref<!tpu.dma_semaphore, #tpu.memory_space<semaphore_mem>>
      %dma_start3A_1742 = arith.constant 0 : i32
      %dma_start3A_1743 = arith.constant 0 : i32
      %dma_start3A_1744 = arith.constant 0 : i32
      %dma_start3A_1745 = tpu.memref_slice %arg13[%dma_start3A_1742, %dma_start3A_1743, %dma_start3A_1744] : memref<80x8x128xf32, #tpu.memory_space<vmem>> -> memref<75x8x128xf32, #tpu.memory_space<vmem>>
      %dma_start3A_1746 = arith.constant 0 : i32
      %dma_start3A_1747 = arith.constant 0 : i32
      %dma_start3A_1748 = tpu.memref_slice %arg10[%add3A_53, %dma_start3A_1746, %dma_start3A_1747] : memref<51584x8x128xf32, #tpu.memory_space<hbm>> -> memref<75x8x128xf32, #tpu.memory_space<hbm>>
      %dma_start3A_1749 = arith.constant 0 : i32
      %dma_start3A_1750 = arith.constant 0 : i32
      %dma_start3A_1751 = tpu.memref_slice %arg10[%add3A_53, %dma_start3A_1749, %dma_start3A_1750] : memref<51584x8x128xf32, #tpu.memory_space<hbm>> -> memref<75x8x128xf32, #tpu.memory_space<hbm>>
      %dma_start3A_1752 = arith.constant 0 : i32
      %dma_start3A_1753 = arith.constant 0 : i32
      %dma_start3A_1754 = arith.constant 0 : i32
      %dma_start3A_1755 = tpu.memref_slice %arg13[%dma_start3A_1752, %dma_start3A_1753, %dma_start3A_1754] : memref<80x8x128xf32, #tpu.memory_space<vmem>> -> memref<75x8x128xf32, #tpu.memory_space<vmem>>
      tpu.enqueue_dma source(%dma_start3A_1755 : memref<75x8x128xf32, #tpu.memory_space<vmem>>) target(%dma_start3A_1751 : memref<75x8x128xf32, #tpu.memory_space<hbm>>) target_semaphore(%run_scoped3A : memref<!tpu.dma_semaphore, #tpu.memory_space<semaphore_mem>>)
      %dma_wait3A_1756 = arith.constant 0 : i32
      %dma_wait3A_1757 = arith.constant 0 : i32
      %dma_wait3A_1758 = arith.constant 0 : i32
      %dma_wait3A_1759 = tpu.memref_slice %arg13[%dma_wait3A_1756, %dma_wait3A_1757, %dma_wait3A_1758] : memref<80x8x128xf32, #tpu.memory_space<vmem>> -> memref<75x8x128xf32, #tpu.memory_space<vmem>>
      %dma_wait3A_1760 = arith.constant 0 : i32
      %dma_wait3A_1761 = arith.constant 0 : i32
      %dma_wait3A_1762 = tpu.memref_slice %arg10[%add3A_53, %dma_wait3A_1760, %dma_wait3A_1761] : memref<51584x8x128xf32, #tpu.memory_space<hbm>> -> memref<75x8x128xf32, #tpu.memory_space<hbm>>
      %dma_wait3A_1763 = arith.constant 0 : i32
      %dma_wait3A_1764 = arith.constant 0 : i32
      %dma_wait3A_1765 = tpu.memref_slice %arg10[%add3A_53, %dma_wait3A_1763, %dma_wait3A_1764] : memref<51584x8x128xf32, #tpu.memory_space<hbm>> -> memref<75x8x128xf32, #tpu.memory_space<hbm>>
      %dma_wait3A_1766 = arith.constant 0 : i32
      %dma_wait3A_1767 = arith.constant 0 : i32
      %dma_wait3A_1768 = arith.constant 0 : i32
      %dma_wait3A_1769 = tpu.memref_slice %arg13[%dma_wait3A_1766, %dma_wait3A_1767, %dma_wait3A_1768] : memref<80x8x128xf32, #tpu.memory_space<vmem>> -> memref<75x8x128xf32, #tpu.memory_space<vmem>>
      tpu.wait_dma2 semaphore(%run_scoped3A : memref<!tpu.dma_semaphore, #tpu.memory_space<semaphore_mem>>) src(%dma_wait3A_1769 : memref<75x8x128xf32, #tpu.memory_space<vmem>>) dst(%dma_wait3A_1765 : memref<75x8x128xf32, #tpu.memory_space<hbm>>)
      tpu.yield
    }) : () -> ()
    %add3A_54 = arith.constant 0 : i32
    %add3A_55 = arith.addi %add3A, %add3A_54 : i32
    %jit3A_56 = arith.constant 16 : i32
    %div3A_57 = arith.divsi %add3A_55, %jit3A_56 : i32
    %sign3A_58 = arith.constant 0 : i32
    %sign3A_59 = arith.cmpi sgt, %add3A_55, %sign3A_58 : i32
    %sign3A_60 = arith.extui %sign3A_59 : i1 to i32
    %sign3A_61 = arith.constant 0 : i32
    %sign3A_62 = arith.cmpi slt, %add3A_55, %sign3A_61 : i32
    %sign3A_63 = arith.extui %sign3A_62 : i1 to i32
    %sign3A_64 = arith.subi %sign3A_60, %sign3A_63 : i32
    %sign3A_65 = arith.constant 0 : i32
    %sign3A_66 = arith.cmpi sgt, %jit3A_56, %sign3A_65 : i32
    %sign3A_67 = arith.extui %sign3A_66 : i1 to i32
    %sign3A_68 = arith.constant 0 : i32
    %sign3A_69 = arith.cmpi slt, %jit3A_56, %sign3A_68 : i32
    %sign3A_70 = arith.extui %sign3A_69 : i1 to i32
    %sign3A_71 = arith.subi %sign3A_67, %sign3A_70 : i32
    %ne3A_72 = arith.cmpi ne, %sign3A_64, %sign3A_71 : i32
    %rem3A_73 = arith.remsi %add3A_55, %jit3A_56 : i32
    %ne3A_74 = arith.constant 0 : i32
    %ne3A_75 = arith.cmpi ne, %rem3A_73, %ne3A_74 : i32
    %and3A_76 = arith.andi %ne3A_72, %ne3A_75 : i1
    %sub3A_77 = arith.constant 1 : i32
    %sub3A_78 = arith.subi %div3A_57, %sub3A_77 : i32
    %select_n3A_79 = arith.select %and3A_76, %sub3A_78, %div3A_57 : i32
    %jit3A_80 = arith.constant 16 : i32
    %eq3A_81 = arith.constant 0 : i32
    %eq3A_82 = arith.cmpi eq, %jit3A_80, %eq3A_81 : i32
    %jit3A_83 = arith.constant 1 : i32
    %select_n3A_84 = arith.select %eq3A_82, %jit3A_83, %jit3A_80 : i32
    %rem3A_85 = arith.remsi %add3A_55, %select_n3A_84 : i32
    %ne3A_86 = arith.constant 0 : i32
    %ne3A_87 = arith.cmpi ne, %rem3A_85, %ne3A_86 : i32
    %lt3A_88 = arith.constant 0 : i32
    %lt3A_89 = arith.cmpi slt, %rem3A_85, %lt3A_88 : i32
    %lt3A_90 = arith.constant 0 : i32
    %lt3A_91 = arith.cmpi slt, %select_n3A_84, %lt3A_90 : i32
    %ne3A_92 = arith.xori %lt3A_89, %lt3A_91 : i1
    %and3A_93 = arith.andi %ne3A_92, %ne3A_87 : i1
    %add3A_94 = arith.addi %rem3A_85, %select_n3A_84 : i32
    %select_n3A_95 = arith.select %and3A_93, %add3A_94, %rem3A_85 : i32
    %mul3A_96 = arith.constant 64 : i32
    %mul3A_97 = arith.muli %add3A_55, %mul3A_96 : i32
    "tpu.region"() ({
      %run_scoped3A = tpu.sem_alloc : memref<!tpu.dma_semaphore, #tpu.memory_space<semaphore_mem>>
      %dma_start3A_1742 = tpu.memref_slice %arg4[%mul3A_97] : memref<16384xi32, #tpu.memory_space<hbm>> -> memref<64xi32, #tpu.memory_space<hbm>>
      %dma_start3A_1743 = tpu.memref_slice %arg4[%mul3A_97] : memref<16384xi32, #tpu.memory_space<hbm>> -> memref<64xi32, #tpu.memory_space<hbm>>
      tpu.enqueue_dma source(%dma_start3A_1743 : memref<64xi32, #tpu.memory_space<hbm>>) target(%arg12 : memref<64xi32, #tpu.memory_space<vmem>>) target_semaphore(%run_scoped3A : memref<!tpu.dma_semaphore, #tpu.memory_space<semaphore_mem>>)
      %dma_wait3A_1744 = tpu.memref_slice %arg4[%mul3A_97] : memref<16384xi32, #tpu.memory_space<hbm>> -> memref<64xi32, #tpu.memory_space<hbm>>
      %dma_wait3A_1745 = tpu.memref_slice %arg4[%mul3A_97] : memref<16384xi32, #tpu.memory_space<hbm>> -> memref<64xi32, #tpu.memory_space<hbm>>
      tpu.wait_dma2 semaphore(%run_scoped3A : memref<!tpu.dma_semaphore, #tpu.memory_space<semaphore_mem>>) src(%dma_wait3A_1745 : memref<64xi32, #tpu.memory_space<hbm>>) dst(%arg12 : memref<64xi32, #tpu.memory_space<vmem>>)
      tpu.yield
    }) : () -> ()
    %mul3A_98 = arith.constant 64 : i32
    %mul3A_99 = arith.muli %select_n3A_95, %mul3A_98 : i32
    "tpu.region"() ({
      %run_scoped3A = tpu.sem_alloc : memref<!tpu.dma_semaphore, #tpu.memory_space<semaphore_mem>>
      %dma_start3A_1742 = arith.constant 0 : i32
      %dma_start3A_1743 = arith.constant 0 : i32
      %dma_start3A_1744 = arith.constant 0 : i32
      %dma_start3A_1745 = tpu.memref_slice %arg13[%dma_start3A_1742, %dma_start3A_1743, %dma_start3A_1744] : memref<80x8x128xf32, #tpu.memory_space<vmem>> -> memref<64x8x128xf32, #tpu.memory_space<vmem>>
      %dma_start3A_1746 = arith.constant 0 : i32
      %dma_start3A_1747 = arith.constant 0 : i32
      %dma_start3A_1748 = tpu.memref_slice %arg8[%mul3A_99, %dma_start3A_1746, %dma_start3A_1747] : memref<2048x8x128xf32, #tpu.memory_space<hbm>> -> memref<64x8x128xf32, #tpu.memory_space<hbm>>
      %dma_start3A_1749 = arith.constant 0 : i32
      %dma_start3A_1750 = arith.constant 0 : i32
      %dma_start3A_1751 = arith.constant 0 : i32
      %dma_start3A_1752 = tpu.memref_slice %arg13[%dma_start3A_1749, %dma_start3A_1750, %dma_start3A_1751] : memref<80x8x128xf32, #tpu.memory_space<vmem>> -> memref<64x8x128xf32, #tpu.memory_space<vmem>>
      %dma_start3A_1753 = arith.constant 0 : i32
      %dma_start3A_1754 = arith.constant 0 : i32
      %dma_start3A_1755 = tpu.memref_slice %arg8[%mul3A_99, %dma_start3A_1753, %dma_start3A_1754] : memref<2048x8x128xf32, #tpu.memory_space<hbm>> -> memref<64x8x128xf32, #tpu.memory_space<hbm>>
      tpu.enqueue_dma source(%dma_start3A_1755 : memref<64x8x128xf32, #tpu.memory_space<hbm>>) target(%dma_start3A_1752 : memref<64x8x128xf32, #tpu.memory_space<vmem>>) target_semaphore(%run_scoped3A : memref<!tpu.dma_semaphore, #tpu.memory_space<semaphore_mem>>)
      %dma_wait3A_1756 = arith.constant 0 : i32
      %dma_wait3A_1757 = arith.constant 0 : i32
      %dma_wait3A_1758 = arith.constant 0 : i32
      %dma_wait3A_1759 = tpu.memref_slice %arg13[%dma_wait3A_1756, %dma_wait3A_1757, %dma_wait3A_1758] : memref<80x8x128xf32, #tpu.memory_space<vmem>> -> memref<64x8x128xf32, #tpu.memory_space<vmem>>
      %dma_wait3A_1760 = arith.constant 0 : i32
      %dma_wait3A_1761 = arith.constant 0 : i32
      %dma_wait3A_1762 = tpu.memref_slice %arg8[%mul3A_99, %dma_wait3A_1760, %dma_wait3A_1761] : memref<2048x8x128xf32, #tpu.memory_space<hbm>> -> memref<64x8x128xf32, #tpu.memory_space<hbm>>
      %dma_wait3A_1763 = arith.constant 0 : i32
      %dma_wait3A_1764 = arith.constant 0 : i32
      %dma_wait3A_1765 = arith.constant 0 : i32
      %dma_wait3A_1766 = tpu.memref_slice %arg13[%dma_wait3A_1763, %dma_wait3A_1764, %dma_wait3A_1765] : memref<80x8x128xf32, #tpu.memory_space<vmem>> -> memref<64x8x128xf32, #tpu.memory_space<vmem>>
      %dma_wait3A_1767 = arith.constant 0 : i32
      %dma_wait3A_1768 = arith.constant 0 : i32
      %dma_wait3A_1769 = tpu.memref_slice %arg8[%mul3A_99, %dma_wait3A_1767, %dma_wait3A_1768] : memref<2048x8x128xf32, #tpu.memory_space<hbm>> -> memref<64x8x128xf32, #tpu.memory_space<hbm>>
      tpu.wait_dma2 semaphore(%run_scoped3A : memref<!tpu.dma_semaphore, #tpu.memory_space<semaphore_mem>>) src(%dma_wait3A_1769 : memref<64x8x128xf32, #tpu.memory_space<hbm>>) dst(%dma_wait3A_1766 : memref<64x8x128xf32, #tpu.memory_space<vmem>>)
      tpu.yield
    }) : () -> ()
    %dma_start3A_100 = arith.constant 0 : i32
    %dma_start3A_101 = arith.constant 0 : i32
    %dma_start3A_102 = arith.constant 0 : i32
    %dma_start3A_103 = tpu.memref_slice %arg13[%dma_start3A_100, %dma_start3A_101, %dma_start3A_102] : memref<80x8x128xf32, #tpu.memory_space<vmem>> -> memref<64x8x128xf32, #tpu.memory_space<vmem>>
    %dma_start3A_104 = arith.constant 0 : i32
    %dma_start3A_105 = arith.constant 0 : i32
    %dma_start3A_106 = arith.constant 0 : i32
    %dma_start3A_107 = tpu.memref_slice %arg6[%dma_start3A_104, %dma_start3A_105, %dma_start3A_106] : memref<704x8x128xf32, #tpu.memory_space<hbm>> -> memref<704x8x128xf32, #tpu.memory_space<hbm>>
    tpu.enqueue_indirect_dma source(%dma_start3A_107 : memref<704x8x128xf32, #tpu.memory_space<hbm>>) target(%dma_start3A_103 : memref<64x8x128xf32, #tpu.memory_space<vmem>>) offsets(%arg12 : memref<64xi32, #tpu.memory_space<vmem>>) semaphore(%arg14 : memref<!tpu.dma_semaphore, #tpu.memory_space<semaphore_mem>>) {add = true}
    %dma_wait3A_108 = arith.constant 0 : i32
    %dma_wait3A_109 = arith.constant 0 : i32
    %dma_wait3A_110 = arith.constant 0 : i32
    %dma_wait3A_111 = tpu.memref_slice %arg13[%dma_wait3A_108, %dma_wait3A_109, %dma_wait3A_110] : memref<80x8x128xf32, #tpu.memory_space<vmem>> -> memref<64x8x128xf32, #tpu.memory_space<vmem>>
    %dma_wait3A_112 = arith.constant 0 : i32
    %dma_wait3A_113 = arith.constant 0 : i32
    %dma_wait3A_114 = arith.constant 0 : i32
    %dma_wait3A_115 = tpu.memref_slice %arg6[%dma_wait3A_112, %dma_wait3A_113, %dma_wait3A_114] : memref<704x8x128xf32, #tpu.memory_space<hbm>> -> memref<704x8x128xf32, #tpu.memory_space<hbm>>
    tpu.wait_indirect_dma semaphore(%arg14 : memref<!tpu.dma_semaphore, #tpu.memory_space<semaphore_mem>>) src(%dma_wait3A_115 : memref<704x8x128xf32, #tpu.memory_space<hbm>>) dst(%dma_wait3A_111 : memref<64x8x128xf32, #tpu.memory_space<vmem>>)
    %mul3A_116 = arith.constant 3224 : i32
    %mul3A_117 = arith.muli %select_n3A_79, %mul3A_116 : i32
    %add3A_118 = arith.constant 152 : i32
    %add3A_119 = arith.addi %mul3A_117, %add3A_118 : i32
    %mul3A_120 = arith.constant 64 : i32
    %mul3A_121 = arith.muli %select_n3A_95, %mul3A_120 : i32
    %add3A_122 = arith.addi %add3A_119, %mul3A_121 : i32
    "tpu.region"() ({
      %run_scoped3A = tpu.sem_alloc : memref<!tpu.dma_semaphore, #tpu.memory_space<semaphore_mem>>
      %dma_start3A_1742 = arith.constant 0 : i32
      %dma_start3A_1743 = arith.constant 0 : i32
      %dma_start3A_1744 = arith.constant 0 : i32
      %dma_start3A_1745 = tpu.memref_slice %arg13[%dma_start3A_1742, %dma_start3A_1743, %dma_start3A_1744] : memref<80x8x128xf32, #tpu.memory_space<vmem>> -> memref<64x8x128xf32, #tpu.memory_space<vmem>>
      %dma_start3A_1746 = arith.constant 0 : i32
      %dma_start3A_1747 = arith.constant 0 : i32
      %dma_start3A_1748 = tpu.memref_slice %arg10[%add3A_122, %dma_start3A_1746, %dma_start3A_1747] : memref<51584x8x128xf32, #tpu.memory_space<hbm>> -> memref<64x8x128xf32, #tpu.memory_space<hbm>>
      %dma_start3A_1749 = arith.constant 0 : i32
      %dma_start3A_1750 = arith.constant 0 : i32
      %dma_start3A_1751 = tpu.memref_slice %arg10[%add3A_122, %dma_start3A_1749, %dma_start3A_1750] : memref<51584x8x128xf32, #tpu.memory_space<hbm>> -> memref<64x8x128xf32, #tpu.memory_space<hbm>>
      %dma_start3A_1752 = arith.constant 0 : i32
      %dma_start3A_1753 = arith.constant 0 : i32
      %dma_start3A_1754 = arith.constant 0 : i32
      %dma_start3A_1755 = tpu.memref_slice %arg13[%dma_start3A_1752, %dma_start3A_1753, %dma_start3A_1754] : memref<80x8x128xf32, #tpu.memory_space<vmem>> -> memref<64x8x128xf32, #tpu.memory_space<vmem>>
      tpu.enqueue_dma source(%dma_start3A_1755 : memref<64x8x128xf32, #tpu.memory_space<vmem>>) target(%dma_start3A_1751 : memref<64x8x128xf32, #tpu.memory_space<hbm>>) target_semaphore(%run_scoped3A : memref<!tpu.dma_semaphore, #tpu.memory_space<semaphore_mem>>)
      %dma_wait3A_1756 = arith.constant 0 : i32
      %dma_wait3A_1757 = arith.constant 0 : i32
      %dma_wait3A_1758 = arith.constant 0 : i32
      %dma_wait3A_1759 = tpu.memref_slice %arg13[%dma_wait3A_1756, %dma_wait3A_1757, %dma_wait3A_1758] : memref<80x8x128xf32, #tpu.memory_space<vmem>> -> memref<64x8x128xf32, #tpu.memory_space<vmem>>
      %dma_wait3A_1760 = arith.constant 0 : i32
      %dma_wait3A_1761 = arith.constant 0 : i32
      %dma_wait3A_1762 = tpu.memref_slice %arg10[%add3A_122, %dma_wait3A_1760, %dma_wait3A_1761] : memref<51584x8x128xf32, #tpu.memory_space<hbm>> -> memref<64x8x128xf32, #tpu.memory_space<hbm>>
      %dma_wait3A_1763 = arith.constant 0 : i32
      %dma_wait3A_1764 = arith.constant 0 : i32
      %dma_wait3A_1765 = tpu.memref_slice %arg10[%add3A_122, %dma_wait3A_1763, %dma_wait3A_1764] : memref<51584x8x128xf32, #tpu.memory_space<hbm>> -> memref<64x8x128xf32, #tpu.memory_space<hbm>>
      %dma_wait3A_1766 = arith.constant 0 : i32
      %dma_wait3A_1767 = arith.constant 0 : i32
      %dma_wait3A_1768 = arith.constant 0 : i32
      %dma_wait3A_1769 = tpu.memref_slice %arg13[%dma_wait3A_1766, %dma_wait3A_1767, %dma_wait3A_1768] : memref<80x8x128xf32, #tpu.memory_space<vmem>> -> memref<64x8x128xf32, #tpu.memory_space<vmem>>
      tpu.wait_dma2 semaphore(%run_scoped3A : memref<!tpu.dma_semaphore, #tpu.memory_space<semaphore_mem>>) src(%dma_wait3A_1769 : memref<64x8x128xf32, #tpu.memory_space<vmem>>) dst(%dma_wait3A_1765 : memref<64x8x128xf32, #tpu.memory_space<hbm>>)
      tpu.yield
    }) : () -> ()
    %add3A_123 = arith.constant 32 : i32
    %add3A_124 = arith.addi %add3A, %add3A_123 : i32
    %jit3A_125 = arith.constant 16 : i32
    %div3A_126 = arith.divsi %add3A_124, %jit3A_125 : i32
    %sign3A_127 = arith.constant 0 : i32
    %sign3A_128 = arith.cmpi sgt, %add3A_124, %sign3A_127 : i32
    %sign3A_129 = arith.extui %sign3A_128 : i1 to i32
    %sign3A_130 = arith.constant 0 : i32
    %sign3A_131 = arith.cmpi slt, %add3A_124, %sign3A_130 : i32
    %sign3A_132 = arith.extui %sign3A_131 : i1 to i32
    %sign3A_133 = arith.subi %sign3A_129, %sign3A_132 : i32
    %sign3A_134 = arith.constant 0 : i32
    %sign3A_135 = arith.cmpi sgt, %jit3A_125, %sign3A_134 : i32
    %sign3A_136 = arith.extui %sign3A_135 : i1 to i32
    %sign3A_137 = arith.constant 0 : i32
    %sign3A_138 = arith.cmpi slt, %jit3A_125, %sign3A_137 : i32
    %sign3A_139 = arith.extui %sign3A_138 : i1 to i32
    %sign3A_140 = arith.subi %sign3A_136, %sign3A_139 : i32
    %ne3A_141 = arith.cmpi ne, %sign3A_133, %sign3A_140 : i32
    %rem3A_142 = arith.remsi %add3A_124, %jit3A_125 : i32
    %ne3A_143 = arith.constant 0 : i32
    %ne3A_144 = arith.cmpi ne, %rem3A_142, %ne3A_143 : i32
    %and3A_145 = arith.andi %ne3A_141, %ne3A_144 : i1
    %sub3A_146 = arith.constant 1 : i32
    %sub3A_147 = arith.subi %div3A_126, %sub3A_146 : i32
    %select_n3A_148 = arith.select %and3A_145, %sub3A_147, %div3A_126 : i32
    %jit3A_149 = arith.constant 16 : i32
    %eq3A_150 = arith.constant 0 : i32
    %eq3A_151 = arith.cmpi eq, %jit3A_149, %eq3A_150 : i32
    %jit3A_152 = arith.constant 1 : i32
    %select_n3A_153 = arith.select %eq3A_151, %jit3A_152, %jit3A_149 : i32
    %rem3A_154 = arith.remsi %add3A_124, %select_n3A_153 : i32
    %ne3A_155 = arith.constant 0 : i32
    %ne3A_156 = arith.cmpi ne, %rem3A_154, %ne3A_155 : i32
    %lt3A_157 = arith.constant 0 : i32
    %lt3A_158 = arith.cmpi slt, %rem3A_154, %lt3A_157 : i32
    %lt3A_159 = arith.constant 0 : i32
    %lt3A_160 = arith.cmpi slt, %select_n3A_153, %lt3A_159 : i32
    %ne3A_161 = arith.xori %lt3A_158, %lt3A_160 : i1
    %and3A_162 = arith.andi %ne3A_161, %ne3A_156 : i1
    %add3A_163 = arith.addi %rem3A_154, %select_n3A_153 : i32
    %select_n3A_164 = arith.select %and3A_162, %add3A_163, %rem3A_154 : i32
    %mul3A_165 = arith.constant 64 : i32
    %mul3A_166 = arith.muli %add3A_124, %mul3A_165 : i32
    "tpu.region"() ({
      %run_scoped3A = tpu.sem_alloc : memref<!tpu.dma_semaphore, #tpu.memory_space<semaphore_mem>>
      %dma_start3A_1742 = tpu.memref_slice %arg4[%mul3A_166] : memref<16384xi32, #tpu.memory_space<hbm>> -> memref<64xi32, #tpu.memory_space<hbm>>
      %dma_start3A_1743 = tpu.memref_slice %arg4[%mul3A_166] : memref<16384xi32, #tpu.memory_space<hbm>> -> memref<64xi32, #tpu.memory_space<hbm>>
      tpu.enqueue_dma source(%dma_start3A_1743 : memref<64xi32, #tpu.memory_space<hbm>>) target(%arg12 : memref<64xi32, #tpu.memory_space<vmem>>) target_semaphore(%run_scoped3A : memref<!tpu.dma_semaphore, #tpu.memory_space<semaphore_mem>>)
      %dma_wait3A_1744 = tpu.memref_slice %arg4[%mul3A_166] : memref<16384xi32, #tpu.memory_space<hbm>> -> memref<64xi32, #tpu.memory_space<hbm>>
      %dma_wait3A_1745 = tpu.memref_slice %arg4[%mul3A_166] : memref<16384xi32, #tpu.memory_space<hbm>> -> memref<64xi32, #tpu.memory_space<hbm>>
      tpu.wait_dma2 semaphore(%run_scoped3A : memref<!tpu.dma_semaphore, #tpu.memory_space<semaphore_mem>>) src(%dma_wait3A_1745 : memref<64xi32, #tpu.memory_space<hbm>>) dst(%arg12 : memref<64xi32, #tpu.memory_space<vmem>>)
      tpu.yield
    }) : () -> ()
    %mul3A_167 = arith.constant 64 : i32
    %mul3A_168 = arith.muli %select_n3A_164, %mul3A_167 : i32
    "tpu.region"() ({
      %run_scoped3A = tpu.sem_alloc : memref<!tpu.dma_semaphore, #tpu.memory_space<semaphore_mem>>
      %dma_start3A_1742 = arith.constant 0 : i32
      %dma_start3A_1743 = arith.constant 0 : i32
      %dma_start3A_1744 = arith.constant 0 : i32
      %dma_start3A_1745 = tpu.memref_slice %arg13[%dma_start3A_1742, %dma_start3A_1743, %dma_start3A_1744] : memref<80x8x128xf32, #tpu.memory_space<vmem>> -> memref<64x8x128xf32, #tpu.memory_space<vmem>>
      %dma_start3A_1746 = arith.constant 0 : i32
      %dma_start3A_1747 = arith.constant 0 : i32
      %dma_start3A_1748 = tpu.memref_slice %arg8[%mul3A_168, %dma_start3A_1746, %dma_start3A_1747] : memref<2048x8x128xf32, #tpu.memory_space<hbm>> -> memref<64x8x128xf32, #tpu.memory_space<hbm>>
      %dma_start3A_1749 = arith.constant 0 : i32
      %dma_start3A_1750 = arith.constant 0 : i32
      %dma_start3A_1751 = arith.constant 0 : i32
      %dma_start3A_1752 = tpu.memref_slice %arg13[%dma_start3A_1749, %dma_start3A_1750, %dma_start3A_1751] : memref<80x8x128xf32, #tpu.memory_space<vmem>> -> memref<64x8x128xf32, #tpu.memory_space<vmem>>
      %dma_start3A_1753 = arith.constant 0 : i32
      %dma_start3A_1754 = arith.constant 0 : i32
      %dma_start3A_1755 = tpu.memref_slice %arg8[%mul3A_168, %dma_start3A_1753, %dma_start3A_1754] : memref<2048x8x128xf32, #tpu.memory_space<hbm>> -> memref<64x8x128xf32, #tpu.memory_space<hbm>>
      tpu.enqueue_dma source(%dma_start3A_1755 : memref<64x8x128xf32, #tpu.memory_space<hbm>>) target(%dma_start3A_1752 : memref<64x8x128xf32, #tpu.memory_space<vmem>>) target_semaphore(%run_scoped3A : memref<!tpu.dma_semaphore, #tpu.memory_space<semaphore_mem>>)
      %dma_wait3A_1756 = arith.constant 0 : i32
      %dma_wait3A_1757 = arith.constant 0 : i32
      %dma_wait3A_1758 = arith.constant 0 : i32
      %dma_wait3A_1759 = tpu.memref_slice %arg13[%dma_wait3A_1756, %dma_wait3A_1757, %dma_wait3A_1758] : memref<80x8x128xf32, #tpu.memory_space<vmem>> -> memref<64x8x128xf32, #tpu.memory_space<vmem>>
      %dma_wait3A_1760 = arith.constant 0 : i32
      %dma_wait3A_1761 = arith.constant 0 : i32
      %dma_wait3A_1762 = tpu.memref_slice %arg8[%mul3A_168, %dma_wait3A_1760, %dma_wait3A_1761] : memref<2048x8x128xf32, #tpu.memory_space<hbm>> -> memref<64x8x128xf32, #tpu.memory_space<hbm>>
      %dma_wait3A_1763 = arith.constant 0 : i32
      %dma_wait3A_1764 = arith.constant 0 : i32
      %dma_wait3A_1765 = arith.constant 0 : i32
      %dma_wait3A_1766 = tpu.memref_slice %arg13[%dma_wait3A_1763, %dma_wait3A_1764, %dma_wait3A_1765] : memref<80x8x128xf32, #tpu.memory_space<vmem>> -> memref<64x8x128xf32, #tpu.memory_space<vmem>>
      %dma_wait3A_1767 = arith.constant 0 : i32
      %dma_wait3A_1768 = arith.constant 0 : i32
      %dma_wait3A_1769 = tpu.memref_slice %arg8[%mul3A_168, %dma_wait3A_1767, %dma_wait3A_1768] : memref<2048x8x128xf32, #tpu.memory_space<hbm>> -> memref<64x8x128xf32, #tpu.memory_space<hbm>>
      tpu.wait_dma2 semaphore(%run_scoped3A : memref<!tpu.dma_semaphore, #tpu.memory_space<semaphore_mem>>) src(%dma_wait3A_1769 : memref<64x8x128xf32, #tpu.memory_space<hbm>>) dst(%dma_wait3A_1766 : memref<64x8x128xf32, #tpu.memory_space<vmem>>)
      tpu.yield
    }) : () -> ()
    %dma_start3A_169 = arith.constant 0 : i32
    %dma_start3A_170 = arith.constant 0 : i32
    %dma_start3A_171 = arith.constant 0 : i32
    %dma_start3A_172 = tpu.memref_slice %arg13[%dma_start3A_169, %dma_start3A_170, %dma_start3A_171] : memref<80x8x128xf32, #tpu.memory_space<vmem>> -> memref<64x8x128xf32, #tpu.memory_space<vmem>>
    %dma_start3A_173 = arith.constant 0 : i32
    %dma_start3A_174 = arith.constant 0 : i32
    %dma_start3A_175 = arith.constant 0 : i32
    %dma_start3A_176 = tpu.memref_slice %arg6[%dma_start3A_173, %dma_start3A_174, %dma_start3A_175] : memref<704x8x128xf32, #tpu.memory_space<hbm>> -> memref<704x8x128xf32, #tpu.memory_space<hbm>>
    tpu.enqueue_indirect_dma source(%dma_start3A_176 : memref<704x8x128xf32, #tpu.memory_space<hbm>>) target(%dma_start3A_172 : memref<64x8x128xf32, #tpu.memory_space<vmem>>) offsets(%arg12 : memref<64xi32, #tpu.memory_space<vmem>>) semaphore(%arg14 : memref<!tpu.dma_semaphore, #tpu.memory_space<semaphore_mem>>) {add = true}
    %dma_wait3A_177 = arith.constant 0 : i32
    %dma_wait3A_178 = arith.constant 0 : i32
    %dma_wait3A_179 = arith.constant 0 : i32
    %dma_wait3A_180 = tpu.memref_slice %arg13[%dma_wait3A_177, %dma_wait3A_178, %dma_wait3A_179] : memref<80x8x128xf32, #tpu.memory_space<vmem>> -> memref<64x8x128xf32, #tpu.memory_space<vmem>>
    %dma_wait3A_181 = arith.constant 0 : i32
    %dma_wait3A_182 = arith.constant 0 : i32
    %dma_wait3A_183 = arith.constant 0 : i32
    %dma_wait3A_184 = tpu.memref_slice %arg6[%dma_wait3A_181, %dma_wait3A_182, %dma_wait3A_183] : memref<704x8x128xf32, #tpu.memory_space<hbm>> -> memref<704x8x128xf32, #tpu.memory_space<hbm>>
    tpu.wait_indirect_dma semaphore(%arg14 : memref<!tpu.dma_semaphore, #tpu.memory_space<semaphore_mem>>) src(%dma_wait3A_184 : memref<704x8x128xf32, #tpu.memory_space<hbm>>) dst(%dma_wait3A_180 : memref<64x8x128xf32, #tpu.memory_space<vmem>>)
    %mul3A_185 = arith.constant 3224 : i32
    %mul3A_186 = arith.muli %select_n3A_148, %mul3A_185 : i32
    %add3A_187 = arith.constant 152 : i32
    %add3A_188 = arith.addi %mul3A_186, %add3A_187 : i32
    %mul3A_189 = arith.constant 64 : i32
    %mul3A_190 = arith.muli %select_n3A_164, %mul3A_189 : i32
    %add3A_191 = arith.addi %add3A_188, %mul3A_190 : i32
    "tpu.region"() ({
      %run_scoped3A = tpu.sem_alloc : memref<!tpu.dma_semaphore, #tpu.memory_space<semaphore_mem>>
      %dma_start3A_1742 = arith.constant 0 : i32
      %dma_start3A_1743 = arith.constant 0 : i32
      %dma_start3A_1744 = arith.constant 0 : i32
      %dma_start3A_1745 = tpu.memref_slice %arg13[%dma_start3A_1742, %dma_start3A_1743, %dma_start3A_1744] : memref<80x8x128xf32, #tpu.memory_space<vmem>> -> memref<64x8x128xf32, #tpu.memory_space<vmem>>
      %dma_start3A_1746 = arith.constant 0 : i32
      %dma_start3A_1747 = arith.constant 0 : i32
      %dma_start3A_1748 = tpu.memref_slice %arg10[%add3A_191, %dma_start3A_1746, %dma_start3A_1747] : memref<51584x8x128xf32, #tpu.memory_space<hbm>> -> memref<64x8x128xf32, #tpu.memory_space<hbm>>
      %dma_start3A_1749 = arith.constant 0 : i32
      %dma_start3A_1750 = arith.constant 0 : i32
      %dma_start3A_1751 = tpu.memref_slice %arg10[%add3A_191, %dma_start3A_1749, %dma_start3A_1750] : memref<51584x8x128xf32, #tpu.memory_space<hbm>> -> memref<64x8x128xf32, #tpu.memory_space<hbm>>
      %dma_start3A_1752 = arith.constant 0 : i32
      %dma_start3A_1753 = arith.constant 0 : i32
      %dma_start3A_1754 = arith.constant 0 : i32
      %dma_start3A_1755 = tpu.memref_slice %arg13[%dma_start3A_1752, %dma_start3A_1753, %dma_start3A_1754] : memref<80x8x128xf32, #tpu.memory_space<vmem>> -> memref<64x8x128xf32, #tpu.memory_space<vmem>>
      tpu.enqueue_dma source(%dma_start3A_1755 : memref<64x8x128xf32, #tpu.memory_space<vmem>>) target(%dma_start3A_1751 : memref<64x8x128xf32, #tpu.memory_space<hbm>>) target_semaphore(%run_scoped3A : memref<!tpu.dma_semaphore, #tpu.memory_space<semaphore_mem>>)
      %dma_wait3A_1756 = arith.constant 0 : i32
      %dma_wait3A_1757 = arith.constant 0 : i32
      %dma_wait3A_1758 = arith.constant 0 : i32
      %dma_wait3A_1759 = tpu.memref_slice %arg13[%dma_wait3A_1756, %dma_wait3A_1757, %dma_wait3A_1758] : memref<80x8x128xf32, #tpu.memory_space<vmem>> -> memref<64x8x128xf32, #tpu.memory_space<vmem>>
      %dma_wait3A_1760 = arith.constant 0 : i32
      %dma_wait3A_1761 = arith.constant 0 : i32
      %dma_wait3A_1762 = tpu.memref_slice %arg10[%add3A_191, %dma_wait3A_1760, %dma_wait3A_1761] : memref<51584x8x128xf32, #tpu.memory_space<hbm>> -> memref<64x8x128xf32, #tpu.memory_space<hbm>>
      %dma_wait3A_1763 = arith.constant 0 : i32
      %dma_wait3A_1764 = arith.constant 0 : i32
      %dma_wait3A_1765 = tpu.memref_slice %arg10[%add3A_191, %dma_wait3A_1763, %dma_wait3A_1764] : memref<51584x8x128xf32, #tpu.memory_space<hbm>> -> memref<64x8x128xf32, #tpu.memory_space<hbm>>
      %dma_wait3A_1766 = arith.constant 0 : i32
      %dma_wait3A_1767 = arith.constant 0 : i32
      %dma_wait3A_1768 = arith.constant 0 : i32
      %dma_wait3A_1769 = tpu.memref_slice %arg13[%dma_wait3A_1766, %dma_wait3A_1767, %dma_wait3A_1768] : memref<80x8x128xf32, #tpu.memory_space<vmem>> -> memref<64x8x128xf32, #tpu.memory_space<vmem>>
      tpu.wait_dma2 semaphore(%run_scoped3A : memref<!tpu.dma_semaphore, #tpu.memory_space<semaphore_mem>>) src(%dma_wait3A_1769 : memref<64x8x128xf32, #tpu.memory_space<vmem>>) dst(%dma_wait3A_1765 : memref<64x8x128xf32, #tpu.memory_space<hbm>>)
      tpu.yield
    }) : () -> ()
    %add3A_192 = arith.constant 64 : i32
    %add3A_193 = arith.addi %add3A, %add3A_192 : i32
    %jit3A_194 = arith.constant 16 : i32
    %div3A_195 = arith.divsi %add3A_193, %jit3A_194 : i32
    %sign3A_196 = arith.constant 0 : i32
    %sign3A_197 = arith.cmpi sgt, %add3A_193, %sign3A_196 : i32
    %sign3A_198 = arith.extui %sign3A_197 : i1 to i32
    %sign3A_199 = arith.constant 0 : i32
    %sign3A_200 = arith.cmpi slt, %add3A_193, %sign3A_199 : i32
    %sign3A_201 = arith.extui %sign3A_200 : i1 to i32
    %sign3A_202 = arith.subi %sign3A_198, %sign3A_201 : i32
    %sign3A_203 = arith.constant 0 : i32
    %sign3A_204 = arith.cmpi sgt, %jit3A_194, %sign3A_203 : i32
    %sign3A_205 = arith.extui %sign3A_204 : i1 to i32
    %sign3A_206 = arith.constant 0 : i32
    %sign3A_207 = arith.cmpi slt, %jit3A_194, %sign3A_206 : i32
    %sign3A_208 = arith.extui %sign3A_207 : i1 to i32
    %sign3A_209 = arith.subi %sign3A_205, %sign3A_208 : i32
    %ne3A_210 = arith.cmpi ne, %sign3A_202, %sign3A_209 : i32
    %rem3A_211 = arith.remsi %add3A_193, %jit3A_194 : i32
    %ne3A_212 = arith.constant 0 : i32
    %ne3A_213 = arith.cmpi ne, %rem3A_211, %ne3A_212 : i32
    %and3A_214 = arith.andi %ne3A_210, %ne3A_213 : i1
    %sub3A_215 = arith.constant 1 : i32
    %sub3A_216 = arith.subi %div3A_195, %sub3A_215 : i32
    %select_n3A_217 = arith.select %and3A_214, %sub3A_216, %div3A_195 : i32
    %jit3A_218 = arith.constant 16 : i32
    %eq3A_219 = arith.constant 0 : i32
    %eq3A_220 = arith.cmpi eq, %jit3A_218, %eq3A_219 : i32
    %jit3A_221 = arith.constant 1 : i32
    %select_n3A_222 = arith.select %eq3A_220, %jit3A_221, %jit3A_218 : i32
    %rem3A_223 = arith.remsi %add3A_193, %select_n3A_222 : i32
    %ne3A_224 = arith.constant 0 : i32
    %ne3A_225 = arith.cmpi ne, %rem3A_223, %ne3A_224 : i32
    %lt3A_226 = arith.constant 0 : i32
    %lt3A_227 = arith.cmpi slt, %rem3A_223, %lt3A_226 : i32
    %lt3A_228 = arith.constant 0 : i32
    %lt3A_229 = arith.cmpi slt, %select_n3A_222, %lt3A_228 : i32
    %ne3A_230 = arith.xori %lt3A_227, %lt3A_229 : i1
    %and3A_231 = arith.andi %ne3A_230, %ne3A_225 : i1
    %add3A_232 = arith.addi %rem3A_223, %select_n3A_222 : i32
    %select_n3A_233 = arith.select %and3A_231, %add3A_232, %rem3A_223 : i32
    %mul3A_234 = arith.constant 64 : i32
    %mul3A_235 = arith.muli %add3A_193, %mul3A_234 : i32
    "tpu.region"() ({
      %run_scoped3A = tpu.sem_alloc : memref<!tpu.dma_semaphore, #tpu.memory_space<semaphore_mem>>
      %dma_start3A_1742 = tpu.memref_slice %arg4[%mul3A_235] : memref<16384xi32, #tpu.memory_space<hbm>> -> memref<64xi32, #tpu.memory_space<hbm>>
      %dma_start3A_1743 = tpu.memref_slice %arg4[%mul3A_235] : memref<16384xi32, #tpu.memory_space<hbm>> -> memref<64xi32, #tpu.memory_space<hbm>>
      tpu.enqueue_dma source(%dma_start3A_1743 : memref<64xi32, #tpu.memory_space<hbm>>) target(%arg12 : memref<64xi32, #tpu.memory_space<vmem>>) target_semaphore(%run_scoped3A : memref<!tpu.dma_semaphore, #tpu.memory_space<semaphore_mem>>)
      %dma_wait3A_1744 = tpu.memref_slice %arg4[%mul3A_235] : memref<16384xi32, #tpu.memory_space<hbm>> -> memref<64xi32, #tpu.memory_space<hbm>>
      %dma_wait3A_1745 = tpu.memref_slice %arg4[%mul3A_235] : memref<16384xi32, #tpu.memory_space<hbm>> -> memref<64xi32, #tpu.memory_space<hbm>>
      tpu.wait_dma2 semaphore(%run_scoped3A : memref<!tpu.dma_semaphore, #tpu.memory_space<semaphore_mem>>) src(%dma_wait3A_1745 : memref<64xi32, #tpu.memory_space<hbm>>) dst(%arg12 : memref<64xi32, #tpu.memory_space<vmem>>)
      tpu.yield
    }) : () -> ()
    %mul3A_236 = arith.constant 64 : i32
    %mul3A_237 = arith.muli %select_n3A_233, %mul3A_236 : i32
    "tpu.region"() ({
      %run_scoped3A = tpu.sem_alloc : memref<!tpu.dma_semaphore, #tpu.memory_space<semaphore_mem>>
      %dma_start3A_1742 = arith.constant 0 : i32
      %dma_start3A_1743 = arith.constant 0 : i32
      %dma_start3A_1744 = arith.constant 0 : i32
      %dma_start3A_1745 = tpu.memref_slice %arg13[%dma_start3A_1742, %dma_start3A_1743, %dma_start3A_1744] : memref<80x8x128xf32, #tpu.memory_space<vmem>> -> memref<64x8x128xf32, #tpu.memory_space<vmem>>
      %dma_start3A_1746 = arith.constant 0 : i32
      %dma_start3A_1747 = arith.constant 0 : i32
      %dma_start3A_1748 = tpu.memref_slice %arg8[%mul3A_237, %dma_start3A_1746, %dma_start3A_1747] : memref<2048x8x128xf32, #tpu.memory_space<hbm>> -> memref<64x8x128xf32, #tpu.memory_space<hbm>>
      %dma_start3A_1749 = arith.constant 0 : i32
      %dma_start3A_1750 = arith.constant 0 : i32
      %dma_start3A_1751 = arith.constant 0 : i32
      %dma_start3A_1752 = tpu.memref_slice %arg13[%dma_start3A_1749, %dma_start3A_1750, %dma_start3A_1751] : memref<80x8x128xf32, #tpu.memory_space<vmem>> -> memref<64x8x128xf32, #tpu.memory_space<vmem>>
      %dma_start3A_1753 = arith.constant 0 : i32
      %dma_start3A_1754 = arith.constant 0 : i32
      %dma_start3A_1755 = tpu.memref_slice %arg8[%mul3A_237, %dma_start3A_1753, %dma_start3A_1754] : memref<2048x8x128xf32, #tpu.memory_space<hbm>> -> memref<64x8x128xf32, #tpu.memory_space<hbm>>
      tpu.enqueue_dma source(%dma_start3A_1755 : memref<64x8x128xf32, #tpu.memory_space<hbm>>) target(%dma_start3A_1752 : memref<64x8x128xf32, #tpu.memory_space<vmem>>) target_semaphore(%run_scoped3A : memref<!tpu.dma_semaphore, #tpu.memory_space<semaphore_mem>>)
      %dma_wait3A_1756 = arith.constant 0 : i32
      %dma_wait3A_1757 = arith.constant 0 : i32
      %dma_wait3A_1758 = arith.constant 0 : i32
      %dma_wait3A_1759 = tpu.memref_slice %arg13[%dma_wait3A_1756, %dma_wait3A_1757, %dma_wait3A_1758] : memref<80x8x128xf32, #tpu.memory_space<vmem>> -> memref<64x8x128xf32, #tpu.memory_space<vmem>>
      %dma_wait3A_1760 = arith.constant 0 : i32
      %dma_wait3A_1761 = arith.constant 0 : i32
      %dma_wait3A_1762 = tpu.memref_slice %arg8[%mul3A_237, %dma_wait3A_1760, %dma_wait3A_1761] : memref<2048x8x128xf32, #tpu.memory_space<hbm>> -> memref<64x8x128xf32, #tpu.memory_space<hbm>>
      %dma_wait3A_1763 = arith.constant 0 : i32
      %dma_wait3A_1764 = arith.constant 0 : i32
      %dma_wait3A_1765 = arith.constant 0 : i32
      %dma_wait3A_1766 = tpu.memref_slice %arg13[%dma_wait3A_1763, %dma_wait3A_1764, %dma_wait3A_1765] : memref<80x8x128xf32, #tpu.memory_space<vmem>> -> memref<64x8x128xf32, #tpu.memory_space<vmem>>
      %dma_wait3A_1767 = arith.constant 0 : i32
      %dma_wait3A_1768 = arith.constant 0 : i32
      %dma_wait3A_1769 = tpu.memref_slice %arg8[%mul3A_237, %dma_wait3A_1767, %dma_wait3A_1768] : memref<2048x8x128xf32, #tpu.memory_space<hbm>> -> memref<64x8x128xf32, #tpu.memory_space<hbm>>
      tpu.wait_dma2 semaphore(%run_scoped3A : memref<!tpu.dma_semaphore, #tpu.memory_space<semaphore_mem>>) src(%dma_wait3A_1769 : memref<64x8x128xf32, #tpu.memory_space<hbm>>) dst(%dma_wait3A_1766 : memref<64x8x128xf32, #tpu.memory_space<vmem>>)
      tpu.yield
    }) : () -> ()
    %dma_start3A_238 = arith.constant 0 : i32
    %dma_start3A_239 = arith.constant 0 : i32
    %dma_start3A_240 = arith.constant 0 : i32
    %dma_start3A_241 = tpu.memref_slice %arg13[%dma_start3A_238, %dma_start3A_239, %dma_start3A_240] : memref<80x8x128xf32, #tpu.memory_space<vmem>> -> memref<64x8x128xf32, #tpu.memory_space<vmem>>
    %dma_start3A_242 = arith.constant 0 : i32
    %dma_start3A_243 = arith.constant 0 : i32
    %dma_start3A_244 = arith.constant 0 : i32
    %dma_start3A_245 = tpu.memref_slice %arg6[%dma_start3A_242, %dma_start3A_243, %dma_start3A_244] : memref<704x8x128xf32, #tpu.memory_space<hbm>> -> memref<704x8x128xf32, #tpu.memory_space<hbm>>
    tpu.enqueue_indirect_dma source(%dma_start3A_245 : memref<704x8x128xf32, #tpu.memory_space<hbm>>) target(%dma_start3A_241 : memref<64x8x128xf32, #tpu.memory_space<vmem>>) offsets(%arg12 : memref<64xi32, #tpu.memory_space<vmem>>) semaphore(%arg14 : memref<!tpu.dma_semaphore, #tpu.memory_space<semaphore_mem>>) {add = true}
    %dma_wait3A_246 = arith.constant 0 : i32
    %dma_wait3A_247 = arith.constant 0 : i32
    %dma_wait3A_248 = arith.constant 0 : i32
    %dma_wait3A_249 = tpu.memref_slice %arg13[%dma_wait3A_246, %dma_wait3A_247, %dma_wait3A_248] : memref<80x8x128xf32, #tpu.memory_space<vmem>> -> memref<64x8x128xf32, #tpu.memory_space<vmem>>
    %dma_wait3A_250 = arith.constant 0 : i32
    %dma_wait3A_251 = arith.constant 0 : i32
    %dma_wait3A_252 = arith.constant 0 : i32
    %dma_wait3A_253 = tpu.memref_slice %arg6[%dma_wait3A_250, %dma_wait3A_251, %dma_wait3A_252] : memref<704x8x128xf32, #tpu.memory_space<hbm>> -> memref<704x8x128xf32, #tpu.memory_space<hbm>>
    tpu.wait_indirect_dma semaphore(%arg14 : memref<!tpu.dma_semaphore, #tpu.memory_space<semaphore_mem>>) src(%dma_wait3A_253 : memref<704x8x128xf32, #tpu.memory_space<hbm>>) dst(%dma_wait3A_249 : memref<64x8x128xf32, #tpu.memory_space<vmem>>)
    %mul3A_254 = arith.constant 3224 : i32
    %mul3A_255 = arith.muli %select_n3A_217, %mul3A_254 : i32
    %add3A_256 = arith.constant 152 : i32
    %add3A_257 = arith.addi %mul3A_255, %add3A_256 : i32
    %mul3A_258 = arith.constant 64 : i32
    %mul3A_259 = arith.muli %select_n3A_233, %mul3A_258 : i32
    %add3A_260 = arith.addi %add3A_257, %mul3A_259 : i32
    "tpu.region"() ({
      %run_scoped3A = tpu.sem_alloc : memref<!tpu.dma_semaphore, #tpu.memory_space<semaphore_mem>>
      %dma_start3A_1742 = arith.constant 0 : i32
      %dma_start3A_1743 = arith.constant 0 : i32
      %dma_start3A_1744 = arith.constant 0 : i32
      %dma_start3A_1745 = tpu.memref_slice %arg13[%dma_start3A_1742, %dma_start3A_1743, %dma_start3A_1744] : memref<80x8x128xf32, #tpu.memory_space<vmem>> -> memref<64x8x128xf32, #tpu.memory_space<vmem>>
      %dma_start3A_1746 = arith.constant 0 : i32
      %dma_start3A_1747 = arith.constant 0 : i32
      %dma_start3A_1748 = tpu.memref_slice %arg10[%add3A_260, %dma_start3A_1746, %dma_start3A_1747] : memref<51584x8x128xf32, #tpu.memory_space<hbm>> -> memref<64x8x128xf32, #tpu.memory_space<hbm>>
      %dma_start3A_1749 = arith.constant 0 : i32
      %dma_start3A_1750 = arith.constant 0 : i32
      %dma_start3A_1751 = tpu.memref_slice %arg10[%add3A_260, %dma_start3A_1749, %dma_start3A_1750] : memref<51584x8x128xf32, #tpu.memory_space<hbm>> -> memref<64x8x128xf32, #tpu.memory_space<hbm>>
      %dma_start3A_1752 = arith.constant 0 : i32
      %dma_start3A_1753 = arith.constant 0 : i32
      %dma_start3A_1754 = arith.constant 0 : i32
      %dma_start3A_1755 = tpu.memref_slice %arg13[%dma_start3A_1752, %dma_start3A_1753, %dma_start3A_1754] : memref<80x8x128xf32, #tpu.memory_space<vmem>> -> memref<64x8x128xf32, #tpu.memory_space<vmem>>
      tpu.enqueue_dma source(%dma_start3A_1755 : memref<64x8x128xf32, #tpu.memory_space<vmem>>) target(%dma_start3A_1751 : memref<64x8x128xf32, #tpu.memory_space<hbm>>) target_semaphore(%run_scoped3A : memref<!tpu.dma_semaphore, #tpu.memory_space<semaphore_mem>>)
      %dma_wait3A_1756 = arith.constant 0 : i32
      %dma_wait3A_1757 = arith.constant 0 : i32
      %dma_wait3A_1758 = arith.constant 0 : i32
      %dma_wait3A_1759 = tpu.memref_slice %arg13[%dma_wait3A_1756, %dma_wait3A_1757, %dma_wait3A_1758] : memref<80x8x128xf32, #tpu.memory_space<vmem>> -> memref<64x8x128xf32, #tpu.memory_space<vmem>>
      %dma_wait3A_1760 = arith.constant 0 : i32
      %dma_wait3A_1761 = arith.constant 0 : i32
      %dma_wait3A_1762 = tpu.memref_slice %arg10[%add3A_260, %dma_wait3A_1760, %dma_wait3A_1761] : memref<51584x8x128xf32, #tpu.memory_space<hbm>> -> memref<64x8x128xf32, #tpu.memory_space<hbm>>
      %dma_wait3A_1763 = arith.constant 0 : i32
      %dma_wait3A_1764 = arith.constant 0 : i32
      %dma_wait3A_1765 = tpu.memref_slice %arg10[%add3A_260, %dma_wait3A_1763, %dma_wait3A_1764] : memref<51584x8x128xf32, #tpu.memory_space<hbm>> -> memref<64x8x128xf32, #tpu.memory_space<hbm>>
      %dma_wait3A_1766 = arith.constant 0 : i32
      %dma_wait3A_1767 = arith.constant 0 : i32
      %dma_wait3A_1768 = arith.constant 0 : i32
      %dma_wait3A_1769 = tpu.memref_slice %arg13[%dma_wait3A_1766, %dma_wait3A_1767, %dma_wait3A_1768] : memref<80x8x128xf32, #tpu.memory_space<vmem>> -> memref<64x8x128xf32, #tpu.memory_space<vmem>>
      tpu.wait_dma2 semaphore(%run_scoped3A : memref<!tpu.dma_semaphore, #tpu.memory_space<semaphore_mem>>) src(%dma_wait3A_1769 : memref<64x8x128xf32, #tpu.memory_space<vmem>>) dst(%dma_wait3A_1765 : memref<64x8x128xf32, #tpu.memory_space<hbm>>)
      tpu.yield
    }) : () -> ()
    %add3A_261 = arith.constant 96 : i32
    %add3A_262 = arith.addi %add3A, %add3A_261 : i32
    %jit3A_263 = arith.constant 16 : i32
    %div3A_264 = arith.divsi %add3A_262, %jit3A_263 : i32
    %sign3A_265 = arith.constant 0 : i32
    %sign3A_266 = arith.cmpi sgt, %add3A_262, %sign3A_265 : i32
    %sign3A_267 = arith.extui %sign3A_266 : i1 to i32
    %sign3A_268 = arith.constant 0 : i32
    %sign3A_269 = arith.cmpi slt, %add3A_262, %sign3A_268 : i32
    %sign3A_270 = arith.extui %sign3A_269 : i1 to i32
    %sign3A_271 = arith.subi %sign3A_267, %sign3A_270 : i32
    %sign3A_272 = arith.constant 0 : i32
    %sign3A_273 = arith.cmpi sgt, %jit3A_263, %sign3A_272 : i32
    %sign3A_274 = arith.extui %sign3A_273 : i1 to i32
    %sign3A_275 = arith.constant 0 : i32
    %sign3A_276 = arith.cmpi slt, %jit3A_263, %sign3A_275 : i32
    %sign3A_277 = arith.extui %sign3A_276 : i1 to i32
    %sign3A_278 = arith.subi %sign3A_274, %sign3A_277 : i32
    %ne3A_279 = arith.cmpi ne, %sign3A_271, %sign3A_278 : i32
    %rem3A_280 = arith.remsi %add3A_262, %jit3A_263 : i32
    %ne3A_281 = arith.constant 0 : i32
    %ne3A_282 = arith.cmpi ne, %rem3A_280, %ne3A_281 : i32
    %and3A_283 = arith.andi %ne3A_279, %ne3A_282 : i1
    %sub3A_284 = arith.constant 1 : i32
    %sub3A_285 = arith.subi %div3A_264, %sub3A_284 : i32
    %select_n3A_286 = arith.select %and3A_283, %sub3A_285, %div3A_264 : i32
    %jit3A_287 = arith.constant 16 : i32
    %eq3A_288 = arith.constant 0 : i32
    %eq3A_289 = arith.cmpi eq, %jit3A_287, %eq3A_288 : i32
    %jit3A_290 = arith.constant 1 : i32
    %select_n3A_291 = arith.select %eq3A_289, %jit3A_290, %jit3A_287 : i32
    %rem3A_292 = arith.remsi %add3A_262, %select_n3A_291 : i32
    %ne3A_293 = arith.constant 0 : i32
    %ne3A_294 = arith.cmpi ne, %rem3A_292, %ne3A_293 : i32
    %lt3A_295 = arith.constant 0 : i32
    %lt3A_296 = arith.cmpi slt, %rem3A_292, %lt3A_295 : i32
    %lt3A_297 = arith.constant 0 : i32
    %lt3A_298 = arith.cmpi slt, %select_n3A_291, %lt3A_297 : i32
    %ne3A_299 = arith.xori %lt3A_296, %lt3A_298 : i1
    %and3A_300 = arith.andi %ne3A_299, %ne3A_294 : i1
    %add3A_301 = arith.addi %rem3A_292, %select_n3A_291 : i32
    %select_n3A_302 = arith.select %and3A_300, %add3A_301, %rem3A_292 : i32
    %mul3A_303 = arith.constant 64 : i32
    %mul3A_304 = arith.muli %add3A_262, %mul3A_303 : i32
    "tpu.region"() ({
      %run_scoped3A = tpu.sem_alloc : memref<!tpu.dma_semaphore, #tpu.memory_space<semaphore_mem>>
      %dma_start3A_1742 = tpu.memref_slice %arg4[%mul3A_304] : memref<16384xi32, #tpu.memory_space<hbm>> -> memref<64xi32, #tpu.memory_space<hbm>>
      %dma_start3A_1743 = tpu.memref_slice %arg4[%mul3A_304] : memref<16384xi32, #tpu.memory_space<hbm>> -> memref<64xi32, #tpu.memory_space<hbm>>
      tpu.enqueue_dma source(%dma_start3A_1743 : memref<64xi32, #tpu.memory_space<hbm>>) target(%arg12 : memref<64xi32, #tpu.memory_space<vmem>>) target_semaphore(%run_scoped3A : memref<!tpu.dma_semaphore, #tpu.memory_space<semaphore_mem>>)
      %dma_wait3A_1744 = tpu.memref_slice %arg4[%mul3A_304] : memref<16384xi32, #tpu.memory_space<hbm>> -> memref<64xi32, #tpu.memory_space<hbm>>
      %dma_wait3A_1745 = tpu.memref_slice %arg4[%mul3A_304] : memref<16384xi32, #tpu.memory_space<hbm>> -> memref<64xi32, #tpu.memory_space<hbm>>
      tpu.wait_dma2 semaphore(%run_scoped3A : memref<!tpu.dma_semaphore, #tpu.memory_space<semaphore_mem>>) src(%dma_wait3A_1745 : memref<64xi32, #tpu.memory_space<hbm>>) dst(%arg12 : memref<64xi32, #tpu.memory_space<vmem>>)
      tpu.yield
    }) : () -> ()
    %mul3A_305 = arith.constant 64 : i32
    %mul3A_306 = arith.muli %select_n3A_302, %mul3A_305 : i32
    "tpu.region"() ({
      %run_scoped3A = tpu.sem_alloc : memref<!tpu.dma_semaphore, #tpu.memory_space<semaphore_mem>>
      %dma_start3A_1742 = arith.constant 0 : i32
      %dma_start3A_1743 = arith.constant 0 : i32
      %dma_start3A_1744 = arith.constant 0 : i32
      %dma_start3A_1745 = tpu.memref_slice %arg13[%dma_start3A_1742, %dma_start3A_1743, %dma_start3A_1744] : memref<80x8x128xf32, #tpu.memory_space<vmem>> -> memref<64x8x128xf32, #tpu.memory_space<vmem>>
      %dma_start3A_1746 = arith.constant 0 : i32
      %dma_start3A_1747 = arith.constant 0 : i32
      %dma_start3A_1748 = tpu.memref_slice %arg8[%mul3A_306, %dma_start3A_1746, %dma_start3A_1747] : memref<2048x8x128xf32, #tpu.memory_space<hbm>> -> memref<64x8x128xf32, #tpu.memory_space<hbm>>
      %dma_start3A_1749 = arith.constant 0 : i32
      %dma_start3A_1750 = arith.constant 0 : i32
      %dma_start3A_1751 = arith.constant 0 : i32
      %dma_start3A_1752 = tpu.memref_slice %arg13[%dma_start3A_1749, %dma_start3A_1750, %dma_start3A_1751] : memref<80x8x128xf32, #tpu.memory_space<vmem>> -> memref<64x8x128xf32, #tpu.memory_space<vmem>>
      %dma_start3A_1753 = arith.constant 0 : i32
      %dma_start3A_1754 = arith.constant 0 : i32
      %dma_start3A_1755 = tpu.memref_slice %arg8[%mul3A_306, %dma_start3A_1753, %dma_start3A_1754] : memref<2048x8x128xf32, #tpu.memory_space<hbm>> -> memref<64x8x128xf32, #tpu.memory_space<hbm>>
      tpu.enqueue_dma source(%dma_start3A_1755 : memref<64x8x128xf32, #tpu.memory_space<hbm>>) target(%dma_start3A_1752 : memref<64x8x128xf32, #tpu.memory_space<vmem>>) target_semaphore(%run_scoped3A : memref<!tpu.dma_semaphore, #tpu.memory_space<semaphore_mem>>)
      %dma_wait3A_1756 = arith.constant 0 : i32
      %dma_wait3A_1757 = arith.constant 0 : i32
      %dma_wait3A_1758 = arith.constant 0 : i32
      %dma_wait3A_1759 = tpu.memref_slice %arg13[%dma_wait3A_1756, %dma_wait3A_1757, %dma_wait3A_1758] : memref<80x8x128xf32, #tpu.memory_space<vmem>> -> memref<64x8x128xf32, #tpu.memory_space<vmem>>
      %dma_wait3A_1760 = arith.constant 0 : i32
      %dma_wait3A_1761 = arith.constant 0 : i32
      %dma_wait3A_1762 = tpu.memref_slice %arg8[%mul3A_306, %dma_wait3A_1760, %dma_wait3A_1761] : memref<2048x8x128xf32, #tpu.memory_space<hbm>> -> memref<64x8x128xf32, #tpu.memory_space<hbm>>
      %dma_wait3A_1763 = arith.constant 0 : i32
      %dma_wait3A_1764 = arith.constant 0 : i32
      %dma_wait3A_1765 = arith.constant 0 : i32
      %dma_wait3A_1766 = tpu.memref_slice %arg13[%dma_wait3A_1763, %dma_wait3A_1764, %dma_wait3A_1765] : memref<80x8x128xf32, #tpu.memory_space<vmem>> -> memref<64x8x128xf32, #tpu.memory_space<vmem>>
      %dma_wait3A_1767 = arith.constant 0 : i32
      %dma_wait3A_1768 = arith.constant 0 : i32
      %dma_wait3A_1769 = tpu.memref_slice %arg8[%mul3A_306, %dma_wait3A_1767, %dma_wait3A_1768] : memref<2048x8x128xf32, #tpu.memory_space<hbm>> -> memref<64x8x128xf32, #tpu.memory_space<hbm>>
      tpu.wait_dma2 semaphore(%run_scoped3A : memref<!tpu.dma_semaphore, #tpu.memory_space<semaphore_mem>>) src(%dma_wait3A_1769 : memref<64x8x128xf32, #tpu.memory_space<hbm>>) dst(%dma_wait3A_1766 : memref<64x8x128xf32, #tpu.memory_space<vmem>>)
      tpu.yield
    }) : () -> ()
    %dma_start3A_307 = arith.constant 0 : i32
    %dma_start3A_308 = arith.constant 0 : i32
    %dma_start3A_309 = arith.constant 0 : i32
    %dma_start3A_310 = tpu.memref_slice %arg13[%dma_start3A_307, %dma_start3A_308, %dma_start3A_309] : memref<80x8x128xf32, #tpu.memory_space<vmem>> -> memref<64x8x128xf32, #tpu.memory_space<vmem>>
    %dma_start3A_311 = arith.constant 0 : i32
    %dma_start3A_312 = arith.constant 0 : i32
    %dma_start3A_313 = arith.constant 0 : i32
    %dma_start3A_314 = tpu.memref_slice %arg6[%dma_start3A_311, %dma_start3A_312, %dma_start3A_313] : memref<704x8x128xf32, #tpu.memory_space<hbm>> -> memref<704x8x128xf32, #tpu.memory_space<hbm>>
    tpu.enqueue_indirect_dma source(%dma_start3A_314 : memref<704x8x128xf32, #tpu.memory_space<hbm>>) target(%dma_start3A_310 : memref<64x8x128xf32, #tpu.memory_space<vmem>>) offsets(%arg12 : memref<64xi32, #tpu.memory_space<vmem>>) semaphore(%arg14 : memref<!tpu.dma_semaphore, #tpu.memory_space<semaphore_mem>>) {add = true}
    %dma_wait3A_315 = arith.constant 0 : i32
    %dma_wait3A_316 = arith.constant 0 : i32
    %dma_wait3A_317 = arith.constant 0 : i32
    %dma_wait3A_318 = tpu.memref_slice %arg13[%dma_wait3A_315, %dma_wait3A_316, %dma_wait3A_317] : memref<80x8x128xf32, #tpu.memory_space<vmem>> -> memref<64x8x128xf32, #tpu.memory_space<vmem>>
    %dma_wait3A_319 = arith.constant 0 : i32
    %dma_wait3A_320 = arith.constant 0 : i32
    %dma_wait3A_321 = arith.constant 0 : i32
    %dma_wait3A_322 = tpu.memref_slice %arg6[%dma_wait3A_319, %dma_wait3A_320, %dma_wait3A_321] : memref<704x8x128xf32, #tpu.memory_space<hbm>> -> memref<704x8x128xf32, #tpu.memory_space<hbm>>
    tpu.wait_indirect_dma semaphore(%arg14 : memref<!tpu.dma_semaphore, #tpu.memory_space<semaphore_mem>>) src(%dma_wait3A_322 : memref<704x8x128xf32, #tpu.memory_space<hbm>>) dst(%dma_wait3A_318 : memref<64x8x128xf32, #tpu.memory_space<vmem>>)
    %mul3A_323 = arith.constant 3224 : i32
    %mul3A_324 = arith.muli %select_n3A_286, %mul3A_323 : i32
    %add3A_325 = arith.constant 152 : i32
    %add3A_326 = arith.addi %mul3A_324, %add3A_325 : i32
    %mul3A_327 = arith.constant 64 : i32
    %mul3A_328 = arith.muli %select_n3A_302, %mul3A_327 : i32
    %add3A_329 = arith.addi %add3A_326, %mul3A_328 : i32
    "tpu.region"() ({
      %run_scoped3A = tpu.sem_alloc : memref<!tpu.dma_semaphore, #tpu.memory_space<semaphore_mem>>
      %dma_start3A_1742 = arith.constant 0 : i32
      %dma_start3A_1743 = arith.constant 0 : i32
      %dma_start3A_1744 = arith.constant 0 : i32
      %dma_start3A_1745 = tpu.memref_slice %arg13[%dma_start3A_1742, %dma_start3A_1743, %dma_start3A_1744] : memref<80x8x128xf32, #tpu.memory_space<vmem>> -> memref<64x8x128xf32, #tpu.memory_space<vmem>>
      %dma_start3A_1746 = arith.constant 0 : i32
      %dma_start3A_1747 = arith.constant 0 : i32
      %dma_start3A_1748 = tpu.memref_slice %arg10[%add3A_329, %dma_start3A_1746, %dma_start3A_1747] : memref<51584x8x128xf32, #tpu.memory_space<hbm>> -> memref<64x8x128xf32, #tpu.memory_space<hbm>>
      %dma_start3A_1749 = arith.constant 0 : i32
      %dma_start3A_1750 = arith.constant 0 : i32
      %dma_start3A_1751 = tpu.memref_slice %arg10[%add3A_329, %dma_start3A_1749, %dma_start3A_1750] : memref<51584x8x128xf32, #tpu.memory_space<hbm>> -> memref<64x8x128xf32, #tpu.memory_space<hbm>>
      %dma_start3A_1752 = arith.constant 0 : i32
      %dma_start3A_1753 = arith.constant 0 : i32
      %dma_start3A_1754 = arith.constant 0 : i32
      %dma_start3A_1755 = tpu.memref_slice %arg13[%dma_start3A_1752, %dma_start3A_1753, %dma_start3A_1754] : memref<80x8x128xf32, #tpu.memory_space<vmem>> -> memref<64x8x128xf32, #tpu.memory_space<vmem>>
      tpu.enqueue_dma source(%dma_start3A_1755 : memref<64x8x128xf32, #tpu.memory_space<vmem>>) target(%dma_start3A_1751 : memref<64x8x128xf32, #tpu.memory_space<hbm>>) target_semaphore(%run_scoped3A : memref<!tpu.dma_semaphore, #tpu.memory_space<semaphore_mem>>)
      %dma_wait3A_1756 = arith.constant 0 : i32
      %dma_wait3A_1757 = arith.constant 0 : i32
      %dma_wait3A_1758 = arith.constant 0 : i32
      %dma_wait3A_1759 = tpu.memref_slice %arg13[%dma_wait3A_1756, %dma_wait3A_1757, %dma_wait3A_1758] : memref<80x8x128xf32, #tpu.memory_space<vmem>> -> memref<64x8x128xf32, #tpu.memory_space<vmem>>
      %dma_wait3A_1760 = arith.constant 0 : i32
      %dma_wait3A_1761 = arith.constant 0 : i32
      %dma_wait3A_1762 = tpu.memref_slice %arg10[%add3A_329, %dma_wait3A_1760, %dma_wait3A_1761] : memref<51584x8x128xf32, #tpu.memory_space<hbm>> -> memref<64x8x128xf32, #tpu.memory_space<hbm>>
      %dma_wait3A_1763 = arith.constant 0 : i32
      %dma_wait3A_1764 = arith.constant 0 : i32
      %dma_wait3A_1765 = tpu.memref_slice %arg10[%add3A_329, %dma_wait3A_1763, %dma_wait3A_1764] : memref<51584x8x128xf32, #tpu.memory_space<hbm>> -> memref<64x8x128xf32, #tpu.memory_space<hbm>>
      %dma_wait3A_1766 = arith.constant 0 : i32
      %dma_wait3A_1767 = arith.constant 0 : i32
      %dma_wait3A_1768 = arith.constant 0 : i32
      %dma_wait3A_1769 = tpu.memref_slice %arg13[%dma_wait3A_1766, %dma_wait3A_1767, %dma_wait3A_1768] : memref<80x8x128xf32, #tpu.memory_space<vmem>> -> memref<64x8x128xf32, #tpu.memory_space<vmem>>
      tpu.wait_dma2 semaphore(%run_scoped3A : memref<!tpu.dma_semaphore, #tpu.memory_space<semaphore_mem>>) src(%dma_wait3A_1769 : memref<64x8x128xf32, #tpu.memory_space<vmem>>) dst(%dma_wait3A_1765 : memref<64x8x128xf32, #tpu.memory_space<hbm>>)
      tpu.yield
    }) : () -> ()
    %add3A_330 = arith.constant 128 : i32
    %add3A_331 = arith.addi %add3A, %add3A_330 : i32
    %jit3A_332 = arith.constant 16 : i32
    %div3A_333 = arith.divsi %add3A_331, %jit3A_332 : i32
    %sign3A_334 = arith.constant 0 : i32
    %sign3A_335 = arith.cmpi sgt, %add3A_331, %sign3A_334 : i32
    %sign3A_336 = arith.extui %sign3A_335 : i1 to i32
    %sign3A_337 = arith.constant 0 : i32
    %sign3A_338 = arith.cmpi slt, %add3A_331, %sign3A_337 : i32
    %sign3A_339 = arith.extui %sign3A_338 : i1 to i32
    %sign3A_340 = arith.subi %sign3A_336, %sign3A_339 : i32
    %sign3A_341 = arith.constant 0 : i32
    %sign3A_342 = arith.cmpi sgt, %jit3A_332, %sign3A_341 : i32
    %sign3A_343 = arith.extui %sign3A_342 : i1 to i32
    %sign3A_344 = arith.constant 0 : i32
    %sign3A_345 = arith.cmpi slt, %jit3A_332, %sign3A_344 : i32
    %sign3A_346 = arith.extui %sign3A_345 : i1 to i32
    %sign3A_347 = arith.subi %sign3A_343, %sign3A_346 : i32
    %ne3A_348 = arith.cmpi ne, %sign3A_340, %sign3A_347 : i32
    %rem3A_349 = arith.remsi %add3A_331, %jit3A_332 : i32
    %ne3A_350 = arith.constant 0 : i32
    %ne3A_351 = arith.cmpi ne, %rem3A_349, %ne3A_350 : i32
    %and3A_352 = arith.andi %ne3A_348, %ne3A_351 : i1
    %sub3A_353 = arith.constant 1 : i32
    %sub3A_354 = arith.subi %div3A_333, %sub3A_353 : i32
    %select_n3A_355 = arith.select %and3A_352, %sub3A_354, %div3A_333 : i32
    %jit3A_356 = arith.constant 16 : i32
    %eq3A_357 = arith.constant 0 : i32
    %eq3A_358 = arith.cmpi eq, %jit3A_356, %eq3A_357 : i32
    %jit3A_359 = arith.constant 1 : i32
    %select_n3A_360 = arith.select %eq3A_358, %jit3A_359, %jit3A_356 : i32
    %rem3A_361 = arith.remsi %add3A_331, %select_n3A_360 : i32
    %ne3A_362 = arith.constant 0 : i32
    %ne3A_363 = arith.cmpi ne, %rem3A_361, %ne3A_362 : i32
    %lt3A_364 = arith.constant 0 : i32
    %lt3A_365 = arith.cmpi slt, %rem3A_361, %lt3A_364 : i32
    %lt3A_366 = arith.constant 0 : i32
    %lt3A_367 = arith.cmpi slt, %select_n3A_360, %lt3A_366 : i32
    %ne3A_368 = arith.xori %lt3A_365, %lt3A_367 : i1
    %and3A_369 = arith.andi %ne3A_368, %ne3A_363 : i1
    %add3A_370 = arith.addi %rem3A_361, %select_n3A_360 : i32
    %select_n3A_371 = arith.select %and3A_369, %add3A_370, %rem3A_361 : i32
    %mul3A_372 = arith.constant 64 : i32
    %mul3A_373 = arith.muli %add3A_331, %mul3A_372 : i32
    "tpu.region"() ({
      %run_scoped3A = tpu.sem_alloc : memref<!tpu.dma_semaphore, #tpu.memory_space<semaphore_mem>>
      %dma_start3A_1742 = tpu.memref_slice %arg4[%mul3A_373] : memref<16384xi32, #tpu.memory_space<hbm>> -> memref<64xi32, #tpu.memory_space<hbm>>
      %dma_start3A_1743 = tpu.memref_slice %arg4[%mul3A_373] : memref<16384xi32, #tpu.memory_space<hbm>> -> memref<64xi32, #tpu.memory_space<hbm>>
      tpu.enqueue_dma source(%dma_start3A_1743 : memref<64xi32, #tpu.memory_space<hbm>>) target(%arg12 : memref<64xi32, #tpu.memory_space<vmem>>) target_semaphore(%run_scoped3A : memref<!tpu.dma_semaphore, #tpu.memory_space<semaphore_mem>>)
      %dma_wait3A_1744 = tpu.memref_slice %arg4[%mul3A_373] : memref<16384xi32, #tpu.memory_space<hbm>> -> memref<64xi32, #tpu.memory_space<hbm>>
      %dma_wait3A_1745 = tpu.memref_slice %arg4[%mul3A_373] : memref<16384xi32, #tpu.memory_space<hbm>> -> memref<64xi32, #tpu.memory_space<hbm>>
      tpu.wait_dma2 semaphore(%run_scoped3A : memref<!tpu.dma_semaphore, #tpu.memory_space<semaphore_mem>>) src(%dma_wait3A_1745 : memref<64xi32, #tpu.memory_space<hbm>>) dst(%arg12 : memref<64xi32, #tpu.memory_space<vmem>>)
      tpu.yield
    }) : () -> ()
    %mul3A_374 = arith.constant 64 : i32
    %mul3A_375 = arith.muli %select_n3A_371, %mul3A_374 : i32
    "tpu.region"() ({
      %run_scoped3A = tpu.sem_alloc : memref<!tpu.dma_semaphore, #tpu.memory_space<semaphore_mem>>
      %dma_start3A_1742 = arith.constant 0 : i32
      %dma_start3A_1743 = arith.constant 0 : i32
      %dma_start3A_1744 = arith.constant 0 : i32
      %dma_start3A_1745 = tpu.memref_slice %arg13[%dma_start3A_1742, %dma_start3A_1743, %dma_start3A_1744] : memref<80x8x128xf32, #tpu.memory_space<vmem>> -> memref<64x8x128xf32, #tpu.memory_space<vmem>>
      %dma_start3A_1746 = arith.constant 0 : i32
      %dma_start3A_1747 = arith.constant 0 : i32
      %dma_start3A_1748 = tpu.memref_slice %arg8[%mul3A_375, %dma_start3A_1746, %dma_start3A_1747] : memref<2048x8x128xf32, #tpu.memory_space<hbm>> -> memref<64x8x128xf32, #tpu.memory_space<hbm>>
      %dma_start3A_1749 = arith.constant 0 : i32
      %dma_start3A_1750 = arith.constant 0 : i32
      %dma_start3A_1751 = arith.constant 0 : i32
      %dma_start3A_1752 = tpu.memref_slice %arg13[%dma_start3A_1749, %dma_start3A_1750, %dma_start3A_1751] : memref<80x8x128xf32, #tpu.memory_space<vmem>> -> memref<64x8x128xf32, #tpu.memory_space<vmem>>
      %dma_start3A_1753 = arith.constant 0 : i32
      %dma_start3A_1754 = arith.constant 0 : i32
      %dma_start3A_1755 = tpu.memref_slice %arg8[%mul3A_375, %dma_start3A_1753, %dma_start3A_1754] : memref<2048x8x128xf32, #tpu.memory_space<hbm>> -> memref<64x8x128xf32, #tpu.memory_space<hbm>>
      tpu.enqueue_dma source(%dma_start3A_1755 : memref<64x8x128xf32, #tpu.memory_space<hbm>>) target(%dma_start3A_1752 : memref<64x8x128xf32, #tpu.memory_space<vmem>>) target_semaphore(%run_scoped3A : memref<!tpu.dma_semaphore, #tpu.memory_space<semaphore_mem>>)
      %dma_wait3A_1756 = arith.constant 0 : i32
      %dma_wait3A_1757 = arith.constant 0 : i32
      %dma_wait3A_1758 = arith.constant 0 : i32
      %dma_wait3A_1759 = tpu.memref_slice %arg13[%dma_wait3A_1756, %dma_wait3A_1757, %dma_wait3A_1758] : memref<80x8x128xf32, #tpu.memory_space<vmem>> -> memref<64x8x128xf32, #tpu.memory_space<vmem>>
      %dma_wait3A_1760 = arith.constant 0 : i32
      %dma_wait3A_1761 = arith.constant 0 : i32
      %dma_wait3A_1762 = tpu.memref_slice %arg8[%mul3A_375, %dma_wait3A_1760, %dma_wait3A_1761] : memref<2048x8x128xf32, #tpu.memory_space<hbm>> -> memref<64x8x128xf32, #tpu.memory_space<hbm>>
      %dma_wait3A_1763 = arith.constant 0 : i32
      %dma_wait3A_1764 = arith.constant 0 : i32
      %dma_wait3A_1765 = arith.constant 0 : i32
      %dma_wait3A_1766 = tpu.memref_slice %arg13[%dma_wait3A_1763, %dma_wait3A_1764, %dma_wait3A_1765] : memref<80x8x128xf32, #tpu.memory_space<vmem>> -> memref<64x8x128xf32, #tpu.memory_space<vmem>>
      %dma_wait3A_1767 = arith.constant 0 : i32
      %dma_wait3A_1768 = arith.constant 0 : i32
      %dma_wait3A_1769 = tpu.memref_slice %arg8[%mul3A_375, %dma_wait3A_1767, %dma_wait3A_1768] : memref<2048x8x128xf32, #tpu.memory_space<hbm>> -> memref<64x8x128xf32, #tpu.memory_space<hbm>>
      tpu.wait_dma2 semaphore(%run_scoped3A : memref<!tpu.dma_semaphore, #tpu.memory_space<semaphore_mem>>) src(%dma_wait3A_1769 : memref<64x8x128xf32, #tpu.memory_space<hbm>>) dst(%dma_wait3A_1766 : memref<64x8x128xf32, #tpu.memory_space<vmem>>)
      tpu.yield
    }) : () -> ()
    %dma_start3A_376 = arith.constant 0 : i32
    %dma_start3A_377 = arith.constant 0 : i32
    %dma_start3A_378 = arith.constant 0 : i32
    %dma_start3A_379 = tpu.memref_slice %arg13[%dma_start3A_376, %dma_start3A_377, %dma_start3A_378] : memref<80x8x128xf32, #tpu.memory_space<vmem>> -> memref<64x8x128xf32, #tpu.memory_space<vmem>>
    %dma_start3A_380 = arith.constant 0 : i32
    %dma_start3A_381 = arith.constant 0 : i32
    %dma_start3A_382 = arith.constant 0 : i32
    %dma_start3A_383 = tpu.memref_slice %arg6[%dma_start3A_380, %dma_start3A_381, %dma_start3A_382] : memref<704x8x128xf32, #tpu.memory_space<hbm>> -> memref<704x8x128xf32, #tpu.memory_space<hbm>>
    tpu.enqueue_indirect_dma source(%dma_start3A_383 : memref<704x8x128xf32, #tpu.memory_space<hbm>>) target(%dma_start3A_379 : memref<64x8x128xf32, #tpu.memory_space<vmem>>) offsets(%arg12 : memref<64xi32, #tpu.memory_space<vmem>>) semaphore(%arg14 : memref<!tpu.dma_semaphore, #tpu.memory_space<semaphore_mem>>) {add = true}
    %dma_wait3A_384 = arith.constant 0 : i32
    %dma_wait3A_385 = arith.constant 0 : i32
    %dma_wait3A_386 = arith.constant 0 : i32
    %dma_wait3A_387 = tpu.memref_slice %arg13[%dma_wait3A_384, %dma_wait3A_385, %dma_wait3A_386] : memref<80x8x128xf32, #tpu.memory_space<vmem>> -> memref<64x8x128xf32, #tpu.memory_space<vmem>>
    %dma_wait3A_388 = arith.constant 0 : i32
    %dma_wait3A_389 = arith.constant 0 : i32
    %dma_wait3A_390 = arith.constant 0 : i32
    %dma_wait3A_391 = tpu.memref_slice %arg6[%dma_wait3A_388, %dma_wait3A_389, %dma_wait3A_390] : memref<704x8x128xf32, #tpu.memory_space<hbm>> -> memref<704x8x128xf32, #tpu.memory_space<hbm>>
    tpu.wait_indirect_dma semaphore(%arg14 : memref<!tpu.dma_semaphore, #tpu.memory_space<semaphore_mem>>) src(%dma_wait3A_391 : memref<704x8x128xf32, #tpu.memory_space<hbm>>) dst(%dma_wait3A_387 : memref<64x8x128xf32, #tpu.memory_space<vmem>>)
    %mul3A_392 = arith.constant 3224 : i32
    %mul3A_393 = arith.muli %select_n3A_355, %mul3A_392 : i32
    %add3A_394 = arith.constant 152 : i32
    %add3A_395 = arith.addi %mul3A_393, %add3A_394 : i32
    %mul3A_396 = arith.constant 64 : i32
    %mul3A_397 = arith.muli %select_n3A_371, %mul3A_396 : i32
    %add3A_398 = arith.addi %add3A_395, %mul3A_397 : i32
    "tpu.region"() ({
      %run_scoped3A = tpu.sem_alloc : memref<!tpu.dma_semaphore, #tpu.memory_space<semaphore_mem>>
      %dma_start3A_1742 = arith.constant 0 : i32
      %dma_start3A_1743 = arith.constant 0 : i32
      %dma_start3A_1744 = arith.constant 0 : i32
      %dma_start3A_1745 = tpu.memref_slice %arg13[%dma_start3A_1742, %dma_start3A_1743, %dma_start3A_1744] : memref<80x8x128xf32, #tpu.memory_space<vmem>> -> memref<64x8x128xf32, #tpu.memory_space<vmem>>
      %dma_start3A_1746 = arith.constant 0 : i32
      %dma_start3A_1747 = arith.constant 0 : i32
      %dma_start3A_1748 = tpu.memref_slice %arg10[%add3A_398, %dma_start3A_1746, %dma_start3A_1747] : memref<51584x8x128xf32, #tpu.memory_space<hbm>> -> memref<64x8x128xf32, #tpu.memory_space<hbm>>
      %dma_start3A_1749 = arith.constant 0 : i32
      %dma_start3A_1750 = arith.constant 0 : i32
      %dma_start3A_1751 = tpu.memref_slice %arg10[%add3A_398, %dma_start3A_1749, %dma_start3A_1750] : memref<51584x8x128xf32, #tpu.memory_space<hbm>> -> memref<64x8x128xf32, #tpu.memory_space<hbm>>
      %dma_start3A_1752 = arith.constant 0 : i32
      %dma_start3A_1753 = arith.constant 0 : i32
      %dma_start3A_1754 = arith.constant 0 : i32
      %dma_start3A_1755 = tpu.memref_slice %arg13[%dma_start3A_1752, %dma_start3A_1753, %dma_start3A_1754] : memref<80x8x128xf32, #tpu.memory_space<vmem>> -> memref<64x8x128xf32, #tpu.memory_space<vmem>>
      tpu.enqueue_dma source(%dma_start3A_1755 : memref<64x8x128xf32, #tpu.memory_space<vmem>>) target(%dma_start3A_1751 : memref<64x8x128xf32, #tpu.memory_space<hbm>>) target_semaphore(%run_scoped3A : memref<!tpu.dma_semaphore, #tpu.memory_space<semaphore_mem>>)
      %dma_wait3A_1756 = arith.constant 0 : i32
      %dma_wait3A_1757 = arith.constant 0 : i32
      %dma_wait3A_1758 = arith.constant 0 : i32
      %dma_wait3A_1759 = tpu.memref_slice %arg13[%dma_wait3A_1756, %dma_wait3A_1757, %dma_wait3A_1758] : memref<80x8x128xf32, #tpu.memory_space<vmem>> -> memref<64x8x128xf32, #tpu.memory_space<vmem>>
      %dma_wait3A_1760 = arith.constant 0 : i32
      %dma_wait3A_1761 = arith.constant 0 : i32
      %dma_wait3A_1762 = tpu.memref_slice %arg10[%add3A_398, %dma_wait3A_1760, %dma_wait3A_1761] : memref<51584x8x128xf32, #tpu.memory_space<hbm>> -> memref<64x8x128xf32, #tpu.memory_space<hbm>>
      %dma_wait3A_1763 = arith.constant 0 : i32
      %dma_wait3A_1764 = arith.constant 0 : i32
      %dma_wait3A_1765 = tpu.memref_slice %arg10[%add3A_398, %dma_wait3A_1763, %dma_wait3A_1764] : memref<51584x8x128xf32, #tpu.memory_space<hbm>> -> memref<64x8x128xf32, #tpu.memory_space<hbm>>
      %dma_wait3A_1766 = arith.constant 0 : i32
      %dma_wait3A_1767 = arith.constant 0 : i32
      %dma_wait3A_1768 = arith.constant 0 : i32
      %dma_wait3A_1769 = tpu.memref_slice %arg13[%dma_wait3A_1766, %dma_wait3A_1767, %dma_wait3A_1768] : memref<80x8x128xf32, #tpu.memory_space<vmem>> -> memref<64x8x128xf32, #tpu.memory_space<vmem>>
      tpu.wait_dma2 semaphore(%run_scoped3A : memref<!tpu.dma_semaphore, #tpu.memory_space<semaphore_mem>>) src(%dma_wait3A_1769 : memref<64x8x128xf32, #tpu.memory_space<vmem>>) dst(%dma_wait3A_1765 : memref<64x8x128xf32, #tpu.memory_space<hbm>>)
      tpu.yield
    }) : () -> ()
    %add3A_399 = arith.constant 160 : i32
    %add3A_400 = arith.addi %add3A, %add3A_399 : i32
    %jit3A_401 = arith.constant 16 : i32
    %div3A_402 = arith.divsi %add3A_400, %jit3A_401 : i32
    %sign3A_403 = arith.constant 0 : i32
    %sign3A_404 = arith.cmpi sgt, %add3A_400, %sign3A_403 : i32
    %sign3A_405 = arith.extui %sign3A_404 : i1 to i32
    %sign3A_406 = arith.constant 0 : i32
    %sign3A_407 = arith.cmpi slt, %add3A_400, %sign3A_406 : i32
    %sign3A_408 = arith.extui %sign3A_407 : i1 to i32
    %sign3A_409 = arith.subi %sign3A_405, %sign3A_408 : i32
    %sign3A_410 = arith.constant 0 : i32
    %sign3A_411 = arith.cmpi sgt, %jit3A_401, %sign3A_410 : i32
    %sign3A_412 = arith.extui %sign3A_411 : i1 to i32
    %sign3A_413 = arith.constant 0 : i32
    %sign3A_414 = arith.cmpi slt, %jit3A_401, %sign3A_413 : i32
    %sign3A_415 = arith.extui %sign3A_414 : i1 to i32
    %sign3A_416 = arith.subi %sign3A_412, %sign3A_415 : i32
    %ne3A_417 = arith.cmpi ne, %sign3A_409, %sign3A_416 : i32
    %rem3A_418 = arith.remsi %add3A_400, %jit3A_401 : i32
    %ne3A_419 = arith.constant 0 : i32
    %ne3A_420 = arith.cmpi ne, %rem3A_418, %ne3A_419 : i32
    %and3A_421 = arith.andi %ne3A_417, %ne3A_420 : i1
    %sub3A_422 = arith.constant 1 : i32
    %sub3A_423 = arith.subi %div3A_402, %sub3A_422 : i32
    %select_n3A_424 = arith.select %and3A_421, %sub3A_423, %div3A_402 : i32
    %jit3A_425 = arith.constant 16 : i32
    %eq3A_426 = arith.constant 0 : i32
    %eq3A_427 = arith.cmpi eq, %jit3A_425, %eq3A_426 : i32
    %jit3A_428 = arith.constant 1 : i32
    %select_n3A_429 = arith.select %eq3A_427, %jit3A_428, %jit3A_425 : i32
    %rem3A_430 = arith.remsi %add3A_400, %select_n3A_429 : i32
    %ne3A_431 = arith.constant 0 : i32
    %ne3A_432 = arith.cmpi ne, %rem3A_430, %ne3A_431 : i32
    %lt3A_433 = arith.constant 0 : i32
    %lt3A_434 = arith.cmpi slt, %rem3A_430, %lt3A_433 : i32
    %lt3A_435 = arith.constant 0 : i32
    %lt3A_436 = arith.cmpi slt, %select_n3A_429, %lt3A_435 : i32
    %ne3A_437 = arith.xori %lt3A_434, %lt3A_436 : i1
    %and3A_438 = arith.andi %ne3A_437, %ne3A_432 : i1
    %add3A_439 = arith.addi %rem3A_430, %select_n3A_429 : i32
    %select_n3A_440 = arith.select %and3A_438, %add3A_439, %rem3A_430 : i32
    %mul3A_441 = arith.constant 64 : i32
    %mul3A_442 = arith.muli %add3A_400, %mul3A_441 : i32
    "tpu.region"() ({
      %run_scoped3A = tpu.sem_alloc : memref<!tpu.dma_semaphore, #tpu.memory_space<semaphore_mem>>
      %dma_start3A_1742 = tpu.memref_slice %arg4[%mul3A_442] : memref<16384xi32, #tpu.memory_space<hbm>> -> memref<64xi32, #tpu.memory_space<hbm>>
      %dma_start3A_1743 = tpu.memref_slice %arg4[%mul3A_442] : memref<16384xi32, #tpu.memory_space<hbm>> -> memref<64xi32, #tpu.memory_space<hbm>>
      tpu.enqueue_dma source(%dma_start3A_1743 : memref<64xi32, #tpu.memory_space<hbm>>) target(%arg12 : memref<64xi32, #tpu.memory_space<vmem>>) target_semaphore(%run_scoped3A : memref<!tpu.dma_semaphore, #tpu.memory_space<semaphore_mem>>)
      %dma_wait3A_1744 = tpu.memref_slice %arg4[%mul3A_442] : memref<16384xi32, #tpu.memory_space<hbm>> -> memref<64xi32, #tpu.memory_space<hbm>>
      %dma_wait3A_1745 = tpu.memref_slice %arg4[%mul3A_442] : memref<16384xi32, #tpu.memory_space<hbm>> -> memref<64xi32, #tpu.memory_space<hbm>>
      tpu.wait_dma2 semaphore(%run_scoped3A : memref<!tpu.dma_semaphore, #tpu.memory_space<semaphore_mem>>) src(%dma_wait3A_1745 : memref<64xi32, #tpu.memory_space<hbm>>) dst(%arg12 : memref<64xi32, #tpu.memory_space<vmem>>)
      tpu.yield
    }) : () -> ()
    %mul3A_443 = arith.constant 64 : i32
    %mul3A_444 = arith.muli %select_n3A_440, %mul3A_443 : i32
    "tpu.region"() ({
      %run_scoped3A = tpu.sem_alloc : memref<!tpu.dma_semaphore, #tpu.memory_space<semaphore_mem>>
      %dma_start3A_1742 = arith.constant 0 : i32
      %dma_start3A_1743 = arith.constant 0 : i32
      %dma_start3A_1744 = arith.constant 0 : i32
      %dma_start3A_1745 = tpu.memref_slice %arg13[%dma_start3A_1742, %dma_start3A_1743, %dma_start3A_1744] : memref<80x8x128xf32, #tpu.memory_space<vmem>> -> memref<64x8x128xf32, #tpu.memory_space<vmem>>
      %dma_start3A_1746 = arith.constant 0 : i32
      %dma_start3A_1747 = arith.constant 0 : i32
      %dma_start3A_1748 = tpu.memref_slice %arg8[%mul3A_444, %dma_start3A_1746, %dma_start3A_1747] : memref<2048x8x128xf32, #tpu.memory_space<hbm>> -> memref<64x8x128xf32, #tpu.memory_space<hbm>>
      %dma_start3A_1749 = arith.constant 0 : i32
      %dma_start3A_1750 = arith.constant 0 : i32
      %dma_start3A_1751 = arith.constant 0 : i32
      %dma_start3A_1752 = tpu.memref_slice %arg13[%dma_start3A_1749, %dma_start3A_1750, %dma_start3A_1751] : memref<80x8x128xf32, #tpu.memory_space<vmem>> -> memref<64x8x128xf32, #tpu.memory_space<vmem>>
      %dma_start3A_1753 = arith.constant 0 : i32
      %dma_start3A_1754 = arith.constant 0 : i32
      %dma_start3A_1755 = tpu.memref_slice %arg8[%mul3A_444, %dma_start3A_1753, %dma_start3A_1754] : memref<2048x8x128xf32, #tpu.memory_space<hbm>> -> memref<64x8x128xf32, #tpu.memory_space<hbm>>
      tpu.enqueue_dma source(%dma_start3A_1755 : memref<64x8x128xf32, #tpu.memory_space<hbm>>) target(%dma_start3A_1752 : memref<64x8x128xf32, #tpu.memory_space<vmem>>) target_semaphore(%run_scoped3A : memref<!tpu.dma_semaphore, #tpu.memory_space<semaphore_mem>>)
      %dma_wait3A_1756 = arith.constant 0 : i32
      %dma_wait3A_1757 = arith.constant 0 : i32
      %dma_wait3A_1758 = arith.constant 0 : i32
      %dma_wait3A_1759 = tpu.memref_slice %arg13[%dma_wait3A_1756, %dma_wait3A_1757, %dma_wait3A_1758] : memref<80x8x128xf32, #tpu.memory_space<vmem>> -> memref<64x8x128xf32, #tpu.memory_space<vmem>>
      %dma_wait3A_1760 = arith.constant 0 : i32
      %dma_wait3A_1761 = arith.constant 0 : i32
      %dma_wait3A_1762 = tpu.memref_slice %arg8[%mul3A_444, %dma_wait3A_1760, %dma_wait3A_1761] : memref<2048x8x128xf32, #tpu.memory_space<hbm>> -> memref<64x8x128xf32, #tpu.memory_space<hbm>>
      %dma_wait3A_1763 = arith.constant 0 : i32
      %dma_wait3A_1764 = arith.constant 0 : i32
      %dma_wait3A_1765 = arith.constant 0 : i32
      %dma_wait3A_1766 = tpu.memref_slice %arg13[%dma_wait3A_1763, %dma_wait3A_1764, %dma_wait3A_1765] : memref<80x8x128xf32, #tpu.memory_space<vmem>> -> memref<64x8x128xf32, #tpu.memory_space<vmem>>
      %dma_wait3A_1767 = arith.constant 0 : i32
      %dma_wait3A_1768 = arith.constant 0 : i32
      %dma_wait3A_1769 = tpu.memref_slice %arg8[%mul3A_444, %dma_wait3A_1767, %dma_wait3A_1768] : memref<2048x8x128xf32, #tpu.memory_space<hbm>> -> memref<64x8x128xf32, #tpu.memory_space<hbm>>
      tpu.wait_dma2 semaphore(%run_scoped3A : memref<!tpu.dma_semaphore, #tpu.memory_space<semaphore_mem>>) src(%dma_wait3A_1769 : memref<64x8x128xf32, #tpu.memory_space<hbm>>) dst(%dma_wait3A_1766 : memref<64x8x128xf32, #tpu.memory_space<vmem>>)
      tpu.yield
    }) : () -> ()
    %dma_start3A_445 = arith.constant 0 : i32
    %dma_start3A_446 = arith.constant 0 : i32
    %dma_start3A_447 = arith.constant 0 : i32
    %dma_start3A_448 = tpu.memref_slice %arg13[%dma_start3A_445, %dma_start3A_446, %dma_start3A_447] : memref<80x8x128xf32, #tpu.memory_space<vmem>> -> memref<64x8x128xf32, #tpu.memory_space<vmem>>
    %dma_start3A_449 = arith.constant 0 : i32
    %dma_start3A_450 = arith.constant 0 : i32
    %dma_start3A_451 = arith.constant 0 : i32
    %dma_start3A_452 = tpu.memref_slice %arg6[%dma_start3A_449, %dma_start3A_450, %dma_start3A_451] : memref<704x8x128xf32, #tpu.memory_space<hbm>> -> memref<704x8x128xf32, #tpu.memory_space<hbm>>
    tpu.enqueue_indirect_dma source(%dma_start3A_452 : memref<704x8x128xf32, #tpu.memory_space<hbm>>) target(%dma_start3A_448 : memref<64x8x128xf32, #tpu.memory_space<vmem>>) offsets(%arg12 : memref<64xi32, #tpu.memory_space<vmem>>) semaphore(%arg14 : memref<!tpu.dma_semaphore, #tpu.memory_space<semaphore_mem>>) {add = true}
    %dma_wait3A_453 = arith.constant 0 : i32
    %dma_wait3A_454 = arith.constant 0 : i32
    %dma_wait3A_455 = arith.constant 0 : i32
    %dma_wait3A_456 = tpu.memref_slice %arg13[%dma_wait3A_453, %dma_wait3A_454, %dma_wait3A_455] : memref<80x8x128xf32, #tpu.memory_space<vmem>> -> memref<64x8x128xf32, #tpu.memory_space<vmem>>
    %dma_wait3A_457 = arith.constant 0 : i32
    %dma_wait3A_458 = arith.constant 0 : i32
    %dma_wait3A_459 = arith.constant 0 : i32
    %dma_wait3A_460 = tpu.memref_slice %arg6[%dma_wait3A_457, %dma_wait3A_458, %dma_wait3A_459] : memref<704x8x128xf32, #tpu.memory_space<hbm>> -> memref<704x8x128xf32, #tpu.memory_space<hbm>>
    tpu.wait_indirect_dma semaphore(%arg14 : memref<!tpu.dma_semaphore, #tpu.memory_space<semaphore_mem>>) src(%dma_wait3A_460 : memref<704x8x128xf32, #tpu.memory_space<hbm>>) dst(%dma_wait3A_456 : memref<64x8x128xf32, #tpu.memory_space<vmem>>)
    %mul3A_461 = arith.constant 3224 : i32
    %mul3A_462 = arith.muli %select_n3A_424, %mul3A_461 : i32
    %add3A_463 = arith.constant 152 : i32
    %add3A_464 = arith.addi %mul3A_462, %add3A_463 : i32
    %mul3A_465 = arith.constant 64 : i32
    %mul3A_466 = arith.muli %select_n3A_440, %mul3A_465 : i32
    %add3A_467 = arith.addi %add3A_464, %mul3A_466 : i32
    "tpu.region"() ({
      %run_scoped3A = tpu.sem_alloc : memref<!tpu.dma_semaphore, #tpu.memory_space<semaphore_mem>>
      %dma_start3A_1742 = arith.constant 0 : i32
      %dma_start3A_1743 = arith.constant 0 : i32
      %dma_start3A_1744 = arith.constant 0 : i32
      %dma_start3A_1745 = tpu.memref_slice %arg13[%dma_start3A_1742, %dma_start3A_1743, %dma_start3A_1744] : memref<80x8x128xf32, #tpu.memory_space<vmem>> -> memref<64x8x128xf32, #tpu.memory_space<vmem>>
      %dma_start3A_1746 = arith.constant 0 : i32
      %dma_start3A_1747 = arith.constant 0 : i32
      %dma_start3A_1748 = tpu.memref_slice %arg10[%add3A_467, %dma_start3A_1746, %dma_start3A_1747] : memref<51584x8x128xf32, #tpu.memory_space<hbm>> -> memref<64x8x128xf32, #tpu.memory_space<hbm>>
      %dma_start3A_1749 = arith.constant 0 : i32
      %dma_start3A_1750 = arith.constant 0 : i32
      %dma_start3A_1751 = tpu.memref_slice %arg10[%add3A_467, %dma_start3A_1749, %dma_start3A_1750] : memref<51584x8x128xf32, #tpu.memory_space<hbm>> -> memref<64x8x128xf32, #tpu.memory_space<hbm>>
      %dma_start3A_1752 = arith.constant 0 : i32
      %dma_start3A_1753 = arith.constant 0 : i32
      %dma_start3A_1754 = arith.constant 0 : i32
      %dma_start3A_1755 = tpu.memref_slice %arg13[%dma_start3A_1752, %dma_start3A_1753, %dma_start3A_1754] : memref<80x8x128xf32, #tpu.memory_space<vmem>> -> memref<64x8x128xf32, #tpu.memory_space<vmem>>
      tpu.enqueue_dma source(%dma_start3A_1755 : memref<64x8x128xf32, #tpu.memory_space<vmem>>) target(%dma_start3A_1751 : memref<64x8x128xf32, #tpu.memory_space<hbm>>) target_semaphore(%run_scoped3A : memref<!tpu.dma_semaphore, #tpu.memory_space<semaphore_mem>>)
      %dma_wait3A_1756 = arith.constant 0 : i32
      %dma_wait3A_1757 = arith.constant 0 : i32
      %dma_wait3A_1758 = arith.constant 0 : i32
      %dma_wait3A_1759 = tpu.memref_slice %arg13[%dma_wait3A_1756, %dma_wait3A_1757, %dma_wait3A_1758] : memref<80x8x128xf32, #tpu.memory_space<vmem>> -> memref<64x8x128xf32, #tpu.memory_space<vmem>>
      %dma_wait3A_1760 = arith.constant 0 : i32
      %dma_wait3A_1761 = arith.constant 0 : i32
      %dma_wait3A_1762 = tpu.memref_slice %arg10[%add3A_467, %dma_wait3A_1760, %dma_wait3A_1761] : memref<51584x8x128xf32, #tpu.memory_space<hbm>> -> memref<64x8x128xf32, #tpu.memory_space<hbm>>
      %dma_wait3A_1763 = arith.constant 0 : i32
      %dma_wait3A_1764 = arith.constant 0 : i32
      %dma_wait3A_1765 = tpu.memref_slice %arg10[%add3A_467, %dma_wait3A_1763, %dma_wait3A_1764] : memref<51584x8x128xf32, #tpu.memory_space<hbm>> -> memref<64x8x128xf32, #tpu.memory_space<hbm>>
      %dma_wait3A_1766 = arith.constant 0 : i32
      %dma_wait3A_1767 = arith.constant 0 : i32
      %dma_wait3A_1768 = arith.constant 0 : i32
      %dma_wait3A_1769 = tpu.memref_slice %arg13[%dma_wait3A_1766, %dma_wait3A_1767, %dma_wait3A_1768] : memref<80x8x128xf32, #tpu.memory_space<vmem>> -> memref<64x8x128xf32, #tpu.memory_space<vmem>>
      tpu.wait_dma2 semaphore(%run_scoped3A : memref<!tpu.dma_semaphore, #tpu.memory_space<semaphore_mem>>) src(%dma_wait3A_1769 : memref<64x8x128xf32, #tpu.memory_space<vmem>>) dst(%dma_wait3A_1765 : memref<64x8x128xf32, #tpu.memory_space<hbm>>)
      tpu.yield
    }) : () -> ()
    %add3A_468 = arith.constant 192 : i32
    %add3A_469 = arith.addi %add3A, %add3A_468 : i32
    %jit3A_470 = arith.constant 16 : i32
    %div3A_471 = arith.divsi %add3A_469, %jit3A_470 : i32
    %sign3A_472 = arith.constant 0 : i32
    %sign3A_473 = arith.cmpi sgt, %add3A_469, %sign3A_472 : i32
    %sign3A_474 = arith.extui %sign3A_473 : i1 to i32
    %sign3A_475 = arith.constant 0 : i32
    %sign3A_476 = arith.cmpi slt, %add3A_469, %sign3A_475 : i32
    %sign3A_477 = arith.extui %sign3A_476 : i1 to i32
    %sign3A_478 = arith.subi %sign3A_474, %sign3A_477 : i32
    %sign3A_479 = arith.constant 0 : i32
    %sign3A_480 = arith.cmpi sgt, %jit3A_470, %sign3A_479 : i32
    %sign3A_481 = arith.extui %sign3A_480 : i1 to i32
    %sign3A_482 = arith.constant 0 : i32
    %sign3A_483 = arith.cmpi slt, %jit3A_470, %sign3A_482 : i32
    %sign3A_484 = arith.extui %sign3A_483 : i1 to i32
    %sign3A_485 = arith.subi %sign3A_481, %sign3A_484 : i32
    %ne3A_486 = arith.cmpi ne, %sign3A_478, %sign3A_485 : i32
    %rem3A_487 = arith.remsi %add3A_469, %jit3A_470 : i32
    %ne3A_488 = arith.constant 0 : i32
    %ne3A_489 = arith.cmpi ne, %rem3A_487, %ne3A_488 : i32
    %and3A_490 = arith.andi %ne3A_486, %ne3A_489 : i1
    %sub3A_491 = arith.constant 1 : i32
    %sub3A_492 = arith.subi %div3A_471, %sub3A_491 : i32
    %select_n3A_493 = arith.select %and3A_490, %sub3A_492, %div3A_471 : i32
    %jit3A_494 = arith.constant 16 : i32
    %eq3A_495 = arith.constant 0 : i32
    %eq3A_496 = arith.cmpi eq, %jit3A_494, %eq3A_495 : i32
    %jit3A_497 = arith.constant 1 : i32
    %select_n3A_498 = arith.select %eq3A_496, %jit3A_497, %jit3A_494 : i32
    %rem3A_499 = arith.remsi %add3A_469, %select_n3A_498 : i32
    %ne3A_500 = arith.constant 0 : i32
    %ne3A_501 = arith.cmpi ne, %rem3A_499, %ne3A_500 : i32
    %lt3A_502 = arith.constant 0 : i32
    %lt3A_503 = arith.cmpi slt, %rem3A_499, %lt3A_502 : i32
    %lt3A_504 = arith.constant 0 : i32
    %lt3A_505 = arith.cmpi slt, %select_n3A_498, %lt3A_504 : i32
    %ne3A_506 = arith.xori %lt3A_503, %lt3A_505 : i1
    %and3A_507 = arith.andi %ne3A_506, %ne3A_501 : i1
    %add3A_508 = arith.addi %rem3A_499, %select_n3A_498 : i32
    %select_n3A_509 = arith.select %and3A_507, %add3A_508, %rem3A_499 : i32
    %mul3A_510 = arith.constant 64 : i32
    %mul3A_511 = arith.muli %add3A_469, %mul3A_510 : i32
    "tpu.region"() ({
      %run_scoped3A = tpu.sem_alloc : memref<!tpu.dma_semaphore, #tpu.memory_space<semaphore_mem>>
      %dma_start3A_1742 = tpu.memref_slice %arg4[%mul3A_511] : memref<16384xi32, #tpu.memory_space<hbm>> -> memref<64xi32, #tpu.memory_space<hbm>>
      %dma_start3A_1743 = tpu.memref_slice %arg4[%mul3A_511] : memref<16384xi32, #tpu.memory_space<hbm>> -> memref<64xi32, #tpu.memory_space<hbm>>
      tpu.enqueue_dma source(%dma_start3A_1743 : memref<64xi32, #tpu.memory_space<hbm>>) target(%arg12 : memref<64xi32, #tpu.memory_space<vmem>>) target_semaphore(%run_scoped3A : memref<!tpu.dma_semaphore, #tpu.memory_space<semaphore_mem>>)
      %dma_wait3A_1744 = tpu.memref_slice %arg4[%mul3A_511] : memref<16384xi32, #tpu.memory_space<hbm>> -> memref<64xi32, #tpu.memory_space<hbm>>
      %dma_wait3A_1745 = tpu.memref_slice %arg4[%mul3A_511] : memref<16384xi32, #tpu.memory_space<hbm>> -> memref<64xi32, #tpu.memory_space<hbm>>
      tpu.wait_dma2 semaphore(%run_scoped3A : memref<!tpu.dma_semaphore, #tpu.memory_space<semaphore_mem>>) src(%dma_wait3A_1745 : memref<64xi32, #tpu.memory_space<hbm>>) dst(%arg12 : memref<64xi32, #tpu.memory_space<vmem>>)
      tpu.yield
    }) : () -> ()
    %mul3A_512 = arith.constant 64 : i32
    %mul3A_513 = arith.muli %select_n3A_509, %mul3A_512 : i32
    "tpu.region"() ({
      %run_scoped3A = tpu.sem_alloc : memref<!tpu.dma_semaphore, #tpu.memory_space<semaphore_mem>>
      %dma_start3A_1742 = arith.constant 0 : i32
      %dma_start3A_1743 = arith.constant 0 : i32
      %dma_start3A_1744 = arith.constant 0 : i32
      %dma_start3A_1745 = tpu.memref_slice %arg13[%dma_start3A_1742, %dma_start3A_1743, %dma_start3A_1744] : memref<80x8x128xf32, #tpu.memory_space<vmem>> -> memref<64x8x128xf32, #tpu.memory_space<vmem>>
      %dma_start3A_1746 = arith.constant 0 : i32
      %dma_start3A_1747 = arith.constant 0 : i32
      %dma_start3A_1748 = tpu.memref_slice %arg8[%mul3A_513, %dma_start3A_1746, %dma_start3A_1747] : memref<2048x8x128xf32, #tpu.memory_space<hbm>> -> memref<64x8x128xf32, #tpu.memory_space<hbm>>
      %dma_start3A_1749 = arith.constant 0 : i32
      %dma_start3A_1750 = arith.constant 0 : i32
      %dma_start3A_1751 = arith.constant 0 : i32
      %dma_start3A_1752 = tpu.memref_slice %arg13[%dma_start3A_1749, %dma_start3A_1750, %dma_start3A_1751] : memref<80x8x128xf32, #tpu.memory_space<vmem>> -> memref<64x8x128xf32, #tpu.memory_space<vmem>>
      %dma_start3A_1753 = arith.constant 0 : i32
      %dma_start3A_1754 = arith.constant 0 : i32
      %dma_start3A_1755 = tpu.memref_slice %arg8[%mul3A_513, %dma_start3A_1753, %dma_start3A_1754] : memref<2048x8x128xf32, #tpu.memory_space<hbm>> -> memref<64x8x128xf32, #tpu.memory_space<hbm>>
      tpu.enqueue_dma source(%dma_start3A_1755 : memref<64x8x128xf32, #tpu.memory_space<hbm>>) target(%dma_start3A_1752 : memref<64x8x128xf32, #tpu.memory_space<vmem>>) target_semaphore(%run_scoped3A : memref<!tpu.dma_semaphore, #tpu.memory_space<semaphore_mem>>)
      %dma_wait3A_1756 = arith.constant 0 : i32
      %dma_wait3A_1757 = arith.constant 0 : i32
      %dma_wait3A_1758 = arith.constant 0 : i32
      %dma_wait3A_1759 = tpu.memref_slice %arg13[%dma_wait3A_1756, %dma_wait3A_1757, %dma_wait3A_1758] : memref<80x8x128xf32, #tpu.memory_space<vmem>> -> memref<64x8x128xf32, #tpu.memory_space<vmem>>
      %dma_wait3A_1760 = arith.constant 0 : i32
      %dma_wait3A_1761 = arith.constant 0 : i32
      %dma_wait3A_1762 = tpu.memref_slice %arg8[%mul3A_513, %dma_wait3A_1760, %dma_wait3A_1761] : memref<2048x8x128xf32, #tpu.memory_space<hbm>> -> memref<64x8x128xf32, #tpu.memory_space<hbm>>
      %dma_wait3A_1763 = arith.constant 0 : i32
      %dma_wait3A_1764 = arith.constant 0 : i32
      %dma_wait3A_1765 = arith.constant 0 : i32
      %dma_wait3A_1766 = tpu.memref_slice %arg13[%dma_wait3A_1763, %dma_wait3A_1764, %dma_wait3A_1765] : memref<80x8x128xf32, #tpu.memory_space<vmem>> -> memref<64x8x128xf32, #tpu.memory_space<vmem>>
      %dma_wait3A_1767 = arith.constant 0 : i32
      %dma_wait3A_1768 = arith.constant 0 : i32
      %dma_wait3A_1769 = tpu.memref_slice %arg8[%mul3A_513, %dma_wait3A_1767, %dma_wait3A_1768] : memref<2048x8x128xf32, #tpu.memory_space<hbm>> -> memref<64x8x128xf32, #tpu.memory_space<hbm>>
      tpu.wait_dma2 semaphore(%run_scoped3A : memref<!tpu.dma_semaphore, #tpu.memory_space<semaphore_mem>>) src(%dma_wait3A_1769 : memref<64x8x128xf32, #tpu.memory_space<hbm>>) dst(%dma_wait3A_1766 : memref<64x8x128xf32, #tpu.memory_space<vmem>>)
      tpu.yield
    }) : () -> ()
    %dma_start3A_514 = arith.constant 0 : i32
    %dma_start3A_515 = arith.constant 0 : i32
    %dma_start3A_516 = arith.constant 0 : i32
    %dma_start3A_517 = tpu.memref_slice %arg13[%dma_start3A_514, %dma_start3A_515, %dma_start3A_516] : memref<80x8x128xf32, #tpu.memory_space<vmem>> -> memref<64x8x128xf32, #tpu.memory_space<vmem>>
    %dma_start3A_518 = arith.constant 0 : i32
    %dma_start3A_519 = arith.constant 0 : i32
    %dma_start3A_520 = arith.constant 0 : i32
    %dma_start3A_521 = tpu.memref_slice %arg6[%dma_start3A_518, %dma_start3A_519, %dma_start3A_520] : memref<704x8x128xf32, #tpu.memory_space<hbm>> -> memref<704x8x128xf32, #tpu.memory_space<hbm>>
    tpu.enqueue_indirect_dma source(%dma_start3A_521 : memref<704x8x128xf32, #tpu.memory_space<hbm>>) target(%dma_start3A_517 : memref<64x8x128xf32, #tpu.memory_space<vmem>>) offsets(%arg12 : memref<64xi32, #tpu.memory_space<vmem>>) semaphore(%arg14 : memref<!tpu.dma_semaphore, #tpu.memory_space<semaphore_mem>>) {add = true}
    %dma_wait3A_522 = arith.constant 0 : i32
    %dma_wait3A_523 = arith.constant 0 : i32
    %dma_wait3A_524 = arith.constant 0 : i32
    %dma_wait3A_525 = tpu.memref_slice %arg13[%dma_wait3A_522, %dma_wait3A_523, %dma_wait3A_524] : memref<80x8x128xf32, #tpu.memory_space<vmem>> -> memref<64x8x128xf32, #tpu.memory_space<vmem>>
    %dma_wait3A_526 = arith.constant 0 : i32
    %dma_wait3A_527 = arith.constant 0 : i32
    %dma_wait3A_528 = arith.constant 0 : i32
    %dma_wait3A_529 = tpu.memref_slice %arg6[%dma_wait3A_526, %dma_wait3A_527, %dma_wait3A_528] : memref<704x8x128xf32, #tpu.memory_space<hbm>> -> memref<704x8x128xf32, #tpu.memory_space<hbm>>
    tpu.wait_indirect_dma semaphore(%arg14 : memref<!tpu.dma_semaphore, #tpu.memory_space<semaphore_mem>>) src(%dma_wait3A_529 : memref<704x8x128xf32, #tpu.memory_space<hbm>>) dst(%dma_wait3A_525 : memref<64x8x128xf32, #tpu.memory_space<vmem>>)
    %mul3A_530 = arith.constant 3224 : i32
    %mul3A_531 = arith.muli %select_n3A_493, %mul3A_530 : i32
    %add3A_532 = arith.constant 152 : i32
    %add3A_533 = arith.addi %mul3A_531, %add3A_532 : i32
    %mul3A_534 = arith.constant 64 : i32
    %mul3A_535 = arith.muli %select_n3A_509, %mul3A_534 : i32
    %add3A_536 = arith.addi %add3A_533, %mul3A_535 : i32
    "tpu.region"() ({
      %run_scoped3A = tpu.sem_alloc : memref<!tpu.dma_semaphore, #tpu.memory_space<semaphore_mem>>
      %dma_start3A_1742 = arith.constant 0 : i32
      %dma_start3A_1743 = arith.constant 0 : i32
      %dma_start3A_1744 = arith.constant 0 : i32
      %dma_start3A_1745 = tpu.memref_slice %arg13[%dma_start3A_1742, %dma_start3A_1743, %dma_start3A_1744] : memref<80x8x128xf32, #tpu.memory_space<vmem>> -> memref<64x8x128xf32, #tpu.memory_space<vmem>>
      %dma_start3A_1746 = arith.constant 0 : i32
      %dma_start3A_1747 = arith.constant 0 : i32
      %dma_start3A_1748 = tpu.memref_slice %arg10[%add3A_536, %dma_start3A_1746, %dma_start3A_1747] : memref<51584x8x128xf32, #tpu.memory_space<hbm>> -> memref<64x8x128xf32, #tpu.memory_space<hbm>>
      %dma_start3A_1749 = arith.constant 0 : i32
      %dma_start3A_1750 = arith.constant 0 : i32
      %dma_start3A_1751 = tpu.memref_slice %arg10[%add3A_536, %dma_start3A_1749, %dma_start3A_1750] : memref<51584x8x128xf32, #tpu.memory_space<hbm>> -> memref<64x8x128xf32, #tpu.memory_space<hbm>>
      %dma_start3A_1752 = arith.constant 0 : i32
      %dma_start3A_1753 = arith.constant 0 : i32
      %dma_start3A_1754 = arith.constant 0 : i32
      %dma_start3A_1755 = tpu.memref_slice %arg13[%dma_start3A_1752, %dma_start3A_1753, %dma_start3A_1754] : memref<80x8x128xf32, #tpu.memory_space<vmem>> -> memref<64x8x128xf32, #tpu.memory_space<vmem>>
      tpu.enqueue_dma source(%dma_start3A_1755 : memref<64x8x128xf32, #tpu.memory_space<vmem>>) target(%dma_start3A_1751 : memref<64x8x128xf32, #tpu.memory_space<hbm>>) target_semaphore(%run_scoped3A : memref<!tpu.dma_semaphore, #tpu.memory_space<semaphore_mem>>)
      %dma_wait3A_1756 = arith.constant 0 : i32
      %dma_wait3A_1757 = arith.constant 0 : i32
      %dma_wait3A_1758 = arith.constant 0 : i32
      %dma_wait3A_1759 = tpu.memref_slice %arg13[%dma_wait3A_1756, %dma_wait3A_1757, %dma_wait3A_1758] : memref<80x8x128xf32, #tpu.memory_space<vmem>> -> memref<64x8x128xf32, #tpu.memory_space<vmem>>
      %dma_wait3A_1760 = arith.constant 0 : i32
      %dma_wait3A_1761 = arith.constant 0 : i32
      %dma_wait3A_1762 = tpu.memref_slice %arg10[%add3A_536, %dma_wait3A_1760, %dma_wait3A_1761] : memref<51584x8x128xf32, #tpu.memory_space<hbm>> -> memref<64x8x128xf32, #tpu.memory_space<hbm>>
      %dma_wait3A_1763 = arith.constant 0 : i32
      %dma_wait3A_1764 = arith.constant 0 : i32
      %dma_wait3A_1765 = tpu.memref_slice %arg10[%add3A_536, %dma_wait3A_1763, %dma_wait3A_1764] : memref<51584x8x128xf32, #tpu.memory_space<hbm>> -> memref<64x8x128xf32, #tpu.memory_space<hbm>>
      %dma_wait3A_1766 = arith.constant 0 : i32
      %dma_wait3A_1767 = arith.constant 0 : i32
      %dma_wait3A_1768 = arith.constant 0 : i32
      %dma_wait3A_1769 = tpu.memref_slice %arg13[%dma_wait3A_1766, %dma_wait3A_1767, %dma_wait3A_1768] : memref<80x8x128xf32, #tpu.memory_space<vmem>> -> memref<64x8x128xf32, #tpu.memory_space<vmem>>
      tpu.wait_dma2 semaphore(%run_scoped3A : memref<!tpu.dma_semaphore, #tpu.memory_space<semaphore_mem>>) src(%dma_wait3A_1769 : memref<64x8x128xf32, #tpu.memory_space<vmem>>) dst(%dma_wait3A_1765 : memref<64x8x128xf32, #tpu.memory_space<hbm>>)
      tpu.yield
    }) : () -> ()
    %add3A_537 = arith.constant 224 : i32
    %add3A_538 = arith.addi %add3A, %add3A_537 : i32
    %jit3A_539 = arith.constant 16 : i32
    %div3A_540 = arith.divsi %add3A_538, %jit3A_539 : i32
    %sign3A_541 = arith.constant 0 : i32
    %sign3A_542 = arith.cmpi sgt, %add3A_538, %sign3A_541 : i32
    %sign3A_543 = arith.extui %sign3A_542 : i1 to i32
    %sign3A_544 = arith.constant 0 : i32
    %sign3A_545 = arith.cmpi slt, %add3A_538, %sign3A_544 : i32
    %sign3A_546 = arith.extui %sign3A_545 : i1 to i32
    %sign3A_547 = arith.subi %sign3A_543, %sign3A_546 : i32
    %sign3A_548 = arith.constant 0 : i32
    %sign3A_549 = arith.cmpi sgt, %jit3A_539, %sign3A_548 : i32
    %sign3A_550 = arith.extui %sign3A_549 : i1 to i32
    %sign3A_551 = arith.constant 0 : i32
    %sign3A_552 = arith.cmpi slt, %jit3A_539, %sign3A_551 : i32
    %sign3A_553 = arith.extui %sign3A_552 : i1 to i32
    %sign3A_554 = arith.subi %sign3A_550, %sign3A_553 : i32
    %ne3A_555 = arith.cmpi ne, %sign3A_547, %sign3A_554 : i32
    %rem3A_556 = arith.remsi %add3A_538, %jit3A_539 : i32
    %ne3A_557 = arith.constant 0 : i32
    %ne3A_558 = arith.cmpi ne, %rem3A_556, %ne3A_557 : i32
    %and3A_559 = arith.andi %ne3A_555, %ne3A_558 : i1
    %sub3A_560 = arith.constant 1 : i32
    %sub3A_561 = arith.subi %div3A_540, %sub3A_560 : i32
    %select_n3A_562 = arith.select %and3A_559, %sub3A_561, %div3A_540 : i32
    %jit3A_563 = arith.constant 16 : i32
    %eq3A_564 = arith.constant 0 : i32
    %eq3A_565 = arith.cmpi eq, %jit3A_563, %eq3A_564 : i32
    %jit3A_566 = arith.constant 1 : i32
    %select_n3A_567 = arith.select %eq3A_565, %jit3A_566, %jit3A_563 : i32
    %rem3A_568 = arith.remsi %add3A_538, %select_n3A_567 : i32
    %ne3A_569 = arith.constant 0 : i32
    %ne3A_570 = arith.cmpi ne, %rem3A_568, %ne3A_569 : i32
    %lt3A_571 = arith.constant 0 : i32
    %lt3A_572 = arith.cmpi slt, %rem3A_568, %lt3A_571 : i32
    %lt3A_573 = arith.constant 0 : i32
    %lt3A_574 = arith.cmpi slt, %select_n3A_567, %lt3A_573 : i32
    %ne3A_575 = arith.xori %lt3A_572, %lt3A_574 : i1
    %and3A_576 = arith.andi %ne3A_575, %ne3A_570 : i1
    %add3A_577 = arith.addi %rem3A_568, %select_n3A_567 : i32
    %select_n3A_578 = arith.select %and3A_576, %add3A_577, %rem3A_568 : i32
    %mul3A_579 = arith.constant 64 : i32
    %mul3A_580 = arith.muli %add3A_538, %mul3A_579 : i32
    "tpu.region"() ({
      %run_scoped3A = tpu.sem_alloc : memref<!tpu.dma_semaphore, #tpu.memory_space<semaphore_mem>>
      %dma_start3A_1742 = tpu.memref_slice %arg4[%mul3A_580] : memref<16384xi32, #tpu.memory_space<hbm>> -> memref<64xi32, #tpu.memory_space<hbm>>
      %dma_start3A_1743 = tpu.memref_slice %arg4[%mul3A_580] : memref<16384xi32, #tpu.memory_space<hbm>> -> memref<64xi32, #tpu.memory_space<hbm>>
      tpu.enqueue_dma source(%dma_start3A_1743 : memref<64xi32, #tpu.memory_space<hbm>>) target(%arg12 : memref<64xi32, #tpu.memory_space<vmem>>) target_semaphore(%run_scoped3A : memref<!tpu.dma_semaphore, #tpu.memory_space<semaphore_mem>>)
      %dma_wait3A_1744 = tpu.memref_slice %arg4[%mul3A_580] : memref<16384xi32, #tpu.memory_space<hbm>> -> memref<64xi32, #tpu.memory_space<hbm>>
      %dma_wait3A_1745 = tpu.memref_slice %arg4[%mul3A_580] : memref<16384xi32, #tpu.memory_space<hbm>> -> memref<64xi32, #tpu.memory_space<hbm>>
      tpu.wait_dma2 semaphore(%run_scoped3A : memref<!tpu.dma_semaphore, #tpu.memory_space<semaphore_mem>>) src(%dma_wait3A_1745 : memref<64xi32, #tpu.memory_space<hbm>>) dst(%arg12 : memref<64xi32, #tpu.memory_space<vmem>>)
      tpu.yield
    }) : () -> ()
    %mul3A_581 = arith.constant 64 : i32
    %mul3A_582 = arith.muli %select_n3A_578, %mul3A_581 : i32
    "tpu.region"() ({
      %run_scoped3A = tpu.sem_alloc : memref<!tpu.dma_semaphore, #tpu.memory_space<semaphore_mem>>
      %dma_start3A_1742 = arith.constant 0 : i32
      %dma_start3A_1743 = arith.constant 0 : i32
      %dma_start3A_1744 = arith.constant 0 : i32
      %dma_start3A_1745 = tpu.memref_slice %arg13[%dma_start3A_1742, %dma_start3A_1743, %dma_start3A_1744] : memref<80x8x128xf32, #tpu.memory_space<vmem>> -> memref<64x8x128xf32, #tpu.memory_space<vmem>>
      %dma_start3A_1746 = arith.constant 0 : i32
      %dma_start3A_1747 = arith.constant 0 : i32
      %dma_start3A_1748 = tpu.memref_slice %arg8[%mul3A_582, %dma_start3A_1746, %dma_start3A_1747] : memref<2048x8x128xf32, #tpu.memory_space<hbm>> -> memref<64x8x128xf32, #tpu.memory_space<hbm>>
      %dma_start3A_1749 = arith.constant 0 : i32
      %dma_start3A_1750 = arith.constant 0 : i32
      %dma_start3A_1751 = arith.constant 0 : i32
      %dma_start3A_1752 = tpu.memref_slice %arg13[%dma_start3A_1749, %dma_start3A_1750, %dma_start3A_1751] : memref<80x8x128xf32, #tpu.memory_space<vmem>> -> memref<64x8x128xf32, #tpu.memory_space<vmem>>
      %dma_start3A_1753 = arith.constant 0 : i32
      %dma_start3A_1754 = arith.constant 0 : i32
      %dma_start3A_1755 = tpu.memref_slice %arg8[%mul3A_582, %dma_start3A_1753, %dma_start3A_1754] : memref<2048x8x128xf32, #tpu.memory_space<hbm>> -> memref<64x8x128xf32, #tpu.memory_space<hbm>>
      tpu.enqueue_dma source(%dma_start3A_1755 : memref<64x8x128xf32, #tpu.memory_space<hbm>>) target(%dma_start3A_1752 : memref<64x8x128xf32, #tpu.memory_space<vmem>>) target_semaphore(%run_scoped3A : memref<!tpu.dma_semaphore, #tpu.memory_space<semaphore_mem>>)
      %dma_wait3A_1756 = arith.constant 0 : i32
      %dma_wait3A_1757 = arith.constant 0 : i32
      %dma_wait3A_1758 = arith.constant 0 : i32
      %dma_wait3A_1759 = tpu.memref_slice %arg13[%dma_wait3A_1756, %dma_wait3A_1757, %dma_wait3A_1758] : memref<80x8x128xf32, #tpu.memory_space<vmem>> -> memref<64x8x128xf32, #tpu.memory_space<vmem>>
      %dma_wait3A_1760 = arith.constant 0 : i32
      %dma_wait3A_1761 = arith.constant 0 : i32
      %dma_wait3A_1762 = tpu.memref_slice %arg8[%mul3A_582, %dma_wait3A_1760, %dma_wait3A_1761] : memref<2048x8x128xf32, #tpu.memory_space<hbm>> -> memref<64x8x128xf32, #tpu.memory_space<hbm>>
      %dma_wait3A_1763 = arith.constant 0 : i32
      %dma_wait3A_1764 = arith.constant 0 : i32
      %dma_wait3A_1765 = arith.constant 0 : i32
      %dma_wait3A_1766 = tpu.memref_slice %arg13[%dma_wait3A_1763, %dma_wait3A_1764, %dma_wait3A_1765] : memref<80x8x128xf32, #tpu.memory_space<vmem>> -> memref<64x8x128xf32, #tpu.memory_space<vmem>>
      %dma_wait3A_1767 = arith.constant 0 : i32
      %dma_wait3A_1768 = arith.constant 0 : i32
      %dma_wait3A_1769 = tpu.memref_slice %arg8[%mul3A_582, %dma_wait3A_1767, %dma_wait3A_1768] : memref<2048x8x128xf32, #tpu.memory_space<hbm>> -> memref<64x8x128xf32, #tpu.memory_space<hbm>>
      tpu.wait_dma2 semaphore(%run_scoped3A : memref<!tpu.dma_semaphore, #tpu.memory_space<semaphore_mem>>) src(%dma_wait3A_1769 : memref<64x8x128xf32, #tpu.memory_space<hbm>>) dst(%dma_wait3A_1766 : memref<64x8x128xf32, #tpu.memory_space<vmem>>)
      tpu.yield
    }) : () -> ()
    %dma_start3A_583 = arith.constant 0 : i32
    %dma_start3A_584 = arith.constant 0 : i32
    %dma_start3A_585 = arith.constant 0 : i32
    %dma_start3A_586 = tpu.memref_slice %arg13[%dma_start3A_583, %dma_start3A_584, %dma_start3A_585] : memref<80x8x128xf32, #tpu.memory_space<vmem>> -> memref<64x8x128xf32, #tpu.memory_space<vmem>>
    %dma_start3A_587 = arith.constant 0 : i32
    %dma_start3A_588 = arith.constant 0 : i32
    %dma_start3A_589 = arith.constant 0 : i32
    %dma_start3A_590 = tpu.memref_slice %arg6[%dma_start3A_587, %dma_start3A_588, %dma_start3A_589] : memref<704x8x128xf32, #tpu.memory_space<hbm>> -> memref<704x8x128xf32, #tpu.memory_space<hbm>>
    tpu.enqueue_indirect_dma source(%dma_start3A_590 : memref<704x8x128xf32, #tpu.memory_space<hbm>>) target(%dma_start3A_586 : memref<64x8x128xf32, #tpu.memory_space<vmem>>) offsets(%arg12 : memref<64xi32, #tpu.memory_space<vmem>>) semaphore(%arg14 : memref<!tpu.dma_semaphore, #tpu.memory_space<semaphore_mem>>) {add = true}
    %dma_wait3A_591 = arith.constant 0 : i32
    %dma_wait3A_592 = arith.constant 0 : i32
    %dma_wait3A_593 = arith.constant 0 : i32
    %dma_wait3A_594 = tpu.memref_slice %arg13[%dma_wait3A_591, %dma_wait3A_592, %dma_wait3A_593] : memref<80x8x128xf32, #tpu.memory_space<vmem>> -> memref<64x8x128xf32, #tpu.memory_space<vmem>>
    %dma_wait3A_595 = arith.constant 0 : i32
    %dma_wait3A_596 = arith.constant 0 : i32
    %dma_wait3A_597 = arith.constant 0 : i32
    %dma_wait3A_598 = tpu.memref_slice %arg6[%dma_wait3A_595, %dma_wait3A_596, %dma_wait3A_597] : memref<704x8x128xf32, #tpu.memory_space<hbm>> -> memref<704x8x128xf32, #tpu.memory_space<hbm>>
    tpu.wait_indirect_dma semaphore(%arg14 : memref<!tpu.dma_semaphore, #tpu.memory_space<semaphore_mem>>) src(%dma_wait3A_598 : memref<704x8x128xf32, #tpu.memory_space<hbm>>) dst(%dma_wait3A_594 : memref<64x8x128xf32, #tpu.memory_space<vmem>>)
    %mul3A_599 = arith.constant 3224 : i32
    %mul3A_600 = arith.muli %select_n3A_562, %mul3A_599 : i32
    %add3A_601 = arith.constant 152 : i32
    %add3A_602 = arith.addi %mul3A_600, %add3A_601 : i32
    %mul3A_603 = arith.constant 64 : i32
    %mul3A_604 = arith.muli %select_n3A_578, %mul3A_603 : i32
    %add3A_605 = arith.addi %add3A_602, %mul3A_604 : i32
    "tpu.region"() ({
      %run_scoped3A = tpu.sem_alloc : memref<!tpu.dma_semaphore, #tpu.memory_space<semaphore_mem>>
      %dma_start3A_1742 = arith.constant 0 : i32
      %dma_start3A_1743 = arith.constant 0 : i32
      %dma_start3A_1744 = arith.constant 0 : i32
      %dma_start3A_1745 = tpu.memref_slice %arg13[%dma_start3A_1742, %dma_start3A_1743, %dma_start3A_1744] : memref<80x8x128xf32, #tpu.memory_space<vmem>> -> memref<64x8x128xf32, #tpu.memory_space<vmem>>
      %dma_start3A_1746 = arith.constant 0 : i32
      %dma_start3A_1747 = arith.constant 0 : i32
      %dma_start3A_1748 = tpu.memref_slice %arg10[%add3A_605, %dma_start3A_1746, %dma_start3A_1747] : memref<51584x8x128xf32, #tpu.memory_space<hbm>> -> memref<64x8x128xf32, #tpu.memory_space<hbm>>
      %dma_start3A_1749 = arith.constant 0 : i32
      %dma_start3A_1750 = arith.constant 0 : i32
      %dma_start3A_1751 = tpu.memref_slice %arg10[%add3A_605, %dma_start3A_1749, %dma_start3A_1750] : memref<51584x8x128xf32, #tpu.memory_space<hbm>> -> memref<64x8x128xf32, #tpu.memory_space<hbm>>
      %dma_start3A_1752 = arith.constant 0 : i32
      %dma_start3A_1753 = arith.constant 0 : i32
      %dma_start3A_1754 = arith.constant 0 : i32
      %dma_start3A_1755 = tpu.memref_slice %arg13[%dma_start3A_1752, %dma_start3A_1753, %dma_start3A_1754] : memref<80x8x128xf32, #tpu.memory_space<vmem>> -> memref<64x8x128xf32, #tpu.memory_space<vmem>>
      tpu.enqueue_dma source(%dma_start3A_1755 : memref<64x8x128xf32, #tpu.memory_space<vmem>>) target(%dma_start3A_1751 : memref<64x8x128xf32, #tpu.memory_space<hbm>>) target_semaphore(%run_scoped3A : memref<!tpu.dma_semaphore, #tpu.memory_space<semaphore_mem>>)
      %dma_wait3A_1756 = arith.constant 0 : i32
      %dma_wait3A_1757 = arith.constant 0 : i32
      %dma_wait3A_1758 = arith.constant 0 : i32
      %dma_wait3A_1759 = tpu.memref_slice %arg13[%dma_wait3A_1756, %dma_wait3A_1757, %dma_wait3A_1758] : memref<80x8x128xf32, #tpu.memory_space<vmem>> -> memref<64x8x128xf32, #tpu.memory_space<vmem>>
      %dma_wait3A_1760 = arith.constant 0 : i32
      %dma_wait3A_1761 = arith.constant 0 : i32
      %dma_wait3A_1762 = tpu.memref_slice %arg10[%add3A_605, %dma_wait3A_1760, %dma_wait3A_1761] : memref<51584x8x128xf32, #tpu.memory_space<hbm>> -> memref<64x8x128xf32, #tpu.memory_space<hbm>>
      %dma_wait3A_1763 = arith.constant 0 : i32
      %dma_wait3A_1764 = arith.constant 0 : i32
      %dma_wait3A_1765 = tpu.memref_slice %arg10[%add3A_605, %dma_wait3A_1763, %dma_wait3A_1764] : memref<51584x8x128xf32, #tpu.memory_space<hbm>> -> memref<64x8x128xf32, #tpu.memory_space<hbm>>
      %dma_wait3A_1766 = arith.constant 0 : i32
      %dma_wait3A_1767 = arith.constant 0 : i32
      %dma_wait3A_1768 = arith.constant 0 : i32
      %dma_wait3A_1769 = tpu.memref_slice %arg13[%dma_wait3A_1766, %dma_wait3A_1767, %dma_wait3A_1768] : memref<80x8x128xf32, #tpu.memory_space<vmem>> -> memref<64x8x128xf32, #tpu.memory_space<vmem>>
      tpu.wait_dma2 semaphore(%run_scoped3A : memref<!tpu.dma_semaphore, #tpu.memory_space<semaphore_mem>>) src(%dma_wait3A_1769 : memref<64x8x128xf32, #tpu.memory_space<vmem>>) dst(%dma_wait3A_1765 : memref<64x8x128xf32, #tpu.memory_space<hbm>>)
      tpu.yield
    }) : () -> ()
    %add3A_606 = arith.constant 0 : i32
    %add3A_607 = arith.addi %add3A, %add3A_606 : i32
    %jit3A_608 = arith.constant 32 : i32
    %div3A_609 = arith.divsi %add3A_607, %jit3A_608 : i32
    %sign3A_610 = arith.constant 0 : i32
    %sign3A_611 = arith.cmpi sgt, %add3A_607, %sign3A_610 : i32
    %sign3A_612 = arith.extui %sign3A_611 : i1 to i32
    %sign3A_613 = arith.constant 0 : i32
    %sign3A_614 = arith.cmpi slt, %add3A_607, %sign3A_613 : i32
    %sign3A_615 = arith.extui %sign3A_614 : i1 to i32
    %sign3A_616 = arith.subi %sign3A_612, %sign3A_615 : i32
    %sign3A_617 = arith.constant 0 : i32
    %sign3A_618 = arith.cmpi sgt, %jit3A_608, %sign3A_617 : i32
    %sign3A_619 = arith.extui %sign3A_618 : i1 to i32
    %sign3A_620 = arith.constant 0 : i32
    %sign3A_621 = arith.cmpi slt, %jit3A_608, %sign3A_620 : i32
    %sign3A_622 = arith.extui %sign3A_621 : i1 to i32
    %sign3A_623 = arith.subi %sign3A_619, %sign3A_622 : i32
    %ne3A_624 = arith.cmpi ne, %sign3A_616, %sign3A_623 : i32
    %rem3A_625 = arith.remsi %add3A_607, %jit3A_608 : i32
    %ne3A_626 = arith.constant 0 : i32
    %ne3A_627 = arith.cmpi ne, %rem3A_625, %ne3A_626 : i32
    %and3A_628 = arith.andi %ne3A_624, %ne3A_627 : i1
    %sub3A_629 = arith.constant 1 : i32
    %sub3A_630 = arith.subi %div3A_609, %sub3A_629 : i32
    %select_n3A_631 = arith.select %and3A_628, %sub3A_630, %div3A_609 : i32
    %jit3A_632 = arith.constant 32 : i32
    %eq3A_633 = arith.constant 0 : i32
    %eq3A_634 = arith.cmpi eq, %jit3A_632, %eq3A_633 : i32
    %jit3A_635 = arith.constant 1 : i32
    %select_n3A_636 = arith.select %eq3A_634, %jit3A_635, %jit3A_632 : i32
    %rem3A_637 = arith.remsi %add3A_607, %select_n3A_636 : i32
    %ne3A_638 = arith.constant 0 : i32
    %ne3A_639 = arith.cmpi ne, %rem3A_637, %ne3A_638 : i32
    %lt3A_640 = arith.constant 0 : i32
    %lt3A_641 = arith.cmpi slt, %rem3A_637, %lt3A_640 : i32
    %lt3A_642 = arith.constant 0 : i32
    %lt3A_643 = arith.cmpi slt, %select_n3A_636, %lt3A_642 : i32
    %ne3A_644 = arith.xori %lt3A_641, %lt3A_643 : i1
    %and3A_645 = arith.andi %ne3A_644, %ne3A_639 : i1
    %add3A_646 = arith.addi %rem3A_637, %select_n3A_636 : i32
    %select_n3A_647 = arith.select %and3A_645, %add3A_646, %rem3A_637 : i32
    %mul3A_648 = arith.constant 64 : i32
    %mul3A_649 = arith.muli %add3A_607, %mul3A_648 : i32
    "tpu.region"() ({
      %run_scoped3A = tpu.sem_alloc : memref<!tpu.dma_semaphore, #tpu.memory_space<semaphore_mem>>
      %dma_start3A_1742 = tpu.memref_slice %arg5[%mul3A_649] : memref<32768xi32, #tpu.memory_space<hbm>> -> memref<64xi32, #tpu.memory_space<hbm>>
      %dma_start3A_1743 = tpu.memref_slice %arg5[%mul3A_649] : memref<32768xi32, #tpu.memory_space<hbm>> -> memref<64xi32, #tpu.memory_space<hbm>>
      tpu.enqueue_dma source(%dma_start3A_1743 : memref<64xi32, #tpu.memory_space<hbm>>) target(%arg12 : memref<64xi32, #tpu.memory_space<vmem>>) target_semaphore(%run_scoped3A : memref<!tpu.dma_semaphore, #tpu.memory_space<semaphore_mem>>)
      %dma_wait3A_1744 = tpu.memref_slice %arg5[%mul3A_649] : memref<32768xi32, #tpu.memory_space<hbm>> -> memref<64xi32, #tpu.memory_space<hbm>>
      %dma_wait3A_1745 = tpu.memref_slice %arg5[%mul3A_649] : memref<32768xi32, #tpu.memory_space<hbm>> -> memref<64xi32, #tpu.memory_space<hbm>>
      tpu.wait_dma2 semaphore(%run_scoped3A : memref<!tpu.dma_semaphore, #tpu.memory_space<semaphore_mem>>) src(%dma_wait3A_1745 : memref<64xi32, #tpu.memory_space<hbm>>) dst(%arg12 : memref<64xi32, #tpu.memory_space<vmem>>)
      tpu.yield
    }) : () -> ()
    %mul3A_650 = arith.constant 64 : i32
    %mul3A_651 = arith.muli %select_n3A_647, %mul3A_650 : i32
    "tpu.region"() ({
      %run_scoped3A = tpu.sem_alloc : memref<!tpu.dma_semaphore, #tpu.memory_space<semaphore_mem>>
      %dma_start3A_1742 = arith.constant 0 : i32
      %dma_start3A_1743 = arith.constant 0 : i32
      %dma_start3A_1744 = arith.constant 0 : i32
      %dma_start3A_1745 = tpu.memref_slice %arg13[%dma_start3A_1742, %dma_start3A_1743, %dma_start3A_1744] : memref<80x8x128xf32, #tpu.memory_space<vmem>> -> memref<64x8x128xf32, #tpu.memory_space<vmem>>
      %dma_start3A_1746 = arith.constant 0 : i32
      %dma_start3A_1747 = arith.constant 0 : i32
      %dma_start3A_1748 = tpu.memref_slice %arg9[%mul3A_651, %dma_start3A_1746, %dma_start3A_1747] : memref<4096x8x128xf32, #tpu.memory_space<hbm>> -> memref<64x8x128xf32, #tpu.memory_space<hbm>>
      %dma_start3A_1749 = arith.constant 0 : i32
      %dma_start3A_1750 = arith.constant 0 : i32
      %dma_start3A_1751 = arith.constant 0 : i32
      %dma_start3A_1752 = tpu.memref_slice %arg13[%dma_start3A_1749, %dma_start3A_1750, %dma_start3A_1751] : memref<80x8x128xf32, #tpu.memory_space<vmem>> -> memref<64x8x128xf32, #tpu.memory_space<vmem>>
      %dma_start3A_1753 = arith.constant 0 : i32
      %dma_start3A_1754 = arith.constant 0 : i32
      %dma_start3A_1755 = tpu.memref_slice %arg9[%mul3A_651, %dma_start3A_1753, %dma_start3A_1754] : memref<4096x8x128xf32, #tpu.memory_space<hbm>> -> memref<64x8x128xf32, #tpu.memory_space<hbm>>
      tpu.enqueue_dma source(%dma_start3A_1755 : memref<64x8x128xf32, #tpu.memory_space<hbm>>) target(%dma_start3A_1752 : memref<64x8x128xf32, #tpu.memory_space<vmem>>) target_semaphore(%run_scoped3A : memref<!tpu.dma_semaphore, #tpu.memory_space<semaphore_mem>>)
      %dma_wait3A_1756 = arith.constant 0 : i32
      %dma_wait3A_1757 = arith.constant 0 : i32
      %dma_wait3A_1758 = arith.constant 0 : i32
      %dma_wait3A_1759 = tpu.memref_slice %arg13[%dma_wait3A_1756, %dma_wait3A_1757, %dma_wait3A_1758] : memref<80x8x128xf32, #tpu.memory_space<vmem>> -> memref<64x8x128xf32, #tpu.memory_space<vmem>>
      %dma_wait3A_1760 = arith.constant 0 : i32
      %dma_wait3A_1761 = arith.constant 0 : i32
      %dma_wait3A_1762 = tpu.memref_slice %arg9[%mul3A_651, %dma_wait3A_1760, %dma_wait3A_1761] : memref<4096x8x128xf32, #tpu.memory_space<hbm>> -> memref<64x8x128xf32, #tpu.memory_space<hbm>>
      %dma_wait3A_1763 = arith.constant 0 : i32
      %dma_wait3A_1764 = arith.constant 0 : i32
      %dma_wait3A_1765 = arith.constant 0 : i32
      %dma_wait3A_1766 = tpu.memref_slice %arg13[%dma_wait3A_1763, %dma_wait3A_1764, %dma_wait3A_1765] : memref<80x8x128xf32, #tpu.memory_space<vmem>> -> memref<64x8x128xf32, #tpu.memory_space<vmem>>
      %dma_wait3A_1767 = arith.constant 0 : i32
      %dma_wait3A_1768 = arith.constant 0 : i32
      %dma_wait3A_1769 = tpu.memref_slice %arg9[%mul3A_651, %dma_wait3A_1767, %dma_wait3A_1768] : memref<4096x8x128xf32, #tpu.memory_space<hbm>> -> memref<64x8x128xf32, #tpu.memory_space<hbm>>
      tpu.wait_dma2 semaphore(%run_scoped3A : memref<!tpu.dma_semaphore, #tpu.memory_space<semaphore_mem>>) src(%dma_wait3A_1769 : memref<64x8x128xf32, #tpu.memory_space<hbm>>) dst(%dma_wait3A_1766 : memref<64x8x128xf32, #tpu.memory_space<vmem>>)
      tpu.yield
    }) : () -> ()
    %dma_start3A_652 = arith.constant 0 : i32
    %dma_start3A_653 = arith.constant 0 : i32
    %dma_start3A_654 = arith.constant 0 : i32
    %dma_start3A_655 = tpu.memref_slice %arg13[%dma_start3A_652, %dma_start3A_653, %dma_start3A_654] : memref<80x8x128xf32, #tpu.memory_space<vmem>> -> memref<64x8x128xf32, #tpu.memory_space<vmem>>
    %dma_start3A_656 = arith.constant 0 : i32
    %dma_start3A_657 = arith.constant 0 : i32
    %dma_start3A_658 = arith.constant 0 : i32
    %dma_start3A_659 = tpu.memref_slice %arg7[%dma_start3A_656, %dma_start3A_657, %dma_start3A_658] : memref<8194x8x128xf32, #tpu.memory_space<hbm>> -> memref<8194x8x128xf32, #tpu.memory_space<hbm>>
    tpu.enqueue_indirect_dma source(%dma_start3A_659 : memref<8194x8x128xf32, #tpu.memory_space<hbm>>) target(%dma_start3A_655 : memref<64x8x128xf32, #tpu.memory_space<vmem>>) offsets(%arg12 : memref<64xi32, #tpu.memory_space<vmem>>) semaphore(%arg14 : memref<!tpu.dma_semaphore, #tpu.memory_space<semaphore_mem>>) {add = true}
    %dma_wait3A_660 = arith.constant 0 : i32
    %dma_wait3A_661 = arith.constant 0 : i32
    %dma_wait3A_662 = arith.constant 0 : i32
    %dma_wait3A_663 = tpu.memref_slice %arg13[%dma_wait3A_660, %dma_wait3A_661, %dma_wait3A_662] : memref<80x8x128xf32, #tpu.memory_space<vmem>> -> memref<64x8x128xf32, #tpu.memory_space<vmem>>
    %dma_wait3A_664 = arith.constant 0 : i32
    %dma_wait3A_665 = arith.constant 0 : i32
    %dma_wait3A_666 = arith.constant 0 : i32
    %dma_wait3A_667 = tpu.memref_slice %arg7[%dma_wait3A_664, %dma_wait3A_665, %dma_wait3A_666] : memref<8194x8x128xf32, #tpu.memory_space<hbm>> -> memref<8194x8x128xf32, #tpu.memory_space<hbm>>
    tpu.wait_indirect_dma semaphore(%arg14 : memref<!tpu.dma_semaphore, #tpu.memory_space<semaphore_mem>>) src(%dma_wait3A_667 : memref<8194x8x128xf32, #tpu.memory_space<hbm>>) dst(%dma_wait3A_663 : memref<64x8x128xf32, #tpu.memory_space<vmem>>)
    %mul3A_668 = arith.constant 3224 : i32
    %mul3A_669 = arith.muli %select_n3A_631, %mul3A_668 : i32
    %add3A_670 = arith.constant 152 : i32
    %add3A_671 = arith.addi %mul3A_669, %add3A_670 : i32
    %add3A_672 = arith.constant 1024 : i32
    %add3A_673 = arith.addi %add3A_671, %add3A_672 : i32
    %mul3A_674 = arith.constant 64 : i32
    %mul3A_675 = arith.muli %select_n3A_647, %mul3A_674 : i32
    %add3A_676 = arith.addi %add3A_673, %mul3A_675 : i32
    "tpu.region"() ({
      %run_scoped3A = tpu.sem_alloc : memref<!tpu.dma_semaphore, #tpu.memory_space<semaphore_mem>>
      %dma_start3A_1742 = arith.constant 0 : i32
      %dma_start3A_1743 = arith.constant 0 : i32
      %dma_start3A_1744 = arith.constant 0 : i32
      %dma_start3A_1745 = tpu.memref_slice %arg13[%dma_start3A_1742, %dma_start3A_1743, %dma_start3A_1744] : memref<80x8x128xf32, #tpu.memory_space<vmem>> -> memref<64x8x128xf32, #tpu.memory_space<vmem>>
      %dma_start3A_1746 = arith.constant 0 : i32
      %dma_start3A_1747 = arith.constant 0 : i32
      %dma_start3A_1748 = tpu.memref_slice %arg10[%add3A_676, %dma_start3A_1746, %dma_start3A_1747] : memref<51584x8x128xf32, #tpu.memory_space<hbm>> -> memref<64x8x128xf32, #tpu.memory_space<hbm>>
      %dma_start3A_1749 = arith.constant 0 : i32
      %dma_start3A_1750 = arith.constant 0 : i32
      %dma_start3A_1751 = tpu.memref_slice %arg10[%add3A_676, %dma_start3A_1749, %dma_start3A_1750] : memref<51584x8x128xf32, #tpu.memory_space<hbm>> -> memref<64x8x128xf32, #tpu.memory_space<hbm>>
      %dma_start3A_1752 = arith.constant 0 : i32
      %dma_start3A_1753 = arith.constant 0 : i32
      %dma_start3A_1754 = arith.constant 0 : i32
      %dma_start3A_1755 = tpu.memref_slice %arg13[%dma_start3A_1752, %dma_start3A_1753, %dma_start3A_1754] : memref<80x8x128xf32, #tpu.memory_space<vmem>> -> memref<64x8x128xf32, #tpu.memory_space<vmem>>
      tpu.enqueue_dma source(%dma_start3A_1755 : memref<64x8x128xf32, #tpu.memory_space<vmem>>) target(%dma_start3A_1751 : memref<64x8x128xf32, #tpu.memory_space<hbm>>) target_semaphore(%run_scoped3A : memref<!tpu.dma_semaphore, #tpu.memory_space<semaphore_mem>>)
      %dma_wait3A_1756 = arith.constant 0 : i32
      %dma_wait3A_1757 = arith.constant 0 : i32
      %dma_wait3A_1758 = arith.constant 0 : i32
      %dma_wait3A_1759 = tpu.memref_slice %arg13[%dma_wait3A_1756, %dma_wait3A_1757, %dma_wait3A_1758] : memref<80x8x128xf32, #tpu.memory_space<vmem>> -> memref<64x8x128xf32, #tpu.memory_space<vmem>>
      %dma_wait3A_1760 = arith.constant 0 : i32
      %dma_wait3A_1761 = arith.constant 0 : i32
      %dma_wait3A_1762 = tpu.memref_slice %arg10[%add3A_676, %dma_wait3A_1760, %dma_wait3A_1761] : memref<51584x8x128xf32, #tpu.memory_space<hbm>> -> memref<64x8x128xf32, #tpu.memory_space<hbm>>
      %dma_wait3A_1763 = arith.constant 0 : i32
      %dma_wait3A_1764 = arith.constant 0 : i32
      %dma_wait3A_1765 = tpu.memref_slice %arg10[%add3A_676, %dma_wait3A_1763, %dma_wait3A_1764] : memref<51584x8x128xf32, #tpu.memory_space<hbm>> -> memref<64x8x128xf32, #tpu.memory_space<hbm>>
      %dma_wait3A_1766 = arith.constant 0 : i32
      %dma_wait3A_1767 = arith.constant 0 : i32
      %dma_wait3A_1768 = arith.constant 0 : i32
      %dma_wait3A_1769 = tpu.memref_slice %arg13[%dma_wait3A_1766, %dma_wait3A_1767, %dma_wait3A_1768] : memref<80x8x128xf32, #tpu.memory_space<vmem>> -> memref<64x8x128xf32, #tpu.memory_space<vmem>>
      tpu.wait_dma2 semaphore(%run_scoped3A : memref<!tpu.dma_semaphore, #tpu.memory_space<semaphore_mem>>) src(%dma_wait3A_1769 : memref<64x8x128xf32, #tpu.memory_space<vmem>>) dst(%dma_wait3A_1765 : memref<64x8x128xf32, #tpu.memory_space<hbm>>)
      tpu.yield
    }) : () -> ()
    %add3A_677 = arith.constant 32 : i32
    %add3A_678 = arith.addi %add3A, %add3A_677 : i32
    %jit3A_679 = arith.constant 32 : i32
    %div3A_680 = arith.divsi %add3A_678, %jit3A_679 : i32
    %sign3A_681 = arith.constant 0 : i32
    %sign3A_682 = arith.cmpi sgt, %add3A_678, %sign3A_681 : i32
    %sign3A_683 = arith.extui %sign3A_682 : i1 to i32
    %sign3A_684 = arith.constant 0 : i32
    %sign3A_685 = arith.cmpi slt, %add3A_678, %sign3A_684 : i32
    %sign3A_686 = arith.extui %sign3A_685 : i1 to i32
    %sign3A_687 = arith.subi %sign3A_683, %sign3A_686 : i32
    %sign3A_688 = arith.constant 0 : i32
    %sign3A_689 = arith.cmpi sgt, %jit3A_679, %sign3A_688 : i32
    %sign3A_690 = arith.extui %sign3A_689 : i1 to i32
    %sign3A_691 = arith.constant 0 : i32
    %sign3A_692 = arith.cmpi slt, %jit3A_679, %sign3A_691 : i32
    %sign3A_693 = arith.extui %sign3A_692 : i1 to i32
    %sign3A_694 = arith.subi %sign3A_690, %sign3A_693 : i32
    %ne3A_695 = arith.cmpi ne, %sign3A_687, %sign3A_694 : i32
    %rem3A_696 = arith.remsi %add3A_678, %jit3A_679 : i32
    %ne3A_697 = arith.constant 0 : i32
    %ne3A_698 = arith.cmpi ne, %rem3A_696, %ne3A_697 : i32
    %and3A_699 = arith.andi %ne3A_695, %ne3A_698 : i1
    %sub3A_700 = arith.constant 1 : i32
    %sub3A_701 = arith.subi %div3A_680, %sub3A_700 : i32
    %select_n3A_702 = arith.select %and3A_699, %sub3A_701, %div3A_680 : i32
    %jit3A_703 = arith.constant 32 : i32
    %eq3A_704 = arith.constant 0 : i32
    %eq3A_705 = arith.cmpi eq, %jit3A_703, %eq3A_704 : i32
    %jit3A_706 = arith.constant 1 : i32
    %select_n3A_707 = arith.select %eq3A_705, %jit3A_706, %jit3A_703 : i32
    %rem3A_708 = arith.remsi %add3A_678, %select_n3A_707 : i32
    %ne3A_709 = arith.constant 0 : i32
    %ne3A_710 = arith.cmpi ne, %rem3A_708, %ne3A_709 : i32
    %lt3A_711 = arith.constant 0 : i32
    %lt3A_712 = arith.cmpi slt, %rem3A_708, %lt3A_711 : i32
    %lt3A_713 = arith.constant 0 : i32
    %lt3A_714 = arith.cmpi slt, %select_n3A_707, %lt3A_713 : i32
    %ne3A_715 = arith.xori %lt3A_712, %lt3A_714 : i1
    %and3A_716 = arith.andi %ne3A_715, %ne3A_710 : i1
    %add3A_717 = arith.addi %rem3A_708, %select_n3A_707 : i32
    %select_n3A_718 = arith.select %and3A_716, %add3A_717, %rem3A_708 : i32
    %mul3A_719 = arith.constant 64 : i32
    %mul3A_720 = arith.muli %add3A_678, %mul3A_719 : i32
    "tpu.region"() ({
      %run_scoped3A = tpu.sem_alloc : memref<!tpu.dma_semaphore, #tpu.memory_space<semaphore_mem>>
      %dma_start3A_1742 = tpu.memref_slice %arg5[%mul3A_720] : memref<32768xi32, #tpu.memory_space<hbm>> -> memref<64xi32, #tpu.memory_space<hbm>>
      %dma_start3A_1743 = tpu.memref_slice %arg5[%mul3A_720] : memref<32768xi32, #tpu.memory_space<hbm>> -> memref<64xi32, #tpu.memory_space<hbm>>
      tpu.enqueue_dma source(%dma_start3A_1743 : memref<64xi32, #tpu.memory_space<hbm>>) target(%arg12 : memref<64xi32, #tpu.memory_space<vmem>>) target_semaphore(%run_scoped3A : memref<!tpu.dma_semaphore, #tpu.memory_space<semaphore_mem>>)
      %dma_wait3A_1744 = tpu.memref_slice %arg5[%mul3A_720] : memref<32768xi32, #tpu.memory_space<hbm>> -> memref<64xi32, #tpu.memory_space<hbm>>
      %dma_wait3A_1745 = tpu.memref_slice %arg5[%mul3A_720] : memref<32768xi32, #tpu.memory_space<hbm>> -> memref<64xi32, #tpu.memory_space<hbm>>
      tpu.wait_dma2 semaphore(%run_scoped3A : memref<!tpu.dma_semaphore, #tpu.memory_space<semaphore_mem>>) src(%dma_wait3A_1745 : memref<64xi32, #tpu.memory_space<hbm>>) dst(%arg12 : memref<64xi32, #tpu.memory_space<vmem>>)
      tpu.yield
    }) : () -> ()
    %mul3A_721 = arith.constant 64 : i32
    %mul3A_722 = arith.muli %select_n3A_718, %mul3A_721 : i32
    "tpu.region"() ({
      %run_scoped3A = tpu.sem_alloc : memref<!tpu.dma_semaphore, #tpu.memory_space<semaphore_mem>>
      %dma_start3A_1742 = arith.constant 0 : i32
      %dma_start3A_1743 = arith.constant 0 : i32
      %dma_start3A_1744 = arith.constant 0 : i32
      %dma_start3A_1745 = tpu.memref_slice %arg13[%dma_start3A_1742, %dma_start3A_1743, %dma_start3A_1744] : memref<80x8x128xf32, #tpu.memory_space<vmem>> -> memref<64x8x128xf32, #tpu.memory_space<vmem>>
      %dma_start3A_1746 = arith.constant 0 : i32
      %dma_start3A_1747 = arith.constant 0 : i32
      %dma_start3A_1748 = tpu.memref_slice %arg9[%mul3A_722, %dma_start3A_1746, %dma_start3A_1747] : memref<4096x8x128xf32, #tpu.memory_space<hbm>> -> memref<64x8x128xf32, #tpu.memory_space<hbm>>
      %dma_start3A_1749 = arith.constant 0 : i32
      %dma_start3A_1750 = arith.constant 0 : i32
      %dma_start3A_1751 = arith.constant 0 : i32
      %dma_start3A_1752 = tpu.memref_slice %arg13[%dma_start3A_1749, %dma_start3A_1750, %dma_start3A_1751] : memref<80x8x128xf32, #tpu.memory_space<vmem>> -> memref<64x8x128xf32, #tpu.memory_space<vmem>>
      %dma_start3A_1753 = arith.constant 0 : i32
      %dma_start3A_1754 = arith.constant 0 : i32
      %dma_start3A_1755 = tpu.memref_slice %arg9[%mul3A_722, %dma_start3A_1753, %dma_start3A_1754] : memref<4096x8x128xf32, #tpu.memory_space<hbm>> -> memref<64x8x128xf32, #tpu.memory_space<hbm>>
      tpu.enqueue_dma source(%dma_start3A_1755 : memref<64x8x128xf32, #tpu.memory_space<hbm>>) target(%dma_start3A_1752 : memref<64x8x128xf32, #tpu.memory_space<vmem>>) target_semaphore(%run_scoped3A : memref<!tpu.dma_semaphore, #tpu.memory_space<semaphore_mem>>)
      %dma_wait3A_1756 = arith.constant 0 : i32
      %dma_wait3A_1757 = arith.constant 0 : i32
      %dma_wait3A_1758 = arith.constant 0 : i32
      %dma_wait3A_1759 = tpu.memref_slice %arg13[%dma_wait3A_1756, %dma_wait3A_1757, %dma_wait3A_1758] : memref<80x8x128xf32, #tpu.memory_space<vmem>> -> memref<64x8x128xf32, #tpu.memory_space<vmem>>
      %dma_wait3A_1760 = arith.constant 0 : i32
      %dma_wait3A_1761 = arith.constant 0 : i32
      %dma_wait3A_1762 = tpu.memref_slice %arg9[%mul3A_722, %dma_wait3A_1760, %dma_wait3A_1761] : memref<4096x8x128xf32, #tpu.memory_space<hbm>> -> memref<64x8x128xf32, #tpu.memory_space<hbm>>
      %dma_wait3A_1763 = arith.constant 0 : i32
      %dma_wait3A_1764 = arith.constant 0 : i32
      %dma_wait3A_1765 = arith.constant 0 : i32
      %dma_wait3A_1766 = tpu.memref_slice %arg13[%dma_wait3A_1763, %dma_wait3A_1764, %dma_wait3A_1765] : memref<80x8x128xf32, #tpu.memory_space<vmem>> -> memref<64x8x128xf32, #tpu.memory_space<vmem>>
      %dma_wait3A_1767 = arith.constant 0 : i32
      %dma_wait3A_1768 = arith.constant 0 : i32
      %dma_wait3A_1769 = tpu.memref_slice %arg9[%mul3A_722, %dma_wait3A_1767, %dma_wait3A_1768] : memref<4096x8x128xf32, #tpu.memory_space<hbm>> -> memref<64x8x128xf32, #tpu.memory_space<hbm>>
      tpu.wait_dma2 semaphore(%run_scoped3A : memref<!tpu.dma_semaphore, #tpu.memory_space<semaphore_mem>>) src(%dma_wait3A_1769 : memref<64x8x128xf32, #tpu.memory_space<hbm>>) dst(%dma_wait3A_1766 : memref<64x8x128xf32, #tpu.memory_space<vmem>>)
      tpu.yield
    }) : () -> ()
    %dma_start3A_723 = arith.constant 0 : i32
    %dma_start3A_724 = arith.constant 0 : i32
    %dma_start3A_725 = arith.constant 0 : i32
    %dma_start3A_726 = tpu.memref_slice %arg13[%dma_start3A_723, %dma_start3A_724, %dma_start3A_725] : memref<80x8x128xf32, #tpu.memory_space<vmem>> -> memref<64x8x128xf32, #tpu.memory_space<vmem>>
    %dma_start3A_727 = arith.constant 0 : i32
    %dma_start3A_728 = arith.constant 0 : i32
    %dma_start3A_729 = arith.constant 0 : i32
    %dma_start3A_730 = tpu.memref_slice %arg7[%dma_start3A_727, %dma_start3A_728, %dma_start3A_729] : memref<8194x8x128xf32, #tpu.memory_space<hbm>> -> memref<8194x8x128xf32, #tpu.memory_space<hbm>>
    tpu.enqueue_indirect_dma source(%dma_start3A_730 : memref<8194x8x128xf32, #tpu.memory_space<hbm>>) target(%dma_start3A_726 : memref<64x8x128xf32, #tpu.memory_space<vmem>>) offsets(%arg12 : memref<64xi32, #tpu.memory_space<vmem>>) semaphore(%arg14 : memref<!tpu.dma_semaphore, #tpu.memory_space<semaphore_mem>>) {add = true}
    %dma_wait3A_731 = arith.constant 0 : i32
    %dma_wait3A_732 = arith.constant 0 : i32
    %dma_wait3A_733 = arith.constant 0 : i32
    %dma_wait3A_734 = tpu.memref_slice %arg13[%dma_wait3A_731, %dma_wait3A_732, %dma_wait3A_733] : memref<80x8x128xf32, #tpu.memory_space<vmem>> -> memref<64x8x128xf32, #tpu.memory_space<vmem>>
    %dma_wait3A_735 = arith.constant 0 : i32
    %dma_wait3A_736 = arith.constant 0 : i32
    %dma_wait3A_737 = arith.constant 0 : i32
    %dma_wait3A_738 = tpu.memref_slice %arg7[%dma_wait3A_735, %dma_wait3A_736, %dma_wait3A_737] : memref<8194x8x128xf32, #tpu.memory_space<hbm>> -> memref<8194x8x128xf32, #tpu.memory_space<hbm>>
    tpu.wait_indirect_dma semaphore(%arg14 : memref<!tpu.dma_semaphore, #tpu.memory_space<semaphore_mem>>) src(%dma_wait3A_738 : memref<8194x8x128xf32, #tpu.memory_space<hbm>>) dst(%dma_wait3A_734 : memref<64x8x128xf32, #tpu.memory_space<vmem>>)
    %mul3A_739 = arith.constant 3224 : i32
    %mul3A_740 = arith.muli %select_n3A_702, %mul3A_739 : i32
    %add3A_741 = arith.constant 152 : i32
    %add3A_742 = arith.addi %mul3A_740, %add3A_741 : i32
    %add3A_743 = arith.constant 1024 : i32
    %add3A_744 = arith.addi %add3A_742, %add3A_743 : i32
    %mul3A_745 = arith.constant 64 : i32
    %mul3A_746 = arith.muli %select_n3A_718, %mul3A_745 : i32
    %add3A_747 = arith.addi %add3A_744, %mul3A_746 : i32
    "tpu.region"() ({
      %run_scoped3A = tpu.sem_alloc : memref<!tpu.dma_semaphore, #tpu.memory_space<semaphore_mem>>
      %dma_start3A_1742 = arith.constant 0 : i32
      %dma_start3A_1743 = arith.constant 0 : i32
      %dma_start3A_1744 = arith.constant 0 : i32
      %dma_start3A_1745 = tpu.memref_slice %arg13[%dma_start3A_1742, %dma_start3A_1743, %dma_start3A_1744] : memref<80x8x128xf32, #tpu.memory_space<vmem>> -> memref<64x8x128xf32, #tpu.memory_space<vmem>>
      %dma_start3A_1746 = arith.constant 0 : i32
      %dma_start3A_1747 = arith.constant 0 : i32
      %dma_start3A_1748 = tpu.memref_slice %arg10[%add3A_747, %dma_start3A_1746, %dma_start3A_1747] : memref<51584x8x128xf32, #tpu.memory_space<hbm>> -> memref<64x8x128xf32, #tpu.memory_space<hbm>>
      %dma_start3A_1749 = arith.constant 0 : i32
      %dma_start3A_1750 = arith.constant 0 : i32
      %dma_start3A_1751 = tpu.memref_slice %arg10[%add3A_747, %dma_start3A_1749, %dma_start3A_1750] : memref<51584x8x128xf32, #tpu.memory_space<hbm>> -> memref<64x8x128xf32, #tpu.memory_space<hbm>>
      %dma_start3A_1752 = arith.constant 0 : i32
      %dma_start3A_1753 = arith.constant 0 : i32
      %dma_start3A_1754 = arith.constant 0 : i32
      %dma_start3A_1755 = tpu.memref_slice %arg13[%dma_start3A_1752, %dma_start3A_1753, %dma_start3A_1754] : memref<80x8x128xf32, #tpu.memory_space<vmem>> -> memref<64x8x128xf32, #tpu.memory_space<vmem>>
      tpu.enqueue_dma source(%dma_start3A_1755 : memref<64x8x128xf32, #tpu.memory_space<vmem>>) target(%dma_start3A_1751 : memref<64x8x128xf32, #tpu.memory_space<hbm>>) target_semaphore(%run_scoped3A : memref<!tpu.dma_semaphore, #tpu.memory_space<semaphore_mem>>)
      %dma_wait3A_1756 = arith.constant 0 : i32
      %dma_wait3A_1757 = arith.constant 0 : i32
      %dma_wait3A_1758 = arith.constant 0 : i32
      %dma_wait3A_1759 = tpu.memref_slice %arg13[%dma_wait3A_1756, %dma_wait3A_1757, %dma_wait3A_1758] : memref<80x8x128xf32, #tpu.memory_space<vmem>> -> memref<64x8x128xf32, #tpu.memory_space<vmem>>
      %dma_wait3A_1760 = arith.constant 0 : i32
      %dma_wait3A_1761 = arith.constant 0 : i32
      %dma_wait3A_1762 = tpu.memref_slice %arg10[%add3A_747, %dma_wait3A_1760, %dma_wait3A_1761] : memref<51584x8x128xf32, #tpu.memory_space<hbm>> -> memref<64x8x128xf32, #tpu.memory_space<hbm>>
      %dma_wait3A_1763 = arith.constant 0 : i32
      %dma_wait3A_1764 = arith.constant 0 : i32
      %dma_wait3A_1765 = tpu.memref_slice %arg10[%add3A_747, %dma_wait3A_1763, %dma_wait3A_1764] : memref<51584x8x128xf32, #tpu.memory_space<hbm>> -> memref<64x8x128xf32, #tpu.memory_space<hbm>>
      %dma_wait3A_1766 = arith.constant 0 : i32
      %dma_wait3A_1767 = arith.constant 0 : i32
      %dma_wait3A_1768 = arith.constant 0 : i32
      %dma_wait3A_1769 = tpu.memref_slice %arg13[%dma_wait3A_1766, %dma_wait3A_1767, %dma_wait3A_1768] : memref<80x8x128xf32, #tpu.memory_space<vmem>> -> memref<64x8x128xf32, #tpu.memory_space<vmem>>
      tpu.wait_dma2 semaphore(%run_scoped3A : memref<!tpu.dma_semaphore, #tpu.memory_space<semaphore_mem>>) src(%dma_wait3A_1769 : memref<64x8x128xf32, #tpu.memory_space<vmem>>) dst(%dma_wait3A_1765 : memref<64x8x128xf32, #tpu.memory_space<hbm>>)
      tpu.yield
    }) : () -> ()
    %add3A_748 = arith.constant 64 : i32
    %add3A_749 = arith.addi %add3A, %add3A_748 : i32
    %jit3A_750 = arith.constant 32 : i32
    %div3A_751 = arith.divsi %add3A_749, %jit3A_750 : i32
    %sign3A_752 = arith.constant 0 : i32
    %sign3A_753 = arith.cmpi sgt, %add3A_749, %sign3A_752 : i32
    %sign3A_754 = arith.extui %sign3A_753 : i1 to i32
    %sign3A_755 = arith.constant 0 : i32
    %sign3A_756 = arith.cmpi slt, %add3A_749, %sign3A_755 : i32
    %sign3A_757 = arith.extui %sign3A_756 : i1 to i32
    %sign3A_758 = arith.subi %sign3A_754, %sign3A_757 : i32
    %sign3A_759 = arith.constant 0 : i32
    %sign3A_760 = arith.cmpi sgt, %jit3A_750, %sign3A_759 : i32
    %sign3A_761 = arith.extui %sign3A_760 : i1 to i32
    %sign3A_762 = arith.constant 0 : i32
    %sign3A_763 = arith.cmpi slt, %jit3A_750, %sign3A_762 : i32
    %sign3A_764 = arith.extui %sign3A_763 : i1 to i32
    %sign3A_765 = arith.subi %sign3A_761, %sign3A_764 : i32
    %ne3A_766 = arith.cmpi ne, %sign3A_758, %sign3A_765 : i32
    %rem3A_767 = arith.remsi %add3A_749, %jit3A_750 : i32
    %ne3A_768 = arith.constant 0 : i32
    %ne3A_769 = arith.cmpi ne, %rem3A_767, %ne3A_768 : i32
    %and3A_770 = arith.andi %ne3A_766, %ne3A_769 : i1
    %sub3A_771 = arith.constant 1 : i32
    %sub3A_772 = arith.subi %div3A_751, %sub3A_771 : i32
    %select_n3A_773 = arith.select %and3A_770, %sub3A_772, %div3A_751 : i32
    %jit3A_774 = arith.constant 32 : i32
    %eq3A_775 = arith.constant 0 : i32
    %eq3A_776 = arith.cmpi eq, %jit3A_774, %eq3A_775 : i32
    %jit3A_777 = arith.constant 1 : i32
    %select_n3A_778 = arith.select %eq3A_776, %jit3A_777, %jit3A_774 : i32
    %rem3A_779 = arith.remsi %add3A_749, %select_n3A_778 : i32
    %ne3A_780 = arith.constant 0 : i32
    %ne3A_781 = arith.cmpi ne, %rem3A_779, %ne3A_780 : i32
    %lt3A_782 = arith.constant 0 : i32
    %lt3A_783 = arith.cmpi slt, %rem3A_779, %lt3A_782 : i32
    %lt3A_784 = arith.constant 0 : i32
    %lt3A_785 = arith.cmpi slt, %select_n3A_778, %lt3A_784 : i32
    %ne3A_786 = arith.xori %lt3A_783, %lt3A_785 : i1
    %and3A_787 = arith.andi %ne3A_786, %ne3A_781 : i1
    %add3A_788 = arith.addi %rem3A_779, %select_n3A_778 : i32
    %select_n3A_789 = arith.select %and3A_787, %add3A_788, %rem3A_779 : i32
    %mul3A_790 = arith.constant 64 : i32
    %mul3A_791 = arith.muli %add3A_749, %mul3A_790 : i32
    "tpu.region"() ({
      %run_scoped3A = tpu.sem_alloc : memref<!tpu.dma_semaphore, #tpu.memory_space<semaphore_mem>>
      %dma_start3A_1742 = tpu.memref_slice %arg5[%mul3A_791] : memref<32768xi32, #tpu.memory_space<hbm>> -> memref<64xi32, #tpu.memory_space<hbm>>
      %dma_start3A_1743 = tpu.memref_slice %arg5[%mul3A_791] : memref<32768xi32, #tpu.memory_space<hbm>> -> memref<64xi32, #tpu.memory_space<hbm>>
      tpu.enqueue_dma source(%dma_start3A_1743 : memref<64xi32, #tpu.memory_space<hbm>>) target(%arg12 : memref<64xi32, #tpu.memory_space<vmem>>) target_semaphore(%run_scoped3A : memref<!tpu.dma_semaphore, #tpu.memory_space<semaphore_mem>>)
      %dma_wait3A_1744 = tpu.memref_slice %arg5[%mul3A_791] : memref<32768xi32, #tpu.memory_space<hbm>> -> memref<64xi32, #tpu.memory_space<hbm>>
      %dma_wait3A_1745 = tpu.memref_slice %arg5[%mul3A_791] : memref<32768xi32, #tpu.memory_space<hbm>> -> memref<64xi32, #tpu.memory_space<hbm>>
      tpu.wait_dma2 semaphore(%run_scoped3A : memref<!tpu.dma_semaphore, #tpu.memory_space<semaphore_mem>>) src(%dma_wait3A_1745 : memref<64xi32, #tpu.memory_space<hbm>>) dst(%arg12 : memref<64xi32, #tpu.memory_space<vmem>>)
      tpu.yield
    }) : () -> ()
    %mul3A_792 = arith.constant 64 : i32
    %mul3A_793 = arith.muli %select_n3A_789, %mul3A_792 : i32
    "tpu.region"() ({
      %run_scoped3A = tpu.sem_alloc : memref<!tpu.dma_semaphore, #tpu.memory_space<semaphore_mem>>
      %dma_start3A_1742 = arith.constant 0 : i32
      %dma_start3A_1743 = arith.constant 0 : i32
      %dma_start3A_1744 = arith.constant 0 : i32
      %dma_start3A_1745 = tpu.memref_slice %arg13[%dma_start3A_1742, %dma_start3A_1743, %dma_start3A_1744] : memref<80x8x128xf32, #tpu.memory_space<vmem>> -> memref<64x8x128xf32, #tpu.memory_space<vmem>>
      %dma_start3A_1746 = arith.constant 0 : i32
      %dma_start3A_1747 = arith.constant 0 : i32
      %dma_start3A_1748 = tpu.memref_slice %arg9[%mul3A_793, %dma_start3A_1746, %dma_start3A_1747] : memref<4096x8x128xf32, #tpu.memory_space<hbm>> -> memref<64x8x128xf32, #tpu.memory_space<hbm>>
      %dma_start3A_1749 = arith.constant 0 : i32
      %dma_start3A_1750 = arith.constant 0 : i32
      %dma_start3A_1751 = arith.constant 0 : i32
      %dma_start3A_1752 = tpu.memref_slice %arg13[%dma_start3A_1749, %dma_start3A_1750, %dma_start3A_1751] : memref<80x8x128xf32, #tpu.memory_space<vmem>> -> memref<64x8x128xf32, #tpu.memory_space<vmem>>
      %dma_start3A_1753 = arith.constant 0 : i32
      %dma_start3A_1754 = arith.constant 0 : i32
      %dma_start3A_1755 = tpu.memref_slice %arg9[%mul3A_793, %dma_start3A_1753, %dma_start3A_1754] : memref<4096x8x128xf32, #tpu.memory_space<hbm>> -> memref<64x8x128xf32, #tpu.memory_space<hbm>>
      tpu.enqueue_dma source(%dma_start3A_1755 : memref<64x8x128xf32, #tpu.memory_space<hbm>>) target(%dma_start3A_1752 : memref<64x8x128xf32, #tpu.memory_space<vmem>>) target_semaphore(%run_scoped3A : memref<!tpu.dma_semaphore, #tpu.memory_space<semaphore_mem>>)
      %dma_wait3A_1756 = arith.constant 0 : i32
      %dma_wait3A_1757 = arith.constant 0 : i32
      %dma_wait3A_1758 = arith.constant 0 : i32
      %dma_wait3A_1759 = tpu.memref_slice %arg13[%dma_wait3A_1756, %dma_wait3A_1757, %dma_wait3A_1758] : memref<80x8x128xf32, #tpu.memory_space<vmem>> -> memref<64x8x128xf32, #tpu.memory_space<vmem>>
      %dma_wait3A_1760 = arith.constant 0 : i32
      %dma_wait3A_1761 = arith.constant 0 : i32
      %dma_wait3A_1762 = tpu.memref_slice %arg9[%mul3A_793, %dma_wait3A_1760, %dma_wait3A_1761] : memref<4096x8x128xf32, #tpu.memory_space<hbm>> -> memref<64x8x128xf32, #tpu.memory_space<hbm>>
      %dma_wait3A_1763 = arith.constant 0 : i32
      %dma_wait3A_1764 = arith.constant 0 : i32
      %dma_wait3A_1765 = arith.constant 0 : i32
      %dma_wait3A_1766 = tpu.memref_slice %arg13[%dma_wait3A_1763, %dma_wait3A_1764, %dma_wait3A_1765] : memref<80x8x128xf32, #tpu.memory_space<vmem>> -> memref<64x8x128xf32, #tpu.memory_space<vmem>>
      %dma_wait3A_1767 = arith.constant 0 : i32
      %dma_wait3A_1768 = arith.constant 0 : i32
      %dma_wait3A_1769 = tpu.memref_slice %arg9[%mul3A_793, %dma_wait3A_1767, %dma_wait3A_1768] : memref<4096x8x128xf32, #tpu.memory_space<hbm>> -> memref<64x8x128xf32, #tpu.memory_space<hbm>>
      tpu.wait_dma2 semaphore(%run_scoped3A : memref<!tpu.dma_semaphore, #tpu.memory_space<semaphore_mem>>) src(%dma_wait3A_1769 : memref<64x8x128xf32, #tpu.memory_space<hbm>>) dst(%dma_wait3A_1766 : memref<64x8x128xf32, #tpu.memory_space<vmem>>)
      tpu.yield
    }) : () -> ()
    %dma_start3A_794 = arith.constant 0 : i32
    %dma_start3A_795 = arith.constant 0 : i32
    %dma_start3A_796 = arith.constant 0 : i32
    %dma_start3A_797 = tpu.memref_slice %arg13[%dma_start3A_794, %dma_start3A_795, %dma_start3A_796] : memref<80x8x128xf32, #tpu.memory_space<vmem>> -> memref<64x8x128xf32, #tpu.memory_space<vmem>>
    %dma_start3A_798 = arith.constant 0 : i32
    %dma_start3A_799 = arith.constant 0 : i32
    %dma_start3A_800 = arith.constant 0 : i32
    %dma_start3A_801 = tpu.memref_slice %arg7[%dma_start3A_798, %dma_start3A_799, %dma_start3A_800] : memref<8194x8x128xf32, #tpu.memory_space<hbm>> -> memref<8194x8x128xf32, #tpu.memory_space<hbm>>
    tpu.enqueue_indirect_dma source(%dma_start3A_801 : memref<8194x8x128xf32, #tpu.memory_space<hbm>>) target(%dma_start3A_797 : memref<64x8x128xf32, #tpu.memory_space<vmem>>) offsets(%arg12 : memref<64xi32, #tpu.memory_space<vmem>>) semaphore(%arg14 : memref<!tpu.dma_semaphore, #tpu.memory_space<semaphore_mem>>) {add = true}
    %dma_wait3A_802 = arith.constant 0 : i32
    %dma_wait3A_803 = arith.constant 0 : i32
    %dma_wait3A_804 = arith.constant 0 : i32
    %dma_wait3A_805 = tpu.memref_slice %arg13[%dma_wait3A_802, %dma_wait3A_803, %dma_wait3A_804] : memref<80x8x128xf32, #tpu.memory_space<vmem>> -> memref<64x8x128xf32, #tpu.memory_space<vmem>>
    %dma_wait3A_806 = arith.constant 0 : i32
    %dma_wait3A_807 = arith.constant 0 : i32
    %dma_wait3A_808 = arith.constant 0 : i32
    %dma_wait3A_809 = tpu.memref_slice %arg7[%dma_wait3A_806, %dma_wait3A_807, %dma_wait3A_808] : memref<8194x8x128xf32, #tpu.memory_space<hbm>> -> memref<8194x8x128xf32, #tpu.memory_space<hbm>>
    tpu.wait_indirect_dma semaphore(%arg14 : memref<!tpu.dma_semaphore, #tpu.memory_space<semaphore_mem>>) src(%dma_wait3A_809 : memref<8194x8x128xf32, #tpu.memory_space<hbm>>) dst(%dma_wait3A_805 : memref<64x8x128xf32, #tpu.memory_space<vmem>>)
    %mul3A_810 = arith.constant 3224 : i32
    %mul3A_811 = arith.muli %select_n3A_773, %mul3A_810 : i32
    %add3A_812 = arith.constant 152 : i32
    %add3A_813 = arith.addi %mul3A_811, %add3A_812 : i32
    %add3A_814 = arith.constant 1024 : i32
    %add3A_815 = arith.addi %add3A_813, %add3A_814 : i32
    %mul3A_816 = arith.constant 64 : i32
    %mul3A_817 = arith.muli %select_n3A_789, %mul3A_816 : i32
    %add3A_818 = arith.addi %add3A_815, %mul3A_817 : i32
    "tpu.region"() ({
      %run_scoped3A = tpu.sem_alloc : memref<!tpu.dma_semaphore, #tpu.memory_space<semaphore_mem>>
      %dma_start3A_1742 = arith.constant 0 : i32
      %dma_start3A_1743 = arith.constant 0 : i32
      %dma_start3A_1744 = arith.constant 0 : i32
      %dma_start3A_1745 = tpu.memref_slice %arg13[%dma_start3A_1742, %dma_start3A_1743, %dma_start3A_1744] : memref<80x8x128xf32, #tpu.memory_space<vmem>> -> memref<64x8x128xf32, #tpu.memory_space<vmem>>
      %dma_start3A_1746 = arith.constant 0 : i32
      %dma_start3A_1747 = arith.constant 0 : i32
      %dma_start3A_1748 = tpu.memref_slice %arg10[%add3A_818, %dma_start3A_1746, %dma_start3A_1747] : memref<51584x8x128xf32, #tpu.memory_space<hbm>> -> memref<64x8x128xf32, #tpu.memory_space<hbm>>
      %dma_start3A_1749 = arith.constant 0 : i32
      %dma_start3A_1750 = arith.constant 0 : i32
      %dma_start3A_1751 = tpu.memref_slice %arg10[%add3A_818, %dma_start3A_1749, %dma_start3A_1750] : memref<51584x8x128xf32, #tpu.memory_space<hbm>> -> memref<64x8x128xf32, #tpu.memory_space<hbm>>
      %dma_start3A_1752 = arith.constant 0 : i32
      %dma_start3A_1753 = arith.constant 0 : i32
      %dma_start3A_1754 = arith.constant 0 : i32
      %dma_start3A_1755 = tpu.memref_slice %arg13[%dma_start3A_1752, %dma_start3A_1753, %dma_start3A_1754] : memref<80x8x128xf32, #tpu.memory_space<vmem>> -> memref<64x8x128xf32, #tpu.memory_space<vmem>>
      tpu.enqueue_dma source(%dma_start3A_1755 : memref<64x8x128xf32, #tpu.memory_space<vmem>>) target(%dma_start3A_1751 : memref<64x8x128xf32, #tpu.memory_space<hbm>>) target_semaphore(%run_scoped3A : memref<!tpu.dma_semaphore, #tpu.memory_space<semaphore_mem>>)
      %dma_wait3A_1756 = arith.constant 0 : i32
      %dma_wait3A_1757 = arith.constant 0 : i32
      %dma_wait3A_1758 = arith.constant 0 : i32
      %dma_wait3A_1759 = tpu.memref_slice %arg13[%dma_wait3A_1756, %dma_wait3A_1757, %dma_wait3A_1758] : memref<80x8x128xf32, #tpu.memory_space<vmem>> -> memref<64x8x128xf32, #tpu.memory_space<vmem>>
      %dma_wait3A_1760 = arith.constant 0 : i32
      %dma_wait3A_1761 = arith.constant 0 : i32
      %dma_wait3A_1762 = tpu.memref_slice %arg10[%add3A_818, %dma_wait3A_1760, %dma_wait3A_1761] : memref<51584x8x128xf32, #tpu.memory_space<hbm>> -> memref<64x8x128xf32, #tpu.memory_space<hbm>>
      %dma_wait3A_1763 = arith.constant 0 : i32
      %dma_wait3A_1764 = arith.constant 0 : i32
      %dma_wait3A_1765 = tpu.memref_slice %arg10[%add3A_818, %dma_wait3A_1763, %dma_wait3A_1764] : memref<51584x8x128xf32, #tpu.memory_space<hbm>> -> memref<64x8x128xf32, #tpu.memory_space<hbm>>
      %dma_wait3A_1766 = arith.constant 0 : i32
      %dma_wait3A_1767 = arith.constant 0 : i32
      %dma_wait3A_1768 = arith.constant 0 : i32
      %dma_wait3A_1769 = tpu.memref_slice %arg13[%dma_wait3A_1766, %dma_wait3A_1767, %dma_wait3A_1768] : memref<80x8x128xf32, #tpu.memory_space<vmem>> -> memref<64x8x128xf32, #tpu.memory_space<vmem>>
      tpu.wait_dma2 semaphore(%run_scoped3A : memref<!tpu.dma_semaphore, #tpu.memory_space<semaphore_mem>>) src(%dma_wait3A_1769 : memref<64x8x128xf32, #tpu.memory_space<vmem>>) dst(%dma_wait3A_1765 : memref<64x8x128xf32, #tpu.memory_space<hbm>>)
      tpu.yield
    }) : () -> ()
    %add3A_819 = arith.constant 96 : i32
    %add3A_820 = arith.addi %add3A, %add3A_819 : i32
    %jit3A_821 = arith.constant 32 : i32
    %div3A_822 = arith.divsi %add3A_820, %jit3A_821 : i32
    %sign3A_823 = arith.constant 0 : i32
    %sign3A_824 = arith.cmpi sgt, %add3A_820, %sign3A_823 : i32
    %sign3A_825 = arith.extui %sign3A_824 : i1 to i32
    %sign3A_826 = arith.constant 0 : i32
    %sign3A_827 = arith.cmpi slt, %add3A_820, %sign3A_826 : i32
    %sign3A_828 = arith.extui %sign3A_827 : i1 to i32
    %sign3A_829 = arith.subi %sign3A_825, %sign3A_828 : i32
    %sign3A_830 = arith.constant 0 : i32
    %sign3A_831 = arith.cmpi sgt, %jit3A_821, %sign3A_830 : i32
    %sign3A_832 = arith.extui %sign3A_831 : i1 to i32
    %sign3A_833 = arith.constant 0 : i32
    %sign3A_834 = arith.cmpi slt, %jit3A_821, %sign3A_833 : i32
    %sign3A_835 = arith.extui %sign3A_834 : i1 to i32
    %sign3A_836 = arith.subi %sign3A_832, %sign3A_835 : i32
    %ne3A_837 = arith.cmpi ne, %sign3A_829, %sign3A_836 : i32
    %rem3A_838 = arith.remsi %add3A_820, %jit3A_821 : i32
    %ne3A_839 = arith.constant 0 : i32
    %ne3A_840 = arith.cmpi ne, %rem3A_838, %ne3A_839 : i32
    %and3A_841 = arith.andi %ne3A_837, %ne3A_840 : i1
    %sub3A_842 = arith.constant 1 : i32
    %sub3A_843 = arith.subi %div3A_822, %sub3A_842 : i32
    %select_n3A_844 = arith.select %and3A_841, %sub3A_843, %div3A_822 : i32
    %jit3A_845 = arith.constant 32 : i32
    %eq3A_846 = arith.constant 0 : i32
    %eq3A_847 = arith.cmpi eq, %jit3A_845, %eq3A_846 : i32
    %jit3A_848 = arith.constant 1 : i32
    %select_n3A_849 = arith.select %eq3A_847, %jit3A_848, %jit3A_845 : i32
    %rem3A_850 = arith.remsi %add3A_820, %select_n3A_849 : i32
    %ne3A_851 = arith.constant 0 : i32
    %ne3A_852 = arith.cmpi ne, %rem3A_850, %ne3A_851 : i32
    %lt3A_853 = arith.constant 0 : i32
    %lt3A_854 = arith.cmpi slt, %rem3A_850, %lt3A_853 : i32
    %lt3A_855 = arith.constant 0 : i32
    %lt3A_856 = arith.cmpi slt, %select_n3A_849, %lt3A_855 : i32
    %ne3A_857 = arith.xori %lt3A_854, %lt3A_856 : i1
    %and3A_858 = arith.andi %ne3A_857, %ne3A_852 : i1
    %add3A_859 = arith.addi %rem3A_850, %select_n3A_849 : i32
    %select_n3A_860 = arith.select %and3A_858, %add3A_859, %rem3A_850 : i32
    %mul3A_861 = arith.constant 64 : i32
    %mul3A_862 = arith.muli %add3A_820, %mul3A_861 : i32
    "tpu.region"() ({
      %run_scoped3A = tpu.sem_alloc : memref<!tpu.dma_semaphore, #tpu.memory_space<semaphore_mem>>
      %dma_start3A_1742 = tpu.memref_slice %arg5[%mul3A_862] : memref<32768xi32, #tpu.memory_space<hbm>> -> memref<64xi32, #tpu.memory_space<hbm>>
      %dma_start3A_1743 = tpu.memref_slice %arg5[%mul3A_862] : memref<32768xi32, #tpu.memory_space<hbm>> -> memref<64xi32, #tpu.memory_space<hbm>>
      tpu.enqueue_dma source(%dma_start3A_1743 : memref<64xi32, #tpu.memory_space<hbm>>) target(%arg12 : memref<64xi32, #tpu.memory_space<vmem>>) target_semaphore(%run_scoped3A : memref<!tpu.dma_semaphore, #tpu.memory_space<semaphore_mem>>)
      %dma_wait3A_1744 = tpu.memref_slice %arg5[%mul3A_862] : memref<32768xi32, #tpu.memory_space<hbm>> -> memref<64xi32, #tpu.memory_space<hbm>>
      %dma_wait3A_1745 = tpu.memref_slice %arg5[%mul3A_862] : memref<32768xi32, #tpu.memory_space<hbm>> -> memref<64xi32, #tpu.memory_space<hbm>>
      tpu.wait_dma2 semaphore(%run_scoped3A : memref<!tpu.dma_semaphore, #tpu.memory_space<semaphore_mem>>) src(%dma_wait3A_1745 : memref<64xi32, #tpu.memory_space<hbm>>) dst(%arg12 : memref<64xi32, #tpu.memory_space<vmem>>)
      tpu.yield
    }) : () -> ()
    %mul3A_863 = arith.constant 64 : i32
    %mul3A_864 = arith.muli %select_n3A_860, %mul3A_863 : i32
    "tpu.region"() ({
      %run_scoped3A = tpu.sem_alloc : memref<!tpu.dma_semaphore, #tpu.memory_space<semaphore_mem>>
      %dma_start3A_1742 = arith.constant 0 : i32
      %dma_start3A_1743 = arith.constant 0 : i32
      %dma_start3A_1744 = arith.constant 0 : i32
      %dma_start3A_1745 = tpu.memref_slice %arg13[%dma_start3A_1742, %dma_start3A_1743, %dma_start3A_1744] : memref<80x8x128xf32, #tpu.memory_space<vmem>> -> memref<64x8x128xf32, #tpu.memory_space<vmem>>
      %dma_start3A_1746 = arith.constant 0 : i32
      %dma_start3A_1747 = arith.constant 0 : i32
      %dma_start3A_1748 = tpu.memref_slice %arg9[%mul3A_864, %dma_start3A_1746, %dma_start3A_1747] : memref<4096x8x128xf32, #tpu.memory_space<hbm>> -> memref<64x8x128xf32, #tpu.memory_space<hbm>>
      %dma_start3A_1749 = arith.constant 0 : i32
      %dma_start3A_1750 = arith.constant 0 : i32
      %dma_start3A_1751 = arith.constant 0 : i32
      %dma_start3A_1752 = tpu.memref_slice %arg13[%dma_start3A_1749, %dma_start3A_1750, %dma_start3A_1751] : memref<80x8x128xf32, #tpu.memory_space<vmem>> -> memref<64x8x128xf32, #tpu.memory_space<vmem>>
      %dma_start3A_1753 = arith.constant 0 : i32
      %dma_start3A_1754 = arith.constant 0 : i32
      %dma_start3A_1755 = tpu.memref_slice %arg9[%mul3A_864, %dma_start3A_1753, %dma_start3A_1754] : memref<4096x8x128xf32, #tpu.memory_space<hbm>> -> memref<64x8x128xf32, #tpu.memory_space<hbm>>
      tpu.enqueue_dma source(%dma_start3A_1755 : memref<64x8x128xf32, #tpu.memory_space<hbm>>) target(%dma_start3A_1752 : memref<64x8x128xf32, #tpu.memory_space<vmem>>) target_semaphore(%run_scoped3A : memref<!tpu.dma_semaphore, #tpu.memory_space<semaphore_mem>>)
      %dma_wait3A_1756 = arith.constant 0 : i32
      %dma_wait3A_1757 = arith.constant 0 : i32
      %dma_wait3A_1758 = arith.constant 0 : i32
      %dma_wait3A_1759 = tpu.memref_slice %arg13[%dma_wait3A_1756, %dma_wait3A_1757, %dma_wait3A_1758] : memref<80x8x128xf32, #tpu.memory_space<vmem>> -> memref<64x8x128xf32, #tpu.memory_space<vmem>>
      %dma_wait3A_1760 = arith.constant 0 : i32
      %dma_wait3A_1761 = arith.constant 0 : i32
      %dma_wait3A_1762 = tpu.memref_slice %arg9[%mul3A_864, %dma_wait3A_1760, %dma_wait3A_1761] : memref<4096x8x128xf32, #tpu.memory_space<hbm>> -> memref<64x8x128xf32, #tpu.memory_space<hbm>>
      %dma_wait3A_1763 = arith.constant 0 : i32
      %dma_wait3A_1764 = arith.constant 0 : i32
      %dma_wait3A_1765 = arith.constant 0 : i32
      %dma_wait3A_1766 = tpu.memref_slice %arg13[%dma_wait3A_1763, %dma_wait3A_1764, %dma_wait3A_1765] : memref<80x8x128xf32, #tpu.memory_space<vmem>> -> memref<64x8x128xf32, #tpu.memory_space<vmem>>
      %dma_wait3A_1767 = arith.constant 0 : i32
      %dma_wait3A_1768 = arith.constant 0 : i32
      %dma_wait3A_1769 = tpu.memref_slice %arg9[%mul3A_864, %dma_wait3A_1767, %dma_wait3A_1768] : memref<4096x8x128xf32, #tpu.memory_space<hbm>> -> memref<64x8x128xf32, #tpu.memory_space<hbm>>
      tpu.wait_dma2 semaphore(%run_scoped3A : memref<!tpu.dma_semaphore, #tpu.memory_space<semaphore_mem>>) src(%dma_wait3A_1769 : memref<64x8x128xf32, #tpu.memory_space<hbm>>) dst(%dma_wait3A_1766 : memref<64x8x128xf32, #tpu.memory_space<vmem>>)
      tpu.yield
    }) : () -> ()
    %dma_start3A_865 = arith.constant 0 : i32
    %dma_start3A_866 = arith.constant 0 : i32
    %dma_start3A_867 = arith.constant 0 : i32
    %dma_start3A_868 = tpu.memref_slice %arg13[%dma_start3A_865, %dma_start3A_866, %dma_start3A_867] : memref<80x8x128xf32, #tpu.memory_space<vmem>> -> memref<64x8x128xf32, #tpu.memory_space<vmem>>
    %dma_start3A_869 = arith.constant 0 : i32
    %dma_start3A_870 = arith.constant 0 : i32
    %dma_start3A_871 = arith.constant 0 : i32
    %dma_start3A_872 = tpu.memref_slice %arg7[%dma_start3A_869, %dma_start3A_870, %dma_start3A_871] : memref<8194x8x128xf32, #tpu.memory_space<hbm>> -> memref<8194x8x128xf32, #tpu.memory_space<hbm>>
    tpu.enqueue_indirect_dma source(%dma_start3A_872 : memref<8194x8x128xf32, #tpu.memory_space<hbm>>) target(%dma_start3A_868 : memref<64x8x128xf32, #tpu.memory_space<vmem>>) offsets(%arg12 : memref<64xi32, #tpu.memory_space<vmem>>) semaphore(%arg14 : memref<!tpu.dma_semaphore, #tpu.memory_space<semaphore_mem>>) {add = true}
    %dma_wait3A_873 = arith.constant 0 : i32
    %dma_wait3A_874 = arith.constant 0 : i32
    %dma_wait3A_875 = arith.constant 0 : i32
    %dma_wait3A_876 = tpu.memref_slice %arg13[%dma_wait3A_873, %dma_wait3A_874, %dma_wait3A_875] : memref<80x8x128xf32, #tpu.memory_space<vmem>> -> memref<64x8x128xf32, #tpu.memory_space<vmem>>
    %dma_wait3A_877 = arith.constant 0 : i32
    %dma_wait3A_878 = arith.constant 0 : i32
    %dma_wait3A_879 = arith.constant 0 : i32
    %dma_wait3A_880 = tpu.memref_slice %arg7[%dma_wait3A_877, %dma_wait3A_878, %dma_wait3A_879] : memref<8194x8x128xf32, #tpu.memory_space<hbm>> -> memref<8194x8x128xf32, #tpu.memory_space<hbm>>
    tpu.wait_indirect_dma semaphore(%arg14 : memref<!tpu.dma_semaphore, #tpu.memory_space<semaphore_mem>>) src(%dma_wait3A_880 : memref<8194x8x128xf32, #tpu.memory_space<hbm>>) dst(%dma_wait3A_876 : memref<64x8x128xf32, #tpu.memory_space<vmem>>)
    %mul3A_881 = arith.constant 3224 : i32
    %mul3A_882 = arith.muli %select_n3A_844, %mul3A_881 : i32
    %add3A_883 = arith.constant 152 : i32
    %add3A_884 = arith.addi %mul3A_882, %add3A_883 : i32
    %add3A_885 = arith.constant 1024 : i32
    %add3A_886 = arith.addi %add3A_884, %add3A_885 : i32
    %mul3A_887 = arith.constant 64 : i32
    %mul3A_888 = arith.muli %select_n3A_860, %mul3A_887 : i32
    %add3A_889 = arith.addi %add3A_886, %mul3A_888 : i32
    "tpu.region"() ({
      %run_scoped3A = tpu.sem_alloc : memref<!tpu.dma_semaphore, #tpu.memory_space<semaphore_mem>>
      %dma_start3A_1742 = arith.constant 0 : i32
      %dma_start3A_1743 = arith.constant 0 : i32
      %dma_start3A_1744 = arith.constant 0 : i32
      %dma_start3A_1745 = tpu.memref_slice %arg13[%dma_start3A_1742, %dma_start3A_1743, %dma_start3A_1744] : memref<80x8x128xf32, #tpu.memory_space<vmem>> -> memref<64x8x128xf32, #tpu.memory_space<vmem>>
      %dma_start3A_1746 = arith.constant 0 : i32
      %dma_start3A_1747 = arith.constant 0 : i32
      %dma_start3A_1748 = tpu.memref_slice %arg10[%add3A_889, %dma_start3A_1746, %dma_start3A_1747] : memref<51584x8x128xf32, #tpu.memory_space<hbm>> -> memref<64x8x128xf32, #tpu.memory_space<hbm>>
      %dma_start3A_1749 = arith.constant 0 : i32
      %dma_start3A_1750 = arith.constant 0 : i32
      %dma_start3A_1751 = tpu.memref_slice %arg10[%add3A_889, %dma_start3A_1749, %dma_start3A_1750] : memref<51584x8x128xf32, #tpu.memory_space<hbm>> -> memref<64x8x128xf32, #tpu.memory_space<hbm>>
      %dma_start3A_1752 = arith.constant 0 : i32
      %dma_start3A_1753 = arith.constant 0 : i32
      %dma_start3A_1754 = arith.constant 0 : i32
      %dma_start3A_1755 = tpu.memref_slice %arg13[%dma_start3A_1752, %dma_start3A_1753, %dma_start3A_1754] : memref<80x8x128xf32, #tpu.memory_space<vmem>> -> memref<64x8x128xf32, #tpu.memory_space<vmem>>
      tpu.enqueue_dma source(%dma_start3A_1755 : memref<64x8x128xf32, #tpu.memory_space<vmem>>) target(%dma_start3A_1751 : memref<64x8x128xf32, #tpu.memory_space<hbm>>) target_semaphore(%run_scoped3A : memref<!tpu.dma_semaphore, #tpu.memory_space<semaphore_mem>>)
      %dma_wait3A_1756 = arith.constant 0 : i32
      %dma_wait3A_1757 = arith.constant 0 : i32
      %dma_wait3A_1758 = arith.constant 0 : i32
      %dma_wait3A_1759 = tpu.memref_slice %arg13[%dma_wait3A_1756, %dma_wait3A_1757, %dma_wait3A_1758] : memref<80x8x128xf32, #tpu.memory_space<vmem>> -> memref<64x8x128xf32, #tpu.memory_space<vmem>>
      %dma_wait3A_1760 = arith.constant 0 : i32
      %dma_wait3A_1761 = arith.constant 0 : i32
      %dma_wait3A_1762 = tpu.memref_slice %arg10[%add3A_889, %dma_wait3A_1760, %dma_wait3A_1761] : memref<51584x8x128xf32, #tpu.memory_space<hbm>> -> memref<64x8x128xf32, #tpu.memory_space<hbm>>
      %dma_wait3A_1763 = arith.constant 0 : i32
      %dma_wait3A_1764 = arith.constant 0 : i32
      %dma_wait3A_1765 = tpu.memref_slice %arg10[%add3A_889, %dma_wait3A_1763, %dma_wait3A_1764] : memref<51584x8x128xf32, #tpu.memory_space<hbm>> -> memref<64x8x128xf32, #tpu.memory_space<hbm>>
      %dma_wait3A_1766 = arith.constant 0 : i32
      %dma_wait3A_1767 = arith.constant 0 : i32
      %dma_wait3A_1768 = arith.constant 0 : i32
      %dma_wait3A_1769 = tpu.memref_slice %arg13[%dma_wait3A_1766, %dma_wait3A_1767, %dma_wait3A_1768] : memref<80x8x128xf32, #tpu.memory_space<vmem>> -> memref<64x8x128xf32, #tpu.memory_space<vmem>>
      tpu.wait_dma2 semaphore(%run_scoped3A : memref<!tpu.dma_semaphore, #tpu.memory_space<semaphore_mem>>) src(%dma_wait3A_1769 : memref<64x8x128xf32, #tpu.memory_space<vmem>>) dst(%dma_wait3A_1765 : memref<64x8x128xf32, #tpu.memory_space<hbm>>)
      tpu.yield
    }) : () -> ()
    %add3A_890 = arith.constant 128 : i32
    %add3A_891 = arith.addi %add3A, %add3A_890 : i32
    %jit3A_892 = arith.constant 32 : i32
    %div3A_893 = arith.divsi %add3A_891, %jit3A_892 : i32
    %sign3A_894 = arith.constant 0 : i32
    %sign3A_895 = arith.cmpi sgt, %add3A_891, %sign3A_894 : i32
    %sign3A_896 = arith.extui %sign3A_895 : i1 to i32
    %sign3A_897 = arith.constant 0 : i32
    %sign3A_898 = arith.cmpi slt, %add3A_891, %sign3A_897 : i32
    %sign3A_899 = arith.extui %sign3A_898 : i1 to i32
    %sign3A_900 = arith.subi %sign3A_896, %sign3A_899 : i32
    %sign3A_901 = arith.constant 0 : i32
    %sign3A_902 = arith.cmpi sgt, %jit3A_892, %sign3A_901 : i32
    %sign3A_903 = arith.extui %sign3A_902 : i1 to i32
    %sign3A_904 = arith.constant 0 : i32
    %sign3A_905 = arith.cmpi slt, %jit3A_892, %sign3A_904 : i32
    %sign3A_906 = arith.extui %sign3A_905 : i1 to i32
    %sign3A_907 = arith.subi %sign3A_903, %sign3A_906 : i32
    %ne3A_908 = arith.cmpi ne, %sign3A_900, %sign3A_907 : i32
    %rem3A_909 = arith.remsi %add3A_891, %jit3A_892 : i32
    %ne3A_910 = arith.constant 0 : i32
    %ne3A_911 = arith.cmpi ne, %rem3A_909, %ne3A_910 : i32
    %and3A_912 = arith.andi %ne3A_908, %ne3A_911 : i1
    %sub3A_913 = arith.constant 1 : i32
    %sub3A_914 = arith.subi %div3A_893, %sub3A_913 : i32
    %select_n3A_915 = arith.select %and3A_912, %sub3A_914, %div3A_893 : i32
    %jit3A_916 = arith.constant 32 : i32
    %eq3A_917 = arith.constant 0 : i32
    %eq3A_918 = arith.cmpi eq, %jit3A_916, %eq3A_917 : i32
    %jit3A_919 = arith.constant 1 : i32
    %select_n3A_920 = arith.select %eq3A_918, %jit3A_919, %jit3A_916 : i32
    %rem3A_921 = arith.remsi %add3A_891, %select_n3A_920 : i32
    %ne3A_922 = arith.constant 0 : i32
    %ne3A_923 = arith.cmpi ne, %rem3A_921, %ne3A_922 : i32
    %lt3A_924 = arith.constant 0 : i32
    %lt3A_925 = arith.cmpi slt, %rem3A_921, %lt3A_924 : i32
    %lt3A_926 = arith.constant 0 : i32
    %lt3A_927 = arith.cmpi slt, %select_n3A_920, %lt3A_926 : i32
    %ne3A_928 = arith.xori %lt3A_925, %lt3A_927 : i1
    %and3A_929 = arith.andi %ne3A_928, %ne3A_923 : i1
    %add3A_930 = arith.addi %rem3A_921, %select_n3A_920 : i32
    %select_n3A_931 = arith.select %and3A_929, %add3A_930, %rem3A_921 : i32
    %mul3A_932 = arith.constant 64 : i32
    %mul3A_933 = arith.muli %add3A_891, %mul3A_932 : i32
    "tpu.region"() ({
      %run_scoped3A = tpu.sem_alloc : memref<!tpu.dma_semaphore, #tpu.memory_space<semaphore_mem>>
      %dma_start3A_1742 = tpu.memref_slice %arg5[%mul3A_933] : memref<32768xi32, #tpu.memory_space<hbm>> -> memref<64xi32, #tpu.memory_space<hbm>>
      %dma_start3A_1743 = tpu.memref_slice %arg5[%mul3A_933] : memref<32768xi32, #tpu.memory_space<hbm>> -> memref<64xi32, #tpu.memory_space<hbm>>
      tpu.enqueue_dma source(%dma_start3A_1743 : memref<64xi32, #tpu.memory_space<hbm>>) target(%arg12 : memref<64xi32, #tpu.memory_space<vmem>>) target_semaphore(%run_scoped3A : memref<!tpu.dma_semaphore, #tpu.memory_space<semaphore_mem>>)
      %dma_wait3A_1744 = tpu.memref_slice %arg5[%mul3A_933] : memref<32768xi32, #tpu.memory_space<hbm>> -> memref<64xi32, #tpu.memory_space<hbm>>
      %dma_wait3A_1745 = tpu.memref_slice %arg5[%mul3A_933] : memref<32768xi32, #tpu.memory_space<hbm>> -> memref<64xi32, #tpu.memory_space<hbm>>
      tpu.wait_dma2 semaphore(%run_scoped3A : memref<!tpu.dma_semaphore, #tpu.memory_space<semaphore_mem>>) src(%dma_wait3A_1745 : memref<64xi32, #tpu.memory_space<hbm>>) dst(%arg12 : memref<64xi32, #tpu.memory_space<vmem>>)
      tpu.yield
    }) : () -> ()
    %mul3A_934 = arith.constant 64 : i32
    %mul3A_935 = arith.muli %select_n3A_931, %mul3A_934 : i32
    "tpu.region"() ({
      %run_scoped3A = tpu.sem_alloc : memref<!tpu.dma_semaphore, #tpu.memory_space<semaphore_mem>>
      %dma_start3A_1742 = arith.constant 0 : i32
      %dma_start3A_1743 = arith.constant 0 : i32
      %dma_start3A_1744 = arith.constant 0 : i32
      %dma_start3A_1745 = tpu.memref_slice %arg13[%dma_start3A_1742, %dma_start3A_1743, %dma_start3A_1744] : memref<80x8x128xf32, #tpu.memory_space<vmem>> -> memref<64x8x128xf32, #tpu.memory_space<vmem>>
      %dma_start3A_1746 = arith.constant 0 : i32
      %dma_start3A_1747 = arith.constant 0 : i32
      %dma_start3A_1748 = tpu.memref_slice %arg9[%mul3A_935, %dma_start3A_1746, %dma_start3A_1747] : memref<4096x8x128xf32, #tpu.memory_space<hbm>> -> memref<64x8x128xf32, #tpu.memory_space<hbm>>
      %dma_start3A_1749 = arith.constant 0 : i32
      %dma_start3A_1750 = arith.constant 0 : i32
      %dma_start3A_1751 = arith.constant 0 : i32
      %dma_start3A_1752 = tpu.memref_slice %arg13[%dma_start3A_1749, %dma_start3A_1750, %dma_start3A_1751] : memref<80x8x128xf32, #tpu.memory_space<vmem>> -> memref<64x8x128xf32, #tpu.memory_space<vmem>>
      %dma_start3A_1753 = arith.constant 0 : i32
      %dma_start3A_1754 = arith.constant 0 : i32
      %dma_start3A_1755 = tpu.memref_slice %arg9[%mul3A_935, %dma_start3A_1753, %dma_start3A_1754] : memref<4096x8x128xf32, #tpu.memory_space<hbm>> -> memref<64x8x128xf32, #tpu.memory_space<hbm>>
      tpu.enqueue_dma source(%dma_start3A_1755 : memref<64x8x128xf32, #tpu.memory_space<hbm>>) target(%dma_start3A_1752 : memref<64x8x128xf32, #tpu.memory_space<vmem>>) target_semaphore(%run_scoped3A : memref<!tpu.dma_semaphore, #tpu.memory_space<semaphore_mem>>)
      %dma_wait3A_1756 = arith.constant 0 : i32
      %dma_wait3A_1757 = arith.constant 0 : i32
      %dma_wait3A_1758 = arith.constant 0 : i32
      %dma_wait3A_1759 = tpu.memref_slice %arg13[%dma_wait3A_1756, %dma_wait3A_1757, %dma_wait3A_1758] : memref<80x8x128xf32, #tpu.memory_space<vmem>> -> memref<64x8x128xf32, #tpu.memory_space<vmem>>
      %dma_wait3A_1760 = arith.constant 0 : i32
      %dma_wait3A_1761 = arith.constant 0 : i32
      %dma_wait3A_1762 = tpu.memref_slice %arg9[%mul3A_935, %dma_wait3A_1760, %dma_wait3A_1761] : memref<4096x8x128xf32, #tpu.memory_space<hbm>> -> memref<64x8x128xf32, #tpu.memory_space<hbm>>
      %dma_wait3A_1763 = arith.constant 0 : i32
      %dma_wait3A_1764 = arith.constant 0 : i32
      %dma_wait3A_1765 = arith.constant 0 : i32
      %dma_wait3A_1766 = tpu.memref_slice %arg13[%dma_wait3A_1763, %dma_wait3A_1764, %dma_wait3A_1765] : memref<80x8x128xf32, #tpu.memory_space<vmem>> -> memref<64x8x128xf32, #tpu.memory_space<vmem>>
      %dma_wait3A_1767 = arith.constant 0 : i32
      %dma_wait3A_1768 = arith.constant 0 : i32
      %dma_wait3A_1769 = tpu.memref_slice %arg9[%mul3A_935, %dma_wait3A_1767, %dma_wait3A_1768] : memref<4096x8x128xf32, #tpu.memory_space<hbm>> -> memref<64x8x128xf32, #tpu.memory_space<hbm>>
      tpu.wait_dma2 semaphore(%run_scoped3A : memref<!tpu.dma_semaphore, #tpu.memory_space<semaphore_mem>>) src(%dma_wait3A_1769 : memref<64x8x128xf32, #tpu.memory_space<hbm>>) dst(%dma_wait3A_1766 : memref<64x8x128xf32, #tpu.memory_space<vmem>>)
      tpu.yield
    }) : () -> ()
    %dma_start3A_936 = arith.constant 0 : i32
    %dma_start3A_937 = arith.constant 0 : i32
    %dma_start3A_938 = arith.constant 0 : i32
    %dma_start3A_939 = tpu.memref_slice %arg13[%dma_start3A_936, %dma_start3A_937, %dma_start3A_938] : memref<80x8x128xf32, #tpu.memory_space<vmem>> -> memref<64x8x128xf32, #tpu.memory_space<vmem>>
    %dma_start3A_940 = arith.constant 0 : i32
    %dma_start3A_941 = arith.constant 0 : i32
    %dma_start3A_942 = arith.constant 0 : i32
    %dma_start3A_943 = tpu.memref_slice %arg7[%dma_start3A_940, %dma_start3A_941, %dma_start3A_942] : memref<8194x8x128xf32, #tpu.memory_space<hbm>> -> memref<8194x8x128xf32, #tpu.memory_space<hbm>>
    tpu.enqueue_indirect_dma source(%dma_start3A_943 : memref<8194x8x128xf32, #tpu.memory_space<hbm>>) target(%dma_start3A_939 : memref<64x8x128xf32, #tpu.memory_space<vmem>>) offsets(%arg12 : memref<64xi32, #tpu.memory_space<vmem>>) semaphore(%arg14 : memref<!tpu.dma_semaphore, #tpu.memory_space<semaphore_mem>>) {add = true}
    %dma_wait3A_944 = arith.constant 0 : i32
    %dma_wait3A_945 = arith.constant 0 : i32
    %dma_wait3A_946 = arith.constant 0 : i32
    %dma_wait3A_947 = tpu.memref_slice %arg13[%dma_wait3A_944, %dma_wait3A_945, %dma_wait3A_946] : memref<80x8x128xf32, #tpu.memory_space<vmem>> -> memref<64x8x128xf32, #tpu.memory_space<vmem>>
    %dma_wait3A_948 = arith.constant 0 : i32
    %dma_wait3A_949 = arith.constant 0 : i32
    %dma_wait3A_950 = arith.constant 0 : i32
    %dma_wait3A_951 = tpu.memref_slice %arg7[%dma_wait3A_948, %dma_wait3A_949, %dma_wait3A_950] : memref<8194x8x128xf32, #tpu.memory_space<hbm>> -> memref<8194x8x128xf32, #tpu.memory_space<hbm>>
    tpu.wait_indirect_dma semaphore(%arg14 : memref<!tpu.dma_semaphore, #tpu.memory_space<semaphore_mem>>) src(%dma_wait3A_951 : memref<8194x8x128xf32, #tpu.memory_space<hbm>>) dst(%dma_wait3A_947 : memref<64x8x128xf32, #tpu.memory_space<vmem>>)
    %mul3A_952 = arith.constant 3224 : i32
    %mul3A_953 = arith.muli %select_n3A_915, %mul3A_952 : i32
    %add3A_954 = arith.constant 152 : i32
    %add3A_955 = arith.addi %mul3A_953, %add3A_954 : i32
    %add3A_956 = arith.constant 1024 : i32
    %add3A_957 = arith.addi %add3A_955, %add3A_956 : i32
    %mul3A_958 = arith.constant 64 : i32
    %mul3A_959 = arith.muli %select_n3A_931, %mul3A_958 : i32
    %add3A_960 = arith.addi %add3A_957, %mul3A_959 : i32
    "tpu.region"() ({
      %run_scoped3A = tpu.sem_alloc : memref<!tpu.dma_semaphore, #tpu.memory_space<semaphore_mem>>
      %dma_start3A_1742 = arith.constant 0 : i32
      %dma_start3A_1743 = arith.constant 0 : i32
      %dma_start3A_1744 = arith.constant 0 : i32
      %dma_start3A_1745 = tpu.memref_slice %arg13[%dma_start3A_1742, %dma_start3A_1743, %dma_start3A_1744] : memref<80x8x128xf32, #tpu.memory_space<vmem>> -> memref<64x8x128xf32, #tpu.memory_space<vmem>>
      %dma_start3A_1746 = arith.constant 0 : i32
      %dma_start3A_1747 = arith.constant 0 : i32
      %dma_start3A_1748 = tpu.memref_slice %arg10[%add3A_960, %dma_start3A_1746, %dma_start3A_1747] : memref<51584x8x128xf32, #tpu.memory_space<hbm>> -> memref<64x8x128xf32, #tpu.memory_space<hbm>>
      %dma_start3A_1749 = arith.constant 0 : i32
      %dma_start3A_1750 = arith.constant 0 : i32
      %dma_start3A_1751 = tpu.memref_slice %arg10[%add3A_960, %dma_start3A_1749, %dma_start3A_1750] : memref<51584x8x128xf32, #tpu.memory_space<hbm>> -> memref<64x8x128xf32, #tpu.memory_space<hbm>>
      %dma_start3A_1752 = arith.constant 0 : i32
      %dma_start3A_1753 = arith.constant 0 : i32
      %dma_start3A_1754 = arith.constant 0 : i32
      %dma_start3A_1755 = tpu.memref_slice %arg13[%dma_start3A_1752, %dma_start3A_1753, %dma_start3A_1754] : memref<80x8x128xf32, #tpu.memory_space<vmem>> -> memref<64x8x128xf32, #tpu.memory_space<vmem>>
      tpu.enqueue_dma source(%dma_start3A_1755 : memref<64x8x128xf32, #tpu.memory_space<vmem>>) target(%dma_start3A_1751 : memref<64x8x128xf32, #tpu.memory_space<hbm>>) target_semaphore(%run_scoped3A : memref<!tpu.dma_semaphore, #tpu.memory_space<semaphore_mem>>)
      %dma_wait3A_1756 = arith.constant 0 : i32
      %dma_wait3A_1757 = arith.constant 0 : i32
      %dma_wait3A_1758 = arith.constant 0 : i32
      %dma_wait3A_1759 = tpu.memref_slice %arg13[%dma_wait3A_1756, %dma_wait3A_1757, %dma_wait3A_1758] : memref<80x8x128xf32, #tpu.memory_space<vmem>> -> memref<64x8x128xf32, #tpu.memory_space<vmem>>
      %dma_wait3A_1760 = arith.constant 0 : i32
      %dma_wait3A_1761 = arith.constant 0 : i32
      %dma_wait3A_1762 = tpu.memref_slice %arg10[%add3A_960, %dma_wait3A_1760, %dma_wait3A_1761] : memref<51584x8x128xf32, #tpu.memory_space<hbm>> -> memref<64x8x128xf32, #tpu.memory_space<hbm>>
      %dma_wait3A_1763 = arith.constant 0 : i32
      %dma_wait3A_1764 = arith.constant 0 : i32
      %dma_wait3A_1765 = tpu.memref_slice %arg10[%add3A_960, %dma_wait3A_1763, %dma_wait3A_1764] : memref<51584x8x128xf32, #tpu.memory_space<hbm>> -> memref<64x8x128xf32, #tpu.memory_space<hbm>>
      %dma_wait3A_1766 = arith.constant 0 : i32
      %dma_wait3A_1767 = arith.constant 0 : i32
      %dma_wait3A_1768 = arith.constant 0 : i32
      %dma_wait3A_1769 = tpu.memref_slice %arg13[%dma_wait3A_1766, %dma_wait3A_1767, %dma_wait3A_1768] : memref<80x8x128xf32, #tpu.memory_space<vmem>> -> memref<64x8x128xf32, #tpu.memory_space<vmem>>
      tpu.wait_dma2 semaphore(%run_scoped3A : memref<!tpu.dma_semaphore, #tpu.memory_space<semaphore_mem>>) src(%dma_wait3A_1769 : memref<64x8x128xf32, #tpu.memory_space<vmem>>) dst(%dma_wait3A_1765 : memref<64x8x128xf32, #tpu.memory_space<hbm>>)
      tpu.yield
    }) : () -> ()
    %add3A_961 = arith.constant 160 : i32
    %add3A_962 = arith.addi %add3A, %add3A_961 : i32
    %jit3A_963 = arith.constant 32 : i32
    %div3A_964 = arith.divsi %add3A_962, %jit3A_963 : i32
    %sign3A_965 = arith.constant 0 : i32
    %sign3A_966 = arith.cmpi sgt, %add3A_962, %sign3A_965 : i32
    %sign3A_967 = arith.extui %sign3A_966 : i1 to i32
    %sign3A_968 = arith.constant 0 : i32
    %sign3A_969 = arith.cmpi slt, %add3A_962, %sign3A_968 : i32
    %sign3A_970 = arith.extui %sign3A_969 : i1 to i32
    %sign3A_971 = arith.subi %sign3A_967, %sign3A_970 : i32
    %sign3A_972 = arith.constant 0 : i32
    %sign3A_973 = arith.cmpi sgt, %jit3A_963, %sign3A_972 : i32
    %sign3A_974 = arith.extui %sign3A_973 : i1 to i32
    %sign3A_975 = arith.constant 0 : i32
    %sign3A_976 = arith.cmpi slt, %jit3A_963, %sign3A_975 : i32
    %sign3A_977 = arith.extui %sign3A_976 : i1 to i32
    %sign3A_978 = arith.subi %sign3A_974, %sign3A_977 : i32
    %ne3A_979 = arith.cmpi ne, %sign3A_971, %sign3A_978 : i32
    %rem3A_980 = arith.remsi %add3A_962, %jit3A_963 : i32
    %ne3A_981 = arith.constant 0 : i32
    %ne3A_982 = arith.cmpi ne, %rem3A_980, %ne3A_981 : i32
    %and3A_983 = arith.andi %ne3A_979, %ne3A_982 : i1
    %sub3A_984 = arith.constant 1 : i32
    %sub3A_985 = arith.subi %div3A_964, %sub3A_984 : i32
    %select_n3A_986 = arith.select %and3A_983, %sub3A_985, %div3A_964 : i32
    %jit3A_987 = arith.constant 32 : i32
    %eq3A_988 = arith.constant 0 : i32
    %eq3A_989 = arith.cmpi eq, %jit3A_987, %eq3A_988 : i32
    %jit3A_990 = arith.constant 1 : i32
    %select_n3A_991 = arith.select %eq3A_989, %jit3A_990, %jit3A_987 : i32
    %rem3A_992 = arith.remsi %add3A_962, %select_n3A_991 : i32
    %ne3A_993 = arith.constant 0 : i32
    %ne3A_994 = arith.cmpi ne, %rem3A_992, %ne3A_993 : i32
    %lt3A_995 = arith.constant 0 : i32
    %lt3A_996 = arith.cmpi slt, %rem3A_992, %lt3A_995 : i32
    %lt3A_997 = arith.constant 0 : i32
    %lt3A_998 = arith.cmpi slt, %select_n3A_991, %lt3A_997 : i32
    %ne3A_999 = arith.xori %lt3A_996, %lt3A_998 : i1
    %and3A_1000 = arith.andi %ne3A_999, %ne3A_994 : i1
    %add3A_1001 = arith.addi %rem3A_992, %select_n3A_991 : i32
    %select_n3A_1002 = arith.select %and3A_1000, %add3A_1001, %rem3A_992 : i32
    %mul3A_1003 = arith.constant 64 : i32
    %mul3A_1004 = arith.muli %add3A_962, %mul3A_1003 : i32
    "tpu.region"() ({
      %run_scoped3A = tpu.sem_alloc : memref<!tpu.dma_semaphore, #tpu.memory_space<semaphore_mem>>
      %dma_start3A_1742 = tpu.memref_slice %arg5[%mul3A_1004] : memref<32768xi32, #tpu.memory_space<hbm>> -> memref<64xi32, #tpu.memory_space<hbm>>
      %dma_start3A_1743 = tpu.memref_slice %arg5[%mul3A_1004] : memref<32768xi32, #tpu.memory_space<hbm>> -> memref<64xi32, #tpu.memory_space<hbm>>
      tpu.enqueue_dma source(%dma_start3A_1743 : memref<64xi32, #tpu.memory_space<hbm>>) target(%arg12 : memref<64xi32, #tpu.memory_space<vmem>>) target_semaphore(%run_scoped3A : memref<!tpu.dma_semaphore, #tpu.memory_space<semaphore_mem>>)
      %dma_wait3A_1744 = tpu.memref_slice %arg5[%mul3A_1004] : memref<32768xi32, #tpu.memory_space<hbm>> -> memref<64xi32, #tpu.memory_space<hbm>>
      %dma_wait3A_1745 = tpu.memref_slice %arg5[%mul3A_1004] : memref<32768xi32, #tpu.memory_space<hbm>> -> memref<64xi32, #tpu.memory_space<hbm>>
      tpu.wait_dma2 semaphore(%run_scoped3A : memref<!tpu.dma_semaphore, #tpu.memory_space<semaphore_mem>>) src(%dma_wait3A_1745 : memref<64xi32, #tpu.memory_space<hbm>>) dst(%arg12 : memref<64xi32, #tpu.memory_space<vmem>>)
      tpu.yield
    }) : () -> ()
    %mul3A_1005 = arith.constant 64 : i32
    %mul3A_1006 = arith.muli %select_n3A_1002, %mul3A_1005 : i32
    "tpu.region"() ({
      %run_scoped3A = tpu.sem_alloc : memref<!tpu.dma_semaphore, #tpu.memory_space<semaphore_mem>>
      %dma_start3A_1742 = arith.constant 0 : i32
      %dma_start3A_1743 = arith.constant 0 : i32
      %dma_start3A_1744 = arith.constant 0 : i32
      %dma_start3A_1745 = tpu.memref_slice %arg13[%dma_start3A_1742, %dma_start3A_1743, %dma_start3A_1744] : memref<80x8x128xf32, #tpu.memory_space<vmem>> -> memref<64x8x128xf32, #tpu.memory_space<vmem>>
      %dma_start3A_1746 = arith.constant 0 : i32
      %dma_start3A_1747 = arith.constant 0 : i32
      %dma_start3A_1748 = tpu.memref_slice %arg9[%mul3A_1006, %dma_start3A_1746, %dma_start3A_1747] : memref<4096x8x128xf32, #tpu.memory_space<hbm>> -> memref<64x8x128xf32, #tpu.memory_space<hbm>>
      %dma_start3A_1749 = arith.constant 0 : i32
      %dma_start3A_1750 = arith.constant 0 : i32
      %dma_start3A_1751 = arith.constant 0 : i32
      %dma_start3A_1752 = tpu.memref_slice %arg13[%dma_start3A_1749, %dma_start3A_1750, %dma_start3A_1751] : memref<80x8x128xf32, #tpu.memory_space<vmem>> -> memref<64x8x128xf32, #tpu.memory_space<vmem>>
      %dma_start3A_1753 = arith.constant 0 : i32
      %dma_start3A_1754 = arith.constant 0 : i32
      %dma_start3A_1755 = tpu.memref_slice %arg9[%mul3A_1006, %dma_start3A_1753, %dma_start3A_1754] : memref<4096x8x128xf32, #tpu.memory_space<hbm>> -> memref<64x8x128xf32, #tpu.memory_space<hbm>>
      tpu.enqueue_dma source(%dma_start3A_1755 : memref<64x8x128xf32, #tpu.memory_space<hbm>>) target(%dma_start3A_1752 : memref<64x8x128xf32, #tpu.memory_space<vmem>>) target_semaphore(%run_scoped3A : memref<!tpu.dma_semaphore, #tpu.memory_space<semaphore_mem>>)
      %dma_wait3A_1756 = arith.constant 0 : i32
      %dma_wait3A_1757 = arith.constant 0 : i32
      %dma_wait3A_1758 = arith.constant 0 : i32
      %dma_wait3A_1759 = tpu.memref_slice %arg13[%dma_wait3A_1756, %dma_wait3A_1757, %dma_wait3A_1758] : memref<80x8x128xf32, #tpu.memory_space<vmem>> -> memref<64x8x128xf32, #tpu.memory_space<vmem>>
      %dma_wait3A_1760 = arith.constant 0 : i32
      %dma_wait3A_1761 = arith.constant 0 : i32
      %dma_wait3A_1762 = tpu.memref_slice %arg9[%mul3A_1006, %dma_wait3A_1760, %dma_wait3A_1761] : memref<4096x8x128xf32, #tpu.memory_space<hbm>> -> memref<64x8x128xf32, #tpu.memory_space<hbm>>
      %dma_wait3A_1763 = arith.constant 0 : i32
      %dma_wait3A_1764 = arith.constant 0 : i32
      %dma_wait3A_1765 = arith.constant 0 : i32
      %dma_wait3A_1766 = tpu.memref_slice %arg13[%dma_wait3A_1763, %dma_wait3A_1764, %dma_wait3A_1765] : memref<80x8x128xf32, #tpu.memory_space<vmem>> -> memref<64x8x128xf32, #tpu.memory_space<vmem>>
      %dma_wait3A_1767 = arith.constant 0 : i32
      %dma_wait3A_1768 = arith.constant 0 : i32
      %dma_wait3A_1769 = tpu.memref_slice %arg9[%mul3A_1006, %dma_wait3A_1767, %dma_wait3A_1768] : memref<4096x8x128xf32, #tpu.memory_space<hbm>> -> memref<64x8x128xf32, #tpu.memory_space<hbm>>
      tpu.wait_dma2 semaphore(%run_scoped3A : memref<!tpu.dma_semaphore, #tpu.memory_space<semaphore_mem>>) src(%dma_wait3A_1769 : memref<64x8x128xf32, #tpu.memory_space<hbm>>) dst(%dma_wait3A_1766 : memref<64x8x128xf32, #tpu.memory_space<vmem>>)
      tpu.yield
    }) : () -> ()
    %dma_start3A_1007 = arith.constant 0 : i32
    %dma_start3A_1008 = arith.constant 0 : i32
    %dma_start3A_1009 = arith.constant 0 : i32
    %dma_start3A_1010 = tpu.memref_slice %arg13[%dma_start3A_1007, %dma_start3A_1008, %dma_start3A_1009] : memref<80x8x128xf32, #tpu.memory_space<vmem>> -> memref<64x8x128xf32, #tpu.memory_space<vmem>>
    %dma_start3A_1011 = arith.constant 0 : i32
    %dma_start3A_1012 = arith.constant 0 : i32
    %dma_start3A_1013 = arith.constant 0 : i32
    %dma_start3A_1014 = tpu.memref_slice %arg7[%dma_start3A_1011, %dma_start3A_1012, %dma_start3A_1013] : memref<8194x8x128xf32, #tpu.memory_space<hbm>> -> memref<8194x8x128xf32, #tpu.memory_space<hbm>>
    tpu.enqueue_indirect_dma source(%dma_start3A_1014 : memref<8194x8x128xf32, #tpu.memory_space<hbm>>) target(%dma_start3A_1010 : memref<64x8x128xf32, #tpu.memory_space<vmem>>) offsets(%arg12 : memref<64xi32, #tpu.memory_space<vmem>>) semaphore(%arg14 : memref<!tpu.dma_semaphore, #tpu.memory_space<semaphore_mem>>) {add = true}
    %dma_wait3A_1015 = arith.constant 0 : i32
    %dma_wait3A_1016 = arith.constant 0 : i32
    %dma_wait3A_1017 = arith.constant 0 : i32
    %dma_wait3A_1018 = tpu.memref_slice %arg13[%dma_wait3A_1015, %dma_wait3A_1016, %dma_wait3A_1017] : memref<80x8x128xf32, #tpu.memory_space<vmem>> -> memref<64x8x128xf32, #tpu.memory_space<vmem>>
    %dma_wait3A_1019 = arith.constant 0 : i32
    %dma_wait3A_1020 = arith.constant 0 : i32
    %dma_wait3A_1021 = arith.constant 0 : i32
    %dma_wait3A_1022 = tpu.memref_slice %arg7[%dma_wait3A_1019, %dma_wait3A_1020, %dma_wait3A_1021] : memref<8194x8x128xf32, #tpu.memory_space<hbm>> -> memref<8194x8x128xf32, #tpu.memory_space<hbm>>
    tpu.wait_indirect_dma semaphore(%arg14 : memref<!tpu.dma_semaphore, #tpu.memory_space<semaphore_mem>>) src(%dma_wait3A_1022 : memref<8194x8x128xf32, #tpu.memory_space<hbm>>) dst(%dma_wait3A_1018 : memref<64x8x128xf32, #tpu.memory_space<vmem>>)
    %mul3A_1023 = arith.constant 3224 : i32
    %mul3A_1024 = arith.muli %select_n3A_986, %mul3A_1023 : i32
    %add3A_1025 = arith.constant 152 : i32
    %add3A_1026 = arith.addi %mul3A_1024, %add3A_1025 : i32
    %add3A_1027 = arith.constant 1024 : i32
    %add3A_1028 = arith.addi %add3A_1026, %add3A_1027 : i32
    %mul3A_1029 = arith.constant 64 : i32
    %mul3A_1030 = arith.muli %select_n3A_1002, %mul3A_1029 : i32
    %add3A_1031 = arith.addi %add3A_1028, %mul3A_1030 : i32
    "tpu.region"() ({
      %run_scoped3A = tpu.sem_alloc : memref<!tpu.dma_semaphore, #tpu.memory_space<semaphore_mem>>
      %dma_start3A_1742 = arith.constant 0 : i32
      %dma_start3A_1743 = arith.constant 0 : i32
      %dma_start3A_1744 = arith.constant 0 : i32
      %dma_start3A_1745 = tpu.memref_slice %arg13[%dma_start3A_1742, %dma_start3A_1743, %dma_start3A_1744] : memref<80x8x128xf32, #tpu.memory_space<vmem>> -> memref<64x8x128xf32, #tpu.memory_space<vmem>>
      %dma_start3A_1746 = arith.constant 0 : i32
      %dma_start3A_1747 = arith.constant 0 : i32
      %dma_start3A_1748 = tpu.memref_slice %arg10[%add3A_1031, %dma_start3A_1746, %dma_start3A_1747] : memref<51584x8x128xf32, #tpu.memory_space<hbm>> -> memref<64x8x128xf32, #tpu.memory_space<hbm>>
      %dma_start3A_1749 = arith.constant 0 : i32
      %dma_start3A_1750 = arith.constant 0 : i32
      %dma_start3A_1751 = tpu.memref_slice %arg10[%add3A_1031, %dma_start3A_1749, %dma_start3A_1750] : memref<51584x8x128xf32, #tpu.memory_space<hbm>> -> memref<64x8x128xf32, #tpu.memory_space<hbm>>
      %dma_start3A_1752 = arith.constant 0 : i32
      %dma_start3A_1753 = arith.constant 0 : i32
      %dma_start3A_1754 = arith.constant 0 : i32
      %dma_start3A_1755 = tpu.memref_slice %arg13[%dma_start3A_1752, %dma_start3A_1753, %dma_start3A_1754] : memref<80x8x128xf32, #tpu.memory_space<vmem>> -> memref<64x8x128xf32, #tpu.memory_space<vmem>>
      tpu.enqueue_dma source(%dma_start3A_1755 : memref<64x8x128xf32, #tpu.memory_space<vmem>>) target(%dma_start3A_1751 : memref<64x8x128xf32, #tpu.memory_space<hbm>>) target_semaphore(%run_scoped3A : memref<!tpu.dma_semaphore, #tpu.memory_space<semaphore_mem>>)
      %dma_wait3A_1756 = arith.constant 0 : i32
      %dma_wait3A_1757 = arith.constant 0 : i32
      %dma_wait3A_1758 = arith.constant 0 : i32
      %dma_wait3A_1759 = tpu.memref_slice %arg13[%dma_wait3A_1756, %dma_wait3A_1757, %dma_wait3A_1758] : memref<80x8x128xf32, #tpu.memory_space<vmem>> -> memref<64x8x128xf32, #tpu.memory_space<vmem>>
      %dma_wait3A_1760 = arith.constant 0 : i32
      %dma_wait3A_1761 = arith.constant 0 : i32
      %dma_wait3A_1762 = tpu.memref_slice %arg10[%add3A_1031, %dma_wait3A_1760, %dma_wait3A_1761] : memref<51584x8x128xf32, #tpu.memory_space<hbm>> -> memref<64x8x128xf32, #tpu.memory_space<hbm>>
      %dma_wait3A_1763 = arith.constant 0 : i32
      %dma_wait3A_1764 = arith.constant 0 : i32
      %dma_wait3A_1765 = tpu.memref_slice %arg10[%add3A_1031, %dma_wait3A_1763, %dma_wait3A_1764] : memref<51584x8x128xf32, #tpu.memory_space<hbm>> -> memref<64x8x128xf32, #tpu.memory_space<hbm>>
      %dma_wait3A_1766 = arith.constant 0 : i32
      %dma_wait3A_1767 = arith.constant 0 : i32
      %dma_wait3A_1768 = arith.constant 0 : i32
      %dma_wait3A_1769 = tpu.memref_slice %arg13[%dma_wait3A_1766, %dma_wait3A_1767, %dma_wait3A_1768] : memref<80x8x128xf32, #tpu.memory_space<vmem>> -> memref<64x8x128xf32, #tpu.memory_space<vmem>>
      tpu.wait_dma2 semaphore(%run_scoped3A : memref<!tpu.dma_semaphore, #tpu.memory_space<semaphore_mem>>) src(%dma_wait3A_1769 : memref<64x8x128xf32, #tpu.memory_space<vmem>>) dst(%dma_wait3A_1765 : memref<64x8x128xf32, #tpu.memory_space<hbm>>)
      tpu.yield
    }) : () -> ()
    %add3A_1032 = arith.constant 192 : i32
    %add3A_1033 = arith.addi %add3A, %add3A_1032 : i32
    %jit3A_1034 = arith.constant 32 : i32
    %div3A_1035 = arith.divsi %add3A_1033, %jit3A_1034 : i32
    %sign3A_1036 = arith.constant 0 : i32
    %sign3A_1037 = arith.cmpi sgt, %add3A_1033, %sign3A_1036 : i32
    %sign3A_1038 = arith.extui %sign3A_1037 : i1 to i32
    %sign3A_1039 = arith.constant 0 : i32
    %sign3A_1040 = arith.cmpi slt, %add3A_1033, %sign3A_1039 : i32
    %sign3A_1041 = arith.extui %sign3A_1040 : i1 to i32
    %sign3A_1042 = arith.subi %sign3A_1038, %sign3A_1041 : i32
    %sign3A_1043 = arith.constant 0 : i32
    %sign3A_1044 = arith.cmpi sgt, %jit3A_1034, %sign3A_1043 : i32
    %sign3A_1045 = arith.extui %sign3A_1044 : i1 to i32
    %sign3A_1046 = arith.constant 0 : i32
    %sign3A_1047 = arith.cmpi slt, %jit3A_1034, %sign3A_1046 : i32
    %sign3A_1048 = arith.extui %sign3A_1047 : i1 to i32
    %sign3A_1049 = arith.subi %sign3A_1045, %sign3A_1048 : i32
    %ne3A_1050 = arith.cmpi ne, %sign3A_1042, %sign3A_1049 : i32
    %rem3A_1051 = arith.remsi %add3A_1033, %jit3A_1034 : i32
    %ne3A_1052 = arith.constant 0 : i32
    %ne3A_1053 = arith.cmpi ne, %rem3A_1051, %ne3A_1052 : i32
    %and3A_1054 = arith.andi %ne3A_1050, %ne3A_1053 : i1
    %sub3A_1055 = arith.constant 1 : i32
    %sub3A_1056 = arith.subi %div3A_1035, %sub3A_1055 : i32
    %select_n3A_1057 = arith.select %and3A_1054, %sub3A_1056, %div3A_1035 : i32
    %jit3A_1058 = arith.constant 32 : i32
    %eq3A_1059 = arith.constant 0 : i32
    %eq3A_1060 = arith.cmpi eq, %jit3A_1058, %eq3A_1059 : i32
    %jit3A_1061 = arith.constant 1 : i32
    %select_n3A_1062 = arith.select %eq3A_1060, %jit3A_1061, %jit3A_1058 : i32
    %rem3A_1063 = arith.remsi %add3A_1033, %select_n3A_1062 : i32
    %ne3A_1064 = arith.constant 0 : i32
    %ne3A_1065 = arith.cmpi ne, %rem3A_1063, %ne3A_1064 : i32
    %lt3A_1066 = arith.constant 0 : i32
    %lt3A_1067 = arith.cmpi slt, %rem3A_1063, %lt3A_1066 : i32
    %lt3A_1068 = arith.constant 0 : i32
    %lt3A_1069 = arith.cmpi slt, %select_n3A_1062, %lt3A_1068 : i32
    %ne3A_1070 = arith.xori %lt3A_1067, %lt3A_1069 : i1
    %and3A_1071 = arith.andi %ne3A_1070, %ne3A_1065 : i1
    %add3A_1072 = arith.addi %rem3A_1063, %select_n3A_1062 : i32
    %select_n3A_1073 = arith.select %and3A_1071, %add3A_1072, %rem3A_1063 : i32
    %mul3A_1074 = arith.constant 64 : i32
    %mul3A_1075 = arith.muli %add3A_1033, %mul3A_1074 : i32
    "tpu.region"() ({
      %run_scoped3A = tpu.sem_alloc : memref<!tpu.dma_semaphore, #tpu.memory_space<semaphore_mem>>
      %dma_start3A_1742 = tpu.memref_slice %arg5[%mul3A_1075] : memref<32768xi32, #tpu.memory_space<hbm>> -> memref<64xi32, #tpu.memory_space<hbm>>
      %dma_start3A_1743 = tpu.memref_slice %arg5[%mul3A_1075] : memref<32768xi32, #tpu.memory_space<hbm>> -> memref<64xi32, #tpu.memory_space<hbm>>
      tpu.enqueue_dma source(%dma_start3A_1743 : memref<64xi32, #tpu.memory_space<hbm>>) target(%arg12 : memref<64xi32, #tpu.memory_space<vmem>>) target_semaphore(%run_scoped3A : memref<!tpu.dma_semaphore, #tpu.memory_space<semaphore_mem>>)
      %dma_wait3A_1744 = tpu.memref_slice %arg5[%mul3A_1075] : memref<32768xi32, #tpu.memory_space<hbm>> -> memref<64xi32, #tpu.memory_space<hbm>>
      %dma_wait3A_1745 = tpu.memref_slice %arg5[%mul3A_1075] : memref<32768xi32, #tpu.memory_space<hbm>> -> memref<64xi32, #tpu.memory_space<hbm>>
      tpu.wait_dma2 semaphore(%run_scoped3A : memref<!tpu.dma_semaphore, #tpu.memory_space<semaphore_mem>>) src(%dma_wait3A_1745 : memref<64xi32, #tpu.memory_space<hbm>>) dst(%arg12 : memref<64xi32, #tpu.memory_space<vmem>>)
      tpu.yield
    }) : () -> ()
    %mul3A_1076 = arith.constant 64 : i32
    %mul3A_1077 = arith.muli %select_n3A_1073, %mul3A_1076 : i32
    "tpu.region"() ({
      %run_scoped3A = tpu.sem_alloc : memref<!tpu.dma_semaphore, #tpu.memory_space<semaphore_mem>>
      %dma_start3A_1742 = arith.constant 0 : i32
      %dma_start3A_1743 = arith.constant 0 : i32
      %dma_start3A_1744 = arith.constant 0 : i32
      %dma_start3A_1745 = tpu.memref_slice %arg13[%dma_start3A_1742, %dma_start3A_1743, %dma_start3A_1744] : memref<80x8x128xf32, #tpu.memory_space<vmem>> -> memref<64x8x128xf32, #tpu.memory_space<vmem>>
      %dma_start3A_1746 = arith.constant 0 : i32
      %dma_start3A_1747 = arith.constant 0 : i32
      %dma_start3A_1748 = tpu.memref_slice %arg9[%mul3A_1077, %dma_start3A_1746, %dma_start3A_1747] : memref<4096x8x128xf32, #tpu.memory_space<hbm>> -> memref<64x8x128xf32, #tpu.memory_space<hbm>>
      %dma_start3A_1749 = arith.constant 0 : i32
      %dma_start3A_1750 = arith.constant 0 : i32
      %dma_start3A_1751 = arith.constant 0 : i32
      %dma_start3A_1752 = tpu.memref_slice %arg13[%dma_start3A_1749, %dma_start3A_1750, %dma_start3A_1751] : memref<80x8x128xf32, #tpu.memory_space<vmem>> -> memref<64x8x128xf32, #tpu.memory_space<vmem>>
      %dma_start3A_1753 = arith.constant 0 : i32
      %dma_start3A_1754 = arith.constant 0 : i32
      %dma_start3A_1755 = tpu.memref_slice %arg9[%mul3A_1077, %dma_start3A_1753, %dma_start3A_1754] : memref<4096x8x128xf32, #tpu.memory_space<hbm>> -> memref<64x8x128xf32, #tpu.memory_space<hbm>>
      tpu.enqueue_dma source(%dma_start3A_1755 : memref<64x8x128xf32, #tpu.memory_space<hbm>>) target(%dma_start3A_1752 : memref<64x8x128xf32, #tpu.memory_space<vmem>>) target_semaphore(%run_scoped3A : memref<!tpu.dma_semaphore, #tpu.memory_space<semaphore_mem>>)
      %dma_wait3A_1756 = arith.constant 0 : i32
      %dma_wait3A_1757 = arith.constant 0 : i32
      %dma_wait3A_1758 = arith.constant 0 : i32
      %dma_wait3A_1759 = tpu.memref_slice %arg13[%dma_wait3A_1756, %dma_wait3A_1757, %dma_wait3A_1758] : memref<80x8x128xf32, #tpu.memory_space<vmem>> -> memref<64x8x128xf32, #tpu.memory_space<vmem>>
      %dma_wait3A_1760 = arith.constant 0 : i32
      %dma_wait3A_1761 = arith.constant 0 : i32
      %dma_wait3A_1762 = tpu.memref_slice %arg9[%mul3A_1077, %dma_wait3A_1760, %dma_wait3A_1761] : memref<4096x8x128xf32, #tpu.memory_space<hbm>> -> memref<64x8x128xf32, #tpu.memory_space<hbm>>
      %dma_wait3A_1763 = arith.constant 0 : i32
      %dma_wait3A_1764 = arith.constant 0 : i32
      %dma_wait3A_1765 = arith.constant 0 : i32
      %dma_wait3A_1766 = tpu.memref_slice %arg13[%dma_wait3A_1763, %dma_wait3A_1764, %dma_wait3A_1765] : memref<80x8x128xf32, #tpu.memory_space<vmem>> -> memref<64x8x128xf32, #tpu.memory_space<vmem>>
      %dma_wait3A_1767 = arith.constant 0 : i32
      %dma_wait3A_1768 = arith.constant 0 : i32
      %dma_wait3A_1769 = tpu.memref_slice %arg9[%mul3A_1077, %dma_wait3A_1767, %dma_wait3A_1768] : memref<4096x8x128xf32, #tpu.memory_space<hbm>> -> memref<64x8x128xf32, #tpu.memory_space<hbm>>
      tpu.wait_dma2 semaphore(%run_scoped3A : memref<!tpu.dma_semaphore, #tpu.memory_space<semaphore_mem>>) src(%dma_wait3A_1769 : memref<64x8x128xf32, #tpu.memory_space<hbm>>) dst(%dma_wait3A_1766 : memref<64x8x128xf32, #tpu.memory_space<vmem>>)
      tpu.yield
    }) : () -> ()
    %dma_start3A_1078 = arith.constant 0 : i32
    %dma_start3A_1079 = arith.constant 0 : i32
    %dma_start3A_1080 = arith.constant 0 : i32
    %dma_start3A_1081 = tpu.memref_slice %arg13[%dma_start3A_1078, %dma_start3A_1079, %dma_start3A_1080] : memref<80x8x128xf32, #tpu.memory_space<vmem>> -> memref<64x8x128xf32, #tpu.memory_space<vmem>>
    %dma_start3A_1082 = arith.constant 0 : i32
    %dma_start3A_1083 = arith.constant 0 : i32
    %dma_start3A_1084 = arith.constant 0 : i32
    %dma_start3A_1085 = tpu.memref_slice %arg7[%dma_start3A_1082, %dma_start3A_1083, %dma_start3A_1084] : memref<8194x8x128xf32, #tpu.memory_space<hbm>> -> memref<8194x8x128xf32, #tpu.memory_space<hbm>>
    tpu.enqueue_indirect_dma source(%dma_start3A_1085 : memref<8194x8x128xf32, #tpu.memory_space<hbm>>) target(%dma_start3A_1081 : memref<64x8x128xf32, #tpu.memory_space<vmem>>) offsets(%arg12 : memref<64xi32, #tpu.memory_space<vmem>>) semaphore(%arg14 : memref<!tpu.dma_semaphore, #tpu.memory_space<semaphore_mem>>) {add = true}
    %dma_wait3A_1086 = arith.constant 0 : i32
    %dma_wait3A_1087 = arith.constant 0 : i32
    %dma_wait3A_1088 = arith.constant 0 : i32
    %dma_wait3A_1089 = tpu.memref_slice %arg13[%dma_wait3A_1086, %dma_wait3A_1087, %dma_wait3A_1088] : memref<80x8x128xf32, #tpu.memory_space<vmem>> -> memref<64x8x128xf32, #tpu.memory_space<vmem>>
    %dma_wait3A_1090 = arith.constant 0 : i32
    %dma_wait3A_1091 = arith.constant 0 : i32
    %dma_wait3A_1092 = arith.constant 0 : i32
    %dma_wait3A_1093 = tpu.memref_slice %arg7[%dma_wait3A_1090, %dma_wait3A_1091, %dma_wait3A_1092] : memref<8194x8x128xf32, #tpu.memory_space<hbm>> -> memref<8194x8x128xf32, #tpu.memory_space<hbm>>
    tpu.wait_indirect_dma semaphore(%arg14 : memref<!tpu.dma_semaphore, #tpu.memory_space<semaphore_mem>>) src(%dma_wait3A_1093 : memref<8194x8x128xf32, #tpu.memory_space<hbm>>) dst(%dma_wait3A_1089 : memref<64x8x128xf32, #tpu.memory_space<vmem>>)
    %mul3A_1094 = arith.constant 3224 : i32
    %mul3A_1095 = arith.muli %select_n3A_1057, %mul3A_1094 : i32
    %add3A_1096 = arith.constant 152 : i32
    %add3A_1097 = arith.addi %mul3A_1095, %add3A_1096 : i32
    %add3A_1098 = arith.constant 1024 : i32
    %add3A_1099 = arith.addi %add3A_1097, %add3A_1098 : i32
    %mul3A_1100 = arith.constant 64 : i32
    %mul3A_1101 = arith.muli %select_n3A_1073, %mul3A_1100 : i32
    %add3A_1102 = arith.addi %add3A_1099, %mul3A_1101 : i32
    "tpu.region"() ({
      %run_scoped3A = tpu.sem_alloc : memref<!tpu.dma_semaphore, #tpu.memory_space<semaphore_mem>>
      %dma_start3A_1742 = arith.constant 0 : i32
      %dma_start3A_1743 = arith.constant 0 : i32
      %dma_start3A_1744 = arith.constant 0 : i32
      %dma_start3A_1745 = tpu.memref_slice %arg13[%dma_start3A_1742, %dma_start3A_1743, %dma_start3A_1744] : memref<80x8x128xf32, #tpu.memory_space<vmem>> -> memref<64x8x128xf32, #tpu.memory_space<vmem>>
      %dma_start3A_1746 = arith.constant 0 : i32
      %dma_start3A_1747 = arith.constant 0 : i32
      %dma_start3A_1748 = tpu.memref_slice %arg10[%add3A_1102, %dma_start3A_1746, %dma_start3A_1747] : memref<51584x8x128xf32, #tpu.memory_space<hbm>> -> memref<64x8x128xf32, #tpu.memory_space<hbm>>
      %dma_start3A_1749 = arith.constant 0 : i32
      %dma_start3A_1750 = arith.constant 0 : i32
      %dma_start3A_1751 = tpu.memref_slice %arg10[%add3A_1102, %dma_start3A_1749, %dma_start3A_1750] : memref<51584x8x128xf32, #tpu.memory_space<hbm>> -> memref<64x8x128xf32, #tpu.memory_space<hbm>>
      %dma_start3A_1752 = arith.constant 0 : i32
      %dma_start3A_1753 = arith.constant 0 : i32
      %dma_start3A_1754 = arith.constant 0 : i32
      %dma_start3A_1755 = tpu.memref_slice %arg13[%dma_start3A_1752, %dma_start3A_1753, %dma_start3A_1754] : memref<80x8x128xf32, #tpu.memory_space<vmem>> -> memref<64x8x128xf32, #tpu.memory_space<vmem>>
      tpu.enqueue_dma source(%dma_start3A_1755 : memref<64x8x128xf32, #tpu.memory_space<vmem>>) target(%dma_start3A_1751 : memref<64x8x128xf32, #tpu.memory_space<hbm>>) target_semaphore(%run_scoped3A : memref<!tpu.dma_semaphore, #tpu.memory_space<semaphore_mem>>)
      %dma_wait3A_1756 = arith.constant 0 : i32
      %dma_wait3A_1757 = arith.constant 0 : i32
      %dma_wait3A_1758 = arith.constant 0 : i32
      %dma_wait3A_1759 = tpu.memref_slice %arg13[%dma_wait3A_1756, %dma_wait3A_1757, %dma_wait3A_1758] : memref<80x8x128xf32, #tpu.memory_space<vmem>> -> memref<64x8x128xf32, #tpu.memory_space<vmem>>
      %dma_wait3A_1760 = arith.constant 0 : i32
      %dma_wait3A_1761 = arith.constant 0 : i32
      %dma_wait3A_1762 = tpu.memref_slice %arg10[%add3A_1102, %dma_wait3A_1760, %dma_wait3A_1761] : memref<51584x8x128xf32, #tpu.memory_space<hbm>> -> memref<64x8x128xf32, #tpu.memory_space<hbm>>
      %dma_wait3A_1763 = arith.constant 0 : i32
      %dma_wait3A_1764 = arith.constant 0 : i32
      %dma_wait3A_1765 = tpu.memref_slice %arg10[%add3A_1102, %dma_wait3A_1763, %dma_wait3A_1764] : memref<51584x8x128xf32, #tpu.memory_space<hbm>> -> memref<64x8x128xf32, #tpu.memory_space<hbm>>
      %dma_wait3A_1766 = arith.constant 0 : i32
      %dma_wait3A_1767 = arith.constant 0 : i32
      %dma_wait3A_1768 = arith.constant 0 : i32
      %dma_wait3A_1769 = tpu.memref_slice %arg13[%dma_wait3A_1766, %dma_wait3A_1767, %dma_wait3A_1768] : memref<80x8x128xf32, #tpu.memory_space<vmem>> -> memref<64x8x128xf32, #tpu.memory_space<vmem>>
      tpu.wait_dma2 semaphore(%run_scoped3A : memref<!tpu.dma_semaphore, #tpu.memory_space<semaphore_mem>>) src(%dma_wait3A_1769 : memref<64x8x128xf32, #tpu.memory_space<vmem>>) dst(%dma_wait3A_1765 : memref<64x8x128xf32, #tpu.memory_space<hbm>>)
      tpu.yield
    }) : () -> ()
    %add3A_1103 = arith.constant 224 : i32
    %add3A_1104 = arith.addi %add3A, %add3A_1103 : i32
    %jit3A_1105 = arith.constant 32 : i32
    %div3A_1106 = arith.divsi %add3A_1104, %jit3A_1105 : i32
    %sign3A_1107 = arith.constant 0 : i32
    %sign3A_1108 = arith.cmpi sgt, %add3A_1104, %sign3A_1107 : i32
    %sign3A_1109 = arith.extui %sign3A_1108 : i1 to i32
    %sign3A_1110 = arith.constant 0 : i32
    %sign3A_1111 = arith.cmpi slt, %add3A_1104, %sign3A_1110 : i32
    %sign3A_1112 = arith.extui %sign3A_1111 : i1 to i32
    %sign3A_1113 = arith.subi %sign3A_1109, %sign3A_1112 : i32
    %sign3A_1114 = arith.constant 0 : i32
    %sign3A_1115 = arith.cmpi sgt, %jit3A_1105, %sign3A_1114 : i32
    %sign3A_1116 = arith.extui %sign3A_1115 : i1 to i32
    %sign3A_1117 = arith.constant 0 : i32
    %sign3A_1118 = arith.cmpi slt, %jit3A_1105, %sign3A_1117 : i32
    %sign3A_1119 = arith.extui %sign3A_1118 : i1 to i32
    %sign3A_1120 = arith.subi %sign3A_1116, %sign3A_1119 : i32
    %ne3A_1121 = arith.cmpi ne, %sign3A_1113, %sign3A_1120 : i32
    %rem3A_1122 = arith.remsi %add3A_1104, %jit3A_1105 : i32
    %ne3A_1123 = arith.constant 0 : i32
    %ne3A_1124 = arith.cmpi ne, %rem3A_1122, %ne3A_1123 : i32
    %and3A_1125 = arith.andi %ne3A_1121, %ne3A_1124 : i1
    %sub3A_1126 = arith.constant 1 : i32
    %sub3A_1127 = arith.subi %div3A_1106, %sub3A_1126 : i32
    %select_n3A_1128 = arith.select %and3A_1125, %sub3A_1127, %div3A_1106 : i32
    %jit3A_1129 = arith.constant 32 : i32
    %eq3A_1130 = arith.constant 0 : i32
    %eq3A_1131 = arith.cmpi eq, %jit3A_1129, %eq3A_1130 : i32
    %jit3A_1132 = arith.constant 1 : i32
    %select_n3A_1133 = arith.select %eq3A_1131, %jit3A_1132, %jit3A_1129 : i32
    %rem3A_1134 = arith.remsi %add3A_1104, %select_n3A_1133 : i32
    %ne3A_1135 = arith.constant 0 : i32
    %ne3A_1136 = arith.cmpi ne, %rem3A_1134, %ne3A_1135 : i32
    %lt3A_1137 = arith.constant 0 : i32
    %lt3A_1138 = arith.cmpi slt, %rem3A_1134, %lt3A_1137 : i32
    %lt3A_1139 = arith.constant 0 : i32
    %lt3A_1140 = arith.cmpi slt, %select_n3A_1133, %lt3A_1139 : i32
    %ne3A_1141 = arith.xori %lt3A_1138, %lt3A_1140 : i1
    %and3A_1142 = arith.andi %ne3A_1141, %ne3A_1136 : i1
    %add3A_1143 = arith.addi %rem3A_1134, %select_n3A_1133 : i32
    %select_n3A_1144 = arith.select %and3A_1142, %add3A_1143, %rem3A_1134 : i32
    %mul3A_1145 = arith.constant 64 : i32
    %mul3A_1146 = arith.muli %add3A_1104, %mul3A_1145 : i32
    "tpu.region"() ({
      %run_scoped3A = tpu.sem_alloc : memref<!tpu.dma_semaphore, #tpu.memory_space<semaphore_mem>>
      %dma_start3A_1742 = tpu.memref_slice %arg5[%mul3A_1146] : memref<32768xi32, #tpu.memory_space<hbm>> -> memref<64xi32, #tpu.memory_space<hbm>>
      %dma_start3A_1743 = tpu.memref_slice %arg5[%mul3A_1146] : memref<32768xi32, #tpu.memory_space<hbm>> -> memref<64xi32, #tpu.memory_space<hbm>>
      tpu.enqueue_dma source(%dma_start3A_1743 : memref<64xi32, #tpu.memory_space<hbm>>) target(%arg12 : memref<64xi32, #tpu.memory_space<vmem>>) target_semaphore(%run_scoped3A : memref<!tpu.dma_semaphore, #tpu.memory_space<semaphore_mem>>)
      %dma_wait3A_1744 = tpu.memref_slice %arg5[%mul3A_1146] : memref<32768xi32, #tpu.memory_space<hbm>> -> memref<64xi32, #tpu.memory_space<hbm>>
      %dma_wait3A_1745 = tpu.memref_slice %arg5[%mul3A_1146] : memref<32768xi32, #tpu.memory_space<hbm>> -> memref<64xi32, #tpu.memory_space<hbm>>
      tpu.wait_dma2 semaphore(%run_scoped3A : memref<!tpu.dma_semaphore, #tpu.memory_space<semaphore_mem>>) src(%dma_wait3A_1745 : memref<64xi32, #tpu.memory_space<hbm>>) dst(%arg12 : memref<64xi32, #tpu.memory_space<vmem>>)
      tpu.yield
    }) : () -> ()
    %mul3A_1147 = arith.constant 64 : i32
    %mul3A_1148 = arith.muli %select_n3A_1144, %mul3A_1147 : i32
    "tpu.region"() ({
      %run_scoped3A = tpu.sem_alloc : memref<!tpu.dma_semaphore, #tpu.memory_space<semaphore_mem>>
      %dma_start3A_1742 = arith.constant 0 : i32
      %dma_start3A_1743 = arith.constant 0 : i32
      %dma_start3A_1744 = arith.constant 0 : i32
      %dma_start3A_1745 = tpu.memref_slice %arg13[%dma_start3A_1742, %dma_start3A_1743, %dma_start3A_1744] : memref<80x8x128xf32, #tpu.memory_space<vmem>> -> memref<64x8x128xf32, #tpu.memory_space<vmem>>
      %dma_start3A_1746 = arith.constant 0 : i32
      %dma_start3A_1747 = arith.constant 0 : i32
      %dma_start3A_1748 = tpu.memref_slice %arg9[%mul3A_1148, %dma_start3A_1746, %dma_start3A_1747] : memref<4096x8x128xf32, #tpu.memory_space<hbm>> -> memref<64x8x128xf32, #tpu.memory_space<hbm>>
      %dma_start3A_1749 = arith.constant 0 : i32
      %dma_start3A_1750 = arith.constant 0 : i32
      %dma_start3A_1751 = arith.constant 0 : i32
      %dma_start3A_1752 = tpu.memref_slice %arg13[%dma_start3A_1749, %dma_start3A_1750, %dma_start3A_1751] : memref<80x8x128xf32, #tpu.memory_space<vmem>> -> memref<64x8x128xf32, #tpu.memory_space<vmem>>
      %dma_start3A_1753 = arith.constant 0 : i32
      %dma_start3A_1754 = arith.constant 0 : i32
      %dma_start3A_1755 = tpu.memref_slice %arg9[%mul3A_1148, %dma_start3A_1753, %dma_start3A_1754] : memref<4096x8x128xf32, #tpu.memory_space<hbm>> -> memref<64x8x128xf32, #tpu.memory_space<hbm>>
      tpu.enqueue_dma source(%dma_start3A_1755 : memref<64x8x128xf32, #tpu.memory_space<hbm>>) target(%dma_start3A_1752 : memref<64x8x128xf32, #tpu.memory_space<vmem>>) target_semaphore(%run_scoped3A : memref<!tpu.dma_semaphore, #tpu.memory_space<semaphore_mem>>)
      %dma_wait3A_1756 = arith.constant 0 : i32
      %dma_wait3A_1757 = arith.constant 0 : i32
      %dma_wait3A_1758 = arith.constant 0 : i32
      %dma_wait3A_1759 = tpu.memref_slice %arg13[%dma_wait3A_1756, %dma_wait3A_1757, %dma_wait3A_1758] : memref<80x8x128xf32, #tpu.memory_space<vmem>> -> memref<64x8x128xf32, #tpu.memory_space<vmem>>
      %dma_wait3A_1760 = arith.constant 0 : i32
      %dma_wait3A_1761 = arith.constant 0 : i32
      %dma_wait3A_1762 = tpu.memref_slice %arg9[%mul3A_1148, %dma_wait3A_1760, %dma_wait3A_1761] : memref<4096x8x128xf32, #tpu.memory_space<hbm>> -> memref<64x8x128xf32, #tpu.memory_space<hbm>>
      %dma_wait3A_1763 = arith.constant 0 : i32
      %dma_wait3A_1764 = arith.constant 0 : i32
      %dma_wait3A_1765 = arith.constant 0 : i32
      %dma_wait3A_1766 = tpu.memref_slice %arg13[%dma_wait3A_1763, %dma_wait3A_1764, %dma_wait3A_1765] : memref<80x8x128xf32, #tpu.memory_space<vmem>> -> memref<64x8x128xf32, #tpu.memory_space<vmem>>
      %dma_wait3A_1767 = arith.constant 0 : i32
      %dma_wait3A_1768 = arith.constant 0 : i32
      %dma_wait3A_1769 = tpu.memref_slice %arg9[%mul3A_1148, %dma_wait3A_1767, %dma_wait3A_1768] : memref<4096x8x128xf32, #tpu.memory_space<hbm>> -> memref<64x8x128xf32, #tpu.memory_space<hbm>>
      tpu.wait_dma2 semaphore(%run_scoped3A : memref<!tpu.dma_semaphore, #tpu.memory_space<semaphore_mem>>) src(%dma_wait3A_1769 : memref<64x8x128xf32, #tpu.memory_space<hbm>>) dst(%dma_wait3A_1766 : memref<64x8x128xf32, #tpu.memory_space<vmem>>)
      tpu.yield
    }) : () -> ()
    %dma_start3A_1149 = arith.constant 0 : i32
    %dma_start3A_1150 = arith.constant 0 : i32
    %dma_start3A_1151 = arith.constant 0 : i32
    %dma_start3A_1152 = tpu.memref_slice %arg13[%dma_start3A_1149, %dma_start3A_1150, %dma_start3A_1151] : memref<80x8x128xf32, #tpu.memory_space<vmem>> -> memref<64x8x128xf32, #tpu.memory_space<vmem>>
    %dma_start3A_1153 = arith.constant 0 : i32
    %dma_start3A_1154 = arith.constant 0 : i32
    %dma_start3A_1155 = arith.constant 0 : i32
    %dma_start3A_1156 = tpu.memref_slice %arg7[%dma_start3A_1153, %dma_start3A_1154, %dma_start3A_1155] : memref<8194x8x128xf32, #tpu.memory_space<hbm>> -> memref<8194x8x128xf32, #tpu.memory_space<hbm>>
    tpu.enqueue_indirect_dma source(%dma_start3A_1156 : memref<8194x8x128xf32, #tpu.memory_space<hbm>>) target(%dma_start3A_1152 : memref<64x8x128xf32, #tpu.memory_space<vmem>>) offsets(%arg12 : memref<64xi32, #tpu.memory_space<vmem>>) semaphore(%arg14 : memref<!tpu.dma_semaphore, #tpu.memory_space<semaphore_mem>>) {add = true}
    %dma_wait3A_1157 = arith.constant 0 : i32
    %dma_wait3A_1158 = arith.constant 0 : i32
    %dma_wait3A_1159 = arith.constant 0 : i32
    %dma_wait3A_1160 = tpu.memref_slice %arg13[%dma_wait3A_1157, %dma_wait3A_1158, %dma_wait3A_1159] : memref<80x8x128xf32, #tpu.memory_space<vmem>> -> memref<64x8x128xf32, #tpu.memory_space<vmem>>
    %dma_wait3A_1161 = arith.constant 0 : i32
    %dma_wait3A_1162 = arith.constant 0 : i32
    %dma_wait3A_1163 = arith.constant 0 : i32
    %dma_wait3A_1164 = tpu.memref_slice %arg7[%dma_wait3A_1161, %dma_wait3A_1162, %dma_wait3A_1163] : memref<8194x8x128xf32, #tpu.memory_space<hbm>> -> memref<8194x8x128xf32, #tpu.memory_space<hbm>>
    tpu.wait_indirect_dma semaphore(%arg14 : memref<!tpu.dma_semaphore, #tpu.memory_space<semaphore_mem>>) src(%dma_wait3A_1164 : memref<8194x8x128xf32, #tpu.memory_space<hbm>>) dst(%dma_wait3A_1160 : memref<64x8x128xf32, #tpu.memory_space<vmem>>)
    %mul3A_1165 = arith.constant 3224 : i32
    %mul3A_1166 = arith.muli %select_n3A_1128, %mul3A_1165 : i32
    %add3A_1167 = arith.constant 152 : i32
    %add3A_1168 = arith.addi %mul3A_1166, %add3A_1167 : i32
    %add3A_1169 = arith.constant 1024 : i32
    %add3A_1170 = arith.addi %add3A_1168, %add3A_1169 : i32
    %mul3A_1171 = arith.constant 64 : i32
    %mul3A_1172 = arith.muli %select_n3A_1144, %mul3A_1171 : i32
    %add3A_1173 = arith.addi %add3A_1170, %mul3A_1172 : i32
    "tpu.region"() ({
      %run_scoped3A = tpu.sem_alloc : memref<!tpu.dma_semaphore, #tpu.memory_space<semaphore_mem>>
      %dma_start3A_1742 = arith.constant 0 : i32
      %dma_start3A_1743 = arith.constant 0 : i32
      %dma_start3A_1744 = arith.constant 0 : i32
      %dma_start3A_1745 = tpu.memref_slice %arg13[%dma_start3A_1742, %dma_start3A_1743, %dma_start3A_1744] : memref<80x8x128xf32, #tpu.memory_space<vmem>> -> memref<64x8x128xf32, #tpu.memory_space<vmem>>
      %dma_start3A_1746 = arith.constant 0 : i32
      %dma_start3A_1747 = arith.constant 0 : i32
      %dma_start3A_1748 = tpu.memref_slice %arg10[%add3A_1173, %dma_start3A_1746, %dma_start3A_1747] : memref<51584x8x128xf32, #tpu.memory_space<hbm>> -> memref<64x8x128xf32, #tpu.memory_space<hbm>>
      %dma_start3A_1749 = arith.constant 0 : i32
      %dma_start3A_1750 = arith.constant 0 : i32
      %dma_start3A_1751 = tpu.memref_slice %arg10[%add3A_1173, %dma_start3A_1749, %dma_start3A_1750] : memref<51584x8x128xf32, #tpu.memory_space<hbm>> -> memref<64x8x128xf32, #tpu.memory_space<hbm>>
      %dma_start3A_1752 = arith.constant 0 : i32
      %dma_start3A_1753 = arith.constant 0 : i32
      %dma_start3A_1754 = arith.constant 0 : i32
      %dma_start3A_1755 = tpu.memref_slice %arg13[%dma_start3A_1752, %dma_start3A_1753, %dma_start3A_1754] : memref<80x8x128xf32, #tpu.memory_space<vmem>> -> memref<64x8x128xf32, #tpu.memory_space<vmem>>
      tpu.enqueue_dma source(%dma_start3A_1755 : memref<64x8x128xf32, #tpu.memory_space<vmem>>) target(%dma_start3A_1751 : memref<64x8x128xf32, #tpu.memory_space<hbm>>) target_semaphore(%run_scoped3A : memref<!tpu.dma_semaphore, #tpu.memory_space<semaphore_mem>>)
      %dma_wait3A_1756 = arith.constant 0 : i32
      %dma_wait3A_1757 = arith.constant 0 : i32
      %dma_wait3A_1758 = arith.constant 0 : i32
      %dma_wait3A_1759 = tpu.memref_slice %arg13[%dma_wait3A_1756, %dma_wait3A_1757, %dma_wait3A_1758] : memref<80x8x128xf32, #tpu.memory_space<vmem>> -> memref<64x8x128xf32, #tpu.memory_space<vmem>>
      %dma_wait3A_1760 = arith.constant 0 : i32
      %dma_wait3A_1761 = arith.constant 0 : i32
      %dma_wait3A_1762 = tpu.memref_slice %arg10[%add3A_1173, %dma_wait3A_1760, %dma_wait3A_1761] : memref<51584x8x128xf32, #tpu.memory_space<hbm>> -> memref<64x8x128xf32, #tpu.memory_space<hbm>>
      %dma_wait3A_1763 = arith.constant 0 : i32
      %dma_wait3A_1764 = arith.constant 0 : i32
      %dma_wait3A_1765 = tpu.memref_slice %arg10[%add3A_1173, %dma_wait3A_1763, %dma_wait3A_1764] : memref<51584x8x128xf32, #tpu.memory_space<hbm>> -> memref<64x8x128xf32, #tpu.memory_space<hbm>>
      %dma_wait3A_1766 = arith.constant 0 : i32
      %dma_wait3A_1767 = arith.constant 0 : i32
      %dma_wait3A_1768 = arith.constant 0 : i32
      %dma_wait3A_1769 = tpu.memref_slice %arg13[%dma_wait3A_1766, %dma_wait3A_1767, %dma_wait3A_1768] : memref<80x8x128xf32, #tpu.memory_space<vmem>> -> memref<64x8x128xf32, #tpu.memory_space<vmem>>
      tpu.wait_dma2 semaphore(%run_scoped3A : memref<!tpu.dma_semaphore, #tpu.memory_space<semaphore_mem>>) src(%dma_wait3A_1769 : memref<64x8x128xf32, #tpu.memory_space<vmem>>) dst(%dma_wait3A_1765 : memref<64x8x128xf32, #tpu.memory_space<hbm>>)
      tpu.yield
    }) : () -> ()
    %add3A_1174 = arith.constant 256 : i32
    %add3A_1175 = arith.addi %add3A, %add3A_1174 : i32
    %jit3A_1176 = arith.constant 32 : i32
    %div3A_1177 = arith.divsi %add3A_1175, %jit3A_1176 : i32
    %sign3A_1178 = arith.constant 0 : i32
    %sign3A_1179 = arith.cmpi sgt, %add3A_1175, %sign3A_1178 : i32
    %sign3A_1180 = arith.extui %sign3A_1179 : i1 to i32
    %sign3A_1181 = arith.constant 0 : i32
    %sign3A_1182 = arith.cmpi slt, %add3A_1175, %sign3A_1181 : i32
    %sign3A_1183 = arith.extui %sign3A_1182 : i1 to i32
    %sign3A_1184 = arith.subi %sign3A_1180, %sign3A_1183 : i32
    %sign3A_1185 = arith.constant 0 : i32
    %sign3A_1186 = arith.cmpi sgt, %jit3A_1176, %sign3A_1185 : i32
    %sign3A_1187 = arith.extui %sign3A_1186 : i1 to i32
    %sign3A_1188 = arith.constant 0 : i32
    %sign3A_1189 = arith.cmpi slt, %jit3A_1176, %sign3A_1188 : i32
    %sign3A_1190 = arith.extui %sign3A_1189 : i1 to i32
    %sign3A_1191 = arith.subi %sign3A_1187, %sign3A_1190 : i32
    %ne3A_1192 = arith.cmpi ne, %sign3A_1184, %sign3A_1191 : i32
    %rem3A_1193 = arith.remsi %add3A_1175, %jit3A_1176 : i32
    %ne3A_1194 = arith.constant 0 : i32
    %ne3A_1195 = arith.cmpi ne, %rem3A_1193, %ne3A_1194 : i32
    %and3A_1196 = arith.andi %ne3A_1192, %ne3A_1195 : i1
    %sub3A_1197 = arith.constant 1 : i32
    %sub3A_1198 = arith.subi %div3A_1177, %sub3A_1197 : i32
    %select_n3A_1199 = arith.select %and3A_1196, %sub3A_1198, %div3A_1177 : i32
    %jit3A_1200 = arith.constant 32 : i32
    %eq3A_1201 = arith.constant 0 : i32
    %eq3A_1202 = arith.cmpi eq, %jit3A_1200, %eq3A_1201 : i32
    %jit3A_1203 = arith.constant 1 : i32
    %select_n3A_1204 = arith.select %eq3A_1202, %jit3A_1203, %jit3A_1200 : i32
    %rem3A_1205 = arith.remsi %add3A_1175, %select_n3A_1204 : i32
    %ne3A_1206 = arith.constant 0 : i32
    %ne3A_1207 = arith.cmpi ne, %rem3A_1205, %ne3A_1206 : i32
    %lt3A_1208 = arith.constant 0 : i32
    %lt3A_1209 = arith.cmpi slt, %rem3A_1205, %lt3A_1208 : i32
    %lt3A_1210 = arith.constant 0 : i32
    %lt3A_1211 = arith.cmpi slt, %select_n3A_1204, %lt3A_1210 : i32
    %ne3A_1212 = arith.xori %lt3A_1209, %lt3A_1211 : i1
    %and3A_1213 = arith.andi %ne3A_1212, %ne3A_1207 : i1
    %add3A_1214 = arith.addi %rem3A_1205, %select_n3A_1204 : i32
    %select_n3A_1215 = arith.select %and3A_1213, %add3A_1214, %rem3A_1205 : i32
    %mul3A_1216 = arith.constant 64 : i32
    %mul3A_1217 = arith.muli %add3A_1175, %mul3A_1216 : i32
    "tpu.region"() ({
      %run_scoped3A = tpu.sem_alloc : memref<!tpu.dma_semaphore, #tpu.memory_space<semaphore_mem>>
      %dma_start3A_1742 = tpu.memref_slice %arg5[%mul3A_1217] : memref<32768xi32, #tpu.memory_space<hbm>> -> memref<64xi32, #tpu.memory_space<hbm>>
      %dma_start3A_1743 = tpu.memref_slice %arg5[%mul3A_1217] : memref<32768xi32, #tpu.memory_space<hbm>> -> memref<64xi32, #tpu.memory_space<hbm>>
      tpu.enqueue_dma source(%dma_start3A_1743 : memref<64xi32, #tpu.memory_space<hbm>>) target(%arg12 : memref<64xi32, #tpu.memory_space<vmem>>) target_semaphore(%run_scoped3A : memref<!tpu.dma_semaphore, #tpu.memory_space<semaphore_mem>>)
      %dma_wait3A_1744 = tpu.memref_slice %arg5[%mul3A_1217] : memref<32768xi32, #tpu.memory_space<hbm>> -> memref<64xi32, #tpu.memory_space<hbm>>
      %dma_wait3A_1745 = tpu.memref_slice %arg5[%mul3A_1217] : memref<32768xi32, #tpu.memory_space<hbm>> -> memref<64xi32, #tpu.memory_space<hbm>>
      tpu.wait_dma2 semaphore(%run_scoped3A : memref<!tpu.dma_semaphore, #tpu.memory_space<semaphore_mem>>) src(%dma_wait3A_1745 : memref<64xi32, #tpu.memory_space<hbm>>) dst(%arg12 : memref<64xi32, #tpu.memory_space<vmem>>)
      tpu.yield
    }) : () -> ()
    %mul3A_1218 = arith.constant 64 : i32
    %mul3A_1219 = arith.muli %select_n3A_1215, %mul3A_1218 : i32
    "tpu.region"() ({
      %run_scoped3A = tpu.sem_alloc : memref<!tpu.dma_semaphore, #tpu.memory_space<semaphore_mem>>
      %dma_start3A_1742 = arith.constant 0 : i32
      %dma_start3A_1743 = arith.constant 0 : i32
      %dma_start3A_1744 = arith.constant 0 : i32
      %dma_start3A_1745 = tpu.memref_slice %arg13[%dma_start3A_1742, %dma_start3A_1743, %dma_start3A_1744] : memref<80x8x128xf32, #tpu.memory_space<vmem>> -> memref<64x8x128xf32, #tpu.memory_space<vmem>>
      %dma_start3A_1746 = arith.constant 0 : i32
      %dma_start3A_1747 = arith.constant 0 : i32
      %dma_start3A_1748 = tpu.memref_slice %arg9[%mul3A_1219, %dma_start3A_1746, %dma_start3A_1747] : memref<4096x8x128xf32, #tpu.memory_space<hbm>> -> memref<64x8x128xf32, #tpu.memory_space<hbm>>
      %dma_start3A_1749 = arith.constant 0 : i32
      %dma_start3A_1750 = arith.constant 0 : i32
      %dma_start3A_1751 = arith.constant 0 : i32
      %dma_start3A_1752 = tpu.memref_slice %arg13[%dma_start3A_1749, %dma_start3A_1750, %dma_start3A_1751] : memref<80x8x128xf32, #tpu.memory_space<vmem>> -> memref<64x8x128xf32, #tpu.memory_space<vmem>>
      %dma_start3A_1753 = arith.constant 0 : i32
      %dma_start3A_1754 = arith.constant 0 : i32
      %dma_start3A_1755 = tpu.memref_slice %arg9[%mul3A_1219, %dma_start3A_1753, %dma_start3A_1754] : memref<4096x8x128xf32, #tpu.memory_space<hbm>> -> memref<64x8x128xf32, #tpu.memory_space<hbm>>
      tpu.enqueue_dma source(%dma_start3A_1755 : memref<64x8x128xf32, #tpu.memory_space<hbm>>) target(%dma_start3A_1752 : memref<64x8x128xf32, #tpu.memory_space<vmem>>) target_semaphore(%run_scoped3A : memref<!tpu.dma_semaphore, #tpu.memory_space<semaphore_mem>>)
      %dma_wait3A_1756 = arith.constant 0 : i32
      %dma_wait3A_1757 = arith.constant 0 : i32
      %dma_wait3A_1758 = arith.constant 0 : i32
      %dma_wait3A_1759 = tpu.memref_slice %arg13[%dma_wait3A_1756, %dma_wait3A_1757, %dma_wait3A_1758] : memref<80x8x128xf32, #tpu.memory_space<vmem>> -> memref<64x8x128xf32, #tpu.memory_space<vmem>>
      %dma_wait3A_1760 = arith.constant 0 : i32
      %dma_wait3A_1761 = arith.constant 0 : i32
      %dma_wait3A_1762 = tpu.memref_slice %arg9[%mul3A_1219, %dma_wait3A_1760, %dma_wait3A_1761] : memref<4096x8x128xf32, #tpu.memory_space<hbm>> -> memref<64x8x128xf32, #tpu.memory_space<hbm>>
      %dma_wait3A_1763 = arith.constant 0 : i32
      %dma_wait3A_1764 = arith.constant 0 : i32
      %dma_wait3A_1765 = arith.constant 0 : i32
      %dma_wait3A_1766 = tpu.memref_slice %arg13[%dma_wait3A_1763, %dma_wait3A_1764, %dma_wait3A_1765] : memref<80x8x128xf32, #tpu.memory_space<vmem>> -> memref<64x8x128xf32, #tpu.memory_space<vmem>>
      %dma_wait3A_1767 = arith.constant 0 : i32
      %dma_wait3A_1768 = arith.constant 0 : i32
      %dma_wait3A_1769 = tpu.memref_slice %arg9[%mul3A_1219, %dma_wait3A_1767, %dma_wait3A_1768] : memref<4096x8x128xf32, #tpu.memory_space<hbm>> -> memref<64x8x128xf32, #tpu.memory_space<hbm>>
      tpu.wait_dma2 semaphore(%run_scoped3A : memref<!tpu.dma_semaphore, #tpu.memory_space<semaphore_mem>>) src(%dma_wait3A_1769 : memref<64x8x128xf32, #tpu.memory_space<hbm>>) dst(%dma_wait3A_1766 : memref<64x8x128xf32, #tpu.memory_space<vmem>>)
      tpu.yield
    }) : () -> ()
    %dma_start3A_1220 = arith.constant 0 : i32
    %dma_start3A_1221 = arith.constant 0 : i32
    %dma_start3A_1222 = arith.constant 0 : i32
    %dma_start3A_1223 = tpu.memref_slice %arg13[%dma_start3A_1220, %dma_start3A_1221, %dma_start3A_1222] : memref<80x8x128xf32, #tpu.memory_space<vmem>> -> memref<64x8x128xf32, #tpu.memory_space<vmem>>
    %dma_start3A_1224 = arith.constant 0 : i32
    %dma_start3A_1225 = arith.constant 0 : i32
    %dma_start3A_1226 = arith.constant 0 : i32
    %dma_start3A_1227 = tpu.memref_slice %arg7[%dma_start3A_1224, %dma_start3A_1225, %dma_start3A_1226] : memref<8194x8x128xf32, #tpu.memory_space<hbm>> -> memref<8194x8x128xf32, #tpu.memory_space<hbm>>
    tpu.enqueue_indirect_dma source(%dma_start3A_1227 : memref<8194x8x128xf32, #tpu.memory_space<hbm>>) target(%dma_start3A_1223 : memref<64x8x128xf32, #tpu.memory_space<vmem>>) offsets(%arg12 : memref<64xi32, #tpu.memory_space<vmem>>) semaphore(%arg14 : memref<!tpu.dma_semaphore, #tpu.memory_space<semaphore_mem>>) {add = true}
    %dma_wait3A_1228 = arith.constant 0 : i32
    %dma_wait3A_1229 = arith.constant 0 : i32
    %dma_wait3A_1230 = arith.constant 0 : i32
    %dma_wait3A_1231 = tpu.memref_slice %arg13[%dma_wait3A_1228, %dma_wait3A_1229, %dma_wait3A_1230] : memref<80x8x128xf32, #tpu.memory_space<vmem>> -> memref<64x8x128xf32, #tpu.memory_space<vmem>>
    %dma_wait3A_1232 = arith.constant 0 : i32
    %dma_wait3A_1233 = arith.constant 0 : i32
    %dma_wait3A_1234 = arith.constant 0 : i32
    %dma_wait3A_1235 = tpu.memref_slice %arg7[%dma_wait3A_1232, %dma_wait3A_1233, %dma_wait3A_1234] : memref<8194x8x128xf32, #tpu.memory_space<hbm>> -> memref<8194x8x128xf32, #tpu.memory_space<hbm>>
    tpu.wait_indirect_dma semaphore(%arg14 : memref<!tpu.dma_semaphore, #tpu.memory_space<semaphore_mem>>) src(%dma_wait3A_1235 : memref<8194x8x128xf32, #tpu.memory_space<hbm>>) dst(%dma_wait3A_1231 : memref<64x8x128xf32, #tpu.memory_space<vmem>>)
    %mul3A_1236 = arith.constant 3224 : i32
    %mul3A_1237 = arith.muli %select_n3A_1199, %mul3A_1236 : i32
    %add3A_1238 = arith.constant 152 : i32
    %add3A_1239 = arith.addi %mul3A_1237, %add3A_1238 : i32
    %add3A_1240 = arith.constant 1024 : i32
    %add3A_1241 = arith.addi %add3A_1239, %add3A_1240 : i32
    %mul3A_1242 = arith.constant 64 : i32
    %mul3A_1243 = arith.muli %select_n3A_1215, %mul3A_1242 : i32
    %add3A_1244 = arith.addi %add3A_1241, %mul3A_1243 : i32
    "tpu.region"() ({
      %run_scoped3A = tpu.sem_alloc : memref<!tpu.dma_semaphore, #tpu.memory_space<semaphore_mem>>
      %dma_start3A_1742 = arith.constant 0 : i32
      %dma_start3A_1743 = arith.constant 0 : i32
      %dma_start3A_1744 = arith.constant 0 : i32
      %dma_start3A_1745 = tpu.memref_slice %arg13[%dma_start3A_1742, %dma_start3A_1743, %dma_start3A_1744] : memref<80x8x128xf32, #tpu.memory_space<vmem>> -> memref<64x8x128xf32, #tpu.memory_space<vmem>>
      %dma_start3A_1746 = arith.constant 0 : i32
      %dma_start3A_1747 = arith.constant 0 : i32
      %dma_start3A_1748 = tpu.memref_slice %arg10[%add3A_1244, %dma_start3A_1746, %dma_start3A_1747] : memref<51584x8x128xf32, #tpu.memory_space<hbm>> -> memref<64x8x128xf32, #tpu.memory_space<hbm>>
      %dma_start3A_1749 = arith.constant 0 : i32
      %dma_start3A_1750 = arith.constant 0 : i32
      %dma_start3A_1751 = tpu.memref_slice %arg10[%add3A_1244, %dma_start3A_1749, %dma_start3A_1750] : memref<51584x8x128xf32, #tpu.memory_space<hbm>> -> memref<64x8x128xf32, #tpu.memory_space<hbm>>
      %dma_start3A_1752 = arith.constant 0 : i32
      %dma_start3A_1753 = arith.constant 0 : i32
      %dma_start3A_1754 = arith.constant 0 : i32
      %dma_start3A_1755 = tpu.memref_slice %arg13[%dma_start3A_1752, %dma_start3A_1753, %dma_start3A_1754] : memref<80x8x128xf32, #tpu.memory_space<vmem>> -> memref<64x8x128xf32, #tpu.memory_space<vmem>>
      tpu.enqueue_dma source(%dma_start3A_1755 : memref<64x8x128xf32, #tpu.memory_space<vmem>>) target(%dma_start3A_1751 : memref<64x8x128xf32, #tpu.memory_space<hbm>>) target_semaphore(%run_scoped3A : memref<!tpu.dma_semaphore, #tpu.memory_space<semaphore_mem>>)
      %dma_wait3A_1756 = arith.constant 0 : i32
      %dma_wait3A_1757 = arith.constant 0 : i32
      %dma_wait3A_1758 = arith.constant 0 : i32
      %dma_wait3A_1759 = tpu.memref_slice %arg13[%dma_wait3A_1756, %dma_wait3A_1757, %dma_wait3A_1758] : memref<80x8x128xf32, #tpu.memory_space<vmem>> -> memref<64x8x128xf32, #tpu.memory_space<vmem>>
      %dma_wait3A_1760 = arith.constant 0 : i32
      %dma_wait3A_1761 = arith.constant 0 : i32
      %dma_wait3A_1762 = tpu.memref_slice %arg10[%add3A_1244, %dma_wait3A_1760, %dma_wait3A_1761] : memref<51584x8x128xf32, #tpu.memory_space<hbm>> -> memref<64x8x128xf32, #tpu.memory_space<hbm>>
      %dma_wait3A_1763 = arith.constant 0 : i32
      %dma_wait3A_1764 = arith.constant 0 : i32
      %dma_wait3A_1765 = tpu.memref_slice %arg10[%add3A_1244, %dma_wait3A_1763, %dma_wait3A_1764] : memref<51584x8x128xf32, #tpu.memory_space<hbm>> -> memref<64x8x128xf32, #tpu.memory_space<hbm>>
      %dma_wait3A_1766 = arith.constant 0 : i32
      %dma_wait3A_1767 = arith.constant 0 : i32
      %dma_wait3A_1768 = arith.constant 0 : i32
      %dma_wait3A_1769 = tpu.memref_slice %arg13[%dma_wait3A_1766, %dma_wait3A_1767, %dma_wait3A_1768] : memref<80x8x128xf32, #tpu.memory_space<vmem>> -> memref<64x8x128xf32, #tpu.memory_space<vmem>>
      tpu.wait_dma2 semaphore(%run_scoped3A : memref<!tpu.dma_semaphore, #tpu.memory_space<semaphore_mem>>) src(%dma_wait3A_1769 : memref<64x8x128xf32, #tpu.memory_space<vmem>>) dst(%dma_wait3A_1765 : memref<64x8x128xf32, #tpu.memory_space<hbm>>)
      tpu.yield
    }) : () -> ()
    %add3A_1245 = arith.constant 288 : i32
    %add3A_1246 = arith.addi %add3A, %add3A_1245 : i32
    %jit3A_1247 = arith.constant 32 : i32
    %div3A_1248 = arith.divsi %add3A_1246, %jit3A_1247 : i32
    %sign3A_1249 = arith.constant 0 : i32
    %sign3A_1250 = arith.cmpi sgt, %add3A_1246, %sign3A_1249 : i32
    %sign3A_1251 = arith.extui %sign3A_1250 : i1 to i32
    %sign3A_1252 = arith.constant 0 : i32
    %sign3A_1253 = arith.cmpi slt, %add3A_1246, %sign3A_1252 : i32
    %sign3A_1254 = arith.extui %sign3A_1253 : i1 to i32
    %sign3A_1255 = arith.subi %sign3A_1251, %sign3A_1254 : i32
    %sign3A_1256 = arith.constant 0 : i32
    %sign3A_1257 = arith.cmpi sgt, %jit3A_1247, %sign3A_1256 : i32
    %sign3A_1258 = arith.extui %sign3A_1257 : i1 to i32
    %sign3A_1259 = arith.constant 0 : i32
    %sign3A_1260 = arith.cmpi slt, %jit3A_1247, %sign3A_1259 : i32
    %sign3A_1261 = arith.extui %sign3A_1260 : i1 to i32
    %sign3A_1262 = arith.subi %sign3A_1258, %sign3A_1261 : i32
    %ne3A_1263 = arith.cmpi ne, %sign3A_1255, %sign3A_1262 : i32
    %rem3A_1264 = arith.remsi %add3A_1246, %jit3A_1247 : i32
    %ne3A_1265 = arith.constant 0 : i32
    %ne3A_1266 = arith.cmpi ne, %rem3A_1264, %ne3A_1265 : i32
    %and3A_1267 = arith.andi %ne3A_1263, %ne3A_1266 : i1
    %sub3A_1268 = arith.constant 1 : i32
    %sub3A_1269 = arith.subi %div3A_1248, %sub3A_1268 : i32
    %select_n3A_1270 = arith.select %and3A_1267, %sub3A_1269, %div3A_1248 : i32
    %jit3A_1271 = arith.constant 32 : i32
    %eq3A_1272 = arith.constant 0 : i32
    %eq3A_1273 = arith.cmpi eq, %jit3A_1271, %eq3A_1272 : i32
    %jit3A_1274 = arith.constant 1 : i32
    %select_n3A_1275 = arith.select %eq3A_1273, %jit3A_1274, %jit3A_1271 : i32
    %rem3A_1276 = arith.remsi %add3A_1246, %select_n3A_1275 : i32
    %ne3A_1277 = arith.constant 0 : i32
    %ne3A_1278 = arith.cmpi ne, %rem3A_1276, %ne3A_1277 : i32
    %lt3A_1279 = arith.constant 0 : i32
    %lt3A_1280 = arith.cmpi slt, %rem3A_1276, %lt3A_1279 : i32
    %lt3A_1281 = arith.constant 0 : i32
    %lt3A_1282 = arith.cmpi slt, %select_n3A_1275, %lt3A_1281 : i32
    %ne3A_1283 = arith.xori %lt3A_1280, %lt3A_1282 : i1
    %and3A_1284 = arith.andi %ne3A_1283, %ne3A_1278 : i1
    %add3A_1285 = arith.addi %rem3A_1276, %select_n3A_1275 : i32
    %select_n3A_1286 = arith.select %and3A_1284, %add3A_1285, %rem3A_1276 : i32
    %mul3A_1287 = arith.constant 64 : i32
    %mul3A_1288 = arith.muli %add3A_1246, %mul3A_1287 : i32
    "tpu.region"() ({
      %run_scoped3A = tpu.sem_alloc : memref<!tpu.dma_semaphore, #tpu.memory_space<semaphore_mem>>
      %dma_start3A_1742 = tpu.memref_slice %arg5[%mul3A_1288] : memref<32768xi32, #tpu.memory_space<hbm>> -> memref<64xi32, #tpu.memory_space<hbm>>
      %dma_start3A_1743 = tpu.memref_slice %arg5[%mul3A_1288] : memref<32768xi32, #tpu.memory_space<hbm>> -> memref<64xi32, #tpu.memory_space<hbm>>
      tpu.enqueue_dma source(%dma_start3A_1743 : memref<64xi32, #tpu.memory_space<hbm>>) target(%arg12 : memref<64xi32, #tpu.memory_space<vmem>>) target_semaphore(%run_scoped3A : memref<!tpu.dma_semaphore, #tpu.memory_space<semaphore_mem>>)
      %dma_wait3A_1744 = tpu.memref_slice %arg5[%mul3A_1288] : memref<32768xi32, #tpu.memory_space<hbm>> -> memref<64xi32, #tpu.memory_space<hbm>>
      %dma_wait3A_1745 = tpu.memref_slice %arg5[%mul3A_1288] : memref<32768xi32, #tpu.memory_space<hbm>> -> memref<64xi32, #tpu.memory_space<hbm>>
      tpu.wait_dma2 semaphore(%run_scoped3A : memref<!tpu.dma_semaphore, #tpu.memory_space<semaphore_mem>>) src(%dma_wait3A_1745 : memref<64xi32, #tpu.memory_space<hbm>>) dst(%arg12 : memref<64xi32, #tpu.memory_space<vmem>>)
      tpu.yield
    }) : () -> ()
    %mul3A_1289 = arith.constant 64 : i32
    %mul3A_1290 = arith.muli %select_n3A_1286, %mul3A_1289 : i32
    "tpu.region"() ({
      %run_scoped3A = tpu.sem_alloc : memref<!tpu.dma_semaphore, #tpu.memory_space<semaphore_mem>>
      %dma_start3A_1742 = arith.constant 0 : i32
      %dma_start3A_1743 = arith.constant 0 : i32
      %dma_start3A_1744 = arith.constant 0 : i32
      %dma_start3A_1745 = tpu.memref_slice %arg13[%dma_start3A_1742, %dma_start3A_1743, %dma_start3A_1744] : memref<80x8x128xf32, #tpu.memory_space<vmem>> -> memref<64x8x128xf32, #tpu.memory_space<vmem>>
      %dma_start3A_1746 = arith.constant 0 : i32
      %dma_start3A_1747 = arith.constant 0 : i32
      %dma_start3A_1748 = tpu.memref_slice %arg9[%mul3A_1290, %dma_start3A_1746, %dma_start3A_1747] : memref<4096x8x128xf32, #tpu.memory_space<hbm>> -> memref<64x8x128xf32, #tpu.memory_space<hbm>>
      %dma_start3A_1749 = arith.constant 0 : i32
      %dma_start3A_1750 = arith.constant 0 : i32
      %dma_start3A_1751 = arith.constant 0 : i32
      %dma_start3A_1752 = tpu.memref_slice %arg13[%dma_start3A_1749, %dma_start3A_1750, %dma_start3A_1751] : memref<80x8x128xf32, #tpu.memory_space<vmem>> -> memref<64x8x128xf32, #tpu.memory_space<vmem>>
      %dma_start3A_1753 = arith.constant 0 : i32
      %dma_start3A_1754 = arith.constant 0 : i32
      %dma_start3A_1755 = tpu.memref_slice %arg9[%mul3A_1290, %dma_start3A_1753, %dma_start3A_1754] : memref<4096x8x128xf32, #tpu.memory_space<hbm>> -> memref<64x8x128xf32, #tpu.memory_space<hbm>>
      tpu.enqueue_dma source(%dma_start3A_1755 : memref<64x8x128xf32, #tpu.memory_space<hbm>>) target(%dma_start3A_1752 : memref<64x8x128xf32, #tpu.memory_space<vmem>>) target_semaphore(%run_scoped3A : memref<!tpu.dma_semaphore, #tpu.memory_space<semaphore_mem>>)
      %dma_wait3A_1756 = arith.constant 0 : i32
      %dma_wait3A_1757 = arith.constant 0 : i32
      %dma_wait3A_1758 = arith.constant 0 : i32
      %dma_wait3A_1759 = tpu.memref_slice %arg13[%dma_wait3A_1756, %dma_wait3A_1757, %dma_wait3A_1758] : memref<80x8x128xf32, #tpu.memory_space<vmem>> -> memref<64x8x128xf32, #tpu.memory_space<vmem>>
      %dma_wait3A_1760 = arith.constant 0 : i32
      %dma_wait3A_1761 = arith.constant 0 : i32
      %dma_wait3A_1762 = tpu.memref_slice %arg9[%mul3A_1290, %dma_wait3A_1760, %dma_wait3A_1761] : memref<4096x8x128xf32, #tpu.memory_space<hbm>> -> memref<64x8x128xf32, #tpu.memory_space<hbm>>
      %dma_wait3A_1763 = arith.constant 0 : i32
      %dma_wait3A_1764 = arith.constant 0 : i32
      %dma_wait3A_1765 = arith.constant 0 : i32
      %dma_wait3A_1766 = tpu.memref_slice %arg13[%dma_wait3A_1763, %dma_wait3A_1764, %dma_wait3A_1765] : memref<80x8x128xf32, #tpu.memory_space<vmem>> -> memref<64x8x128xf32, #tpu.memory_space<vmem>>
      %dma_wait3A_1767 = arith.constant 0 : i32
      %dma_wait3A_1768 = arith.constant 0 : i32
      %dma_wait3A_1769 = tpu.memref_slice %arg9[%mul3A_1290, %dma_wait3A_1767, %dma_wait3A_1768] : memref<4096x8x128xf32, #tpu.memory_space<hbm>> -> memref<64x8x128xf32, #tpu.memory_space<hbm>>
      tpu.wait_dma2 semaphore(%run_scoped3A : memref<!tpu.dma_semaphore, #tpu.memory_space<semaphore_mem>>) src(%dma_wait3A_1769 : memref<64x8x128xf32, #tpu.memory_space<hbm>>) dst(%dma_wait3A_1766 : memref<64x8x128xf32, #tpu.memory_space<vmem>>)
      tpu.yield
    }) : () -> ()
    %dma_start3A_1291 = arith.constant 0 : i32
    %dma_start3A_1292 = arith.constant 0 : i32
    %dma_start3A_1293 = arith.constant 0 : i32
    %dma_start3A_1294 = tpu.memref_slice %arg13[%dma_start3A_1291, %dma_start3A_1292, %dma_start3A_1293] : memref<80x8x128xf32, #tpu.memory_space<vmem>> -> memref<64x8x128xf32, #tpu.memory_space<vmem>>
    %dma_start3A_1295 = arith.constant 0 : i32
    %dma_start3A_1296 = arith.constant 0 : i32
    %dma_start3A_1297 = arith.constant 0 : i32
    %dma_start3A_1298 = tpu.memref_slice %arg7[%dma_start3A_1295, %dma_start3A_1296, %dma_start3A_1297] : memref<8194x8x128xf32, #tpu.memory_space<hbm>> -> memref<8194x8x128xf32, #tpu.memory_space<hbm>>
    tpu.enqueue_indirect_dma source(%dma_start3A_1298 : memref<8194x8x128xf32, #tpu.memory_space<hbm>>) target(%dma_start3A_1294 : memref<64x8x128xf32, #tpu.memory_space<vmem>>) offsets(%arg12 : memref<64xi32, #tpu.memory_space<vmem>>) semaphore(%arg14 : memref<!tpu.dma_semaphore, #tpu.memory_space<semaphore_mem>>) {add = true}
    %dma_wait3A_1299 = arith.constant 0 : i32
    %dma_wait3A_1300 = arith.constant 0 : i32
    %dma_wait3A_1301 = arith.constant 0 : i32
    %dma_wait3A_1302 = tpu.memref_slice %arg13[%dma_wait3A_1299, %dma_wait3A_1300, %dma_wait3A_1301] : memref<80x8x128xf32, #tpu.memory_space<vmem>> -> memref<64x8x128xf32, #tpu.memory_space<vmem>>
    %dma_wait3A_1303 = arith.constant 0 : i32
    %dma_wait3A_1304 = arith.constant 0 : i32
    %dma_wait3A_1305 = arith.constant 0 : i32
    %dma_wait3A_1306 = tpu.memref_slice %arg7[%dma_wait3A_1303, %dma_wait3A_1304, %dma_wait3A_1305] : memref<8194x8x128xf32, #tpu.memory_space<hbm>> -> memref<8194x8x128xf32, #tpu.memory_space<hbm>>
    tpu.wait_indirect_dma semaphore(%arg14 : memref<!tpu.dma_semaphore, #tpu.memory_space<semaphore_mem>>) src(%dma_wait3A_1306 : memref<8194x8x128xf32, #tpu.memory_space<hbm>>) dst(%dma_wait3A_1302 : memref<64x8x128xf32, #tpu.memory_space<vmem>>)
    %mul3A_1307 = arith.constant 3224 : i32
    %mul3A_1308 = arith.muli %select_n3A_1270, %mul3A_1307 : i32
    %add3A_1309 = arith.constant 152 : i32
    %add3A_1310 = arith.addi %mul3A_1308, %add3A_1309 : i32
    %add3A_1311 = arith.constant 1024 : i32
    %add3A_1312 = arith.addi %add3A_1310, %add3A_1311 : i32
    %mul3A_1313 = arith.constant 64 : i32
    %mul3A_1314 = arith.muli %select_n3A_1286, %mul3A_1313 : i32
    %add3A_1315 = arith.addi %add3A_1312, %mul3A_1314 : i32
    "tpu.region"() ({
      %run_scoped3A = tpu.sem_alloc : memref<!tpu.dma_semaphore, #tpu.memory_space<semaphore_mem>>
      %dma_start3A_1742 = arith.constant 0 : i32
      %dma_start3A_1743 = arith.constant 0 : i32
      %dma_start3A_1744 = arith.constant 0 : i32
      %dma_start3A_1745 = tpu.memref_slice %arg13[%dma_start3A_1742, %dma_start3A_1743, %dma_start3A_1744] : memref<80x8x128xf32, #tpu.memory_space<vmem>> -> memref<64x8x128xf32, #tpu.memory_space<vmem>>
      %dma_start3A_1746 = arith.constant 0 : i32
      %dma_start3A_1747 = arith.constant 0 : i32
      %dma_start3A_1748 = tpu.memref_slice %arg10[%add3A_1315, %dma_start3A_1746, %dma_start3A_1747] : memref<51584x8x128xf32, #tpu.memory_space<hbm>> -> memref<64x8x128xf32, #tpu.memory_space<hbm>>
      %dma_start3A_1749 = arith.constant 0 : i32
      %dma_start3A_1750 = arith.constant 0 : i32
      %dma_start3A_1751 = tpu.memref_slice %arg10[%add3A_1315, %dma_start3A_1749, %dma_start3A_1750] : memref<51584x8x128xf32, #tpu.memory_space<hbm>> -> memref<64x8x128xf32, #tpu.memory_space<hbm>>
      %dma_start3A_1752 = arith.constant 0 : i32
      %dma_start3A_1753 = arith.constant 0 : i32
      %dma_start3A_1754 = arith.constant 0 : i32
      %dma_start3A_1755 = tpu.memref_slice %arg13[%dma_start3A_1752, %dma_start3A_1753, %dma_start3A_1754] : memref<80x8x128xf32, #tpu.memory_space<vmem>> -> memref<64x8x128xf32, #tpu.memory_space<vmem>>
      tpu.enqueue_dma source(%dma_start3A_1755 : memref<64x8x128xf32, #tpu.memory_space<vmem>>) target(%dma_start3A_1751 : memref<64x8x128xf32, #tpu.memory_space<hbm>>) target_semaphore(%run_scoped3A : memref<!tpu.dma_semaphore, #tpu.memory_space<semaphore_mem>>)
      %dma_wait3A_1756 = arith.constant 0 : i32
      %dma_wait3A_1757 = arith.constant 0 : i32
      %dma_wait3A_1758 = arith.constant 0 : i32
      %dma_wait3A_1759 = tpu.memref_slice %arg13[%dma_wait3A_1756, %dma_wait3A_1757, %dma_wait3A_1758] : memref<80x8x128xf32, #tpu.memory_space<vmem>> -> memref<64x8x128xf32, #tpu.memory_space<vmem>>
      %dma_wait3A_1760 = arith.constant 0 : i32
      %dma_wait3A_1761 = arith.constant 0 : i32
      %dma_wait3A_1762 = tpu.memref_slice %arg10[%add3A_1315, %dma_wait3A_1760, %dma_wait3A_1761] : memref<51584x8x128xf32, #tpu.memory_space<hbm>> -> memref<64x8x128xf32, #tpu.memory_space<hbm>>
      %dma_wait3A_1763 = arith.constant 0 : i32
      %dma_wait3A_1764 = arith.constant 0 : i32
      %dma_wait3A_1765 = tpu.memref_slice %arg10[%add3A_1315, %dma_wait3A_1763, %dma_wait3A_1764] : memref<51584x8x128xf32, #tpu.memory_space<hbm>> -> memref<64x8x128xf32, #tpu.memory_space<hbm>>
      %dma_wait3A_1766 = arith.constant 0 : i32
      %dma_wait3A_1767 = arith.constant 0 : i32
      %dma_wait3A_1768 = arith.constant 0 : i32
      %dma_wait3A_1769 = tpu.memref_slice %arg13[%dma_wait3A_1766, %dma_wait3A_1767, %dma_wait3A_1768] : memref<80x8x128xf32, #tpu.memory_space<vmem>> -> memref<64x8x128xf32, #tpu.memory_space<vmem>>
      tpu.wait_dma2 semaphore(%run_scoped3A : memref<!tpu.dma_semaphore, #tpu.memory_space<semaphore_mem>>) src(%dma_wait3A_1769 : memref<64x8x128xf32, #tpu.memory_space<vmem>>) dst(%dma_wait3A_1765 : memref<64x8x128xf32, #tpu.memory_space<hbm>>)
      tpu.yield
    }) : () -> ()
    %add3A_1316 = arith.constant 320 : i32
    %add3A_1317 = arith.addi %add3A, %add3A_1316 : i32
    %jit3A_1318 = arith.constant 32 : i32
    %div3A_1319 = arith.divsi %add3A_1317, %jit3A_1318 : i32
    %sign3A_1320 = arith.constant 0 : i32
    %sign3A_1321 = arith.cmpi sgt, %add3A_1317, %sign3A_1320 : i32
    %sign3A_1322 = arith.extui %sign3A_1321 : i1 to i32
    %sign3A_1323 = arith.constant 0 : i32
    %sign3A_1324 = arith.cmpi slt, %add3A_1317, %sign3A_1323 : i32
    %sign3A_1325 = arith.extui %sign3A_1324 : i1 to i32
    %sign3A_1326 = arith.subi %sign3A_1322, %sign3A_1325 : i32
    %sign3A_1327 = arith.constant 0 : i32
    %sign3A_1328 = arith.cmpi sgt, %jit3A_1318, %sign3A_1327 : i32
    %sign3A_1329 = arith.extui %sign3A_1328 : i1 to i32
    %sign3A_1330 = arith.constant 0 : i32
    %sign3A_1331 = arith.cmpi slt, %jit3A_1318, %sign3A_1330 : i32
    %sign3A_1332 = arith.extui %sign3A_1331 : i1 to i32
    %sign3A_1333 = arith.subi %sign3A_1329, %sign3A_1332 : i32
    %ne3A_1334 = arith.cmpi ne, %sign3A_1326, %sign3A_1333 : i32
    %rem3A_1335 = arith.remsi %add3A_1317, %jit3A_1318 : i32
    %ne3A_1336 = arith.constant 0 : i32
    %ne3A_1337 = arith.cmpi ne, %rem3A_1335, %ne3A_1336 : i32
    %and3A_1338 = arith.andi %ne3A_1334, %ne3A_1337 : i1
    %sub3A_1339 = arith.constant 1 : i32
    %sub3A_1340 = arith.subi %div3A_1319, %sub3A_1339 : i32
    %select_n3A_1341 = arith.select %and3A_1338, %sub3A_1340, %div3A_1319 : i32
    %jit3A_1342 = arith.constant 32 : i32
    %eq3A_1343 = arith.constant 0 : i32
    %eq3A_1344 = arith.cmpi eq, %jit3A_1342, %eq3A_1343 : i32
    %jit3A_1345 = arith.constant 1 : i32
    %select_n3A_1346 = arith.select %eq3A_1344, %jit3A_1345, %jit3A_1342 : i32
    %rem3A_1347 = arith.remsi %add3A_1317, %select_n3A_1346 : i32
    %ne3A_1348 = arith.constant 0 : i32
    %ne3A_1349 = arith.cmpi ne, %rem3A_1347, %ne3A_1348 : i32
    %lt3A_1350 = arith.constant 0 : i32
    %lt3A_1351 = arith.cmpi slt, %rem3A_1347, %lt3A_1350 : i32
    %lt3A_1352 = arith.constant 0 : i32
    %lt3A_1353 = arith.cmpi slt, %select_n3A_1346, %lt3A_1352 : i32
    %ne3A_1354 = arith.xori %lt3A_1351, %lt3A_1353 : i1
    %and3A_1355 = arith.andi %ne3A_1354, %ne3A_1349 : i1
    %add3A_1356 = arith.addi %rem3A_1347, %select_n3A_1346 : i32
    %select_n3A_1357 = arith.select %and3A_1355, %add3A_1356, %rem3A_1347 : i32
    %mul3A_1358 = arith.constant 64 : i32
    %mul3A_1359 = arith.muli %add3A_1317, %mul3A_1358 : i32
    "tpu.region"() ({
      %run_scoped3A = tpu.sem_alloc : memref<!tpu.dma_semaphore, #tpu.memory_space<semaphore_mem>>
      %dma_start3A_1742 = tpu.memref_slice %arg5[%mul3A_1359] : memref<32768xi32, #tpu.memory_space<hbm>> -> memref<64xi32, #tpu.memory_space<hbm>>
      %dma_start3A_1743 = tpu.memref_slice %arg5[%mul3A_1359] : memref<32768xi32, #tpu.memory_space<hbm>> -> memref<64xi32, #tpu.memory_space<hbm>>
      tpu.enqueue_dma source(%dma_start3A_1743 : memref<64xi32, #tpu.memory_space<hbm>>) target(%arg12 : memref<64xi32, #tpu.memory_space<vmem>>) target_semaphore(%run_scoped3A : memref<!tpu.dma_semaphore, #tpu.memory_space<semaphore_mem>>)
      %dma_wait3A_1744 = tpu.memref_slice %arg5[%mul3A_1359] : memref<32768xi32, #tpu.memory_space<hbm>> -> memref<64xi32, #tpu.memory_space<hbm>>
      %dma_wait3A_1745 = tpu.memref_slice %arg5[%mul3A_1359] : memref<32768xi32, #tpu.memory_space<hbm>> -> memref<64xi32, #tpu.memory_space<hbm>>
      tpu.wait_dma2 semaphore(%run_scoped3A : memref<!tpu.dma_semaphore, #tpu.memory_space<semaphore_mem>>) src(%dma_wait3A_1745 : memref<64xi32, #tpu.memory_space<hbm>>) dst(%arg12 : memref<64xi32, #tpu.memory_space<vmem>>)
      tpu.yield
    }) : () -> ()
    %mul3A_1360 = arith.constant 64 : i32
    %mul3A_1361 = arith.muli %select_n3A_1357, %mul3A_1360 : i32
    "tpu.region"() ({
      %run_scoped3A = tpu.sem_alloc : memref<!tpu.dma_semaphore, #tpu.memory_space<semaphore_mem>>
      %dma_start3A_1742 = arith.constant 0 : i32
      %dma_start3A_1743 = arith.constant 0 : i32
      %dma_start3A_1744 = arith.constant 0 : i32
      %dma_start3A_1745 = tpu.memref_slice %arg13[%dma_start3A_1742, %dma_start3A_1743, %dma_start3A_1744] : memref<80x8x128xf32, #tpu.memory_space<vmem>> -> memref<64x8x128xf32, #tpu.memory_space<vmem>>
      %dma_start3A_1746 = arith.constant 0 : i32
      %dma_start3A_1747 = arith.constant 0 : i32
      %dma_start3A_1748 = tpu.memref_slice %arg9[%mul3A_1361, %dma_start3A_1746, %dma_start3A_1747] : memref<4096x8x128xf32, #tpu.memory_space<hbm>> -> memref<64x8x128xf32, #tpu.memory_space<hbm>>
      %dma_start3A_1749 = arith.constant 0 : i32
      %dma_start3A_1750 = arith.constant 0 : i32
      %dma_start3A_1751 = arith.constant 0 : i32
      %dma_start3A_1752 = tpu.memref_slice %arg13[%dma_start3A_1749, %dma_start3A_1750, %dma_start3A_1751] : memref<80x8x128xf32, #tpu.memory_space<vmem>> -> memref<64x8x128xf32, #tpu.memory_space<vmem>>
      %dma_start3A_1753 = arith.constant 0 : i32
      %dma_start3A_1754 = arith.constant 0 : i32
      %dma_start3A_1755 = tpu.memref_slice %arg9[%mul3A_1361, %dma_start3A_1753, %dma_start3A_1754] : memref<4096x8x128xf32, #tpu.memory_space<hbm>> -> memref<64x8x128xf32, #tpu.memory_space<hbm>>
      tpu.enqueue_dma source(%dma_start3A_1755 : memref<64x8x128xf32, #tpu.memory_space<hbm>>) target(%dma_start3A_1752 : memref<64x8x128xf32, #tpu.memory_space<vmem>>) target_semaphore(%run_scoped3A : memref<!tpu.dma_semaphore, #tpu.memory_space<semaphore_mem>>)
      %dma_wait3A_1756 = arith.constant 0 : i32
      %dma_wait3A_1757 = arith.constant 0 : i32
      %dma_wait3A_1758 = arith.constant 0 : i32
      %dma_wait3A_1759 = tpu.memref_slice %arg13[%dma_wait3A_1756, %dma_wait3A_1757, %dma_wait3A_1758] : memref<80x8x128xf32, #tpu.memory_space<vmem>> -> memref<64x8x128xf32, #tpu.memory_space<vmem>>
      %dma_wait3A_1760 = arith.constant 0 : i32
      %dma_wait3A_1761 = arith.constant 0 : i32
      %dma_wait3A_1762 = tpu.memref_slice %arg9[%mul3A_1361, %dma_wait3A_1760, %dma_wait3A_1761] : memref<4096x8x128xf32, #tpu.memory_space<hbm>> -> memref<64x8x128xf32, #tpu.memory_space<hbm>>
      %dma_wait3A_1763 = arith.constant 0 : i32
      %dma_wait3A_1764 = arith.constant 0 : i32
      %dma_wait3A_1765 = arith.constant 0 : i32
      %dma_wait3A_1766 = tpu.memref_slice %arg13[%dma_wait3A_1763, %dma_wait3A_1764, %dma_wait3A_1765] : memref<80x8x128xf32, #tpu.memory_space<vmem>> -> memref<64x8x128xf32, #tpu.memory_space<vmem>>
      %dma_wait3A_1767 = arith.constant 0 : i32
      %dma_wait3A_1768 = arith.constant 0 : i32
      %dma_wait3A_1769 = tpu.memref_slice %arg9[%mul3A_1361, %dma_wait3A_1767, %dma_wait3A_1768] : memref<4096x8x128xf32, #tpu.memory_space<hbm>> -> memref<64x8x128xf32, #tpu.memory_space<hbm>>
      tpu.wait_dma2 semaphore(%run_scoped3A : memref<!tpu.dma_semaphore, #tpu.memory_space<semaphore_mem>>) src(%dma_wait3A_1769 : memref<64x8x128xf32, #tpu.memory_space<hbm>>) dst(%dma_wait3A_1766 : memref<64x8x128xf32, #tpu.memory_space<vmem>>)
      tpu.yield
    }) : () -> ()
    %dma_start3A_1362 = arith.constant 0 : i32
    %dma_start3A_1363 = arith.constant 0 : i32
    %dma_start3A_1364 = arith.constant 0 : i32
    %dma_start3A_1365 = tpu.memref_slice %arg13[%dma_start3A_1362, %dma_start3A_1363, %dma_start3A_1364] : memref<80x8x128xf32, #tpu.memory_space<vmem>> -> memref<64x8x128xf32, #tpu.memory_space<vmem>>
    %dma_start3A_1366 = arith.constant 0 : i32
    %dma_start3A_1367 = arith.constant 0 : i32
    %dma_start3A_1368 = arith.constant 0 : i32
    %dma_start3A_1369 = tpu.memref_slice %arg7[%dma_start3A_1366, %dma_start3A_1367, %dma_start3A_1368] : memref<8194x8x128xf32, #tpu.memory_space<hbm>> -> memref<8194x8x128xf32, #tpu.memory_space<hbm>>
    tpu.enqueue_indirect_dma source(%dma_start3A_1369 : memref<8194x8x128xf32, #tpu.memory_space<hbm>>) target(%dma_start3A_1365 : memref<64x8x128xf32, #tpu.memory_space<vmem>>) offsets(%arg12 : memref<64xi32, #tpu.memory_space<vmem>>) semaphore(%arg14 : memref<!tpu.dma_semaphore, #tpu.memory_space<semaphore_mem>>) {add = true}
    %dma_wait3A_1370 = arith.constant 0 : i32
    %dma_wait3A_1371 = arith.constant 0 : i32
    %dma_wait3A_1372 = arith.constant 0 : i32
    %dma_wait3A_1373 = tpu.memref_slice %arg13[%dma_wait3A_1370, %dma_wait3A_1371, %dma_wait3A_1372] : memref<80x8x128xf32, #tpu.memory_space<vmem>> -> memref<64x8x128xf32, #tpu.memory_space<vmem>>
    %dma_wait3A_1374 = arith.constant 0 : i32
    %dma_wait3A_1375 = arith.constant 0 : i32
    %dma_wait3A_1376 = arith.constant 0 : i32
    %dma_wait3A_1377 = tpu.memref_slice %arg7[%dma_wait3A_1374, %dma_wait3A_1375, %dma_wait3A_1376] : memref<8194x8x128xf32, #tpu.memory_space<hbm>> -> memref<8194x8x128xf32, #tpu.memory_space<hbm>>
    tpu.wait_indirect_dma semaphore(%arg14 : memref<!tpu.dma_semaphore, #tpu.memory_space<semaphore_mem>>) src(%dma_wait3A_1377 : memref<8194x8x128xf32, #tpu.memory_space<hbm>>) dst(%dma_wait3A_1373 : memref<64x8x128xf32, #tpu.memory_space<vmem>>)
    %mul3A_1378 = arith.constant 3224 : i32
    %mul3A_1379 = arith.muli %select_n3A_1341, %mul3A_1378 : i32
    %add3A_1380 = arith.constant 152 : i32
    %add3A_1381 = arith.addi %mul3A_1379, %add3A_1380 : i32
    %add3A_1382 = arith.constant 1024 : i32
    %add3A_1383 = arith.addi %add3A_1381, %add3A_1382 : i32
    %mul3A_1384 = arith.constant 64 : i32
    %mul3A_1385 = arith.muli %select_n3A_1357, %mul3A_1384 : i32
    %add3A_1386 = arith.addi %add3A_1383, %mul3A_1385 : i32
    "tpu.region"() ({
      %run_scoped3A = tpu.sem_alloc : memref<!tpu.dma_semaphore, #tpu.memory_space<semaphore_mem>>
      %dma_start3A_1742 = arith.constant 0 : i32
      %dma_start3A_1743 = arith.constant 0 : i32
      %dma_start3A_1744 = arith.constant 0 : i32
      %dma_start3A_1745 = tpu.memref_slice %arg13[%dma_start3A_1742, %dma_start3A_1743, %dma_start3A_1744] : memref<80x8x128xf32, #tpu.memory_space<vmem>> -> memref<64x8x128xf32, #tpu.memory_space<vmem>>
      %dma_start3A_1746 = arith.constant 0 : i32
      %dma_start3A_1747 = arith.constant 0 : i32
      %dma_start3A_1748 = tpu.memref_slice %arg10[%add3A_1386, %dma_start3A_1746, %dma_start3A_1747] : memref<51584x8x128xf32, #tpu.memory_space<hbm>> -> memref<64x8x128xf32, #tpu.memory_space<hbm>>
      %dma_start3A_1749 = arith.constant 0 : i32
      %dma_start3A_1750 = arith.constant 0 : i32
      %dma_start3A_1751 = tpu.memref_slice %arg10[%add3A_1386, %dma_start3A_1749, %dma_start3A_1750] : memref<51584x8x128xf32, #tpu.memory_space<hbm>> -> memref<64x8x128xf32, #tpu.memory_space<hbm>>
      %dma_start3A_1752 = arith.constant 0 : i32
      %dma_start3A_1753 = arith.constant 0 : i32
      %dma_start3A_1754 = arith.constant 0 : i32
      %dma_start3A_1755 = tpu.memref_slice %arg13[%dma_start3A_1752, %dma_start3A_1753, %dma_start3A_1754] : memref<80x8x128xf32, #tpu.memory_space<vmem>> -> memref<64x8x128xf32, #tpu.memory_space<vmem>>
      tpu.enqueue_dma source(%dma_start3A_1755 : memref<64x8x128xf32, #tpu.memory_space<vmem>>) target(%dma_start3A_1751 : memref<64x8x128xf32, #tpu.memory_space<hbm>>) target_semaphore(%run_scoped3A : memref<!tpu.dma_semaphore, #tpu.memory_space<semaphore_mem>>)
      %dma_wait3A_1756 = arith.constant 0 : i32
      %dma_wait3A_1757 = arith.constant 0 : i32
      %dma_wait3A_1758 = arith.constant 0 : i32
      %dma_wait3A_1759 = tpu.memref_slice %arg13[%dma_wait3A_1756, %dma_wait3A_1757, %dma_wait3A_1758] : memref<80x8x128xf32, #tpu.memory_space<vmem>> -> memref<64x8x128xf32, #tpu.memory_space<vmem>>
      %dma_wait3A_1760 = arith.constant 0 : i32
      %dma_wait3A_1761 = arith.constant 0 : i32
      %dma_wait3A_1762 = tpu.memref_slice %arg10[%add3A_1386, %dma_wait3A_1760, %dma_wait3A_1761] : memref<51584x8x128xf32, #tpu.memory_space<hbm>> -> memref<64x8x128xf32, #tpu.memory_space<hbm>>
      %dma_wait3A_1763 = arith.constant 0 : i32
      %dma_wait3A_1764 = arith.constant 0 : i32
      %dma_wait3A_1765 = tpu.memref_slice %arg10[%add3A_1386, %dma_wait3A_1763, %dma_wait3A_1764] : memref<51584x8x128xf32, #tpu.memory_space<hbm>> -> memref<64x8x128xf32, #tpu.memory_space<hbm>>
      %dma_wait3A_1766 = arith.constant 0 : i32
      %dma_wait3A_1767 = arith.constant 0 : i32
      %dma_wait3A_1768 = arith.constant 0 : i32
      %dma_wait3A_1769 = tpu.memref_slice %arg13[%dma_wait3A_1766, %dma_wait3A_1767, %dma_wait3A_1768] : memref<80x8x128xf32, #tpu.memory_space<vmem>> -> memref<64x8x128xf32, #tpu.memory_space<vmem>>
      tpu.wait_dma2 semaphore(%run_scoped3A : memref<!tpu.dma_semaphore, #tpu.memory_space<semaphore_mem>>) src(%dma_wait3A_1769 : memref<64x8x128xf32, #tpu.memory_space<vmem>>) dst(%dma_wait3A_1765 : memref<64x8x128xf32, #tpu.memory_space<hbm>>)
      tpu.yield
    }) : () -> ()
    %add3A_1387 = arith.constant 352 : i32
    %add3A_1388 = arith.addi %add3A, %add3A_1387 : i32
    %jit3A_1389 = arith.constant 32 : i32
    %div3A_1390 = arith.divsi %add3A_1388, %jit3A_1389 : i32
    %sign3A_1391 = arith.constant 0 : i32
    %sign3A_1392 = arith.cmpi sgt, %add3A_1388, %sign3A_1391 : i32
    %sign3A_1393 = arith.extui %sign3A_1392 : i1 to i32
    %sign3A_1394 = arith.constant 0 : i32
    %sign3A_1395 = arith.cmpi slt, %add3A_1388, %sign3A_1394 : i32
    %sign3A_1396 = arith.extui %sign3A_1395 : i1 to i32
    %sign3A_1397 = arith.subi %sign3A_1393, %sign3A_1396 : i32
    %sign3A_1398 = arith.constant 0 : i32
    %sign3A_1399 = arith.cmpi sgt, %jit3A_1389, %sign3A_1398 : i32
    %sign3A_1400 = arith.extui %sign3A_1399 : i1 to i32
    %sign3A_1401 = arith.constant 0 : i32
    %sign3A_1402 = arith.cmpi slt, %jit3A_1389, %sign3A_1401 : i32
    %sign3A_1403 = arith.extui %sign3A_1402 : i1 to i32
    %sign3A_1404 = arith.subi %sign3A_1400, %sign3A_1403 : i32
    %ne3A_1405 = arith.cmpi ne, %sign3A_1397, %sign3A_1404 : i32
    %rem3A_1406 = arith.remsi %add3A_1388, %jit3A_1389 : i32
    %ne3A_1407 = arith.constant 0 : i32
    %ne3A_1408 = arith.cmpi ne, %rem3A_1406, %ne3A_1407 : i32
    %and3A_1409 = arith.andi %ne3A_1405, %ne3A_1408 : i1
    %sub3A_1410 = arith.constant 1 : i32
    %sub3A_1411 = arith.subi %div3A_1390, %sub3A_1410 : i32
    %select_n3A_1412 = arith.select %and3A_1409, %sub3A_1411, %div3A_1390 : i32
    %jit3A_1413 = arith.constant 32 : i32
    %eq3A_1414 = arith.constant 0 : i32
    %eq3A_1415 = arith.cmpi eq, %jit3A_1413, %eq3A_1414 : i32
    %jit3A_1416 = arith.constant 1 : i32
    %select_n3A_1417 = arith.select %eq3A_1415, %jit3A_1416, %jit3A_1413 : i32
    %rem3A_1418 = arith.remsi %add3A_1388, %select_n3A_1417 : i32
    %ne3A_1419 = arith.constant 0 : i32
    %ne3A_1420 = arith.cmpi ne, %rem3A_1418, %ne3A_1419 : i32
    %lt3A_1421 = arith.constant 0 : i32
    %lt3A_1422 = arith.cmpi slt, %rem3A_1418, %lt3A_1421 : i32
    %lt3A_1423 = arith.constant 0 : i32
    %lt3A_1424 = arith.cmpi slt, %select_n3A_1417, %lt3A_1423 : i32
    %ne3A_1425 = arith.xori %lt3A_1422, %lt3A_1424 : i1
    %and3A_1426 = arith.andi %ne3A_1425, %ne3A_1420 : i1
    %add3A_1427 = arith.addi %rem3A_1418, %select_n3A_1417 : i32
    %select_n3A_1428 = arith.select %and3A_1426, %add3A_1427, %rem3A_1418 : i32
    %mul3A_1429 = arith.constant 64 : i32
    %mul3A_1430 = arith.muli %add3A_1388, %mul3A_1429 : i32
    "tpu.region"() ({
      %run_scoped3A = tpu.sem_alloc : memref<!tpu.dma_semaphore, #tpu.memory_space<semaphore_mem>>
      %dma_start3A_1742 = tpu.memref_slice %arg5[%mul3A_1430] : memref<32768xi32, #tpu.memory_space<hbm>> -> memref<64xi32, #tpu.memory_space<hbm>>
      %dma_start3A_1743 = tpu.memref_slice %arg5[%mul3A_1430] : memref<32768xi32, #tpu.memory_space<hbm>> -> memref<64xi32, #tpu.memory_space<hbm>>
      tpu.enqueue_dma source(%dma_start3A_1743 : memref<64xi32, #tpu.memory_space<hbm>>) target(%arg12 : memref<64xi32, #tpu.memory_space<vmem>>) target_semaphore(%run_scoped3A : memref<!tpu.dma_semaphore, #tpu.memory_space<semaphore_mem>>)
      %dma_wait3A_1744 = tpu.memref_slice %arg5[%mul3A_1430] : memref<32768xi32, #tpu.memory_space<hbm>> -> memref<64xi32, #tpu.memory_space<hbm>>
      %dma_wait3A_1745 = tpu.memref_slice %arg5[%mul3A_1430] : memref<32768xi32, #tpu.memory_space<hbm>> -> memref<64xi32, #tpu.memory_space<hbm>>
      tpu.wait_dma2 semaphore(%run_scoped3A : memref<!tpu.dma_semaphore, #tpu.memory_space<semaphore_mem>>) src(%dma_wait3A_1745 : memref<64xi32, #tpu.memory_space<hbm>>) dst(%arg12 : memref<64xi32, #tpu.memory_space<vmem>>)
      tpu.yield
    }) : () -> ()
    %mul3A_1431 = arith.constant 64 : i32
    %mul3A_1432 = arith.muli %select_n3A_1428, %mul3A_1431 : i32
    "tpu.region"() ({
      %run_scoped3A = tpu.sem_alloc : memref<!tpu.dma_semaphore, #tpu.memory_space<semaphore_mem>>
      %dma_start3A_1742 = arith.constant 0 : i32
      %dma_start3A_1743 = arith.constant 0 : i32
      %dma_start3A_1744 = arith.constant 0 : i32
      %dma_start3A_1745 = tpu.memref_slice %arg13[%dma_start3A_1742, %dma_start3A_1743, %dma_start3A_1744] : memref<80x8x128xf32, #tpu.memory_space<vmem>> -> memref<64x8x128xf32, #tpu.memory_space<vmem>>
      %dma_start3A_1746 = arith.constant 0 : i32
      %dma_start3A_1747 = arith.constant 0 : i32
      %dma_start3A_1748 = tpu.memref_slice %arg9[%mul3A_1432, %dma_start3A_1746, %dma_start3A_1747] : memref<4096x8x128xf32, #tpu.memory_space<hbm>> -> memref<64x8x128xf32, #tpu.memory_space<hbm>>
      %dma_start3A_1749 = arith.constant 0 : i32
      %dma_start3A_1750 = arith.constant 0 : i32
      %dma_start3A_1751 = arith.constant 0 : i32
      %dma_start3A_1752 = tpu.memref_slice %arg13[%dma_start3A_1749, %dma_start3A_1750, %dma_start3A_1751] : memref<80x8x128xf32, #tpu.memory_space<vmem>> -> memref<64x8x128xf32, #tpu.memory_space<vmem>>
      %dma_start3A_1753 = arith.constant 0 : i32
      %dma_start3A_1754 = arith.constant 0 : i32
      %dma_start3A_1755 = tpu.memref_slice %arg9[%mul3A_1432, %dma_start3A_1753, %dma_start3A_1754] : memref<4096x8x128xf32, #tpu.memory_space<hbm>> -> memref<64x8x128xf32, #tpu.memory_space<hbm>>
      tpu.enqueue_dma source(%dma_start3A_1755 : memref<64x8x128xf32, #tpu.memory_space<hbm>>) target(%dma_start3A_1752 : memref<64x8x128xf32, #tpu.memory_space<vmem>>) target_semaphore(%run_scoped3A : memref<!tpu.dma_semaphore, #tpu.memory_space<semaphore_mem>>)
      %dma_wait3A_1756 = arith.constant 0 : i32
      %dma_wait3A_1757 = arith.constant 0 : i32
      %dma_wait3A_1758 = arith.constant 0 : i32
      %dma_wait3A_1759 = tpu.memref_slice %arg13[%dma_wait3A_1756, %dma_wait3A_1757, %dma_wait3A_1758] : memref<80x8x128xf32, #tpu.memory_space<vmem>> -> memref<64x8x128xf32, #tpu.memory_space<vmem>>
      %dma_wait3A_1760 = arith.constant 0 : i32
      %dma_wait3A_1761 = arith.constant 0 : i32
      %dma_wait3A_1762 = tpu.memref_slice %arg9[%mul3A_1432, %dma_wait3A_1760, %dma_wait3A_1761] : memref<4096x8x128xf32, #tpu.memory_space<hbm>> -> memref<64x8x128xf32, #tpu.memory_space<hbm>>
      %dma_wait3A_1763 = arith.constant 0 : i32
      %dma_wait3A_1764 = arith.constant 0 : i32
      %dma_wait3A_1765 = arith.constant 0 : i32
      %dma_wait3A_1766 = tpu.memref_slice %arg13[%dma_wait3A_1763, %dma_wait3A_1764, %dma_wait3A_1765] : memref<80x8x128xf32, #tpu.memory_space<vmem>> -> memref<64x8x128xf32, #tpu.memory_space<vmem>>
      %dma_wait3A_1767 = arith.constant 0 : i32
      %dma_wait3A_1768 = arith.constant 0 : i32
      %dma_wait3A_1769 = tpu.memref_slice %arg9[%mul3A_1432, %dma_wait3A_1767, %dma_wait3A_1768] : memref<4096x8x128xf32, #tpu.memory_space<hbm>> -> memref<64x8x128xf32, #tpu.memory_space<hbm>>
      tpu.wait_dma2 semaphore(%run_scoped3A : memref<!tpu.dma_semaphore, #tpu.memory_space<semaphore_mem>>) src(%dma_wait3A_1769 : memref<64x8x128xf32, #tpu.memory_space<hbm>>) dst(%dma_wait3A_1766 : memref<64x8x128xf32, #tpu.memory_space<vmem>>)
      tpu.yield
    }) : () -> ()
    %dma_start3A_1433 = arith.constant 0 : i32
    %dma_start3A_1434 = arith.constant 0 : i32
    %dma_start3A_1435 = arith.constant 0 : i32
    %dma_start3A_1436 = tpu.memref_slice %arg13[%dma_start3A_1433, %dma_start3A_1434, %dma_start3A_1435] : memref<80x8x128xf32, #tpu.memory_space<vmem>> -> memref<64x8x128xf32, #tpu.memory_space<vmem>>
    %dma_start3A_1437 = arith.constant 0 : i32
    %dma_start3A_1438 = arith.constant 0 : i32
    %dma_start3A_1439 = arith.constant 0 : i32
    %dma_start3A_1440 = tpu.memref_slice %arg7[%dma_start3A_1437, %dma_start3A_1438, %dma_start3A_1439] : memref<8194x8x128xf32, #tpu.memory_space<hbm>> -> memref<8194x8x128xf32, #tpu.memory_space<hbm>>
    tpu.enqueue_indirect_dma source(%dma_start3A_1440 : memref<8194x8x128xf32, #tpu.memory_space<hbm>>) target(%dma_start3A_1436 : memref<64x8x128xf32, #tpu.memory_space<vmem>>) offsets(%arg12 : memref<64xi32, #tpu.memory_space<vmem>>) semaphore(%arg14 : memref<!tpu.dma_semaphore, #tpu.memory_space<semaphore_mem>>) {add = true}
    %dma_wait3A_1441 = arith.constant 0 : i32
    %dma_wait3A_1442 = arith.constant 0 : i32
    %dma_wait3A_1443 = arith.constant 0 : i32
    %dma_wait3A_1444 = tpu.memref_slice %arg13[%dma_wait3A_1441, %dma_wait3A_1442, %dma_wait3A_1443] : memref<80x8x128xf32, #tpu.memory_space<vmem>> -> memref<64x8x128xf32, #tpu.memory_space<vmem>>
    %dma_wait3A_1445 = arith.constant 0 : i32
    %dma_wait3A_1446 = arith.constant 0 : i32
    %dma_wait3A_1447 = arith.constant 0 : i32
    %dma_wait3A_1448 = tpu.memref_slice %arg7[%dma_wait3A_1445, %dma_wait3A_1446, %dma_wait3A_1447] : memref<8194x8x128xf32, #tpu.memory_space<hbm>> -> memref<8194x8x128xf32, #tpu.memory_space<hbm>>
    tpu.wait_indirect_dma semaphore(%arg14 : memref<!tpu.dma_semaphore, #tpu.memory_space<semaphore_mem>>) src(%dma_wait3A_1448 : memref<8194x8x128xf32, #tpu.memory_space<hbm>>) dst(%dma_wait3A_1444 : memref<64x8x128xf32, #tpu.memory_space<vmem>>)
    %mul3A_1449 = arith.constant 3224 : i32
    %mul3A_1450 = arith.muli %select_n3A_1412, %mul3A_1449 : i32
    %add3A_1451 = arith.constant 152 : i32
    %add3A_1452 = arith.addi %mul3A_1450, %add3A_1451 : i32
    %add3A_1453 = arith.constant 1024 : i32
    %add3A_1454 = arith.addi %add3A_1452, %add3A_1453 : i32
    %mul3A_1455 = arith.constant 64 : i32
    %mul3A_1456 = arith.muli %select_n3A_1428, %mul3A_1455 : i32
    %add3A_1457 = arith.addi %add3A_1454, %mul3A_1456 : i32
    "tpu.region"() ({
      %run_scoped3A = tpu.sem_alloc : memref<!tpu.dma_semaphore, #tpu.memory_space<semaphore_mem>>
      %dma_start3A_1742 = arith.constant 0 : i32
      %dma_start3A_1743 = arith.constant 0 : i32
      %dma_start3A_1744 = arith.constant 0 : i32
      %dma_start3A_1745 = tpu.memref_slice %arg13[%dma_start3A_1742, %dma_start3A_1743, %dma_start3A_1744] : memref<80x8x128xf32, #tpu.memory_space<vmem>> -> memref<64x8x128xf32, #tpu.memory_space<vmem>>
      %dma_start3A_1746 = arith.constant 0 : i32
      %dma_start3A_1747 = arith.constant 0 : i32
      %dma_start3A_1748 = tpu.memref_slice %arg10[%add3A_1457, %dma_start3A_1746, %dma_start3A_1747] : memref<51584x8x128xf32, #tpu.memory_space<hbm>> -> memref<64x8x128xf32, #tpu.memory_space<hbm>>
      %dma_start3A_1749 = arith.constant 0 : i32
      %dma_start3A_1750 = arith.constant 0 : i32
      %dma_start3A_1751 = tpu.memref_slice %arg10[%add3A_1457, %dma_start3A_1749, %dma_start3A_1750] : memref<51584x8x128xf32, #tpu.memory_space<hbm>> -> memref<64x8x128xf32, #tpu.memory_space<hbm>>
      %dma_start3A_1752 = arith.constant 0 : i32
      %dma_start3A_1753 = arith.constant 0 : i32
      %dma_start3A_1754 = arith.constant 0 : i32
      %dma_start3A_1755 = tpu.memref_slice %arg13[%dma_start3A_1752, %dma_start3A_1753, %dma_start3A_1754] : memref<80x8x128xf32, #tpu.memory_space<vmem>> -> memref<64x8x128xf32, #tpu.memory_space<vmem>>
      tpu.enqueue_dma source(%dma_start3A_1755 : memref<64x8x128xf32, #tpu.memory_space<vmem>>) target(%dma_start3A_1751 : memref<64x8x128xf32, #tpu.memory_space<hbm>>) target_semaphore(%run_scoped3A : memref<!tpu.dma_semaphore, #tpu.memory_space<semaphore_mem>>)
      %dma_wait3A_1756 = arith.constant 0 : i32
      %dma_wait3A_1757 = arith.constant 0 : i32
      %dma_wait3A_1758 = arith.constant 0 : i32
      %dma_wait3A_1759 = tpu.memref_slice %arg13[%dma_wait3A_1756, %dma_wait3A_1757, %dma_wait3A_1758] : memref<80x8x128xf32, #tpu.memory_space<vmem>> -> memref<64x8x128xf32, #tpu.memory_space<vmem>>
      %dma_wait3A_1760 = arith.constant 0 : i32
      %dma_wait3A_1761 = arith.constant 0 : i32
      %dma_wait3A_1762 = tpu.memref_slice %arg10[%add3A_1457, %dma_wait3A_1760, %dma_wait3A_1761] : memref<51584x8x128xf32, #tpu.memory_space<hbm>> -> memref<64x8x128xf32, #tpu.memory_space<hbm>>
      %dma_wait3A_1763 = arith.constant 0 : i32
      %dma_wait3A_1764 = arith.constant 0 : i32
      %dma_wait3A_1765 = tpu.memref_slice %arg10[%add3A_1457, %dma_wait3A_1763, %dma_wait3A_1764] : memref<51584x8x128xf32, #tpu.memory_space<hbm>> -> memref<64x8x128xf32, #tpu.memory_space<hbm>>
      %dma_wait3A_1766 = arith.constant 0 : i32
      %dma_wait3A_1767 = arith.constant 0 : i32
      %dma_wait3A_1768 = arith.constant 0 : i32
      %dma_wait3A_1769 = tpu.memref_slice %arg13[%dma_wait3A_1766, %dma_wait3A_1767, %dma_wait3A_1768] : memref<80x8x128xf32, #tpu.memory_space<vmem>> -> memref<64x8x128xf32, #tpu.memory_space<vmem>>
      tpu.wait_dma2 semaphore(%run_scoped3A : memref<!tpu.dma_semaphore, #tpu.memory_space<semaphore_mem>>) src(%dma_wait3A_1769 : memref<64x8x128xf32, #tpu.memory_space<vmem>>) dst(%dma_wait3A_1765 : memref<64x8x128xf32, #tpu.memory_space<hbm>>)
      tpu.yield
    }) : () -> ()
    %add3A_1458 = arith.constant 384 : i32
    %add3A_1459 = arith.addi %add3A, %add3A_1458 : i32
    %jit3A_1460 = arith.constant 32 : i32
    %div3A_1461 = arith.divsi %add3A_1459, %jit3A_1460 : i32
    %sign3A_1462 = arith.constant 0 : i32
    %sign3A_1463 = arith.cmpi sgt, %add3A_1459, %sign3A_1462 : i32
    %sign3A_1464 = arith.extui %sign3A_1463 : i1 to i32
    %sign3A_1465 = arith.constant 0 : i32
    %sign3A_1466 = arith.cmpi slt, %add3A_1459, %sign3A_1465 : i32
    %sign3A_1467 = arith.extui %sign3A_1466 : i1 to i32
    %sign3A_1468 = arith.subi %sign3A_1464, %sign3A_1467 : i32
    %sign3A_1469 = arith.constant 0 : i32
    %sign3A_1470 = arith.cmpi sgt, %jit3A_1460, %sign3A_1469 : i32
    %sign3A_1471 = arith.extui %sign3A_1470 : i1 to i32
    %sign3A_1472 = arith.constant 0 : i32
    %sign3A_1473 = arith.cmpi slt, %jit3A_1460, %sign3A_1472 : i32
    %sign3A_1474 = arith.extui %sign3A_1473 : i1 to i32
    %sign3A_1475 = arith.subi %sign3A_1471, %sign3A_1474 : i32
    %ne3A_1476 = arith.cmpi ne, %sign3A_1468, %sign3A_1475 : i32
    %rem3A_1477 = arith.remsi %add3A_1459, %jit3A_1460 : i32
    %ne3A_1478 = arith.constant 0 : i32
    %ne3A_1479 = arith.cmpi ne, %rem3A_1477, %ne3A_1478 : i32
    %and3A_1480 = arith.andi %ne3A_1476, %ne3A_1479 : i1
    %sub3A_1481 = arith.constant 1 : i32
    %sub3A_1482 = arith.subi %div3A_1461, %sub3A_1481 : i32
    %select_n3A_1483 = arith.select %and3A_1480, %sub3A_1482, %div3A_1461 : i32
    %jit3A_1484 = arith.constant 32 : i32
    %eq3A_1485 = arith.constant 0 : i32
    %eq3A_1486 = arith.cmpi eq, %jit3A_1484, %eq3A_1485 : i32
    %jit3A_1487 = arith.constant 1 : i32
    %select_n3A_1488 = arith.select %eq3A_1486, %jit3A_1487, %jit3A_1484 : i32
    %rem3A_1489 = arith.remsi %add3A_1459, %select_n3A_1488 : i32
    %ne3A_1490 = arith.constant 0 : i32
    %ne3A_1491 = arith.cmpi ne, %rem3A_1489, %ne3A_1490 : i32
    %lt3A_1492 = arith.constant 0 : i32
    %lt3A_1493 = arith.cmpi slt, %rem3A_1489, %lt3A_1492 : i32
    %lt3A_1494 = arith.constant 0 : i32
    %lt3A_1495 = arith.cmpi slt, %select_n3A_1488, %lt3A_1494 : i32
    %ne3A_1496 = arith.xori %lt3A_1493, %lt3A_1495 : i1
    %and3A_1497 = arith.andi %ne3A_1496, %ne3A_1491 : i1
    %add3A_1498 = arith.addi %rem3A_1489, %select_n3A_1488 : i32
    %select_n3A_1499 = arith.select %and3A_1497, %add3A_1498, %rem3A_1489 : i32
    %mul3A_1500 = arith.constant 64 : i32
    %mul3A_1501 = arith.muli %add3A_1459, %mul3A_1500 : i32
    "tpu.region"() ({
      %run_scoped3A = tpu.sem_alloc : memref<!tpu.dma_semaphore, #tpu.memory_space<semaphore_mem>>
      %dma_start3A_1742 = tpu.memref_slice %arg5[%mul3A_1501] : memref<32768xi32, #tpu.memory_space<hbm>> -> memref<64xi32, #tpu.memory_space<hbm>>
      %dma_start3A_1743 = tpu.memref_slice %arg5[%mul3A_1501] : memref<32768xi32, #tpu.memory_space<hbm>> -> memref<64xi32, #tpu.memory_space<hbm>>
      tpu.enqueue_dma source(%dma_start3A_1743 : memref<64xi32, #tpu.memory_space<hbm>>) target(%arg12 : memref<64xi32, #tpu.memory_space<vmem>>) target_semaphore(%run_scoped3A : memref<!tpu.dma_semaphore, #tpu.memory_space<semaphore_mem>>)
      %dma_wait3A_1744 = tpu.memref_slice %arg5[%mul3A_1501] : memref<32768xi32, #tpu.memory_space<hbm>> -> memref<64xi32, #tpu.memory_space<hbm>>
      %dma_wait3A_1745 = tpu.memref_slice %arg5[%mul3A_1501] : memref<32768xi32, #tpu.memory_space<hbm>> -> memref<64xi32, #tpu.memory_space<hbm>>
      tpu.wait_dma2 semaphore(%run_scoped3A : memref<!tpu.dma_semaphore, #tpu.memory_space<semaphore_mem>>) src(%dma_wait3A_1745 : memref<64xi32, #tpu.memory_space<hbm>>) dst(%arg12 : memref<64xi32, #tpu.memory_space<vmem>>)
      tpu.yield
    }) : () -> ()
    %mul3A_1502 = arith.constant 64 : i32
    %mul3A_1503 = arith.muli %select_n3A_1499, %mul3A_1502 : i32
    "tpu.region"() ({
      %run_scoped3A = tpu.sem_alloc : memref<!tpu.dma_semaphore, #tpu.memory_space<semaphore_mem>>
      %dma_start3A_1742 = arith.constant 0 : i32
      %dma_start3A_1743 = arith.constant 0 : i32
      %dma_start3A_1744 = arith.constant 0 : i32
      %dma_start3A_1745 = tpu.memref_slice %arg13[%dma_start3A_1742, %dma_start3A_1743, %dma_start3A_1744] : memref<80x8x128xf32, #tpu.memory_space<vmem>> -> memref<64x8x128xf32, #tpu.memory_space<vmem>>
      %dma_start3A_1746 = arith.constant 0 : i32
      %dma_start3A_1747 = arith.constant 0 : i32
      %dma_start3A_1748 = tpu.memref_slice %arg9[%mul3A_1503, %dma_start3A_1746, %dma_start3A_1747] : memref<4096x8x128xf32, #tpu.memory_space<hbm>> -> memref<64x8x128xf32, #tpu.memory_space<hbm>>
      %dma_start3A_1749 = arith.constant 0 : i32
      %dma_start3A_1750 = arith.constant 0 : i32
      %dma_start3A_1751 = arith.constant 0 : i32
      %dma_start3A_1752 = tpu.memref_slice %arg13[%dma_start3A_1749, %dma_start3A_1750, %dma_start3A_1751] : memref<80x8x128xf32, #tpu.memory_space<vmem>> -> memref<64x8x128xf32, #tpu.memory_space<vmem>>
      %dma_start3A_1753 = arith.constant 0 : i32
      %dma_start3A_1754 = arith.constant 0 : i32
      %dma_start3A_1755 = tpu.memref_slice %arg9[%mul3A_1503, %dma_start3A_1753, %dma_start3A_1754] : memref<4096x8x128xf32, #tpu.memory_space<hbm>> -> memref<64x8x128xf32, #tpu.memory_space<hbm>>
      tpu.enqueue_dma source(%dma_start3A_1755 : memref<64x8x128xf32, #tpu.memory_space<hbm>>) target(%dma_start3A_1752 : memref<64x8x128xf32, #tpu.memory_space<vmem>>) target_semaphore(%run_scoped3A : memref<!tpu.dma_semaphore, #tpu.memory_space<semaphore_mem>>)
      %dma_wait3A_1756 = arith.constant 0 : i32
      %dma_wait3A_1757 = arith.constant 0 : i32
      %dma_wait3A_1758 = arith.constant 0 : i32
      %dma_wait3A_1759 = tpu.memref_slice %arg13[%dma_wait3A_1756, %dma_wait3A_1757, %dma_wait3A_1758] : memref<80x8x128xf32, #tpu.memory_space<vmem>> -> memref<64x8x128xf32, #tpu.memory_space<vmem>>
      %dma_wait3A_1760 = arith.constant 0 : i32
      %dma_wait3A_1761 = arith.constant 0 : i32
      %dma_wait3A_1762 = tpu.memref_slice %arg9[%mul3A_1503, %dma_wait3A_1760, %dma_wait3A_1761] : memref<4096x8x128xf32, #tpu.memory_space<hbm>> -> memref<64x8x128xf32, #tpu.memory_space<hbm>>
      %dma_wait3A_1763 = arith.constant 0 : i32
      %dma_wait3A_1764 = arith.constant 0 : i32
      %dma_wait3A_1765 = arith.constant 0 : i32
      %dma_wait3A_1766 = tpu.memref_slice %arg13[%dma_wait3A_1763, %dma_wait3A_1764, %dma_wait3A_1765] : memref<80x8x128xf32, #tpu.memory_space<vmem>> -> memref<64x8x128xf32, #tpu.memory_space<vmem>>
      %dma_wait3A_1767 = arith.constant 0 : i32
      %dma_wait3A_1768 = arith.constant 0 : i32
      %dma_wait3A_1769 = tpu.memref_slice %arg9[%mul3A_1503, %dma_wait3A_1767, %dma_wait3A_1768] : memref<4096x8x128xf32, #tpu.memory_space<hbm>> -> memref<64x8x128xf32, #tpu.memory_space<hbm>>
      tpu.wait_dma2 semaphore(%run_scoped3A : memref<!tpu.dma_semaphore, #tpu.memory_space<semaphore_mem>>) src(%dma_wait3A_1769 : memref<64x8x128xf32, #tpu.memory_space<hbm>>) dst(%dma_wait3A_1766 : memref<64x8x128xf32, #tpu.memory_space<vmem>>)
      tpu.yield
    }) : () -> ()
    %dma_start3A_1504 = arith.constant 0 : i32
    %dma_start3A_1505 = arith.constant 0 : i32
    %dma_start3A_1506 = arith.constant 0 : i32
    %dma_start3A_1507 = tpu.memref_slice %arg13[%dma_start3A_1504, %dma_start3A_1505, %dma_start3A_1506] : memref<80x8x128xf32, #tpu.memory_space<vmem>> -> memref<64x8x128xf32, #tpu.memory_space<vmem>>
    %dma_start3A_1508 = arith.constant 0 : i32
    %dma_start3A_1509 = arith.constant 0 : i32
    %dma_start3A_1510 = arith.constant 0 : i32
    %dma_start3A_1511 = tpu.memref_slice %arg7[%dma_start3A_1508, %dma_start3A_1509, %dma_start3A_1510] : memref<8194x8x128xf32, #tpu.memory_space<hbm>> -> memref<8194x8x128xf32, #tpu.memory_space<hbm>>
    tpu.enqueue_indirect_dma source(%dma_start3A_1511 : memref<8194x8x128xf32, #tpu.memory_space<hbm>>) target(%dma_start3A_1507 : memref<64x8x128xf32, #tpu.memory_space<vmem>>) offsets(%arg12 : memref<64xi32, #tpu.memory_space<vmem>>) semaphore(%arg14 : memref<!tpu.dma_semaphore, #tpu.memory_space<semaphore_mem>>) {add = true}
    %dma_wait3A_1512 = arith.constant 0 : i32
    %dma_wait3A_1513 = arith.constant 0 : i32
    %dma_wait3A_1514 = arith.constant 0 : i32
    %dma_wait3A_1515 = tpu.memref_slice %arg13[%dma_wait3A_1512, %dma_wait3A_1513, %dma_wait3A_1514] : memref<80x8x128xf32, #tpu.memory_space<vmem>> -> memref<64x8x128xf32, #tpu.memory_space<vmem>>
    %dma_wait3A_1516 = arith.constant 0 : i32
    %dma_wait3A_1517 = arith.constant 0 : i32
    %dma_wait3A_1518 = arith.constant 0 : i32
    %dma_wait3A_1519 = tpu.memref_slice %arg7[%dma_wait3A_1516, %dma_wait3A_1517, %dma_wait3A_1518] : memref<8194x8x128xf32, #tpu.memory_space<hbm>> -> memref<8194x8x128xf32, #tpu.memory_space<hbm>>
    tpu.wait_indirect_dma semaphore(%arg14 : memref<!tpu.dma_semaphore, #tpu.memory_space<semaphore_mem>>) src(%dma_wait3A_1519 : memref<8194x8x128xf32, #tpu.memory_space<hbm>>) dst(%dma_wait3A_1515 : memref<64x8x128xf32, #tpu.memory_space<vmem>>)
    %mul3A_1520 = arith.constant 3224 : i32
    %mul3A_1521 = arith.muli %select_n3A_1483, %mul3A_1520 : i32
    %add3A_1522 = arith.constant 152 : i32
    %add3A_1523 = arith.addi %mul3A_1521, %add3A_1522 : i32
    %add3A_1524 = arith.constant 1024 : i32
    %add3A_1525 = arith.addi %add3A_1523, %add3A_1524 : i32
    %mul3A_1526 = arith.constant 64 : i32
    %mul3A_1527 = arith.muli %select_n3A_1499, %mul3A_1526 : i32
    %add3A_1528 = arith.addi %add3A_1525, %mul3A_1527 : i32
    "tpu.region"() ({
      %run_scoped3A = tpu.sem_alloc : memref<!tpu.dma_semaphore, #tpu.memory_space<semaphore_mem>>
      %dma_start3A_1742 = arith.constant 0 : i32
      %dma_start3A_1743 = arith.constant 0 : i32
      %dma_start3A_1744 = arith.constant 0 : i32
      %dma_start3A_1745 = tpu.memref_slice %arg13[%dma_start3A_1742, %dma_start3A_1743, %dma_start3A_1744] : memref<80x8x128xf32, #tpu.memory_space<vmem>> -> memref<64x8x128xf32, #tpu.memory_space<vmem>>
      %dma_start3A_1746 = arith.constant 0 : i32
      %dma_start3A_1747 = arith.constant 0 : i32
      %dma_start3A_1748 = tpu.memref_slice %arg10[%add3A_1528, %dma_start3A_1746, %dma_start3A_1747] : memref<51584x8x128xf32, #tpu.memory_space<hbm>> -> memref<64x8x128xf32, #tpu.memory_space<hbm>>
      %dma_start3A_1749 = arith.constant 0 : i32
      %dma_start3A_1750 = arith.constant 0 : i32
      %dma_start3A_1751 = tpu.memref_slice %arg10[%add3A_1528, %dma_start3A_1749, %dma_start3A_1750] : memref<51584x8x128xf32, #tpu.memory_space<hbm>> -> memref<64x8x128xf32, #tpu.memory_space<hbm>>
      %dma_start3A_1752 = arith.constant 0 : i32
      %dma_start3A_1753 = arith.constant 0 : i32
      %dma_start3A_1754 = arith.constant 0 : i32
      %dma_start3A_1755 = tpu.memref_slice %arg13[%dma_start3A_1752, %dma_start3A_1753, %dma_start3A_1754] : memref<80x8x128xf32, #tpu.memory_space<vmem>> -> memref<64x8x128xf32, #tpu.memory_space<vmem>>
      tpu.enqueue_dma source(%dma_start3A_1755 : memref<64x8x128xf32, #tpu.memory_space<vmem>>) target(%dma_start3A_1751 : memref<64x8x128xf32, #tpu.memory_space<hbm>>) target_semaphore(%run_scoped3A : memref<!tpu.dma_semaphore, #tpu.memory_space<semaphore_mem>>)
      %dma_wait3A_1756 = arith.constant 0 : i32
      %dma_wait3A_1757 = arith.constant 0 : i32
      %dma_wait3A_1758 = arith.constant 0 : i32
      %dma_wait3A_1759 = tpu.memref_slice %arg13[%dma_wait3A_1756, %dma_wait3A_1757, %dma_wait3A_1758] : memref<80x8x128xf32, #tpu.memory_space<vmem>> -> memref<64x8x128xf32, #tpu.memory_space<vmem>>
      %dma_wait3A_1760 = arith.constant 0 : i32
      %dma_wait3A_1761 = arith.constant 0 : i32
      %dma_wait3A_1762 = tpu.memref_slice %arg10[%add3A_1528, %dma_wait3A_1760, %dma_wait3A_1761] : memref<51584x8x128xf32, #tpu.memory_space<hbm>> -> memref<64x8x128xf32, #tpu.memory_space<hbm>>
      %dma_wait3A_1763 = arith.constant 0 : i32
      %dma_wait3A_1764 = arith.constant 0 : i32
      %dma_wait3A_1765 = tpu.memref_slice %arg10[%add3A_1528, %dma_wait3A_1763, %dma_wait3A_1764] : memref<51584x8x128xf32, #tpu.memory_space<hbm>> -> memref<64x8x128xf32, #tpu.memory_space<hbm>>
      %dma_wait3A_1766 = arith.constant 0 : i32
      %dma_wait3A_1767 = arith.constant 0 : i32
      %dma_wait3A_1768 = arith.constant 0 : i32
      %dma_wait3A_1769 = tpu.memref_slice %arg13[%dma_wait3A_1766, %dma_wait3A_1767, %dma_wait3A_1768] : memref<80x8x128xf32, #tpu.memory_space<vmem>> -> memref<64x8x128xf32, #tpu.memory_space<vmem>>
      tpu.wait_dma2 semaphore(%run_scoped3A : memref<!tpu.dma_semaphore, #tpu.memory_space<semaphore_mem>>) src(%dma_wait3A_1769 : memref<64x8x128xf32, #tpu.memory_space<vmem>>) dst(%dma_wait3A_1765 : memref<64x8x128xf32, #tpu.memory_space<hbm>>)
      tpu.yield
    }) : () -> ()
    %add3A_1529 = arith.constant 416 : i32
    %add3A_1530 = arith.addi %add3A, %add3A_1529 : i32
    %jit3A_1531 = arith.constant 32 : i32
    %div3A_1532 = arith.divsi %add3A_1530, %jit3A_1531 : i32
    %sign3A_1533 = arith.constant 0 : i32
    %sign3A_1534 = arith.cmpi sgt, %add3A_1530, %sign3A_1533 : i32
    %sign3A_1535 = arith.extui %sign3A_1534 : i1 to i32
    %sign3A_1536 = arith.constant 0 : i32
    %sign3A_1537 = arith.cmpi slt, %add3A_1530, %sign3A_1536 : i32
    %sign3A_1538 = arith.extui %sign3A_1537 : i1 to i32
    %sign3A_1539 = arith.subi %sign3A_1535, %sign3A_1538 : i32
    %sign3A_1540 = arith.constant 0 : i32
    %sign3A_1541 = arith.cmpi sgt, %jit3A_1531, %sign3A_1540 : i32
    %sign3A_1542 = arith.extui %sign3A_1541 : i1 to i32
    %sign3A_1543 = arith.constant 0 : i32
    %sign3A_1544 = arith.cmpi slt, %jit3A_1531, %sign3A_1543 : i32
    %sign3A_1545 = arith.extui %sign3A_1544 : i1 to i32
    %sign3A_1546 = arith.subi %sign3A_1542, %sign3A_1545 : i32
    %ne3A_1547 = arith.cmpi ne, %sign3A_1539, %sign3A_1546 : i32
    %rem3A_1548 = arith.remsi %add3A_1530, %jit3A_1531 : i32
    %ne3A_1549 = arith.constant 0 : i32
    %ne3A_1550 = arith.cmpi ne, %rem3A_1548, %ne3A_1549 : i32
    %and3A_1551 = arith.andi %ne3A_1547, %ne3A_1550 : i1
    %sub3A_1552 = arith.constant 1 : i32
    %sub3A_1553 = arith.subi %div3A_1532, %sub3A_1552 : i32
    %select_n3A_1554 = arith.select %and3A_1551, %sub3A_1553, %div3A_1532 : i32
    %jit3A_1555 = arith.constant 32 : i32
    %eq3A_1556 = arith.constant 0 : i32
    %eq3A_1557 = arith.cmpi eq, %jit3A_1555, %eq3A_1556 : i32
    %jit3A_1558 = arith.constant 1 : i32
    %select_n3A_1559 = arith.select %eq3A_1557, %jit3A_1558, %jit3A_1555 : i32
    %rem3A_1560 = arith.remsi %add3A_1530, %select_n3A_1559 : i32
    %ne3A_1561 = arith.constant 0 : i32
    %ne3A_1562 = arith.cmpi ne, %rem3A_1560, %ne3A_1561 : i32
    %lt3A_1563 = arith.constant 0 : i32
    %lt3A_1564 = arith.cmpi slt, %rem3A_1560, %lt3A_1563 : i32
    %lt3A_1565 = arith.constant 0 : i32
    %lt3A_1566 = arith.cmpi slt, %select_n3A_1559, %lt3A_1565 : i32
    %ne3A_1567 = arith.xori %lt3A_1564, %lt3A_1566 : i1
    %and3A_1568 = arith.andi %ne3A_1567, %ne3A_1562 : i1
    %add3A_1569 = arith.addi %rem3A_1560, %select_n3A_1559 : i32
    %select_n3A_1570 = arith.select %and3A_1568, %add3A_1569, %rem3A_1560 : i32
    %mul3A_1571 = arith.constant 64 : i32
    %mul3A_1572 = arith.muli %add3A_1530, %mul3A_1571 : i32
    "tpu.region"() ({
      %run_scoped3A = tpu.sem_alloc : memref<!tpu.dma_semaphore, #tpu.memory_space<semaphore_mem>>
      %dma_start3A_1742 = tpu.memref_slice %arg5[%mul3A_1572] : memref<32768xi32, #tpu.memory_space<hbm>> -> memref<64xi32, #tpu.memory_space<hbm>>
      %dma_start3A_1743 = tpu.memref_slice %arg5[%mul3A_1572] : memref<32768xi32, #tpu.memory_space<hbm>> -> memref<64xi32, #tpu.memory_space<hbm>>
      tpu.enqueue_dma source(%dma_start3A_1743 : memref<64xi32, #tpu.memory_space<hbm>>) target(%arg12 : memref<64xi32, #tpu.memory_space<vmem>>) target_semaphore(%run_scoped3A : memref<!tpu.dma_semaphore, #tpu.memory_space<semaphore_mem>>)
      %dma_wait3A_1744 = tpu.memref_slice %arg5[%mul3A_1572] : memref<32768xi32, #tpu.memory_space<hbm>> -> memref<64xi32, #tpu.memory_space<hbm>>
      %dma_wait3A_1745 = tpu.memref_slice %arg5[%mul3A_1572] : memref<32768xi32, #tpu.memory_space<hbm>> -> memref<64xi32, #tpu.memory_space<hbm>>
      tpu.wait_dma2 semaphore(%run_scoped3A : memref<!tpu.dma_semaphore, #tpu.memory_space<semaphore_mem>>) src(%dma_wait3A_1745 : memref<64xi32, #tpu.memory_space<hbm>>) dst(%arg12 : memref<64xi32, #tpu.memory_space<vmem>>)
      tpu.yield
    }) : () -> ()
    %mul3A_1573 = arith.constant 64 : i32
    %mul3A_1574 = arith.muli %select_n3A_1570, %mul3A_1573 : i32
    "tpu.region"() ({
      %run_scoped3A = tpu.sem_alloc : memref<!tpu.dma_semaphore, #tpu.memory_space<semaphore_mem>>
      %dma_start3A_1742 = arith.constant 0 : i32
      %dma_start3A_1743 = arith.constant 0 : i32
      %dma_start3A_1744 = arith.constant 0 : i32
      %dma_start3A_1745 = tpu.memref_slice %arg13[%dma_start3A_1742, %dma_start3A_1743, %dma_start3A_1744] : memref<80x8x128xf32, #tpu.memory_space<vmem>> -> memref<64x8x128xf32, #tpu.memory_space<vmem>>
      %dma_start3A_1746 = arith.constant 0 : i32
      %dma_start3A_1747 = arith.constant 0 : i32
      %dma_start3A_1748 = tpu.memref_slice %arg9[%mul3A_1574, %dma_start3A_1746, %dma_start3A_1747] : memref<4096x8x128xf32, #tpu.memory_space<hbm>> -> memref<64x8x128xf32, #tpu.memory_space<hbm>>
      %dma_start3A_1749 = arith.constant 0 : i32
      %dma_start3A_1750 = arith.constant 0 : i32
      %dma_start3A_1751 = arith.constant 0 : i32
      %dma_start3A_1752 = tpu.memref_slice %arg13[%dma_start3A_1749, %dma_start3A_1750, %dma_start3A_1751] : memref<80x8x128xf32, #tpu.memory_space<vmem>> -> memref<64x8x128xf32, #tpu.memory_space<vmem>>
      %dma_start3A_1753 = arith.constant 0 : i32
      %dma_start3A_1754 = arith.constant 0 : i32
      %dma_start3A_1755 = tpu.memref_slice %arg9[%mul3A_1574, %dma_start3A_1753, %dma_start3A_1754] : memref<4096x8x128xf32, #tpu.memory_space<hbm>> -> memref<64x8x128xf32, #tpu.memory_space<hbm>>
      tpu.enqueue_dma source(%dma_start3A_1755 : memref<64x8x128xf32, #tpu.memory_space<hbm>>) target(%dma_start3A_1752 : memref<64x8x128xf32, #tpu.memory_space<vmem>>) target_semaphore(%run_scoped3A : memref<!tpu.dma_semaphore, #tpu.memory_space<semaphore_mem>>)
      %dma_wait3A_1756 = arith.constant 0 : i32
      %dma_wait3A_1757 = arith.constant 0 : i32
      %dma_wait3A_1758 = arith.constant 0 : i32
      %dma_wait3A_1759 = tpu.memref_slice %arg13[%dma_wait3A_1756, %dma_wait3A_1757, %dma_wait3A_1758] : memref<80x8x128xf32, #tpu.memory_space<vmem>> -> memref<64x8x128xf32, #tpu.memory_space<vmem>>
      %dma_wait3A_1760 = arith.constant 0 : i32
      %dma_wait3A_1761 = arith.constant 0 : i32
      %dma_wait3A_1762 = tpu.memref_slice %arg9[%mul3A_1574, %dma_wait3A_1760, %dma_wait3A_1761] : memref<4096x8x128xf32, #tpu.memory_space<hbm>> -> memref<64x8x128xf32, #tpu.memory_space<hbm>>
      %dma_wait3A_1763 = arith.constant 0 : i32
      %dma_wait3A_1764 = arith.constant 0 : i32
      %dma_wait3A_1765 = arith.constant 0 : i32
      %dma_wait3A_1766 = tpu.memref_slice %arg13[%dma_wait3A_1763, %dma_wait3A_1764, %dma_wait3A_1765] : memref<80x8x128xf32, #tpu.memory_space<vmem>> -> memref<64x8x128xf32, #tpu.memory_space<vmem>>
      %dma_wait3A_1767 = arith.constant 0 : i32
      %dma_wait3A_1768 = arith.constant 0 : i32
      %dma_wait3A_1769 = tpu.memref_slice %arg9[%mul3A_1574, %dma_wait3A_1767, %dma_wait3A_1768] : memref<4096x8x128xf32, #tpu.memory_space<hbm>> -> memref<64x8x128xf32, #tpu.memory_space<hbm>>
      tpu.wait_dma2 semaphore(%run_scoped3A : memref<!tpu.dma_semaphore, #tpu.memory_space<semaphore_mem>>) src(%dma_wait3A_1769 : memref<64x8x128xf32, #tpu.memory_space<hbm>>) dst(%dma_wait3A_1766 : memref<64x8x128xf32, #tpu.memory_space<vmem>>)
      tpu.yield
    }) : () -> ()
    %dma_start3A_1575 = arith.constant 0 : i32
    %dma_start3A_1576 = arith.constant 0 : i32
    %dma_start3A_1577 = arith.constant 0 : i32
    %dma_start3A_1578 = tpu.memref_slice %arg13[%dma_start3A_1575, %dma_start3A_1576, %dma_start3A_1577] : memref<80x8x128xf32, #tpu.memory_space<vmem>> -> memref<64x8x128xf32, #tpu.memory_space<vmem>>
    %dma_start3A_1579 = arith.constant 0 : i32
    %dma_start3A_1580 = arith.constant 0 : i32
    %dma_start3A_1581 = arith.constant 0 : i32
    %dma_start3A_1582 = tpu.memref_slice %arg7[%dma_start3A_1579, %dma_start3A_1580, %dma_start3A_1581] : memref<8194x8x128xf32, #tpu.memory_space<hbm>> -> memref<8194x8x128xf32, #tpu.memory_space<hbm>>
    tpu.enqueue_indirect_dma source(%dma_start3A_1582 : memref<8194x8x128xf32, #tpu.memory_space<hbm>>) target(%dma_start3A_1578 : memref<64x8x128xf32, #tpu.memory_space<vmem>>) offsets(%arg12 : memref<64xi32, #tpu.memory_space<vmem>>) semaphore(%arg14 : memref<!tpu.dma_semaphore, #tpu.memory_space<semaphore_mem>>) {add = true}
    %dma_wait3A_1583 = arith.constant 0 : i32
    %dma_wait3A_1584 = arith.constant 0 : i32
    %dma_wait3A_1585 = arith.constant 0 : i32
    %dma_wait3A_1586 = tpu.memref_slice %arg13[%dma_wait3A_1583, %dma_wait3A_1584, %dma_wait3A_1585] : memref<80x8x128xf32, #tpu.memory_space<vmem>> -> memref<64x8x128xf32, #tpu.memory_space<vmem>>
    %dma_wait3A_1587 = arith.constant 0 : i32
    %dma_wait3A_1588 = arith.constant 0 : i32
    %dma_wait3A_1589 = arith.constant 0 : i32
    %dma_wait3A_1590 = tpu.memref_slice %arg7[%dma_wait3A_1587, %dma_wait3A_1588, %dma_wait3A_1589] : memref<8194x8x128xf32, #tpu.memory_space<hbm>> -> memref<8194x8x128xf32, #tpu.memory_space<hbm>>
    tpu.wait_indirect_dma semaphore(%arg14 : memref<!tpu.dma_semaphore, #tpu.memory_space<semaphore_mem>>) src(%dma_wait3A_1590 : memref<8194x8x128xf32, #tpu.memory_space<hbm>>) dst(%dma_wait3A_1586 : memref<64x8x128xf32, #tpu.memory_space<vmem>>)
    %mul3A_1591 = arith.constant 3224 : i32
    %mul3A_1592 = arith.muli %select_n3A_1554, %mul3A_1591 : i32
    %add3A_1593 = arith.constant 152 : i32
    %add3A_1594 = arith.addi %mul3A_1592, %add3A_1593 : i32
    %add3A_1595 = arith.constant 1024 : i32
    %add3A_1596 = arith.addi %add3A_1594, %add3A_1595 : i32
    %mul3A_1597 = arith.constant 64 : i32
    %mul3A_1598 = arith.muli %select_n3A_1570, %mul3A_1597 : i32
    %add3A_1599 = arith.addi %add3A_1596, %mul3A_1598 : i32
    "tpu.region"() ({
      %run_scoped3A = tpu.sem_alloc : memref<!tpu.dma_semaphore, #tpu.memory_space<semaphore_mem>>
      %dma_start3A_1742 = arith.constant 0 : i32
      %dma_start3A_1743 = arith.constant 0 : i32
      %dma_start3A_1744 = arith.constant 0 : i32
      %dma_start3A_1745 = tpu.memref_slice %arg13[%dma_start3A_1742, %dma_start3A_1743, %dma_start3A_1744] : memref<80x8x128xf32, #tpu.memory_space<vmem>> -> memref<64x8x128xf32, #tpu.memory_space<vmem>>
      %dma_start3A_1746 = arith.constant 0 : i32
      %dma_start3A_1747 = arith.constant 0 : i32
      %dma_start3A_1748 = tpu.memref_slice %arg10[%add3A_1599, %dma_start3A_1746, %dma_start3A_1747] : memref<51584x8x128xf32, #tpu.memory_space<hbm>> -> memref<64x8x128xf32, #tpu.memory_space<hbm>>
      %dma_start3A_1749 = arith.constant 0 : i32
      %dma_start3A_1750 = arith.constant 0 : i32
      %dma_start3A_1751 = tpu.memref_slice %arg10[%add3A_1599, %dma_start3A_1749, %dma_start3A_1750] : memref<51584x8x128xf32, #tpu.memory_space<hbm>> -> memref<64x8x128xf32, #tpu.memory_space<hbm>>
      %dma_start3A_1752 = arith.constant 0 : i32
      %dma_start3A_1753 = arith.constant 0 : i32
      %dma_start3A_1754 = arith.constant 0 : i32
      %dma_start3A_1755 = tpu.memref_slice %arg13[%dma_start3A_1752, %dma_start3A_1753, %dma_start3A_1754] : memref<80x8x128xf32, #tpu.memory_space<vmem>> -> memref<64x8x128xf32, #tpu.memory_space<vmem>>
      tpu.enqueue_dma source(%dma_start3A_1755 : memref<64x8x128xf32, #tpu.memory_space<vmem>>) target(%dma_start3A_1751 : memref<64x8x128xf32, #tpu.memory_space<hbm>>) target_semaphore(%run_scoped3A : memref<!tpu.dma_semaphore, #tpu.memory_space<semaphore_mem>>)
      %dma_wait3A_1756 = arith.constant 0 : i32
      %dma_wait3A_1757 = arith.constant 0 : i32
      %dma_wait3A_1758 = arith.constant 0 : i32
      %dma_wait3A_1759 = tpu.memref_slice %arg13[%dma_wait3A_1756, %dma_wait3A_1757, %dma_wait3A_1758] : memref<80x8x128xf32, #tpu.memory_space<vmem>> -> memref<64x8x128xf32, #tpu.memory_space<vmem>>
      %dma_wait3A_1760 = arith.constant 0 : i32
      %dma_wait3A_1761 = arith.constant 0 : i32
      %dma_wait3A_1762 = tpu.memref_slice %arg10[%add3A_1599, %dma_wait3A_1760, %dma_wait3A_1761] : memref<51584x8x128xf32, #tpu.memory_space<hbm>> -> memref<64x8x128xf32, #tpu.memory_space<hbm>>
      %dma_wait3A_1763 = arith.constant 0 : i32
      %dma_wait3A_1764 = arith.constant 0 : i32
      %dma_wait3A_1765 = tpu.memref_slice %arg10[%add3A_1599, %dma_wait3A_1763, %dma_wait3A_1764] : memref<51584x8x128xf32, #tpu.memory_space<hbm>> -> memref<64x8x128xf32, #tpu.memory_space<hbm>>
      %dma_wait3A_1766 = arith.constant 0 : i32
      %dma_wait3A_1767 = arith.constant 0 : i32
      %dma_wait3A_1768 = arith.constant 0 : i32
      %dma_wait3A_1769 = tpu.memref_slice %arg13[%dma_wait3A_1766, %dma_wait3A_1767, %dma_wait3A_1768] : memref<80x8x128xf32, #tpu.memory_space<vmem>> -> memref<64x8x128xf32, #tpu.memory_space<vmem>>
      tpu.wait_dma2 semaphore(%run_scoped3A : memref<!tpu.dma_semaphore, #tpu.memory_space<semaphore_mem>>) src(%dma_wait3A_1769 : memref<64x8x128xf32, #tpu.memory_space<vmem>>) dst(%dma_wait3A_1765 : memref<64x8x128xf32, #tpu.memory_space<hbm>>)
      tpu.yield
    }) : () -> ()
    %add3A_1600 = arith.constant 448 : i32
    %add3A_1601 = arith.addi %add3A, %add3A_1600 : i32
    %jit3A_1602 = arith.constant 32 : i32
    %div3A_1603 = arith.divsi %add3A_1601, %jit3A_1602 : i32
    %sign3A_1604 = arith.constant 0 : i32
    %sign3A_1605 = arith.cmpi sgt, %add3A_1601, %sign3A_1604 : i32
    %sign3A_1606 = arith.extui %sign3A_1605 : i1 to i32
    %sign3A_1607 = arith.constant 0 : i32
    %sign3A_1608 = arith.cmpi slt, %add3A_1601, %sign3A_1607 : i32
    %sign3A_1609 = arith.extui %sign3A_1608 : i1 to i32
    %sign3A_1610 = arith.subi %sign3A_1606, %sign3A_1609 : i32
    %sign3A_1611 = arith.constant 0 : i32
    %sign3A_1612 = arith.cmpi sgt, %jit3A_1602, %sign3A_1611 : i32
    %sign3A_1613 = arith.extui %sign3A_1612 : i1 to i32
    %sign3A_1614 = arith.constant 0 : i32
    %sign3A_1615 = arith.cmpi slt, %jit3A_1602, %sign3A_1614 : i32
    %sign3A_1616 = arith.extui %sign3A_1615 : i1 to i32
    %sign3A_1617 = arith.subi %sign3A_1613, %sign3A_1616 : i32
    %ne3A_1618 = arith.cmpi ne, %sign3A_1610, %sign3A_1617 : i32
    %rem3A_1619 = arith.remsi %add3A_1601, %jit3A_1602 : i32
    %ne3A_1620 = arith.constant 0 : i32
    %ne3A_1621 = arith.cmpi ne, %rem3A_1619, %ne3A_1620 : i32
    %and3A_1622 = arith.andi %ne3A_1618, %ne3A_1621 : i1
    %sub3A_1623 = arith.constant 1 : i32
    %sub3A_1624 = arith.subi %div3A_1603, %sub3A_1623 : i32
    %select_n3A_1625 = arith.select %and3A_1622, %sub3A_1624, %div3A_1603 : i32
    %jit3A_1626 = arith.constant 32 : i32
    %eq3A_1627 = arith.constant 0 : i32
    %eq3A_1628 = arith.cmpi eq, %jit3A_1626, %eq3A_1627 : i32
    %jit3A_1629 = arith.constant 1 : i32
    %select_n3A_1630 = arith.select %eq3A_1628, %jit3A_1629, %jit3A_1626 : i32
    %rem3A_1631 = arith.remsi %add3A_1601, %select_n3A_1630 : i32
    %ne3A_1632 = arith.constant 0 : i32
    %ne3A_1633 = arith.cmpi ne, %rem3A_1631, %ne3A_1632 : i32
    %lt3A_1634 = arith.constant 0 : i32
    %lt3A_1635 = arith.cmpi slt, %rem3A_1631, %lt3A_1634 : i32
    %lt3A_1636 = arith.constant 0 : i32
    %lt3A_1637 = arith.cmpi slt, %select_n3A_1630, %lt3A_1636 : i32
    %ne3A_1638 = arith.xori %lt3A_1635, %lt3A_1637 : i1
    %and3A_1639 = arith.andi %ne3A_1638, %ne3A_1633 : i1
    %add3A_1640 = arith.addi %rem3A_1631, %select_n3A_1630 : i32
    %select_n3A_1641 = arith.select %and3A_1639, %add3A_1640, %rem3A_1631 : i32
    %mul3A_1642 = arith.constant 64 : i32
    %mul3A_1643 = arith.muli %add3A_1601, %mul3A_1642 : i32
    "tpu.region"() ({
      %run_scoped3A = tpu.sem_alloc : memref<!tpu.dma_semaphore, #tpu.memory_space<semaphore_mem>>
      %dma_start3A_1742 = tpu.memref_slice %arg5[%mul3A_1643] : memref<32768xi32, #tpu.memory_space<hbm>> -> memref<64xi32, #tpu.memory_space<hbm>>
      %dma_start3A_1743 = tpu.memref_slice %arg5[%mul3A_1643] : memref<32768xi32, #tpu.memory_space<hbm>> -> memref<64xi32, #tpu.memory_space<hbm>>
      tpu.enqueue_dma source(%dma_start3A_1743 : memref<64xi32, #tpu.memory_space<hbm>>) target(%arg12 : memref<64xi32, #tpu.memory_space<vmem>>) target_semaphore(%run_scoped3A : memref<!tpu.dma_semaphore, #tpu.memory_space<semaphore_mem>>)
      %dma_wait3A_1744 = tpu.memref_slice %arg5[%mul3A_1643] : memref<32768xi32, #tpu.memory_space<hbm>> -> memref<64xi32, #tpu.memory_space<hbm>>
      %dma_wait3A_1745 = tpu.memref_slice %arg5[%mul3A_1643] : memref<32768xi32, #tpu.memory_space<hbm>> -> memref<64xi32, #tpu.memory_space<hbm>>
      tpu.wait_dma2 semaphore(%run_scoped3A : memref<!tpu.dma_semaphore, #tpu.memory_space<semaphore_mem>>) src(%dma_wait3A_1745 : memref<64xi32, #tpu.memory_space<hbm>>) dst(%arg12 : memref<64xi32, #tpu.memory_space<vmem>>)
      tpu.yield
    }) : () -> ()
    %mul3A_1644 = arith.constant 64 : i32
    %mul3A_1645 = arith.muli %select_n3A_1641, %mul3A_1644 : i32
    "tpu.region"() ({
      %run_scoped3A = tpu.sem_alloc : memref<!tpu.dma_semaphore, #tpu.memory_space<semaphore_mem>>
      %dma_start3A_1742 = arith.constant 0 : i32
      %dma_start3A_1743 = arith.constant 0 : i32
      %dma_start3A_1744 = arith.constant 0 : i32
      %dma_start3A_1745 = tpu.memref_slice %arg13[%dma_start3A_1742, %dma_start3A_1743, %dma_start3A_1744] : memref<80x8x128xf32, #tpu.memory_space<vmem>> -> memref<64x8x128xf32, #tpu.memory_space<vmem>>
      %dma_start3A_1746 = arith.constant 0 : i32
      %dma_start3A_1747 = arith.constant 0 : i32
      %dma_start3A_1748 = tpu.memref_slice %arg9[%mul3A_1645, %dma_start3A_1746, %dma_start3A_1747] : memref<4096x8x128xf32, #tpu.memory_space<hbm>> -> memref<64x8x128xf32, #tpu.memory_space<hbm>>
      %dma_start3A_1749 = arith.constant 0 : i32
      %dma_start3A_1750 = arith.constant 0 : i32
      %dma_start3A_1751 = arith.constant 0 : i32
      %dma_start3A_1752 = tpu.memref_slice %arg13[%dma_start3A_1749, %dma_start3A_1750, %dma_start3A_1751] : memref<80x8x128xf32, #tpu.memory_space<vmem>> -> memref<64x8x128xf32, #tpu.memory_space<vmem>>
      %dma_start3A_1753 = arith.constant 0 : i32
      %dma_start3A_1754 = arith.constant 0 : i32
      %dma_start3A_1755 = tpu.memref_slice %arg9[%mul3A_1645, %dma_start3A_1753, %dma_start3A_1754] : memref<4096x8x128xf32, #tpu.memory_space<hbm>> -> memref<64x8x128xf32, #tpu.memory_space<hbm>>
      tpu.enqueue_dma source(%dma_start3A_1755 : memref<64x8x128xf32, #tpu.memory_space<hbm>>) target(%dma_start3A_1752 : memref<64x8x128xf32, #tpu.memory_space<vmem>>) target_semaphore(%run_scoped3A : memref<!tpu.dma_semaphore, #tpu.memory_space<semaphore_mem>>)
      %dma_wait3A_1756 = arith.constant 0 : i32
      %dma_wait3A_1757 = arith.constant 0 : i32
      %dma_wait3A_1758 = arith.constant 0 : i32
      %dma_wait3A_1759 = tpu.memref_slice %arg13[%dma_wait3A_1756, %dma_wait3A_1757, %dma_wait3A_1758] : memref<80x8x128xf32, #tpu.memory_space<vmem>> -> memref<64x8x128xf32, #tpu.memory_space<vmem>>
      %dma_wait3A_1760 = arith.constant 0 : i32
      %dma_wait3A_1761 = arith.constant 0 : i32
      %dma_wait3A_1762 = tpu.memref_slice %arg9[%mul3A_1645, %dma_wait3A_1760, %dma_wait3A_1761] : memref<4096x8x128xf32, #tpu.memory_space<hbm>> -> memref<64x8x128xf32, #tpu.memory_space<hbm>>
      %dma_wait3A_1763 = arith.constant 0 : i32
      %dma_wait3A_1764 = arith.constant 0 : i32
      %dma_wait3A_1765 = arith.constant 0 : i32
      %dma_wait3A_1766 = tpu.memref_slice %arg13[%dma_wait3A_1763, %dma_wait3A_1764, %dma_wait3A_1765] : memref<80x8x128xf32, #tpu.memory_space<vmem>> -> memref<64x8x128xf32, #tpu.memory_space<vmem>>
      %dma_wait3A_1767 = arith.constant 0 : i32
      %dma_wait3A_1768 = arith.constant 0 : i32
      %dma_wait3A_1769 = tpu.memref_slice %arg9[%mul3A_1645, %dma_wait3A_1767, %dma_wait3A_1768] : memref<4096x8x128xf32, #tpu.memory_space<hbm>> -> memref<64x8x128xf32, #tpu.memory_space<hbm>>
      tpu.wait_dma2 semaphore(%run_scoped3A : memref<!tpu.dma_semaphore, #tpu.memory_space<semaphore_mem>>) src(%dma_wait3A_1769 : memref<64x8x128xf32, #tpu.memory_space<hbm>>) dst(%dma_wait3A_1766 : memref<64x8x128xf32, #tpu.memory_space<vmem>>)
      tpu.yield
    }) : () -> ()
    %dma_start3A_1646 = arith.constant 0 : i32
    %dma_start3A_1647 = arith.constant 0 : i32
    %dma_start3A_1648 = arith.constant 0 : i32
    %dma_start3A_1649 = tpu.memref_slice %arg13[%dma_start3A_1646, %dma_start3A_1647, %dma_start3A_1648] : memref<80x8x128xf32, #tpu.memory_space<vmem>> -> memref<64x8x128xf32, #tpu.memory_space<vmem>>
    %dma_start3A_1650 = arith.constant 0 : i32
    %dma_start3A_1651 = arith.constant 0 : i32
    %dma_start3A_1652 = arith.constant 0 : i32
    %dma_start3A_1653 = tpu.memref_slice %arg7[%dma_start3A_1650, %dma_start3A_1651, %dma_start3A_1652] : memref<8194x8x128xf32, #tpu.memory_space<hbm>> -> memref<8194x8x128xf32, #tpu.memory_space<hbm>>
    tpu.enqueue_indirect_dma source(%dma_start3A_1653 : memref<8194x8x128xf32, #tpu.memory_space<hbm>>) target(%dma_start3A_1649 : memref<64x8x128xf32, #tpu.memory_space<vmem>>) offsets(%arg12 : memref<64xi32, #tpu.memory_space<vmem>>) semaphore(%arg14 : memref<!tpu.dma_semaphore, #tpu.memory_space<semaphore_mem>>) {add = true}
    %dma_wait3A_1654 = arith.constant 0 : i32
    %dma_wait3A_1655 = arith.constant 0 : i32
    %dma_wait3A_1656 = arith.constant 0 : i32
    %dma_wait3A_1657 = tpu.memref_slice %arg13[%dma_wait3A_1654, %dma_wait3A_1655, %dma_wait3A_1656] : memref<80x8x128xf32, #tpu.memory_space<vmem>> -> memref<64x8x128xf32, #tpu.memory_space<vmem>>
    %dma_wait3A_1658 = arith.constant 0 : i32
    %dma_wait3A_1659 = arith.constant 0 : i32
    %dma_wait3A_1660 = arith.constant 0 : i32
    %dma_wait3A_1661 = tpu.memref_slice %arg7[%dma_wait3A_1658, %dma_wait3A_1659, %dma_wait3A_1660] : memref<8194x8x128xf32, #tpu.memory_space<hbm>> -> memref<8194x8x128xf32, #tpu.memory_space<hbm>>
    tpu.wait_indirect_dma semaphore(%arg14 : memref<!tpu.dma_semaphore, #tpu.memory_space<semaphore_mem>>) src(%dma_wait3A_1661 : memref<8194x8x128xf32, #tpu.memory_space<hbm>>) dst(%dma_wait3A_1657 : memref<64x8x128xf32, #tpu.memory_space<vmem>>)
    %mul3A_1662 = arith.constant 3224 : i32
    %mul3A_1663 = arith.muli %select_n3A_1625, %mul3A_1662 : i32
    %add3A_1664 = arith.constant 152 : i32
    %add3A_1665 = arith.addi %mul3A_1663, %add3A_1664 : i32
    %add3A_1666 = arith.constant 1024 : i32
    %add3A_1667 = arith.addi %add3A_1665, %add3A_1666 : i32
    %mul3A_1668 = arith.constant 64 : i32
    %mul3A_1669 = arith.muli %select_n3A_1641, %mul3A_1668 : i32
    %add3A_1670 = arith.addi %add3A_1667, %mul3A_1669 : i32
    "tpu.region"() ({
      %run_scoped3A = tpu.sem_alloc : memref<!tpu.dma_semaphore, #tpu.memory_space<semaphore_mem>>
      %dma_start3A_1742 = arith.constant 0 : i32
      %dma_start3A_1743 = arith.constant 0 : i32
      %dma_start3A_1744 = arith.constant 0 : i32
      %dma_start3A_1745 = tpu.memref_slice %arg13[%dma_start3A_1742, %dma_start3A_1743, %dma_start3A_1744] : memref<80x8x128xf32, #tpu.memory_space<vmem>> -> memref<64x8x128xf32, #tpu.memory_space<vmem>>
      %dma_start3A_1746 = arith.constant 0 : i32
      %dma_start3A_1747 = arith.constant 0 : i32
      %dma_start3A_1748 = tpu.memref_slice %arg10[%add3A_1670, %dma_start3A_1746, %dma_start3A_1747] : memref<51584x8x128xf32, #tpu.memory_space<hbm>> -> memref<64x8x128xf32, #tpu.memory_space<hbm>>
      %dma_start3A_1749 = arith.constant 0 : i32
      %dma_start3A_1750 = arith.constant 0 : i32
      %dma_start3A_1751 = tpu.memref_slice %arg10[%add3A_1670, %dma_start3A_1749, %dma_start3A_1750] : memref<51584x8x128xf32, #tpu.memory_space<hbm>> -> memref<64x8x128xf32, #tpu.memory_space<hbm>>
      %dma_start3A_1752 = arith.constant 0 : i32
      %dma_start3A_1753 = arith.constant 0 : i32
      %dma_start3A_1754 = arith.constant 0 : i32
      %dma_start3A_1755 = tpu.memref_slice %arg13[%dma_start3A_1752, %dma_start3A_1753, %dma_start3A_1754] : memref<80x8x128xf32, #tpu.memory_space<vmem>> -> memref<64x8x128xf32, #tpu.memory_space<vmem>>
      tpu.enqueue_dma source(%dma_start3A_1755 : memref<64x8x128xf32, #tpu.memory_space<vmem>>) target(%dma_start3A_1751 : memref<64x8x128xf32, #tpu.memory_space<hbm>>) target_semaphore(%run_scoped3A : memref<!tpu.dma_semaphore, #tpu.memory_space<semaphore_mem>>)
      %dma_wait3A_1756 = arith.constant 0 : i32
      %dma_wait3A_1757 = arith.constant 0 : i32
      %dma_wait3A_1758 = arith.constant 0 : i32
      %dma_wait3A_1759 = tpu.memref_slice %arg13[%dma_wait3A_1756, %dma_wait3A_1757, %dma_wait3A_1758] : memref<80x8x128xf32, #tpu.memory_space<vmem>> -> memref<64x8x128xf32, #tpu.memory_space<vmem>>
      %dma_wait3A_1760 = arith.constant 0 : i32
      %dma_wait3A_1761 = arith.constant 0 : i32
      %dma_wait3A_1762 = tpu.memref_slice %arg10[%add3A_1670, %dma_wait3A_1760, %dma_wait3A_1761] : memref<51584x8x128xf32, #tpu.memory_space<hbm>> -> memref<64x8x128xf32, #tpu.memory_space<hbm>>
      %dma_wait3A_1763 = arith.constant 0 : i32
      %dma_wait3A_1764 = arith.constant 0 : i32
      %dma_wait3A_1765 = tpu.memref_slice %arg10[%add3A_1670, %dma_wait3A_1763, %dma_wait3A_1764] : memref<51584x8x128xf32, #tpu.memory_space<hbm>> -> memref<64x8x128xf32, #tpu.memory_space<hbm>>
      %dma_wait3A_1766 = arith.constant 0 : i32
      %dma_wait3A_1767 = arith.constant 0 : i32
      %dma_wait3A_1768 = arith.constant 0 : i32
      %dma_wait3A_1769 = tpu.memref_slice %arg13[%dma_wait3A_1766, %dma_wait3A_1767, %dma_wait3A_1768] : memref<80x8x128xf32, #tpu.memory_space<vmem>> -> memref<64x8x128xf32, #tpu.memory_space<vmem>>
      tpu.wait_dma2 semaphore(%run_scoped3A : memref<!tpu.dma_semaphore, #tpu.memory_space<semaphore_mem>>) src(%dma_wait3A_1769 : memref<64x8x128xf32, #tpu.memory_space<vmem>>) dst(%dma_wait3A_1765 : memref<64x8x128xf32, #tpu.memory_space<hbm>>)
      tpu.yield
    }) : () -> ()
    %add3A_1671 = arith.constant 480 : i32
    %add3A_1672 = arith.addi %add3A, %add3A_1671 : i32
    %jit3A_1673 = arith.constant 32 : i32
    %div3A_1674 = arith.divsi %add3A_1672, %jit3A_1673 : i32
    %sign3A_1675 = arith.constant 0 : i32
    %sign3A_1676 = arith.cmpi sgt, %add3A_1672, %sign3A_1675 : i32
    %sign3A_1677 = arith.extui %sign3A_1676 : i1 to i32
    %sign3A_1678 = arith.constant 0 : i32
    %sign3A_1679 = arith.cmpi slt, %add3A_1672, %sign3A_1678 : i32
    %sign3A_1680 = arith.extui %sign3A_1679 : i1 to i32
    %sign3A_1681 = arith.subi %sign3A_1677, %sign3A_1680 : i32
    %sign3A_1682 = arith.constant 0 : i32
    %sign3A_1683 = arith.cmpi sgt, %jit3A_1673, %sign3A_1682 : i32
    %sign3A_1684 = arith.extui %sign3A_1683 : i1 to i32
    %sign3A_1685 = arith.constant 0 : i32
    %sign3A_1686 = arith.cmpi slt, %jit3A_1673, %sign3A_1685 : i32
    %sign3A_1687 = arith.extui %sign3A_1686 : i1 to i32
    %sign3A_1688 = arith.subi %sign3A_1684, %sign3A_1687 : i32
    %ne3A_1689 = arith.cmpi ne, %sign3A_1681, %sign3A_1688 : i32
    %rem3A_1690 = arith.remsi %add3A_1672, %jit3A_1673 : i32
    %ne3A_1691 = arith.constant 0 : i32
    %ne3A_1692 = arith.cmpi ne, %rem3A_1690, %ne3A_1691 : i32
    %and3A_1693 = arith.andi %ne3A_1689, %ne3A_1692 : i1
    %sub3A_1694 = arith.constant 1 : i32
    %sub3A_1695 = arith.subi %div3A_1674, %sub3A_1694 : i32
    %select_n3A_1696 = arith.select %and3A_1693, %sub3A_1695, %div3A_1674 : i32
    %jit3A_1697 = arith.constant 32 : i32
    %eq3A_1698 = arith.constant 0 : i32
    %eq3A_1699 = arith.cmpi eq, %jit3A_1697, %eq3A_1698 : i32
    %jit3A_1700 = arith.constant 1 : i32
    %select_n3A_1701 = arith.select %eq3A_1699, %jit3A_1700, %jit3A_1697 : i32
    %rem3A_1702 = arith.remsi %add3A_1672, %select_n3A_1701 : i32
    %ne3A_1703 = arith.constant 0 : i32
    %ne3A_1704 = arith.cmpi ne, %rem3A_1702, %ne3A_1703 : i32
    %lt3A_1705 = arith.constant 0 : i32
    %lt3A_1706 = arith.cmpi slt, %rem3A_1702, %lt3A_1705 : i32
    %lt3A_1707 = arith.constant 0 : i32
    %lt3A_1708 = arith.cmpi slt, %select_n3A_1701, %lt3A_1707 : i32
    %ne3A_1709 = arith.xori %lt3A_1706, %lt3A_1708 : i1
    %and3A_1710 = arith.andi %ne3A_1709, %ne3A_1704 : i1
    %add3A_1711 = arith.addi %rem3A_1702, %select_n3A_1701 : i32
    %select_n3A_1712 = arith.select %and3A_1710, %add3A_1711, %rem3A_1702 : i32
    %mul3A_1713 = arith.constant 64 : i32
    %mul3A_1714 = arith.muli %add3A_1672, %mul3A_1713 : i32
    "tpu.region"() ({
      %run_scoped3A = tpu.sem_alloc : memref<!tpu.dma_semaphore, #tpu.memory_space<semaphore_mem>>
      %dma_start3A_1742 = tpu.memref_slice %arg5[%mul3A_1714] : memref<32768xi32, #tpu.memory_space<hbm>> -> memref<64xi32, #tpu.memory_space<hbm>>
      %dma_start3A_1743 = tpu.memref_slice %arg5[%mul3A_1714] : memref<32768xi32, #tpu.memory_space<hbm>> -> memref<64xi32, #tpu.memory_space<hbm>>
      tpu.enqueue_dma source(%dma_start3A_1743 : memref<64xi32, #tpu.memory_space<hbm>>) target(%arg12 : memref<64xi32, #tpu.memory_space<vmem>>) target_semaphore(%run_scoped3A : memref<!tpu.dma_semaphore, #tpu.memory_space<semaphore_mem>>)
      %dma_wait3A_1744 = tpu.memref_slice %arg5[%mul3A_1714] : memref<32768xi32, #tpu.memory_space<hbm>> -> memref<64xi32, #tpu.memory_space<hbm>>
      %dma_wait3A_1745 = tpu.memref_slice %arg5[%mul3A_1714] : memref<32768xi32, #tpu.memory_space<hbm>> -> memref<64xi32, #tpu.memory_space<hbm>>
      tpu.wait_dma2 semaphore(%run_scoped3A : memref<!tpu.dma_semaphore, #tpu.memory_space<semaphore_mem>>) src(%dma_wait3A_1745 : memref<64xi32, #tpu.memory_space<hbm>>) dst(%arg12 : memref<64xi32, #tpu.memory_space<vmem>>)
      tpu.yield
    }) : () -> ()
    %mul3A_1715 = arith.constant 64 : i32
    %mul3A_1716 = arith.muli %select_n3A_1712, %mul3A_1715 : i32
    "tpu.region"() ({
      %run_scoped3A = tpu.sem_alloc : memref<!tpu.dma_semaphore, #tpu.memory_space<semaphore_mem>>
      %dma_start3A_1742 = arith.constant 0 : i32
      %dma_start3A_1743 = arith.constant 0 : i32
      %dma_start3A_1744 = arith.constant 0 : i32
      %dma_start3A_1745 = tpu.memref_slice %arg13[%dma_start3A_1742, %dma_start3A_1743, %dma_start3A_1744] : memref<80x8x128xf32, #tpu.memory_space<vmem>> -> memref<64x8x128xf32, #tpu.memory_space<vmem>>
      %dma_start3A_1746 = arith.constant 0 : i32
      %dma_start3A_1747 = arith.constant 0 : i32
      %dma_start3A_1748 = tpu.memref_slice %arg9[%mul3A_1716, %dma_start3A_1746, %dma_start3A_1747] : memref<4096x8x128xf32, #tpu.memory_space<hbm>> -> memref<64x8x128xf32, #tpu.memory_space<hbm>>
      %dma_start3A_1749 = arith.constant 0 : i32
      %dma_start3A_1750 = arith.constant 0 : i32
      %dma_start3A_1751 = arith.constant 0 : i32
      %dma_start3A_1752 = tpu.memref_slice %arg13[%dma_start3A_1749, %dma_start3A_1750, %dma_start3A_1751] : memref<80x8x128xf32, #tpu.memory_space<vmem>> -> memref<64x8x128xf32, #tpu.memory_space<vmem>>
      %dma_start3A_1753 = arith.constant 0 : i32
      %dma_start3A_1754 = arith.constant 0 : i32
      %dma_start3A_1755 = tpu.memref_slice %arg9[%mul3A_1716, %dma_start3A_1753, %dma_start3A_1754] : memref<4096x8x128xf32, #tpu.memory_space<hbm>> -> memref<64x8x128xf32, #tpu.memory_space<hbm>>
      tpu.enqueue_dma source(%dma_start3A_1755 : memref<64x8x128xf32, #tpu.memory_space<hbm>>) target(%dma_start3A_1752 : memref<64x8x128xf32, #tpu.memory_space<vmem>>) target_semaphore(%run_scoped3A : memref<!tpu.dma_semaphore, #tpu.memory_space<semaphore_mem>>)
      %dma_wait3A_1756 = arith.constant 0 : i32
      %dma_wait3A_1757 = arith.constant 0 : i32
      %dma_wait3A_1758 = arith.constant 0 : i32
      %dma_wait3A_1759 = tpu.memref_slice %arg13[%dma_wait3A_1756, %dma_wait3A_1757, %dma_wait3A_1758] : memref<80x8x128xf32, #tpu.memory_space<vmem>> -> memref<64x8x128xf32, #tpu.memory_space<vmem>>
      %dma_wait3A_1760 = arith.constant 0 : i32
      %dma_wait3A_1761 = arith.constant 0 : i32
      %dma_wait3A_1762 = tpu.memref_slice %arg9[%mul3A_1716, %dma_wait3A_1760, %dma_wait3A_1761] : memref<4096x8x128xf32, #tpu.memory_space<hbm>> -> memref<64x8x128xf32, #tpu.memory_space<hbm>>
      %dma_wait3A_1763 = arith.constant 0 : i32
      %dma_wait3A_1764 = arith.constant 0 : i32
      %dma_wait3A_1765 = arith.constant 0 : i32
      %dma_wait3A_1766 = tpu.memref_slice %arg13[%dma_wait3A_1763, %dma_wait3A_1764, %dma_wait3A_1765] : memref<80x8x128xf32, #tpu.memory_space<vmem>> -> memref<64x8x128xf32, #tpu.memory_space<vmem>>
      %dma_wait3A_1767 = arith.constant 0 : i32
      %dma_wait3A_1768 = arith.constant 0 : i32
      %dma_wait3A_1769 = tpu.memref_slice %arg9[%mul3A_1716, %dma_wait3A_1767, %dma_wait3A_1768] : memref<4096x8x128xf32, #tpu.memory_space<hbm>> -> memref<64x8x128xf32, #tpu.memory_space<hbm>>
      tpu.wait_dma2 semaphore(%run_scoped3A : memref<!tpu.dma_semaphore, #tpu.memory_space<semaphore_mem>>) src(%dma_wait3A_1769 : memref<64x8x128xf32, #tpu.memory_space<hbm>>) dst(%dma_wait3A_1766 : memref<64x8x128xf32, #tpu.memory_space<vmem>>)
      tpu.yield
    }) : () -> ()
    %dma_start3A_1717 = arith.constant 0 : i32
    %dma_start3A_1718 = arith.constant 0 : i32
    %dma_start3A_1719 = arith.constant 0 : i32
    %dma_start3A_1720 = tpu.memref_slice %arg13[%dma_start3A_1717, %dma_start3A_1718, %dma_start3A_1719] : memref<80x8x128xf32, #tpu.memory_space<vmem>> -> memref<64x8x128xf32, #tpu.memory_space<vmem>>
    %dma_start3A_1721 = arith.constant 0 : i32
    %dma_start3A_1722 = arith.constant 0 : i32
    %dma_start3A_1723 = arith.constant 0 : i32
    %dma_start3A_1724 = tpu.memref_slice %arg7[%dma_start3A_1721, %dma_start3A_1722, %dma_start3A_1723] : memref<8194x8x128xf32, #tpu.memory_space<hbm>> -> memref<8194x8x128xf32, #tpu.memory_space<hbm>>
    tpu.enqueue_indirect_dma source(%dma_start3A_1724 : memref<8194x8x128xf32, #tpu.memory_space<hbm>>) target(%dma_start3A_1720 : memref<64x8x128xf32, #tpu.memory_space<vmem>>) offsets(%arg12 : memref<64xi32, #tpu.memory_space<vmem>>) semaphore(%arg14 : memref<!tpu.dma_semaphore, #tpu.memory_space<semaphore_mem>>) {add = true}
    %dma_wait3A_1725 = arith.constant 0 : i32
    %dma_wait3A_1726 = arith.constant 0 : i32
    %dma_wait3A_1727 = arith.constant 0 : i32
    %dma_wait3A_1728 = tpu.memref_slice %arg13[%dma_wait3A_1725, %dma_wait3A_1726, %dma_wait3A_1727] : memref<80x8x128xf32, #tpu.memory_space<vmem>> -> memref<64x8x128xf32, #tpu.memory_space<vmem>>
    %dma_wait3A_1729 = arith.constant 0 : i32
    %dma_wait3A_1730 = arith.constant 0 : i32
    %dma_wait3A_1731 = arith.constant 0 : i32
    %dma_wait3A_1732 = tpu.memref_slice %arg7[%dma_wait3A_1729, %dma_wait3A_1730, %dma_wait3A_1731] : memref<8194x8x128xf32, #tpu.memory_space<hbm>> -> memref<8194x8x128xf32, #tpu.memory_space<hbm>>
    tpu.wait_indirect_dma semaphore(%arg14 : memref<!tpu.dma_semaphore, #tpu.memory_space<semaphore_mem>>) src(%dma_wait3A_1732 : memref<8194x8x128xf32, #tpu.memory_space<hbm>>) dst(%dma_wait3A_1728 : memref<64x8x128xf32, #tpu.memory_space<vmem>>)
    %mul3A_1733 = arith.constant 3224 : i32
    %mul3A_1734 = arith.muli %select_n3A_1696, %mul3A_1733 : i32
    %add3A_1735 = arith.constant 152 : i32
    %add3A_1736 = arith.addi %mul3A_1734, %add3A_1735 : i32
    %add3A_1737 = arith.constant 1024 : i32
    %add3A_1738 = arith.addi %add3A_1736, %add3A_1737 : i32
    %mul3A_1739 = arith.constant 64 : i32
    %mul3A_1740 = arith.muli %select_n3A_1712, %mul3A_1739 : i32
    %add3A_1741 = arith.addi %add3A_1738, %mul3A_1740 : i32
    "tpu.region"() ({
      %run_scoped3A = tpu.sem_alloc : memref<!tpu.dma_semaphore, #tpu.memory_space<semaphore_mem>>
      %dma_start3A_1742 = arith.constant 0 : i32
      %dma_start3A_1743 = arith.constant 0 : i32
      %dma_start3A_1744 = arith.constant 0 : i32
      %dma_start3A_1745 = tpu.memref_slice %arg13[%dma_start3A_1742, %dma_start3A_1743, %dma_start3A_1744] : memref<80x8x128xf32, #tpu.memory_space<vmem>> -> memref<64x8x128xf32, #tpu.memory_space<vmem>>
      %dma_start3A_1746 = arith.constant 0 : i32
      %dma_start3A_1747 = arith.constant 0 : i32
      %dma_start3A_1748 = tpu.memref_slice %arg10[%add3A_1741, %dma_start3A_1746, %dma_start3A_1747] : memref<51584x8x128xf32, #tpu.memory_space<hbm>> -> memref<64x8x128xf32, #tpu.memory_space<hbm>>
      %dma_start3A_1749 = arith.constant 0 : i32
      %dma_start3A_1750 = arith.constant 0 : i32
      %dma_start3A_1751 = tpu.memref_slice %arg10[%add3A_1741, %dma_start3A_1749, %dma_start3A_1750] : memref<51584x8x128xf32, #tpu.memory_space<hbm>> -> memref<64x8x128xf32, #tpu.memory_space<hbm>>
      %dma_start3A_1752 = arith.constant 0 : i32
      %dma_start3A_1753 = arith.constant 0 : i32
      %dma_start3A_1754 = arith.constant 0 : i32
      %dma_start3A_1755 = tpu.memref_slice %arg13[%dma_start3A_1752, %dma_start3A_1753, %dma_start3A_1754] : memref<80x8x128xf32, #tpu.memory_space<vmem>> -> memref<64x8x128xf32, #tpu.memory_space<vmem>>
      tpu.enqueue_dma source(%dma_start3A_1755 : memref<64x8x128xf32, #tpu.memory_space<vmem>>) target(%dma_start3A_1751 : memref<64x8x128xf32, #tpu.memory_space<hbm>>) target_semaphore(%run_scoped3A : memref<!tpu.dma_semaphore, #tpu.memory_space<semaphore_mem>>)
      %dma_wait3A_1756 = arith.constant 0 : i32
      %dma_wait3A_1757 = arith.constant 0 : i32
      %dma_wait3A_1758 = arith.constant 0 : i32
      %dma_wait3A_1759 = tpu.memref_slice %arg13[%dma_wait3A_1756, %dma_wait3A_1757, %dma_wait3A_1758] : memref<80x8x128xf32, #tpu.memory_space<vmem>> -> memref<64x8x128xf32, #tpu.memory_space<vmem>>
      %dma_wait3A_1760 = arith.constant 0 : i32
      %dma_wait3A_1761 = arith.constant 0 : i32
      %dma_wait3A_1762 = tpu.memref_slice %arg10[%add3A_1741, %dma_wait3A_1760, %dma_wait3A_1761] : memref<51584x8x128xf32, #tpu.memory_space<hbm>> -> memref<64x8x128xf32, #tpu.memory_space<hbm>>
      %dma_wait3A_1763 = arith.constant 0 : i32
      %dma_wait3A_1764 = arith.constant 0 : i32
      %dma_wait3A_1765 = tpu.memref_slice %arg10[%add3A_1741, %dma_wait3A_1763, %dma_wait3A_1764] : memref<51584x8x128xf32, #tpu.memory_space<hbm>> -> memref<64x8x128xf32, #tpu.memory_space<hbm>>
      %dma_wait3A_1766 = arith.constant 0 : i32
      %dma_wait3A_1767 = arith.constant 0 : i32
      %dma_wait3A_1768 = arith.constant 0 : i32
      %dma_wait3A_1769 = tpu.memref_slice %arg13[%dma_wait3A_1766, %dma_wait3A_1767, %dma_wait3A_1768] : memref<80x8x128xf32, #tpu.memory_space<vmem>> -> memref<64x8x128xf32, #tpu.memory_space<vmem>>
      tpu.wait_dma2 semaphore(%run_scoped3A : memref<!tpu.dma_semaphore, #tpu.memory_space<semaphore_mem>>) src(%dma_wait3A_1769 : memref<64x8x128xf32, #tpu.memory_space<vmem>>) dst(%dma_wait3A_1765 : memref<64x8x128xf32, #tpu.memory_space<hbm>>)
      tpu.yield
    }) : () -> ()
    return
  }
}

module attributes {stable_mosaic.version = 14 : i64} {
  func.func @body(%arg0: memref<16x256xf32, #tpu.memory_space<vmem>>, %arg1: memref<16x1xf32, #tpu.memory_space<vmem>>, %arg2: memref<256x1024xf32, #tpu.memory_space<vmem>>, %arg3: memref<1x1024xf32, #tpu.memory_space<vmem>>, %arg4: memref<1x1024xf32, #tpu.memory_space<vmem>>, %arg5: memref<1x1024xf32, #tpu.memory_space<vmem>>, %arg6: memref<2x16x1024xf32, #tpu.memory_space<vmem>>) attributes {dimension_semantics = [], scalar_prefetch = 0 : i64, scratch_operands = 0 : i64, tpu.core_type = #tpu.core_type<tc>} {
    %get3A = arith.constant 0 : index
    %get3A_0 = arith.constant 0 : index
    %get3A_1 = vector.load %arg0[%get3A, %get3A_0] : memref<16x256xf32, #tpu.memory_space<vmem>>, vector<16x256xf32>
    %get3A_2 = arith.constant 0 : index
    %get3A_3 = arith.constant 0 : index
    %get3A_4 = vector.load %arg2[%get3A_2, %get3A_3] : memref<256x1024xf32, #tpu.memory_space<vmem>>, vector<256x1024xf32>
    %dot_general3A = arith.constant dense<0.000000e+00> : vector<16x1024xf32>
    %dot_general3A_5 = tpu.matmul %get3A_1, %get3A_4, %dot_general3A {dimension_numbers = #tpu.dot_dimension_numbers<[1], [0], [0], [1], [0, 0, 1, 1], [], []>, transpose_lhs_hint = false} : vector<16x256xf32>, vector<256x1024xf32>, vector<16x1024xf32> -> vector<16x1024xf32>
    %get3A_6 = arith.constant 0 : index
    %get3A_7 = arith.constant 0 : index
    %get3A_8 = vector.load %arg3[%get3A_6, %get3A_7] : memref<1x1024xf32, #tpu.memory_space<vmem>>, vector<1x1024xf32>
    %add3A = vector.broadcast %get3A_8 : vector<1x1024xf32> to vector<16x1024xf32>
    %add3A_9 = arith.addf %dot_general3A_5, %add3A : vector<16x1024xf32>
    %swap3A = arith.constant 0 : index
    %swap3A_10 = arith.constant 0 : index
    %swap3A_11 = arith.constant 0 : index
    %swap3A_12 = vector.load %arg6[%swap3A, %swap3A_10, %swap3A_11] : memref<2x16x1024xf32, #tpu.memory_space<vmem>>, vector<1x16x1024xf32>
    %swap3A_13 = vector.shape_cast %swap3A_12 : vector<1x16x1024xf32> to vector<16x1024xf32>
    %swap3A_14 = vector.shape_cast %add3A_9 : vector<16x1024xf32> to vector<1x16x1024xf32>
    tpu.vector_store %arg6[%swap3A, %swap3A_10, %swap3A_11], %swap3A_14 {strides = array<i32>} : memref<2x16x1024xf32, #tpu.memory_space<vmem>>, vector<1x16x1024xf32>,
    %get3A_15 = arith.constant 0 : index
    %get3A_16 = arith.constant 0 : index
    %get3A_17 = vector.load %arg1[%get3A_15, %get3A_16] : memref<16x1xf32, #tpu.memory_space<vmem>>, vector<16x1xf32>
    %get3A_18 = arith.constant 0 : index
    %get3A_19 = arith.constant 0 : index
    %get3A_20 = vector.load %arg4[%get3A_18, %get3A_19] : memref<1x1024xf32, #tpu.memory_space<vmem>>, vector<1x1024xf32>
    %mul3A = vector.broadcast %get3A_17 : vector<16x1xf32> to vector<16x1024xf32>
    %mul3A_21 = vector.broadcast %get3A_20 : vector<1x1024xf32> to vector<16x1024xf32>
    %mul3A_22 = arith.mulf %mul3A, %mul3A_21 : vector<16x1024xf32>
    %get3A_23 = arith.constant 0 : index
    %get3A_24 = arith.constant 0 : index
    %get3A_25 = vector.load %arg5[%get3A_23, %get3A_24] : memref<1x1024xf32, #tpu.memory_space<vmem>>, vector<1x1024xf32>
    %add3A_26 = vector.broadcast %get3A_25 : vector<1x1024xf32> to vector<16x1024xf32>
    %add3A_27 = arith.addf %mul3A_22, %add3A_26 : vector<16x1024xf32>
    %swap3A_28 = arith.constant 1 : index
    %swap3A_29 = arith.constant 0 : index
    %swap3A_30 = arith.constant 0 : index
    %swap3A_31 = vector.load %arg6[%swap3A_28, %swap3A_29, %swap3A_30] : memref<2x16x1024xf32, #tpu.memory_space<vmem>>, vector<1x16x1024xf32>
    %swap3A_32 = vector.shape_cast %swap3A_31 : vector<1x16x1024xf32> to vector<16x1024xf32>
    %swap3A_33 = vector.shape_cast %add3A_27 : vector<16x1024xf32> to vector<1x16x1024xf32>
    tpu.vector_store %arg6[%swap3A_28, %swap3A_29, %swap3A_30], %swap3A_33 {strides = array<i32>} : memref<2x16x1024xf32, #tpu.memory_space<vmem>>, vector<1x16x1024xf32>,
    return
  }
}

</mosaic_0001>

<sc_bundles>
// kernel: kernel.4.cloned.1.call-start
scs
__scs_entry_jumppad:
0x0: {  	(pc) =	sbr.rel $0x88, $3  }
0x1: {  	(tag) =	ssettag $0x0;
	lr =	simm.s32 $0x1  }
0x2: {  	[smem:$0x3F94] =	sst lr;
	_ =	strace $0xD0000000  }
0x3: {  	_ = 	snop  }
0x4: {  	_ = 	snop  }
0x5: {  	_ = 	snop  }
0x6: {  	_ = 	snop  }
0x7: {  	_ = 	snop  }
__scs_overlays_trampoline_lowered:
0x8: {  	[smem:$0x3FA3] =	sst s0  }
0x9: {  	[smem:$0x3FA4] =	sst s1  }
0xa: {  	[smem:$0x3FA5] =	sst s2  }
0xb: {  	[smem:$0x3FA6] =	sst s3  }
0xc: {  	[smem:$0x3FA7] =	sst s4  }
0xd: {  	[smem:$0x3FA8] =	sst s5  }
0xe: {  	[smem:$0x3FA9] =	sst s6  }
0xf: {  	[smem:$0x3FAA] =	sst s7  }
0x10: {  	[smem:$0x3FAB] =	sst s8  }
0x11: {  	[smem:$0x3FAC] =	sst s9;
	s0 =	simm.s32 @!p0 $0x0  }
0x12: {  	s1 =	sld [smem:$0x3F92];
	s0 =	simm.s32 @p0 $0x1  }
0x13: {  	[smem:$0x3FAD] =	sst s0;
	s0 =	simm.s32 @!p1 $0x0  }
0x14: {  	s2 =	sld [smem:$0x3F91];
	s0 =	simm.s32 @p1 $0x1  }
0x15: {  	[smem:$0x3FAE] =	sst s0;
	s0 =	simm.s32 @!p2 $0x0  }
0x16: {  	s3 =	sld [smem:$0x3FDB];
	s0 =	simm.s32 @p2 $0x1  }
0x17: {  	s4 =	simm.s32 $0x1BF5;
	[smem:$0x3FB0] =	sst s0  }
0x18: {  	s0 =	sld [smem:$0x3F93];
	_ =	swait.ge [sflag:s4], $0x0  }
0x19: {  	s7 =	sld [smem:$0x3F94]  }
0x1a: {  	s8 =	sadd.s32 $0xFFFFE003, lr  }
0x1b: {  	s9 =	sadd.s32 $0xFFFFFEF7, lr;
	s5 =	simm.s32 $0xFFFFFFFF;
	p2 =	slt.u32 s8, $0xFFFFF086  }
0x1c: {  	p1 =	slt.u32 s9, $0xF7A;
	s5 =	simm.s32 @!p2 $0x0  }
0x1d: {  	s5 =	simm.s32 @p1 $0x1;
	p0 =	seq.s32 s7, s2  }
0x1e: {  	s7 =	smul.u32 @!p0 $0xF7A, s2;
	p2 =	seq.s32 @!p0 s5, $0x0  }
0x1f: {  	s9 =	smul.u32 $0xF7A, s1;
	s8 =	simm.s32 @!p0 $0x1BF5;
	p2 =	por !p2, p0  }
0x20: {  	[sflag:s8] =	ssyncset.s32 @!p0 $0xFFFFF086;
	s6 =	sadd.s32 @!p0 s3, s7;
	s7 =	simm.s32 @!p0 $0x108  }
0x21: {  	s3 =	sadd.s32 s3, s9;
	s6 =	sadd.s32 @!p0 $0x88, s6;
	s7 =	simm.s32 @p2 $0x1082  }
0x22: {  	[simem:s7], [sflag:s8] =	dma.local @!p0 [hbm:s6], $0xF7A  }
0x23: {  	s9 =	sor.u32 $0xD0000000, s2;
	s6 =	simm.s32 $0x108;
	_ =	swait.ge @!p0 [sflag:s8], $0x0  }
0x24: {  	s3 =	sadd.s32 $0x88, s3;
	s6 =	simm.s32 @!p1 $0x1082;
	[sflag:s4] =	ssyncset.s32 $0xFFFFF086  }
0x25: {  	[simem:s6], [sflag:s4] =	dma.local [hbm:s3], $0xF7A  }
0x26: {  	[smem:$0x3F94] =	sst s1;
	(tag) =	ssettag s2;
	_ =	strace s9  }
0x27: {  	s1 =	sld [smem:$0x3FA4]  }
0x28: {  	s2 =	sld [smem:$0x3FA5]  }
0x29: {  	s4 =	sld [smem:$0x3FA7]  }
0x2a: {  	p0 =	seq.s32 s5, $0x0;
	s5 =	sld [smem:$0x3FA8]  }
0x2b: {  	s6 =	sld [smem:$0x3FA9]  }
0x2c: {  	s7 =	sld [smem:$0x3FAA]  }
0x2d: {  	s3 =	simm.s32 $0x108;
	s8 =	sld [smem:$0x3FAB]  }
0x2e: {  	s3 =	simm.s32 @!p0 $0x1082;
	s9 =	sld [smem:$0x3FAC]  }
0x2f: {  	lr =	sadd.s32 s0, s3;
	s0 =	sld [smem:$0x3FA3]  }
0x30: {  	s3 =	sld [smem:$0x3FA6]  }
0x31: {  	[smem:$0x3FAF] =	sst s10  }
0x32: {  	s10 =	sld [smem:$0x3FAD];
	_ =	sdelay $0x3  }
0x33: {  	p0 =	seq.s32 s10, $0x1;
	s10 =	sld [smem:$0x3FAF];
	_ =	sdelay $0x3  }
0x34: {  	[smem:$0x3FAF] =	sst s10  }
0x35: {  	s10 =	sld [smem:$0x3FAE];
	_ =	sdelay $0x3  }
0x36: {  	p1 =	seq.s32 s10, $0x1;
	s10 =	sld [smem:$0x3FAF];
	_ =	sdelay $0x3  }
0x37: {  	[smem:$0x3FAF] =	sst s10  }
0x38: {  	s10 =	sld [smem:$0x3FB0]  }
0x39: {  	_ = 	snop;
	(pc) =	sbr.ind lr, $3  }
0x3a: {  	_ = 	snop  }
0x3b: {  	_ = 	snop  }
0x3c: {  	p2 =	seq.s32 s10, $0x1;
	s10 =	sld [smem:$0x3FAF]  }
0x3d: {  	_ =	shalt  }
0x3e: {  	_ =	shalt  }
0x3f: {  	_ =	shalt  }
0x40: {  	_ =	shalt  }
0x41: {  	_ =	shalt  }
0x42: {  	_ =	shalt  }
0x43: {  	_ =	shalt  }
0x44: {  	_ =	shalt  }
0x45: {  	_ =	shalt  }
0x46: {  	_ =	shalt  }
0x47: {  	_ =	shalt  }
0x48: {  	_ =	shalt  }
0x49: {  	_ =	shalt  }
0x4a: {  	_ =	shalt  }
0x4b: {  	_ =	shalt  }
0x4c: {  	_ =	shalt  }
0x4d: {  	_ =	shalt  }
0x4e: {  	_ =	shalt  }
0x4f: {  	_ =	shalt  }
0x50: {  	_ =	shalt  }
0x51: {  	_ =	shalt  }
0x52: {  	_ =	shalt  }
0x53: {  	_ =	shalt  }
0x54: {  	_ =	shalt  }
0x55: {  	_ =	shalt  }
0x56: {  	_ =	shalt  }
0x57: {  	_ =	shalt  }
0x58: {  	_ =	shalt  }
0x59: {  	_ =	shalt  }
0x5a: {  	_ =	shalt  }
0x5b: {  	_ =	shalt  }
0x5c: {  	_ =	shalt  }
0x5d: {  	_ =	shalt  }
0x5e: {  	_ =	shalt  }
0x5f: {  	_ =	shalt  }
0x60: {  	_ =	shalt  }
0x61: {  	_ =	shalt  }
0x62: {  	_ =	shalt  }
0x63: {  	_ =	shalt  }
0x64: {  	_ =	shalt  }
0x65: {  	_ =	shalt  }
0x66: {  	_ =	shalt  }
0x67: {  	_ =	shalt  }
0x68: {  	_ =	shalt  }
0x69: {  	_ =	shalt  }
0x6a: {  	_ =	shalt  }
0x6b: {  	_ =	shalt  }
0x6c: {  	_ =	shalt  }
0x6d: {  	_ =	shalt  }
0x6e: {  	_ =	shalt  }
0x6f: {  	_ =	shalt  }
0x70: {  	_ =	shalt  }
0x71: {  	_ =	shalt  }
0x72: {  	_ =	shalt  }
0x73: {  	_ =	shalt  }
0x74: {  	_ =	shalt  }
0x75: {  	_ =	shalt  }
0x76: {  	_ =	shalt  }
0x77: {  	_ =	shalt  }
0x78: {  	_ =	shalt  }
0x79: {  	_ =	shalt  }
0x7a: {  	_ =	shalt  }
0x7b: {  	_ =	shalt  }
0x7c: {  	_ =	shalt  }
0x7d: {  	_ =	shalt  }
0x7e: {  	_ =	shalt  }
0x7f: {  	_ =	shalt  }
0x80: {  	_ =	shalt  }
0x81: {  	_ =	shalt  }
0x82: {  	_ =	shalt  }
0x83: {  	_ =	shalt  }
0x84: {  	_ =	shalt  }
0x85: {  	_ =	shalt  }
0x86: {  	_ =	shalt  }
0x87: {  	_ =	shalt  }
.Lfunc_end0:
.L_simem_size_0:
called_computation.1_lowered:
.L_overlay_start_0:
0x88: {  	s2 =	sld [smem:$0x3FD9]  }
0x89: {  	s3 =	sld [smem:$0x3FFE];
	_ =	sdelay $0x1  }
0x8a: {  	s1 =	srdreg.scid  }
0x8b: {  	s0 =	sand.u32 $0x1, s1  }
0x8c: {  	s16 =	sshll.u32 s0, $0xA;
	s2 =	sadd.s32 s3, s2  }
0x8d: {  	s2 =	sadd.s32 s2, s16  }
0x8e: {  	[smem:$0x3FBB] =	sst s2  }
0x8f: {  	_ = 	snop  }
0x90: {  	(tm) =	ssettm $0x1  }
0x91: {  	s17 =	sld [smem:$0x3FFB];
	_ =	sdelay $0x3  }
0x92: {  	_ =	strace s17  }
0x93: {  	s2 =	sld [smem:$0x3FFC];
	_ =	sdelay $0x3  }
0x94: {  	_ =	strace s2  }
0x95: {  	s2 =	sld [smem:$0x3FFD];
	_ =	sdelay $0x3  }
0x96: {  	_ =	strace s2  }
0x97: {  	_ =	strace $0x8FFFFFFF  }
0x98: {  	s18 =	sld [smem:$0x3FDB];
	_ =	sdelay $0x1  }
0x99: {  	s19 =	simm.s32 $_scs_section_size  }
0x9a: {  	s4 =	simm.s32 $_size__tile_overlayer_lowered;
	s5 =	simm.s32 $_tile_overlayer_lowered  }
0x9b: {  	s22 =	simm.s32 $0x1BFF;
	s21 =	sshll.u32 s5, $0x1;
	s2 =	sadd.s32 s19, s18  }
0x9c: {  	s6 =	simm.s32 $0x0;
	s20 =	sshll.u32 s4, $0x1;
	s4 =	sadd.s32 s21, s2  }
0x9d: {  	[timem:s6], [sflag:s22] =	dma.local [hbm:s4], s20  }
0x9e: {  	_ =	swait.ge [sflag:s22], s20  }
0x9f: {  	s3 =	ssub.s32 $0x0, s20;
	[sflag:s22] =	ssyncset.done $0x0  }
0xa0: {  	[sflag:s22] =	ssyncadd.s32 s3;
	_ =	sdelay $0x1  }
0xa1: {  	s23 =	simm.s32 $0x1B8B  }
0xa2: {  	_ =	swait.ge [sflag:s23], $0x1  }
0xa3: {  	[sflag:s23] =	ssyncset.done $0x0  }
0xa4: {  	s25 =	simm.s32 $0x1B8E;
	s24 =	sld [smem:$0x3FFE];
	[sflag:s23] =	ssyncadd.s32 $0xFFFFFFFF  }
0xa5: {  	s26 =	simm.s32 $execute0_lowered;
	[smem:$0x3FD2] =	sst s25  }
0xa6: {  	s4 =	sshll.u32 s26, $0x1;
	_ =	strace $0x80000049;
	[dreg:$0x1] =	wrdreg $0xFFFFFFFF  }
0xa7: {  	s28 =	simm.s32 $_size_execute0_lowered;
	s2 =	sadd.s32 s2, s4;
	[dreg:$0x0] =	wrdreg $0x0  }
0xa8: {  	s4 =	sshll.u32 s28, $0x1;
	[dreg:$0x2] =	wrdreg s2  }
0xa9: {  	[dreg:$0x3] =	wrdreg s4  }
0xaa: {  	[dreg:$0x4] =	wrdreg $0xC0  }
0xab: {  	_ =	task [dreg:s6], $0x5FFFF  }
0xac: {  	[dreg:$0x1] =	wrdreg $0xFFFFFFFF  }
0xad: {  	[dreg:$0x0] =	wrdreg $0x60  }
0xae: {  	[dreg:$0x2] =	wrdreg s24  }
0xaf: {  	[dreg:$0x3] =	wrdreg $0x9  }
0xb0: {  	_ =	task.clear_ibuf [dreg:s6], $0x4FFFF;
	_ =	strace $0x90000049  }
0xb1: {  	s29 =	simm.s32 $0x9;
	_ =	strace $0x8000004B  }
0xb2: {  	_ =	swait.ge [sflag:s29], $0x1  }
0xb3: {  	[sflag:s29] =	ssyncadd.s32 $0xFFFFFFFF  }
0xb4: {  	_ =	strace $0x9000004B  }
0xb5: {  	_ =	sfence  }
0xb6: {  	s30 =	sld [smem:$0x0];
	_ =	sdelay $0x2  }
0xb7: {  	s31 =	sshll.u32 s1, $0xD;
	s1 =	sshrl.u32 s1, $0x2  }
0xb8: {  	s3 =	sand.u32 $0x4000, s31;
	s1 =	sadd.s32 s1, s30  }
0xb9: {  	s0 =	sor.u32 s3, s0;
	s1 =	sshll.u32 s1, $0x11  }
0xba: {  	s0 =	sor.u32 s1, s0  }
0xbb: {  	s0 =	sadd.s32 $0x8F2B, s0  }
0xbc: {  	[sflag:s0] =	ssyncadd.remote.s32 $0x1  }
0xbd: {  	_ =	sfence.sel $0xFFFF  }
0xbe: {  	[dreg:$0x0] =	wrdreg $0xFFFFFFFF;
	(pc) =	sbr.abs _section_cstart, $3  }
0xbf: {  	[dreg:$0x1] =	wrdreg $0xFFFFFFFF  }
0xc0: {  	_ =	task.clear_ibuf [dreg:s6], $0x2FFFF;
	_ =	strace $0x9FFFFFFF  }
0xc1: {  	(tm) =	ssettm $0x7FFFFFFF  }
tec
execute0_lowered:
.L_overlay_start_1:
0x0: {  	(tag) =	ssettag $0x1  }
0x1: {  	s1 =	srdreg.scid  }
0x2: {  	s0 =	stileid.u32;
	s9 =	rddreg [dreg:$0x0];
	s1 =	sand.u32 $0x1, s1  }
0x3: {  	s2 =	sshll.u32 s0, $0x1;
	s13 =	sadd.s32 $0x2000, s9;
	s11 =	sadd.s32 $0x82000, s9  }
0x4: {  	s23 =	sshrl.u32 s0, $0x3;
	s3 =	sor.u32 s1, s2;
	s19 =	smul.u32 $0x97, s1  }
0x5: {  	p1 =	seq.s32 s1, $0x1;
	s2 =	simm.s32 $0x1;
	s10 =	smul.u32 $0x4B, s1  }
0x6: {  	s5 =	sshll.u32 s1, $0xE;
	s20 =	smul.u32 $0x2580, s1;
	p0 =	seq.s32 s3, $0x0  }
0x7: {  	s7 =	smul.u32 $0xA, s3;
	s12 =	sshll.u32 s3, $0x3;
	s14 =	sshll.u32 s3, $0xD  }
0x8: {  	s16 =	sshll.u32 s3, $0x6;
	p0 =	por !p0, !p1;
	s22 =	sadd.s32 s13, s20  }
0x9: {  	s25 =	sand.u32 $0x1E000, s14;
	s16 =	sand.u32 $0x3C0, s16;
	p0 =	por !p0, !p0  }
0xa: {  	s20 =	sor.u32 $0x60, s3;
	s7 =	sadd.s32 s7, s9;
	s2 =	simm.s32 @!p0 $0x0  }
0xb: {  	s26 =	sadd.s32 s11, s25;
	s21 =	sadd.s32 $0xDA800, s7;
	s4 =	ssub.s32 s0, s2  }
0xc: {  	s2 =	simm.s32 $0x0;
	s0 =	sor.u32 $0x20, s3;
	s6 =	sshll.u32 s4, $0xA  }
0xd: {  	s17 =	smul.u32 $0xC98, s4;
	[smem:$0x7FF] =	sst s2;
	s4 =	sadd.s32 $0x1DAC00, s9  }
0xe: {  	s15 =	sshrl.u32 s0, $0x4;
	_ =	strace $0x8000004A;
	[dreg:$0x4] =	wrdreg s21  }
0xf: {  	s5 =	sadd.s32 s5, s6;
	[dreg:$0x5] =	wrdreg s22;
	s15 =	smul.u32 $0xC98, s15  }
0x10: {  	[dreg:$0x8] =	wrdreg s26;
	s21 =	sshrl.u32 s20, $0x4;
	s26 =	sor.u32 $0xA0, s3  }
0x11: {  	s31 =	sadd.s32 s14, s4;
	s18 =	sshrl.u32 s5, $0x3;
	s5 =	sadd.s32 s19, s17  }
0x12: {  	s6 =	sadd.s32 s17, s10;
	s8 =	sadd.s32 s18, s9;
	s5 =	sshll.u32 s5, $0x7  }
0x13: {  	s6 =	sshll.u32 s6, $0x7;
	s18 =	sor.u32 $0x40, s3;
	s8 =	sadd.s32 $0xD8000, s8  }
0x14: {  	s5 =	sand.u32 $0x1FFFFF80, s5;
	s6 =	sadd.s32 $0x80, s6;
	s19 =	sshrl.u32 s18, $0x4  }
0x15: {  	[dreg:$0x2] =	wrdreg s8;
	s5 =	sadd.s32 s4, s5;
	s6 =	sand.u32 $0x1FFFFF80, s6  }
0x16: {  	s8 =	sadd.s32 $0x98, s16;
	s10 =	smul.u32 $0xC98, s19;
	[dreg:$0x3] =	wrdreg s5  }
0x17: {  	s6 =	sadd.s32 s4, s6;
	s5 =	sadd.s32 $0xDA000, s9;
	s17 =	sadd.s32 s15, s8  }
0x18: {  	s15 =	smul.u32 $0xC98, s21;
	[dreg:$0x6] =	wrdreg s6;
	s24 =	sadd.s32 s5, s12  }
0x19: {  	s6 =	smul.u32 $0x64C00, s23;
	s7 =	sshll.u32 s17, $0x7;
	s10 =	sadd.s32 s10, s8  }
0x1a: {  	s23 =	sor.u32 $0x80, s3;
	[dreg:$0x7] =	wrdreg s24;
	s7 =	sand.u32 $0x1FFFFC00, s7  }
0x1b: {  	s10 =	sshll.u32 s10, $0x7;
	s22 =	sadd.s32 s15, s8;
	s24 =	sshrl.u32 s23, $0x4  }
0x1c: {  	s6 =	sadd.s32 s6, s4;
	s7 =	sadd.s32 s4, s7;
	s10 =	sand.u32 $0x1FFFFC00, s10  }
0x1d: {  	s6 =	sadd.s32 s25, s6;
	[dreg:$0xb] =	wrdreg s7;
	s7 =	sshll.u32 s18, $0x3  }
0x1e: {  	s10 =	sadd.s32 s4, s10;
	s6 =	sadd.s32 $0x4C00, s6;
	s18 =	sadd.s32 s5, s7  }
0x1f: {  	[dreg:$0xd] =	wrdreg s10;
	s10 =	sshll.u32 s22, $0x7;
	s22 =	sor.u32 $0xC0, s3  }
0x20: {  	s3 =	sor.u32 $0xE0, s3;
	[dreg:$0x9] =	wrdreg s6;
	s6 =	sshll.u32 s0, $0x3  }
0x21: {  	[dreg:$0xc] =	wrdreg s18;
	s10 =	sand.u32 $0x1FFFFC00, s10;
	s18 =	smul.u32 $0xC98, s24  }
0x22: {  	s24 =	sshrl.u32 s3, $0x4;
	s3 =	sshll.u32 s3, $0x3;
	s17 =	sadd.s32 s5, s6  }
0x23: {  	s10 =	sadd.s32 s4, s10;
	[dreg:$0xa] =	wrdreg s17;
	s17 =	sshll.u32 s20, $0x3  }
0x24: {  	[dreg:$0xf] =	wrdreg s10;
	s25 =	sadd.s32 s18, s8;
	s18 =	sshll.u32 s23, $0x3  }
0x25: {  	s20 =	sshrl.u32 s26, $0x4;
	s19 =	sadd.s32 s5, s17;
	s10 =	sshll.u32 s25, $0x7  }
0x26: {  	s0 =	sadd.s32 s5, s18;
	s20 =	smul.u32 $0xC98, s20;
	[dreg:$0xe] =	wrdreg s19  }
0x27: {  	s10 =	sand.u32 $0x1FFFFC00, s10;
	[dreg:$0x10] =	wrdreg s0;
	s19 =	sshll.u32 s22, $0x3  }
0x28: {  	s10 =	sadd.s32 s4, s10;
	s21 =	sadd.s32 s20, s8;
	s20 =	smul.u32 $0xC98, s24  }
0x29: {  	s25 =	sadd.s32 s5, s19;
	s24 =	sadd.s32 $0x153000, s31;
	[dreg:$0x11] =	wrdreg s10  }
0x2a: {  	s10 =	sshll.u32 s26, $0x3;
	s15 =	sshll.u32 s21, $0x7;
	[dreg:$0x14] =	wrdreg s25  }
0x2b: {  	s21 =	sshrl.u32 s22, $0x4;
	s22 =	sadd.s32 $0xEE400, s31;
	[dreg:$0x1e] =	wrdreg s24  }
0x2c: {  	s23 =	sadd.s32 s5, s10;
	s15 =	sand.u32 $0x1FFFFC00, s15;
	[dreg:$0x1c] =	wrdreg s22  }
0x2d: {  	s21 =	smul.u32 $0xC98, s21;
	s5 =	sadd.s32 s5, s3;
	[dreg:$0x12] =	wrdreg s23  }
0x2e: {  	s15 =	sadd.s32 s4, s15;
	[dreg:$0x16] =	wrdreg s5  }
0x2f: {  	s5 =	sadd.s32 $0x21C800, s31;
	s21 =	sadd.s32 s21, s8;
	[dreg:$0x13] =	wrdreg s15  }
0x30: {  	s8 =	sadd.s32 s20, s8;
	s20 =	sadd.s32 $0x89800, s31;
	s21 =	sshll.u32 s21, $0x7  }
0x31: {  	[smem:$0x7FA] =	sst s5;
	s8 =	sshll.u32 s8, $0x7;
	s26 =	sand.u32 $0x1FFFFC00, s21  }
0x32: {  	[dreg:$0x1a] =	wrdreg s20;
	s8 =	sand.u32 $0x1FFFFC00, s8;
	s15 =	sadd.s32 s4, s26  }
0x33: {  	s0 =	sadd.s32 s4, s8;
	[dreg:$0x15] =	wrdreg s15  }
0x34: {  	s4 =	sadd.s32 $0x24C00, s31;
	[dreg:$0x17] =	wrdreg s0  }
0x35: {  	s26 =	sadd.s32 $0x1B7C00, s31;
	s15 =	sadd.s32 $0xD9000, s9;
	[dreg:$0x18] =	wrdreg s4  }
0x36: {  	[smem:$0x7F8] =	sst s26;
	s8 =	sadd.s32 s15, s6  }
0x37: {  	s21 =	sadd.s32 s15, s7;
	[dreg:$0x19] =	wrdreg s8  }
0x38: {  	s23 =	sadd.s32 s15, s17;
	[dreg:$0x1b] =	wrdreg s21  }
0x39: {  	s25 =	sadd.s32 s15, s18;
	[dreg:$0x1d] =	wrdreg s23  }
0x3a: {  	s0 =	sadd.s32 s15, s10;
	[dreg:$0x1f] =	wrdreg s25  }
0x3b: {  	s6 =	sadd.s32 s15, s19;
	[smem:$0x7F9] =	sst s0  }
0x3c: {  	[smem:$0x7FB] =	sst s6  }
0x3d: {  	s7 =	sadd.s32 $0x281400, s31;
	s8 =	rddreg [dreg:$0x2]  }
0x3e: {  	s3 =	sadd.s32 s15, s3;
	[smem:$0x7FC] =	sst s7  }
0x3f: {  	s4 =	simm.s32 $0x100;
	[smem:$0x7FD] =	sst s3;
	s3 =	simm.s32 $0x2  }
0x40: {  	[tilespmem:s4], [sflag:$0x2] =	stream.linear.gather [hbm4b:s8+s2], $0x400, $0x38;
	[tilespmem:$0x14100] =	vst v63  }
0x41: {  	_ =	swait.ge [sflag:s3], $0x400  }
0x42: {  	[sflag:s3] =	ssyncset.done $0x0  }
0x43: {  	s10 =	rddreg [dreg:$0x3];
	[sflag:s3] =	ssyncadd.s32 $0xFFFFFC00  }
0x44: {  	[hbm4b:s10+s2] =	stream.linear.scatter [tilespmem:s4], [sflag:$0x2], $0x400, $0x38;
	[tilespmem:$0x14100] =	vst v63  }
0x45: {  	_ =	swait.ge [sflag:s3], $0x400  }
0x46: {  	[sflag:s3] =	ssyncset.done $0x0  }
0x47: {  	s17 =	rddreg [dreg:$0x4];
	[sflag:s3] =	ssyncadd.s32 $0xFFFFFC00  }
0x48: {  	[tilespmem:s2], [sflag:$0x2] =	stream.linear.gather [hbm4b:s17+s2], $0x50, $0x38;
	[tilespmem:$0x14100] =	vst v63  }
0x49: {  	_ =	swait.ge [sflag:s3], $0x50  }
0x4a: {  	[sflag:s3] =	ssyncset.done $0x0  }
0x4b: {  	s18 =	rddreg [dreg:$0x5];
	[sflag:s3] =	ssyncadd.s32 $0xFFFFFFB0  }
0x4c: {  	[tilespmem:s4], [sflag:$0x2] =	stream.linear.gather [hbm4b:s18+s2], $0x14000, $0x38;
	[tilespmem:$0x14100] =	vst v63  }
0x4d: {  	_ =	swait.ge [sflag:s3], $0x14000  }
0x4e: {  	s5 =	simm.s32 $0x1;
	[sflag:s3] =	ssyncset.done $0x0  }
0x4f: {  	s6 =	sadd.s32 $0xDAA00, s9;
	s7 =	simm.s32 $0x50;
	[sflag:s3] =	ssyncadd.s32 $0xFFFEC000  }
0x50: {  	[tilespmem:s4], [sflag:$0x1] =	stream.indirect.gather.add.f32 [hbm:s6], $0x400, s2, s7, $0xb8;
	[tilespmem:$0x14100] =	vst v63  }
0x51: {  	_ =	swait.ge [sflag:s5], $0x14000  }
0x52: {  	[sflag:s5] =	ssyncset.done $0x0  }
0x53: {  	s19 =	rddreg [dreg:$0x6];
	[sflag:s5] =	ssyncadd.s32 $0xFFFEC000  }
0x54: {  	[hbm4b:s19+s2] =	stream.linear.scatter [tilespmem:s4], [sflag:$0x2], $0x12C00, $0x38;
	[tilespmem:$0x14100] =	vst v63  }
0x55: {  	_ =	swait.ge [sflag:s3], $0x12C00  }
0x56: {  	[sflag:s3] =	ssyncset.done $0x0  }
0x57: {  	s8 =	simm.s32 $0x80;
	s20 =	rddreg [dreg:$0x7];
	[sflag:s3] =	ssyncadd.s32 $0xFFFED400  }
0x58: {  	[tilespmem:s8], [sflag:$0x2] =	stream.linear.gather [hbm4b:s20+s2], $0x40, $0x38;
	[tilespmem:$0x14100] =	vst v63  }
0x59: {  	_ =	swait.ge [sflag:s3], $0x40  }
0x5a: {  	[sflag:s3] =	ssyncset.done $0x0  }
0x5b: {  	s21 =	rddreg [dreg:$0x8];
	[sflag:s3] =	ssyncadd.s32 $0xFFFFFFC0  }
0x5c: {  	[tilespmem:s4], [sflag:$0x2] =	stream.linear.gather [hbm4b:s21+s2], $0x10000, $0x38;
	[tilespmem:$0x14100] =	vst v63  }
0x5d: {  	_ =	swait.ge [sflag:s3], $0x10000  }
0x5e: {  	[sflag:s3] =	ssyncset.done $0x0  }
0x5f: {  	s9 =	sadd.s32 $0xC2000, s9;
	s10 =	simm.s32 $0x40;
	[sflag:s3] =	ssyncadd.s32 $0xFFFF0000  }
0x60: {  	[tilespmem:s4], [sflag:$0x1] =	stream.indirect.gather.add.f32 [hbm:s9], $0x400, s8, s10, $0xb8;
	[tilespmem:$0x14100] =	vst v63  }
0x61: {  	_ =	swait.ge [sflag:s5], $0x10000  }
0x62: {  	[sflag:s5] =	ssyncset.done $0x0  }
0x63: {  	s22 =	rddreg [dreg:$0x9];
	[sflag:s5] =	ssyncadd.s32 $0xFFFF0000  }
0x64: {  	[hbm4b:s22+s2] =	stream.linear.scatter [tilespmem:s4], [sflag:$0x2], $0x10000, $0x38;
	[tilespmem:$0x14100] =	vst v63  }
0x65: {  	_ =	swait.ge [sflag:s3], $0x10000  }
0x66: {  	[sflag:s3] =	ssyncset.done $0x0  }
0x67: {  	s23 =	rddreg [dreg:$0xa];
	[sflag:s3] =	ssyncadd.s32 $0xFFFF0000  }
0x68: {  	[tilespmem:s8], [sflag:$0x2] =	stream.linear.gather [hbm4b:s23+s2], $0x40, $0x38;
	[tilespmem:$0x14100] =	vst v63  }
0x69: {  	_ =	swait.ge [sflag:s3], $0x40  }
0x6a: {  	s16 =	sshll.u32 s16, $0x7;
	[sflag:s3] =	ssyncset.done $0x0  }
0x6b: {  	s11 =	sadd.s32 s11, s16;
	[sflag:s3] =	ssyncadd.s32 $0xFFFFFFC0  }
0x6c: {  	[tilespmem:s4], [sflag:$0x2] =	stream.linear.gather [hbm4b:s11+s2], $0x10000, $0x38;
	[tilespmem:$0x14100] =	vst v63  }
0x6d: {  	_ =	swait.ge [sflag:s3], $0x10000  }
0x6e: {  	[sflag:s3] =	ssyncset.done $0x0  }
0x6f: {  	[sflag:s3] =	ssyncadd.s32 $0xFFFF0000  }
0x70: {  	[tilespmem:s4], [sflag:$0x1] =	stream.indirect.gather.add.f32 [hbm:s9], $0x400, s8, s10, $0xb8;
	[tilespmem:$0x14100] =	vst v63  }
0x71: {  	_ =	swait.ge [sflag:s5], $0x10000  }
0x72: {  	[sflag:s5] =	ssyncset.done $0x0  }
0x73: {  	s24 =	rddreg [dreg:$0xb];
	[sflag:s5] =	ssyncadd.s32 $0xFFFF0000  }
0x74: {  	[hbm4b:s24+s2] =	stream.linear.scatter [tilespmem:s4], [sflag:$0x2], $0x10000, $0x38;
	[tilespmem:$0x14100] =	vst v63  }
0x75: {  	_ =	swait.ge [sflag:s3], $0x10000  }
0x76: {  	[sflag:s3] =	ssyncset.done $0x0  }
0x77: {  	s25 =	rddreg [dreg:$0xc];
	[sflag:s3] =	ssyncadd.s32 $0xFFFF0000  }
0x78: {  	[tilespmem:s8], [sflag:$0x2] =	stream.linear.gather [hbm4b:s25+s2], $0x40, $0x38;
	[tilespmem:$0x14100] =	vst v63  }
0x79: {  	_ =	swait.ge [sflag:s3], $0x40  }
0x7a: {  	[sflag:s3] =	ssyncset.done $0x0  }
0x7b: {  	[sflag:s3] =	ssyncadd.s32 $0xFFFFFFC0  }
0x7c: {  	[tilespmem:s4], [sflag:$0x2] =	stream.linear.gather [hbm4b:s11+s2], $0x10000, $0x38;
	[tilespmem:$0x14100] =	vst v63  }
0x7d: {  	_ =	swait.ge [sflag:s3], $0x10000  }
0x7e: {  	[sflag:s3] =	ssyncset.done $0x0  }
0x7f: {  	[sflag:s3] =	ssyncadd.s32 $0xFFFF0000  }
0x80: {  	[tilespmem:s4], [sflag:$0x1] =	stream.indirect.gather.add.f32 [hbm:s9], $0x400, s8, s10, $0xb8;
	[tilespmem:$0x14100] =	vst v63  }
0x81: {  	_ =	swait.ge [sflag:s5], $0x10000  }
0x82: {  	[sflag:s5] =	ssyncset.done $0x0  }
0x83: {  	s26 =	rddreg [dreg:$0xd];
	[sflag:s5] =	ssyncadd.s32 $0xFFFF0000  }
0x84: {  	[hbm4b:s26+s2] =	stream.linear.scatter [tilespmem:s4], [sflag:$0x2], $0x10000, $0x38;
	[tilespmem:$0x14100] =	vst v63  }
0x85: {  	_ =	swait.ge [sflag:s3], $0x10000  }
0x86: {  	[sflag:s3] =	ssyncset.done $0x0  }
0x87: {  	s0 =	rddreg [dreg:$0xe];
	[sflag:s3] =	ssyncadd.s32 $0xFFFF0000  }
0x88: {  	[tilespmem:s8], [sflag:$0x2] =	stream.linear.gather [hbm4b:s0+s2], $0x40, $0x38;
	[tilespmem:$0x14100] =	vst v63  }
0x89: {  	_ =	swait.ge [sflag:s3], $0x40  }
0x8a: {  	[sflag:s3] =	ssyncset.done $0x0  }
0x8b: {  	[sflag:s3] =	ssyncadd.s32 $0xFFFFFFC0  }
0x8c: {  	[tilespmem:s4], [sflag:$0x2] =	stream.linear.gather [hbm4b:s11+s2], $0x10000, $0x38;
	[tilespmem:$0x14100] =	vst v63  }
0x8d: {  	_ =	swait.ge [sflag:s3], $0x10000  }
0x8e: {  	[sflag:s3] =	ssyncset.done $0x0  }
0x8f: {  	[sflag:s3] =	ssyncadd.s32 $0xFFFF0000  }
0x90: {  	[tilespmem:s4], [sflag:$0x1] =	stream.indirect.gather.add.f32 [hbm:s9], $0x400, s8, s10, $0xb8;
	[tilespmem:$0x14100] =	vst v63  }
0x91: {  	_ =	swait.ge [sflag:s5], $0x10000  }
0x92: {  	[sflag:s5] =	ssyncset.done $0x0  }
0x93: {  	s17 =	rddreg [dreg:$0xf];
	[sflag:s5] =	ssyncadd.s32 $0xFFFF0000  }
0x94: {  	[hbm4b:s17+s2] =	stream.linear.scatter [tilespmem:s4], [sflag:$0x2], $0x10000, $0x38;
	[tilespmem:$0x14100] =	vst v63  }
0x95: {  	_ =	swait.ge [sflag:s3], $0x10000  }
0x96: {  	[sflag:s3] =	ssyncset.done $0x0  }
0x97: {  	s18 =	rddreg [dreg:$0x10];
	[sflag:s3] =	ssyncadd.s32 $0xFFFF0000  }
0x98: {  	[tilespmem:s8], [sflag:$0x2] =	stream.linear.gather [hbm4b:s18+s2], $0x40, $0x38;
	[tilespmem:$0x14100] =	vst v63  }
0x99: {  	_ =	swait.ge [sflag:s3], $0x40  }
0x9a: {  	[sflag:s3] =	ssyncset.done $0x0  }
0x9b: {  	[sflag:s3] =	ssyncadd.s32 $0xFFFFFFC0  }
0x9c: {  	[tilespmem:s4], [sflag:$0x2] =	stream.linear.gather [hbm4b:s11+s2], $0x10000, $0x38;
	[tilespmem:$0x14100] =	vst v63  }
0x9d: {  	_ =	swait.ge [sflag:s3], $0x10000  }
0x9e: {  	[sflag:s3] =	ssyncset.done $0x0  }
0x9f: {  	[sflag:s3] =	ssyncadd.s32 $0xFFFF0000  }
0xa0: {  	[tilespmem:s4], [sflag:$0x1] =	stream.indirect.gather.add.f32 [hbm:s9], $0x400, s8, s10, $0xb8;
	[tilespmem:$0x14100] =	vst v63  }
0xa1: {  	_ =	swait.ge [sflag:s5], $0x10000  }
0xa2: {  	[sflag:s5] =	ssyncset.done $0x0  }
0xa3: {  	s19 =	rddreg [dreg:$0x11];
	[sflag:s5] =	ssyncadd.s32 $0xFFFF0000  }
0xa4: {  	[hbm4b:s19+s2] =	stream.linear.scatter [tilespmem:s4], [sflag:$0x2], $0x10000, $0x38;
	[tilespmem:$0x14100] =	vst v63  }
0xa5: {  	_ =	swait.ge [sflag:s3], $0x10000  }
0xa6: {  	[sflag:s3] =	ssyncset.done $0x0  }
0xa7: {  	s20 =	rddreg [dreg:$0x12];
	[sflag:s3] =	ssyncadd.s32 $0xFFFF0000  }
0xa8: {  	[tilespmem:s8], [sflag:$0x2] =	stream.linear.gather [hbm4b:s20+s2], $0x40, $0x38;
	[tilespmem:$0x14100] =	vst v63  }
0xa9: {  	_ =	swait.ge [sflag:s3], $0x40  }
0xaa: {  	[sflag:s3] =	ssyncset.done $0x0  }
0xab: {  	[sflag:s3] =	ssyncadd.s32 $0xFFFFFFC0  }
0xac: {  	[tilespmem:s4], [sflag:$0x2] =	stream.linear.gather [hbm4b:s11+s2], $0x10000, $0x38;
	[tilespmem:$0x14100] =	vst v63  }
0xad: {  	_ =	swait.ge [sflag:s3], $0x10000  }
0xae: {  	[sflag:s3] =	ssyncset.done $0x0  }
0xaf: {  	[sflag:s3] =	ssyncadd.s32 $0xFFFF0000  }
0xb0: {  	[tilespmem:s4], [sflag:$0x1] =	stream.indirect.gather.add.f32 [hbm:s9], $0x400, s8, s10, $0xb8;
	[tilespmem:$0x14100] =	vst v63  }
0xb1: {  	_ =	swait.ge [sflag:s5], $0x10000  }
0xb2: {  	[sflag:s5] =	ssyncset.done $0x0  }
0xb3: {  	s21 =	rddreg [dreg:$0x13];
	[sflag:s5] =	ssyncadd.s32 $0xFFFF0000  }
0xb4: {  	[hbm4b:s21+s2] =	stream.linear.scatter [tilespmem:s4], [sflag:$0x2], $0x10000, $0x38;
	[tilespmem:$0x14100] =	vst v63  }
0xb5: {  	_ =	swait.ge [sflag:s3], $0x10000  }
0xb6: {  	[sflag:s3] =	ssyncset.done $0x0  }
0xb7: {  	s22 =	rddreg [dreg:$0x14];
	[sflag:s3] =	ssyncadd.s32 $0xFFFF0000  }
0xb8: {  	[tilespmem:s8], [sflag:$0x2] =	stream.linear.gather [hbm4b:s22+s2], $0x40, $0x38;
	[tilespmem:$0x14100] =	vst v63  }
0xb9: {  	_ =	swait.ge [sflag:s3], $0x40  }
0xba: {  	[sflag:s3] =	ssyncset.done $0x0  }
0xbb: {  	[sflag:s3] =	ssyncadd.s32 $0xFFFFFFC0  }
0xbc: {  	[tilespmem:s4], [sflag:$0x2] =	stream.linear.gather [hbm4b:s11+s2], $0x10000, $0x38;
	[tilespmem:$0x14100] =	vst v63  }
0xbd: {  	_ =	swait.ge [sflag:s3], $0x10000  }
0xbe: {  	[sflag:s3] =	ssyncset.done $0x0  }
0xbf: {  	[sflag:s3] =	ssyncadd.s32 $0xFFFF0000  }
0xc0: {  	[tilespmem:s4], [sflag:$0x1] =	stream.indirect.gather.add.f32 [hbm:s9], $0x400, s8, s10, $0xb8;
	[tilespmem:$0x14100] =	vst v63  }
0xc1: {  	_ =	swait.ge [sflag:s5], $0x10000  }
0xc2: {  	[sflag:s5] =	ssyncset.done $0x0  }
0xc3: {  	s23 =	rddreg [dreg:$0x15];
	[sflag:s5] =	ssyncadd.s32 $0xFFFF0000  }
0xc4: {  	[hbm4b:s23+s2] =	stream.linear.scatter [tilespmem:s4], [sflag:$0x2], $0x10000, $0x38;
	[tilespmem:$0x14100] =	vst v63  }
0xc5: {  	_ =	swait.ge [sflag:s3], $0x10000  }
0xc6: {  	[sflag:s3] =	ssyncset.done $0x0  }
0xc7: {  	s24 =	rddreg [dreg:$0x16];
	[sflag:s3] =	ssyncadd.s32 $0xFFFF0000  }
0xc8: {  	[tilespmem:s8], [sflag:$0x2] =	stream.linear.gather [hbm4b:s24+s2], $0x40, $0x38;
	[tilespmem:$0x14100] =	vst v63  }
0xc9: {  	_ =	swait.ge [sflag:s3], $0x40  }
0xca: {  	[sflag:s3] =	ssyncset.done $0x0  }
0xcb: {  	[sflag:s3] =	ssyncadd.s32 $0xFFFFFFC0  }
0xcc: {  	[tilespmem:s4], [sflag:$0x2] =	stream.linear.gather [hbm4b:s11+s2], $0x10000, $0x38;
	[tilespmem:$0x14100] =	vst v63  }
0xcd: {  	_ =	swait.ge [sflag:s3], $0x10000  }
0xce: {  	[sflag:s3] =	ssyncset.done $0x0  }
0xcf: {  	[sflag:s3] =	ssyncadd.s32 $0xFFFF0000  }
0xd0: {  	[tilespmem:s4], [sflag:$0x1] =	stream.indirect.gather.add.f32 [hbm:s9], $0x400, s8, s10, $0xb8;
	[tilespmem:$0x14100] =	vst v63  }
0xd1: {  	_ =	swait.ge [sflag:s5], $0x10000  }
0xd2: {  	[sflag:s5] =	ssyncset.done $0x0  }
0xd3: {  	s25 =	rddreg [dreg:$0x17];
	[sflag:s5] =	ssyncadd.s32 $0xFFFF0000  }
0xd4: {  	[hbm4b:s25+s2] =	stream.linear.scatter [tilespmem:s4], [sflag:$0x2], $0x10000, $0x38;
	[tilespmem:$0x14100] =	vst v63  }
0xd5: {  	_ =	swait.ge [sflag:s3], $0x10000  }
0xd6: {  	[sflag:s3] =	ssyncset.done $0x0  }
0xd7: {  	s12 =	sadd.s32 s15, s12;
	[sflag:s3] =	ssyncadd.s32 $0xFFFF0000  }
0xd8: {  	[tilespmem:s8], [sflag:$0x2] =	stream.linear.gather [hbm4b:s12+s2], $0x40, $0x38;
	[tilespmem:$0x14100] =	vst v63  }
0xd9: {  	_ =	swait.ge [sflag:s3], $0x40  }
0xda: {  	[sflag:s3] =	ssyncset.done $0x0  }
0xdb: {  	s13 =	sadd.s32 s13, s14;
	[sflag:s3] =	ssyncadd.s32 $0xFFFFFFC0  }
0xdc: {  	[tilespmem:s4], [sflag:$0x2] =	stream.linear.gather [hbm4b:s13+s2], $0x10000, $0x38;
	[tilespmem:$0x14100] =	vst v63  }
0xdd: {  	_ =	swait.ge [sflag:s3], $0x10000  }
0xde: {  	[sflag:s3] =	ssyncset.done $0x0  }
0xdf: {  	[sflag:s3] =	ssyncadd.s32 $0xFFFF0000  }
0xe0: {  	[tilespmem:s4], [sflag:$0x1] =	stream.indirect.gather.add.f32 [hbm:s6], $0x400, s8, s10, $0xb8;
	[tilespmem:$0x14100] =	vst v63  }
0xe1: {  	_ =	swait.ge [sflag:s5], $0x10000  }
0xe2: {  	[sflag:s5] =	ssyncset.done $0x0  }
0xe3: {  	s26 =	rddreg [dreg:$0x18];
	[sflag:s5] =	ssyncadd.s32 $0xFFFF0000  }
0xe4: {  	[hbm4b:s26+s2] =	stream.linear.scatter [tilespmem:s4], [sflag:$0x2], $0x10000, $0x38;
	[tilespmem:$0x14100] =	vst v63  }
0xe5: {  	_ =	swait.ge [sflag:s3], $0x10000  }
0xe6: {  	[sflag:s3] =	ssyncset.done $0x0  }
0xe7: {  	s0 =	rddreg [dreg:$0x19];
	[sflag:s3] =	ssyncadd.s32 $0xFFFF0000  }
0xe8: {  	[tilespmem:s8], [sflag:$0x2] =	stream.linear.gather [hbm4b:s0+s2], $0x40, $0x38;
	[tilespmem:$0x14100] =	vst v63  }
0xe9: {  	_ =	swait.ge [sflag:s3], $0x40  }
0xea: {  	[sflag:s3] =	ssyncset.done $0x0  }
0xeb: {  	[sflag:s3] =	ssyncadd.s32 $0xFFFFFFC0  }
0xec: {  	[tilespmem:s4], [sflag:$0x2] =	stream.linear.gather [hbm4b:s13+s2], $0x10000, $0x38;
	[tilespmem:$0x14100] =	vst v63  }
0xed: {  	_ =	swait.ge [sflag:s3], $0x10000  }
0xee: {  	[sflag:s3] =	ssyncset.done $0x0  }
0xef: {  	[sflag:s3] =	ssyncadd.s32 $0xFFFF0000  }
0xf0: {  	[tilespmem:s4], [sflag:$0x1] =	stream.indirect.gather.add.f32 [hbm:s6], $0x400, s8, s10, $0xb8;
	[tilespmem:$0x14100] =	vst v63  }
0xf1: {  	_ =	swait.ge [sflag:s5], $0x10000  }
0xf2: {  	[sflag:s5] =	ssyncset.done $0x0  }
0xf3: {  	s15 =	rddreg [dreg:$0x1a];
	[sflag:s5] =	ssyncadd.s32 $0xFFFF0000  }
0xf4: {  	[hbm4b:s15+s2] =	stream.linear.scatter [tilespmem:s4], [sflag:$0x2], $0x10000, $0x38;
	[tilespmem:$0x14100] =	vst v63  }
0xf5: {  	_ =	swait.ge [sflag:s3], $0x10000  }
0xf6: {  	[sflag:s3] =	ssyncset.done $0x0  }
0xf7: {  	s16 =	rddreg [dreg:$0x1b];
	[sflag:s3] =	ssyncadd.s32 $0xFFFF0000  }
0xf8: {  	[tilespmem:s8], [sflag:$0x2] =	stream.linear.gather [hbm4b:s16+s2], $0x40, $0x38;
	[tilespmem:$0x14100] =	vst v63  }
0xf9: {  	_ =	swait.ge [sflag:s3], $0x40  }
0xfa: {  	[sflag:s3] =	ssyncset.done $0x0  }
0xfb: {  	[sflag:s3] =	ssyncadd.s32 $0xFFFFFFC0  }
0xfc: {  	[tilespmem:s4], [sflag:$0x2] =	stream.linear.gather [hbm4b:s13+s2], $0x10000, $0x38;
	[tilespmem:$0x14100] =	vst v63  }
0xfd: {  	_ =	swait.ge [sflag:s3], $0x10000  }
0xfe: {  	[sflag:s3] =	ssyncset.done $0x0  }
0xff: {  	[sflag:s3] =	ssyncadd.s32 $0xFFFF0000  }
0x100: {  	[tilespmem:s4], [sflag:$0x1] =	stream.indirect.gather.add.f32 [hbm:s6], $0x400, s8, s10, $0xb8;
	[tilespmem:$0x14100] =	vst v63  }
0x101: {  	_ =	swait.ge [sflag:s5], $0x10000  }
0x102: {  	[sflag:s5] =	ssyncset.done $0x0  }
0x103: {  	s17 =	rddreg [dreg:$0x1c];
	[sflag:s5] =	ssyncadd.s32 $0xFFFF0000  }
0x104: {  	[hbm4b:s17+s2] =	stream.linear.scatter [tilespmem:s4], [sflag:$0x2], $0x10000, $0x38;
	[tilespmem:$0x14100] =	vst v63  }
0x105: {  	_ =	swait.ge [sflag:s3], $0x10000  }
0x106: {  	[sflag:s3] =	ssyncset.done $0x0  }
0x107: {  	s18 =	rddreg [dreg:$0x1d];
	[sflag:s3] =	ssyncadd.s32 $0xFFFF0000  }
0x108: {  	[tilespmem:s8], [sflag:$0x2] =	stream.linear.gather [hbm4b:s18+s2], $0x40, $0x38;
	[tilespmem:$0x14100] =	vst v63  }
0x109: {  	_ =	swait.ge [sflag:s3], $0x40  }
0x10a: {  	[sflag:s3] =	ssyncset.done $0x0  }
0x10b: {  	[sflag:s3] =	ssyncadd.s32 $0xFFFFFFC0  }
0x10c: {  	[tilespmem:s4], [sflag:$0x2] =	stream.linear.gather [hbm4b:s13+s2], $0x10000, $0x38;
	[tilespmem:$0x14100] =	vst v63  }
0x10d: {  	_ =	swait.ge [sflag:s3], $0x10000  }
0x10e: {  	[sflag:s3] =	ssyncset.done $0x0  }
0x10f: {  	[sflag:s3] =	ssyncadd.s32 $0xFFFF0000  }
0x110: {  	[tilespmem:s4], [sflag:$0x1] =	stream.indirect.gather.add.f32 [hbm:s6], $0x400, s8, s10, $0xb8;
	[tilespmem:$0x14100] =	vst v63  }
0x111: {  	_ =	swait.ge [sflag:s5], $0x10000  }
0x112: {  	[sflag:s5] =	ssyncset.done $0x0  }
0x113: {  	s19 =	rddreg [dreg:$0x1e];
	[sflag:s5] =	ssyncadd.s32 $0xFFFF0000  }
0x114: {  	[hbm4b:s19+s2] =	stream.linear.scatter [tilespmem:s4], [sflag:$0x2], $0x10000, $0x38;
	[tilespmem:$0x14100] =	vst v63  }
0x115: {  	_ =	swait.ge [sflag:s3], $0x10000  }
0x116: {  	[sflag:s3] =	ssyncset.done $0x0  }
0x117: {  	s20 =	rddreg [dreg:$0x1f];
	[sflag:s3] =	ssyncadd.s32 $0xFFFF0000  }
0x118: {  	[tilespmem:s8], [sflag:$0x2] =	stream.linear.gather [hbm4b:s20+s2], $0x40, $0x38;
	[tilespmem:$0x14100] =	vst v63  }
0x119: {  	_ =	swait.ge [sflag:s3], $0x40  }
0x11a: {  	[sflag:s3] =	ssyncset.done $0x0  }
0x11b: {  	[sflag:s3] =	ssyncadd.s32 $0xFFFFFFC0  }
0x11c: {  	[tilespmem:s4], [sflag:$0x2] =	stream.linear.gather [hbm4b:s13+s2], $0x10000, $0x38;
	[tilespmem:$0x14100] =	vst v63  }
0x11d: {  	_ =	swait.ge [sflag:s3], $0x10000  }
0x11e: {  	[sflag:s3] =	ssyncset.done $0x0  }
0x11f: {  	[sflag:s3] =	ssyncadd.s32 $0xFFFF0000  }
0x120: {  	[tilespmem:s4], [sflag:$0x1] =	stream.indirect.gather.add.f32 [hbm:s6], $0x400, s8, s10, $0xb8;
	[tilespmem:$0x14100] =	vst v63  }
0x121: {  	_ =	swait.ge [sflag:s5], $0x10000  }
0x122: {  	s21 =	sld [smem:$0x7F8]  }
0x123: {  	[sflag:s5] =	ssyncset.done $0x0  }
0x124: {  	[sflag:s5] =	ssyncadd.s32 $0xFFFF0000  }
0x125: {  	[hbm4b:s21+s2] =	stream.linear.scatter [tilespmem:s4], [sflag:$0x2], $0x10000, $0x38;
	[tilespmem:$0x14100] =	vst v63  }
0x126: {  	_ =	swait.ge [sflag:s3], $0x10000  }
0x127: {  	s22 =	sld [smem:$0x7F9]  }
0x128: {  	[sflag:s3] =	ssyncset.done $0x0  }
0x129: {  	[sflag:s3] =	ssyncadd.s32 $0xFFFF0000  }
0x12a: {  	[tilespmem:s8], [sflag:$0x2] =	stream.linear.gather [hbm4b:s22+s2], $0x40, $0x38;
	[tilespmem:$0x14100] =	vst v63  }
0x12b: {  	_ =	swait.ge [sflag:s3], $0x40  }
0x12c: {  	[sflag:s3] =	ssyncset.done $0x0  }
0x12d: {  	[sflag:s3] =	ssyncadd.s32 $0xFFFFFFC0  }
0x12e: {  	[tilespmem:s4], [sflag:$0x2] =	stream.linear.gather [hbm4b:s13+s2], $0x10000, $0x38;
	[tilespmem:$0x14100] =	vst v63  }
0x12f: {  	_ =	swait.ge [sflag:s3], $0x10000  }
0x130: {  	[sflag:s3] =	ssyncset.done $0x0  }
0x131: {  	[sflag:s3] =	ssyncadd.s32 $0xFFFF0000  }
0x132: {  	[tilespmem:s4], [sflag:$0x1] =	stream.indirect.gather.add.f32 [hbm:s6], $0x400, s8, s10, $0xb8;
	[tilespmem:$0x14100] =	vst v63  }
0x133: {  	_ =	swait.ge [sflag:s5], $0x10000  }
0x134: {  	s23 =	sld [smem:$0x7FA]  }
0x135: {  	[sflag:s5] =	ssyncset.done $0x0  }
0x136: {  	[sflag:s5] =	ssyncadd.s32 $0xFFFF0000  }
0x137: {  	[hbm4b:s23+s2] =	stream.linear.scatter [tilespmem:s4], [sflag:$0x2], $0x10000, $0x38;
	[tilespmem:$0x14100] =	vst v63  }
0x138: {  	_ =	swait.ge [sflag:s3], $0x10000  }
0x139: {  	s24 =	sld [smem:$0x7FB]  }
0x13a: {  	[sflag:s3] =	ssyncset.done $0x0  }
0x13b: {  	[sflag:s3] =	ssyncadd.s32 $0xFFFF0000  }
0x13c: {  	[tilespmem:s8], [sflag:$0x2] =	stream.linear.gather [hbm4b:s24+s2], $0x40, $0x38;
	[tilespmem:$0x14100] =	vst v63  }
0x13d: {  	_ =	swait.ge [sflag:s3], $0x40  }
0x13e: {  	[sflag:s3] =	ssyncset.done $0x0  }
0x13f: {  	[sflag:s3] =	ssyncadd.s32 $0xFFFFFFC0  }
0x140: {  	[tilespmem:s4], [sflag:$0x2] =	stream.linear.gather [hbm4b:s13+s2], $0x10000, $0x38;
	[tilespmem:$0x14100] =	vst v63  }
0x141: {  	_ =	swait.ge [sflag:s3], $0x10000  }
0x142: {  	[sflag:s3] =	ssyncset.done $0x0  }
0x143: {  	[sflag:s3] =	ssyncadd.s32 $0xFFFF0000  }
0x144: {  	[tilespmem:s4], [sflag:$0x1] =	stream.indirect.gather.add.f32 [hbm:s6], $0x400, s8, s10, $0xb8;
	[tilespmem:$0x14100] =	vst v63  }
0x145: {  	_ =	swait.ge [sflag:s5], $0x10000  }
0x146: {  	s25 =	sld [smem:$0x7FC]  }
0x147: {  	[sflag:s5] =	ssyncset.done $0x0  }
0x148: {  	[sflag:s5] =	ssyncadd.s32 $0xFFFF0000  }
0x149: {  	[hbm4b:s25+s2] =	stream.linear.scatter [tilespmem:s4], [sflag:$0x2], $0x10000, $0x38;
	[tilespmem:$0x14100] =	vst v63  }
0x14a: {  	_ =	swait.ge [sflag:s3], $0x10000  }
0x14b: {  	s26 =	sld [smem:$0x7FD]  }
0x14c: {  	[sflag:s3] =	ssyncset.done $0x0  }
0x14d: {  	[sflag:s3] =	ssyncadd.s32 $0xFFFF0000  }
0x14e: {  	[tilespmem:s8], [sflag:$0x2] =	stream.linear.gather [hbm4b:s26+s2], $0x40, $0x38;
	[tilespmem:$0x14100] =	vst v63  }
0x14f: {  	_ =	swait.ge [sflag:s3], $0x40  }
0x150: {  	[sflag:s3] =	ssyncset.done $0x0  }
0x151: {  	[sflag:s3] =	ssyncadd.s32 $0xFFFFFFC0  }
0x152: {  	[tilespmem:s4], [sflag:$0x2] =	stream.linear.gather [hbm4b:s13+s2], $0x10000, $0x38;
	[tilespmem:$0x14100] =	vst v63  }
0x153: {  	_ =	swait.ge [sflag:s3], $0x10000  }
0x154: {  	[sflag:s3] =	ssyncset.done $0x0  }
0x155: {  	[sflag:s3] =	ssyncadd.s32 $0xFFFF0000  }
0x156: {  	[tilespmem:s4], [sflag:$0x1] =	stream.indirect.gather.add.f32 [hbm:s6], $0x400, s8, s10, $0xb8;
	[tilespmem:$0x14100] =	vst v63  }
0x157: {  	_ =	swait.ge [sflag:s5], $0x10000  }
0x158: {  	[sflag:s5] =	ssyncset.done $0x0  }
0x159: {  	s14 =	sadd.s32 $0x2E6000, s31;
	[sflag:s5] =	ssyncadd.s32 $0xFFFF0000  }
0x15a: {  	[hbm4b:s14+s2] =	stream.linear.scatter [tilespmem:s4], [sflag:$0x2], $0x10000, $0x38;
	[tilespmem:$0x14100] =	vst v63  }
0x15b: {  	_ =	swait.ge [sflag:s3], $0x10000  }
0x15c: {  	[sflag:s3] =	ssyncset.done $0x0  }
0x15d: {  	s15 =	sadd.s32 $0x800, s12;
	[sflag:s3] =	ssyncadd.s32 $0xFFFF0000  }
0x15e: {  	[tilespmem:s8], [sflag:$0x2] =	stream.linear.gather [hbm4b:s15+s2], $0x40, $0x38;
	[tilespmem:$0x14100] =	vst v63  }
0x15f: {  	_ =	swait.ge [sflag:s3], $0x40  }
0x160: {  	[sflag:s3] =	ssyncset.done $0x0  }
0x161: {  	[sflag:s3] =	ssyncadd.s32 $0xFFFFFFC0  }
0x162: {  	[tilespmem:s4], [sflag:$0x2] =	stream.linear.gather [hbm4b:s13+s2], $0x10000, $0x38;
	[tilespmem:$0x14100] =	vst v63  }
0x163: {  	_ =	swait.ge [sflag:s3], $0x10000  }
0x164: {  	[sflag:s3] =	ssyncset.done $0x0  }
0x165: {  	[sflag:s3] =	ssyncadd.s32 $0xFFFF0000  }
0x166: {  	[tilespmem:s4], [sflag:$0x1] =	stream.indirect.gather.add.f32 [hbm:s6], $0x400, s8, s10, $0xb8;
	[tilespmem:$0x14100] =	vst v63  }
0x167: {  	_ =	swait.ge [sflag:s5], $0x10000  }
0x168: {  	[sflag:s5] =	ssyncset.done $0x0  }
0x169: {  	s16 =	sadd.s32 $0x34AC00, s31;
	[sflag:s5] =	ssyncadd.s32 $0xFFFF0000  }
0x16a: {  	[hbm4b:s16+s2] =	stream.linear.scatter [tilespmem:s4], [sflag:$0x2], $0x10000, $0x38;
	[tilespmem:$0x14100] =	vst v63  }
0x16b: {  	_ =	swait.ge [sflag:s3], $0x10000  }
0x16c: {  	[sflag:s3] =	ssyncset.done $0x0  }
0x16d: {  	s17 =	sadd.s32 $0x900, s12;
	[sflag:s3] =	ssyncadd.s32 $0xFFFF0000  }
0x16e: {  	[tilespmem:s8], [sflag:$0x2] =	stream.linear.gather [hbm4b:s17+s2], $0x40, $0x38;
	[tilespmem:$0x14100] =	vst v63  }
0x16f: {  	_ =	swait.ge [sflag:s3], $0x40  }
0x170: {  	[sflag:s3] =	ssyncset.done $0x0  }
0x171: {  	[sflag:s3] =	ssyncadd.s32 $0xFFFFFFC0  }
0x172: {  	[tilespmem:s4], [sflag:$0x2] =	stream.linear.gather [hbm4b:s13+s2], $0x10000, $0x38;
	[tilespmem:$0x14100] =	vst v63  }
0x173: {  	_ =	swait.ge [sflag:s3], $0x10000  }
0x174: {  	[sflag:s3] =	ssyncset.done $0x0  }
0x175: {  	[sflag:s3] =	ssyncadd.s32 $0xFFFF0000  }
0x176: {  	[tilespmem:s4], [sflag:$0x1] =	stream.indirect.gather.add.f32 [hbm:s6], $0x400, s8, s10, $0xb8;
	[tilespmem:$0x14100] =	vst v63  }
0x177: {  	_ =	swait.ge [sflag:s5], $0x10000  }
0x178: {  	[sflag:s5] =	ssyncset.done $0x0  }
0x179: {  	s18 =	sadd.s32 $0x3AF800, s31;
	[sflag:s5] =	ssyncadd.s32 $0xFFFF0000  }
0x17a: {  	[hbm4b:s18+s2] =	stream.linear.scatter [tilespmem:s4], [sflag:$0x2], $0x10000, $0x38;
	[tilespmem:$0x14100] =	vst v63  }
0x17b: {  	_ =	swait.ge [sflag:s3], $0x10000  }
0x17c: {  	[sflag:s3] =	ssyncset.done $0x0  }
0x17d: {  	s19 =	sadd.s32 $0xA00, s12;
	[sflag:s3] =	ssyncadd.s32 $0xFFFF0000  }
0x17e: {  	[tilespmem:s8], [sflag:$0x2] =	stream.linear.gather [hbm4b:s19+s2], $0x40, $0x38;
	[tilespmem:$0x14100] =	vst v63  }
0x17f: {  	_ =	swait.ge [sflag:s3], $0x40  }
0x180: {  	[sflag:s3] =	ssyncset.done $0x0  }
0x181: {  	[sflag:s3] =	ssyncadd.s32 $0xFFFFFFC0  }
0x182: {  	[tilespmem:s4], [sflag:$0x2] =	stream.linear.gather [hbm4b:s13+s2], $0x10000, $0x38;
	[tilespmem:$0x14100] =	vst v63  }
0x183: {  	_ =	swait.ge [sflag:s3], $0x10000  }
0x184: {  	[sflag:s3] =	ssyncset.done $0x0  }
0x185: {  	[sflag:s3] =	ssyncadd.s32 $0xFFFF0000  }
0x186: {  	[tilespmem:s4], [sflag:$0x1] =	stream.indirect.gather.add.f32 [hbm:s6], $0x400, s8, s10, $0xb8;
	[tilespmem:$0x14100] =	vst v63  }
0x187: {  	_ =	swait.ge [sflag:s5], $0x10000  }
0x188: {  	[sflag:s5] =	ssyncset.done $0x0  }
0x189: {  	s20 =	sadd.s32 $0x414400, s31;
	[sflag:s5] =	ssyncadd.s32 $0xFFFF0000  }
0x18a: {  	[hbm4b:s20+s2] =	stream.linear.scatter [tilespmem:s4], [sflag:$0x2], $0x10000, $0x38;
	[tilespmem:$0x14100] =	vst v63  }
0x18b: {  	_ =	swait.ge [sflag:s3], $0x10000  }
0x18c: {  	[sflag:s3] =	ssyncset.done $0x0  }
0x18d: {  	s21 =	sadd.s32 $0xB00, s12;
	[sflag:s3] =	ssyncadd.s32 $0xFFFF0000  }
0x18e: {  	[tilespmem:s8], [sflag:$0x2] =	stream.linear.gather [hbm4b:s21+s2], $0x40, $0x38;
	[tilespmem:$0x14100] =	vst v63  }
0x18f: {  	_ =	swait.ge [sflag:s3], $0x40  }
0x190: {  	[sflag:s3] =	ssyncset.done $0x0  }
0x191: {  	[sflag:s3] =	ssyncadd.s32 $0xFFFFFFC0  }
0x192: {  	[tilespmem:s4], [sflag:$0x2] =	stream.linear.gather [hbm4b:s13+s2], $0x10000, $0x38;
	[tilespmem:$0x14100] =	vst v63  }
0x193: {  	_ =	swait.ge [sflag:s3], $0x10000  }
0x194: {  	[sflag:s3] =	ssyncset.done $0x0  }
0x195: {  	[sflag:s3] =	ssyncadd.s32 $0xFFFF0000  }
0x196: {  	[tilespmem:s4], [sflag:$0x1] =	stream.indirect.gather.add.f32 [hbm:s6], $0x400, s8, s10, $0xb8;
	[tilespmem:$0x14100] =	vst v63  }
0x197: {  	_ =	swait.ge [sflag:s5], $0x10000  }
0x198: {  	[sflag:s5] =	ssyncset.done $0x0  }
0x199: {  	s22 =	sadd.s32 $0x479000, s31;
	[sflag:s5] =	ssyncadd.s32 $0xFFFF0000  }
0x19a: {  	[hbm4b:s22+s2] =	stream.linear.scatter [tilespmem:s4], [sflag:$0x2], $0x10000, $0x38;
	[tilespmem:$0x14100] =	vst v63  }
0x19b: {  	_ =	swait.ge [sflag:s3], $0x10000  }
0x19c: {  	[sflag:s3] =	ssyncset.done $0x0  }
0x19d: {  	s23 =	sadd.s32 $0xC00, s12;
	[sflag:s3] =	ssyncadd.s32 $0xFFFF0000  }
0x19e: {  	[tilespmem:s8], [sflag:$0x2] =	stream.linear.gather [hbm4b:s23+s2], $0x40, $0x38;
	[tilespmem:$0x14100] =	vst v63  }
0x19f: {  	_ =	swait.ge [sflag:s3], $0x40  }
0x1a0: {  	[sflag:s3] =	ssyncset.done $0x0  }
0x1a1: {  	[sflag:s3] =	ssyncadd.s32 $0xFFFFFFC0  }
0x1a2: {  	[tilespmem:s4], [sflag:$0x2] =	stream.linear.gather [hbm4b:s13+s2], $0x10000, $0x38;
	[tilespmem:$0x14100] =	vst v63  }
0x1a3: {  	_ =	swait.ge [sflag:s3], $0x10000  }
0x1a4: {  	[sflag:s3] =	ssyncset.done $0x0  }
0x1a5: {  	[sflag:s3] =	ssyncadd.s32 $0xFFFF0000  }
0x1a6: {  	[tilespmem:s4], [sflag:$0x1] =	stream.indirect.gather.add.f32 [hbm:s6], $0x400, s8, s10, $0xb8;
	[tilespmem:$0x14100] =	vst v63  }
0x1a7: {  	_ =	swait.ge [sflag:s5], $0x10000  }
0x1a8: {  	[sflag:s5] =	ssyncset.done $0x0  }
0x1a9: {  	s24 =	sadd.s32 $0x4DDC00, s31;
	[sflag:s5] =	ssyncadd.s32 $0xFFFF0000  }
0x1aa: {  	[hbm4b:s24+s2] =	stream.linear.scatter [tilespmem:s4], [sflag:$0x2], $0x10000, $0x38;
	[tilespmem:$0x14100] =	vst v63  }
0x1ab: {  	_ =	swait.ge [sflag:s3], $0x10000  }
0x1ac: {  	[sflag:s3] =	ssyncset.done $0x0  }
0x1ad: {  	s25 =	sadd.s32 $0xD00, s12;
	[sflag:s3] =	ssyncadd.s32 $0xFFFF0000  }
0x1ae: {  	[tilespmem:s8], [sflag:$0x2] =	stream.linear.gather [hbm4b:s25+s2], $0x40, $0x38;
	[tilespmem:$0x14100] =	vst v63  }
0x1af: {  	_ =	swait.ge [sflag:s3], $0x40  }
0x1b0: {  	[sflag:s3] =	ssyncset.done $0x0  }
0x1b1: {  	[sflag:s3] =	ssyncadd.s32 $0xFFFFFFC0  }
0x1b2: {  	[tilespmem:s4], [sflag:$0x2] =	stream.linear.gather [hbm4b:s13+s2], $0x10000, $0x38;
	[tilespmem:$0x14100] =	vst v63  }
0x1b3: {  	_ =	swait.ge [sflag:s3], $0x10000  }
0x1b4: {  	[sflag:s3] =	ssyncset.done $0x0  }
0x1b5: {  	[sflag:s3] =	ssyncadd.s32 $0xFFFF0000  }
0x1b6: {  	[tilespmem:s4], [sflag:$0x1] =	stream.indirect.gather.add.f32 [hbm:s6], $0x400, s8, s10, $0xb8;
	[tilespmem:$0x14100] =	vst v63  }
0x1b7: {  	_ =	swait.ge [sflag:s5], $0x10000  }
0x1b8: {  	[sflag:s5] =	ssyncset.done $0x0  }
0x1b9: {  	s26 =	sadd.s32 $0x542800, s31;
	[sflag:s5] =	ssyncadd.s32 $0xFFFF0000  }
0x1ba: {  	[hbm4b:s26+s2] =	stream.linear.scatter [tilespmem:s4], [sflag:$0x2], $0x10000, $0x38;
	[tilespmem:$0x14100] =	vst v63  }
0x1bb: {  	_ =	swait.ge [sflag:s3], $0x10000  }
0x1bc: {  	[sflag:s3] =	ssyncset.done $0x0  }
0x1bd: {  	s28 =	sadd.s32 $0xE00, s12;
	[sflag:s3] =	ssyncadd.s32 $0xFFFF0000  }
0x1be: {  	[tilespmem:s8], [sflag:$0x2] =	stream.linear.gather [hbm4b:s28+s2], $0x40, $0x38;
	[tilespmem:$0x14100] =	vst v63  }
0x1bf: {  	_ =	swait.ge [sflag:s3], $0x40  }
0x1c0: {  	[sflag:s3] =	ssyncset.done $0x0  }
0x1c1: {  	[sflag:s3] =	ssyncadd.s32 $0xFFFFFFC0  }
0x1c2: {  	[tilespmem:s4], [sflag:$0x2] =	stream.linear.gather [hbm4b:s13+s2], $0x10000, $0x38;
	[tilespmem:$0x14100] =	vst v63  }
0x1c3: {  	_ =	swait.ge [sflag:s3], $0x10000  }
0x1c4: {  	[sflag:s3] =	ssyncset.done $0x0  }
0x1c5: {  	[sflag:s3] =	ssyncadd.s32 $0xFFFF0000  }
0x1c6: {  	[tilespmem:s4], [sflag:$0x1] =	stream.indirect.gather.add.f32 [hbm:s6], $0x400, s8, s10, $0xb8;
	[tilespmem:$0x14100] =	vst v63  }
0x1c7: {  	_ =	swait.ge [sflag:s5], $0x10000  }
0x1c8: {  	[sflag:s5] =	ssyncset.done $0x0  }
0x1c9: {  	s29 =	sadd.s32 $0x5A7400, s31;
	[sflag:s5] =	ssyncadd.s32 $0xFFFF0000  }
0x1ca: {  	[hbm4b:s29+s2] =	stream.linear.scatter [tilespmem:s4], [sflag:$0x2], $0x10000, $0x38;
	[tilespmem:$0x14100] =	vst v63  }
0x1cb: {  	_ =	swait.ge [sflag:s3], $0x10000  }
0x1cc: {  	[sflag:s3] =	ssyncset.done $0x0  }
0x1cd: {  	s30 =	sadd.s32 $0xF00, s12;
	[sflag:s3] =	ssyncadd.s32 $0xFFFF0000  }
0x1ce: {  	[tilespmem:s8], [sflag:$0x2] =	stream.linear.gather [hbm4b:s30+s2], $0x40, $0x38;
	[tilespmem:$0x14100] =	vst v63  }
0x1cf: {  	_ =	swait.ge [sflag:s3], $0x40  }
0x1d0: {  	s1 =	ssub.s32 $0x2, s1;
	[sflag:s3] =	ssyncset.done $0x0  }
0x1d1: {  	s0 =	sshrl.u32 s1, $0x1;
	[sflag:s3] =	ssyncadd.s32 $0xFFFFFFC0  }
0x1d2: {  	[tilespmem:s4], [sflag:$0x2] =	stream.linear.gather [hbm4b:s13+s2], $0x10000, $0x38;
	[tilespmem:$0x14100] =	vst v63  }
0x1d3: {  	s0 =	ssub.s32 s1, s0;
	_ =	swait.ge [sflag:s3], $0x10000  }
0x1d4: {  	s0 =	smax.u32 s0, $0x1;
	[sflag:s3] =	ssyncset.done $0x0  }
0x1d5: {  	p0 =	sne.s32 s0, $0x1;
	[sflag:s3] =	ssyncadd.s32 $0xFFFF0000  }
0x1d6: {  	[tilespmem:s4], [sflag:$0x1] =	stream.indirect.gather.add.f32 [hbm:s6], $0x400, s8, s10, $0xb8;
	[tilespmem:$0x14100] =	vst v63  }
.Ltmp0:
0x1d7: {  	_ =	swait.ge [sflag:s5], $0x10000;
	(pc) =	sbr.rel @!p0 .LBB2_2-.Ltmp0, $4  }
0x1d8: {  	[sflag:s5] =	ssyncset.done $0x0  }
0x1d9: {  	s31 =	sadd.s32 $0x60C000, s31;
	[sflag:s5] =	ssyncadd.s32 $0xFFFF0000  }
0x1da: {  	[hbm4b:s31+s2] =	stream.linear.scatter [tilespmem:s4], [sflag:$0x2], $0x10000, $0x38;
	[tilespmem:$0x14100] =	vst v63  }
0x1db: {  	s1 =	sadd.s32 $0xFFFFFFFF, s0;
	_ =	swait.ge [sflag:s3], $0x10000  }
.LBB2_1:
0x1dc: {  	[sflag:s3] =	ssyncset.done $0x0  }
0x1dd: {  	s0 =	rddreg [dreg:$0x2];
	[sflag:s3] =	ssyncadd.s32 $0xFFFF0000  }
0x1de: {  	[tilespmem:s4], [sflag:$0x2] =	stream.linear.gather [hbm4b:s0+s2], $0x400, $0x38;
	[tilespmem:$0x14100] =	vst v63  }
0x1df: {  	_ =	swait.ge [sflag:s3], $0x400  }
0x1e0: {  	[sflag:s3] =	ssyncset.done $0x0  }
0x1e1: {  	s0 =	rddreg [dreg:$0x3];
	[sflag:s3] =	ssyncadd.s32 $0xFFFFFC00  }
0x1e2: {  	[hbm4b:s0+s2] =	stream.linear.scatter [tilespmem:s4], [sflag:$0x2], $0x400, $0x38;
	[tilespmem:$0x14100] =	vst v63  }
0x1e3: {  	_ =	swait.ge [sflag:s3], $0x400  }
0x1e4: {  	[sflag:s3] =	ssyncset.done $0x0  }
0x1e5: {  	s0 =	rddreg [dreg:$0x4];
	[sflag:s3] =	ssyncadd.s32 $0xFFFFFC00  }
0x1e6: {  	[tilespmem:s2], [sflag:$0x2] =	stream.linear.gather [hbm4b:s0+s2], $0x50, $0x38;
	[tilespmem:$0x14100] =	vst v63  }
0x1e7: {  	_ =	swait.ge [sflag:s3], $0x50  }
0x1e8: {  	[sflag:s3] =	ssyncset.done $0x0  }
0x1e9: {  	s0 =	rddreg [dreg:$0x5];
	[sflag:s3] =	ssyncadd.s32 $0xFFFFFFB0  }
0x1ea: {  	[tilespmem:s4], [sflag:$0x2] =	stream.linear.gather [hbm4b:s0+s2], $0x14000, $0x38;
	[tilespmem:$0x14100] =	vst v63  }
0x1eb: {  	_ =	swait.ge [sflag:s3], $0x14000  }
0x1ec: {  	[sflag:s3] =	ssyncset.done $0x0  }
0x1ed: {  	[sflag:s3] =	ssyncadd.s32 $0xFFFEC000  }
0x1ee: {  	[tilespmem:s4], [sflag:$0x1] =	stream.indirect.gather.add.f32 [hbm:s6], $0x400, s2, s7, $0xb8;
	[tilespmem:$0x14100] =	vst v63  }
0x1ef: {  	_ =	swait.ge [sflag:s5], $0x14000  }
0x1f0: {  	[sflag:s5] =	ssyncset.done $0x0  }
0x1f1: {  	s0 =	rddreg [dreg:$0x6];
	[sflag:s5] =	ssyncadd.s32 $0xFFFEC000  }
0x1f2: {  	[hbm4b:s0+s2] =	stream.linear.scatter [tilespmem:s4], [sflag:$0x2], $0x12C00, $0x38;
	[tilespmem:$0x14100] =	vst v63  }
0x1f3: {  	_ =	swait.ge [sflag:s3], $0x12C00  }
0x1f4: {  	[sflag:s3] =	ssyncset.done $0x0  }
0x1f5: {  	s0 =	rddreg [dreg:$0x7];
	[sflag:s3] =	ssyncadd.s32 $0xFFFED400  }
0x1f6: {  	[tilespmem:s8], [sflag:$0x2] =	stream.linear.gather [hbm4b:s0+s2], $0x40, $0x38;
	[tilespmem:$0x14100] =	vst v63  }
0x1f7: {  	_ =	swait.ge [sflag:s3], $0x40  }
0x1f8: {  	[sflag:s3] =	ssyncset.done $0x0  }
0x1f9: {  	s0 =	rddreg [dreg:$0x8];
	[sflag:s3] =	ssyncadd.s32 $0xFFFFFFC0  }
0x1fa: {  	[tilespmem:s4], [sflag:$0x2] =	stream.linear.gather [hbm4b:s0+s2], $0x10000, $0x38;
	[tilespmem:$0x14100] =	vst v63  }
0x1fb: {  	_ =	swait.ge [sflag:s3], $0x10000  }
0x1fc: {  	[sflag:s3] =	ssyncset.done $0x0  }
0x1fd: {  	[sflag:s3] =	ssyncadd.s32 $0xFFFF0000  }
0x1fe: {  	[tilespmem:s4], [sflag:$0x1] =	stream.indirect.gather.add.f32 [hbm:s9], $0x400, s8, s10, $0xb8;
	[tilespmem:$0x14100] =	vst v63  }
0x1ff: {  	_ =	swait.ge [sflag:s5], $0x10000  }
0x200: {  	[sflag:s5] =	ssyncset.done $0x0  }
0x201: {  	s0 =	rddreg [dreg:$0x9];
	[sflag:s5] =	ssyncadd.s32 $0xFFFF0000  }
0x202: {  	[hbm4b:s0+s2] =	stream.linear.scatter [tilespmem:s4], [sflag:$0x2], $0x10000, $0x38;
	[tilespmem:$0x14100] =	vst v63  }
0x203: {  	_ =	swait.ge [sflag:s3], $0x10000  }
0x204: {  	[sflag:s3] =	ssyncset.done $0x0  }
0x205: {  	s0 =	rddreg [dreg:$0xa];
	[sflag:s3] =	ssyncadd.s32 $0xFFFF0000  }
0x206: {  	[tilespmem:s8], [sflag:$0x2] =	stream.linear.gather [hbm4b:s0+s2], $0x40, $0x38;
	[tilespmem:$0x14100] =	vst v63  }
0x207: {  	_ =	swait.ge [sflag:s3], $0x40  }
0x208: {  	[sflag:s3] =	ssyncset.done $0x0  }
0x209: {  	[sflag:s3] =	ssyncadd.s32 $0xFFFFFFC0  }
0x20a: {  	[tilespmem:s4], [sflag:$0x2] =	stream.linear.gather [hbm4b:s11+s2], $0x10000, $0x38;
	[tilespmem:$0x14100] =	vst v63  }
0x20b: {  	_ =	swait.ge [sflag:s3], $0x10000  }
0x20c: {  	[sflag:s3] =	ssyncset.done $0x0  }
0x20d: {  	[sflag:s3] =	ssyncadd.s32 $0xFFFF0000  }
0x20e: {  	[tilespmem:s4], [sflag:$0x1] =	stream.indirect.gather.add.f32 [hbm:s9], $0x400, s8, s10, $0xb8;
	[tilespmem:$0x14100] =	vst v63  }
0x20f: {  	_ =	swait.ge [sflag:s5], $0x10000  }
0x210: {  	[sflag:s5] =	ssyncset.done $0x0  }
0x211: {  	s0 =	rddreg [dreg:$0xb];
	[sflag:s5] =	ssyncadd.s32 $0xFFFF0000  }
0x212: {  	[hbm4b:s0+s2] =	stream.linear.scatter [tilespmem:s4], [sflag:$0x2], $0x10000, $0x38;
	[tilespmem:$0x14100] =	vst v63  }
0x213: {  	_ =	swait.ge [sflag:s3], $0x10000  }
0x214: {  	[sflag:s3] =	ssyncset.done $0x0  }
0x215: {  	s0 =	rddreg [dreg:$0xc];
	[sflag:s3] =	ssyncadd.s32 $0xFFFF0000  }
0x216: {  	[tilespmem:s8], [sflag:$0x2] =	stream.linear.gather [hbm4b:s0+s2], $0x40, $0x38;
	[tilespmem:$0x14100] =	vst v63  }
0x217: {  	_ =	swait.ge [sflag:s3], $0x40  }
0x218: {  	[sflag:s3] =	ssyncset.done $0x0  }
0x219: {  	[sflag:s3] =	ssyncadd.s32 $0xFFFFFFC0  }
0x21a: {  	[tilespmem:s4], [sflag:$0x2] =	stream.linear.gather [hbm4b:s11+s2], $0x10000, $0x38;
	[tilespmem:$0x14100] =	vst v63  }
0x21b: {  	_ =	swait.ge [sflag:s3], $0x10000  }
0x21c: {  	[sflag:s3] =	ssyncset.done $0x0  }
0x21d: {  	[sflag:s3] =	ssyncadd.s32 $0xFFFF0000  }
0x21e: {  	[tilespmem:s4], [sflag:$0x1] =	stream.indirect.gather.add.f32 [hbm:s9], $0x400, s8, s10, $0xb8;
	[tilespmem:$0x14100] =	vst v63  }
0x21f: {  	_ =	swait.ge [sflag:s5], $0x10000  }
0x220: {  	[sflag:s5] =	ssyncset.done $0x0  }
0x221: {  	s0 =	rddreg [dreg:$0xd];
	[sflag:s5] =	ssyncadd.s32 $0xFFFF0000  }
0x222: {  	[hbm4b:s0+s2] =	stream.linear.scatter [tilespmem:s4], [sflag:$0x2], $0x10000, $0x38;
	[tilespmem:$0x14100] =	vst v63  }
0x223: {  	_ =	swait.ge [sflag:s3], $0x10000  }
0x224: {  	[sflag:s3] =	ssyncset.done $0x0  }
0x225: {  	s0 =	rddreg [dreg:$0xe];
	[sflag:s3] =	ssyncadd.s32 $0xFFFF0000  }
0x226: {  	[tilespmem:s8], [sflag:$0x2] =	stream.linear.gather [hbm4b:s0+s2], $0x40, $0x38;
	[tilespmem:$0x14100] =	vst v63  }
0x227: {  	_ =	swait.ge [sflag:s3], $0x40  }
0x228: {  	[sflag:s3] =	ssyncset.done $0x0  }
0x229: {  	[sflag:s3] =	ssyncadd.s32 $0xFFFFFFC0  }
0x22a: {  	[tilespmem:s4], [sflag:$0x2] =	stream.linear.gather [hbm4b:s11+s2], $0x10000, $0x38;
	[tilespmem:$0x14100] =	vst v63  }
0x22b: {  	_ =	swait.ge [sflag:s3], $0x10000  }
0x22c: {  	[sflag:s3] =	ssyncset.done $0x0  }
0x22d: {  	[sflag:s3] =	ssyncadd.s32 $0xFFFF0000  }
0x22e: {  	[tilespmem:s4], [sflag:$0x1] =	stream.indirect.gather.add.f32 [hbm:s9], $0x400, s8, s10, $0xb8;
	[tilespmem:$0x14100] =	vst v63  }
0x22f: {  	_ =	swait.ge [sflag:s5], $0x10000  }
0x230: {  	[sflag:s5] =	ssyncset.done $0x0  }
0x231: {  	s0 =	rddreg [dreg:$0xf];
	[sflag:s5] =	ssyncadd.s32 $0xFFFF0000  }
0x232: {  	[hbm4b:s0+s2] =	stream.linear.scatter [tilespmem:s4], [sflag:$0x2], $0x10000, $0x38;
	[tilespmem:$0x14100] =	vst v63  }
0x233: {  	_ =	swait.ge [sflag:s3], $0x10000  }
0x234: {  	[sflag:s3] =	ssyncset.done $0x0  }
0x235: {  	s0 =	rddreg [dreg:$0x10];
	[sflag:s3] =	ssyncadd.s32 $0xFFFF0000  }
0x236: {  	[tilespmem:s8], [sflag:$0x2] =	stream.linear.gather [hbm4b:s0+s2], $0x40, $0x38;
	[tilespmem:$0x14100] =	vst v63  }
0x237: {  	_ =	swait.ge [sflag:s3], $0x40  }
0x238: {  	[sflag:s3] =	ssyncset.done $0x0  }
0x239: {  	[sflag:s3] =	ssyncadd.s32 $0xFFFFFFC0  }
0x23a: {  	[tilespmem:s4], [sflag:$0x2] =	stream.linear.gather [hbm4b:s11+s2], $0x10000, $0x38;
	[tilespmem:$0x14100] =	vst v63  }
0x23b: {  	_ =	swait.ge [sflag:s3], $0x10000  }
0x23c: {  	[sflag:s3] =	ssyncset.done $0x0  }
0x23d: {  	[sflag:s3] =	ssyncadd.s32 $0xFFFF0000  }
0x23e: {  	[tilespmem:s4], [sflag:$0x1] =	stream.indirect.gather.add.f32 [hbm:s9], $0x400, s8, s10, $0xb8;
	[tilespmem:$0x14100] =	vst v63  }
0x23f: {  	_ =	swait.ge [sflag:s5], $0x10000  }
0x240: {  	[sflag:s5] =	ssyncset.done $0x0  }
0x241: {  	s0 =	rddreg [dreg:$0x11];
	[sflag:s5] =	ssyncadd.s32 $0xFFFF0000  }
0x242: {  	[hbm4b:s0+s2] =	stream.linear.scatter [tilespmem:s4], [sflag:$0x2], $0x10000, $0x38;
	[tilespmem:$0x14100] =	vst v63  }
0x243: {  	_ =	swait.ge [sflag:s3], $0x10000  }
0x244: {  	[sflag:s3] =	ssyncset.done $0x0  }
0x245: {  	s0 =	rddreg [dreg:$0x12];
	[sflag:s3] =	ssyncadd.s32 $0xFFFF0000  }
0x246: {  	[tilespmem:s8], [sflag:$0x2] =	stream.linear.gather [hbm4b:s0+s2], $0x40, $0x38;
	[tilespmem:$0x14100] =	vst v63  }
0x247: {  	_ =	swait.ge [sflag:s3], $0x40  }
0x248: {  	[sflag:s3] =	ssyncset.done $0x0  }
0x249: {  	[sflag:s3] =	ssyncadd.s32 $0xFFFFFFC0  }
0x24a: {  	[tilespmem:s4], [sflag:$0x2] =	stream.linear.gather [hbm4b:s11+s2], $0x10000, $0x38;
	[tilespmem:$0x14100] =	vst v63  }
0x24b: {  	_ =	swait.ge [sflag:s3], $0x10000  }
0x24c: {  	[sflag:s3] =	ssyncset.done $0x0  }
0x24d: {  	[sflag:s3] =	ssyncadd.s32 $0xFFFF0000  }
0x24e: {  	[tilespmem:s4], [sflag:$0x1] =	stream.indirect.gather.add.f32 [hbm:s9], $0x400, s8, s10, $0xb8;
	[tilespmem:$0x14100] =	vst v63  }
0x24f: {  	_ =	swait.ge [sflag:s5], $0x10000  }
0x250: {  	[sflag:s5] =	ssyncset.done $0x0  }
0x251: {  	s0 =	rddreg [dreg:$0x13];
	[sflag:s5] =	ssyncadd.s32 $0xFFFF0000  }
0x252: {  	[hbm4b:s0+s2] =	stream.linear.scatter [tilespmem:s4], [sflag:$0x2], $0x10000, $0x38;
	[tilespmem:$0x14100] =	vst v63  }
0x253: {  	_ =	swait.ge [sflag:s3], $0x10000  }
0x254: {  	[sflag:s3] =	ssyncset.done $0x0  }
0x255: {  	s0 =	rddreg [dreg:$0x14];
	[sflag:s3] =	ssyncadd.s32 $0xFFFF0000  }
0x256: {  	[tilespmem:s8], [sflag:$0x2] =	stream.linear.gather [hbm4b:s0+s2], $0x40, $0x38;
	[tilespmem:$0x14100] =	vst v63  }
0x257: {  	_ =	swait.ge [sflag:s3], $0x40  }
0x258: {  	[sflag:s3] =	ssyncset.done $0x0  }
0x259: {  	[sflag:s3] =	ssyncadd.s32 $0xFFFFFFC0  }
0x25a: {  	[tilespmem:s4], [sflag:$0x2] =	stream.linear.gather [hbm4b:s11+s2], $0x10000, $0x38;
	[tilespmem:$0x14100] =	vst v63  }
0x25b: {  	_ =	swait.ge [sflag:s3], $0x10000  }
0x25c: {  	[sflag:s3] =	ssyncset.done $0x0  }
0x25d: {  	[sflag:s3] =	ssyncadd.s32 $0xFFFF0000  }
0x25e: {  	[tilespmem:s4], [sflag:$0x1] =	stream.indirect.gather.add.f32 [hbm:s9], $0x400, s8, s10, $0xb8;
	[tilespmem:$0x14100] =	vst v63  }
0x25f: {  	_ =	swait.ge [sflag:s5], $0x10000  }
0x260: {  	[sflag:s5] =	ssyncset.done $0x0  }
0x261: {  	s0 =	rddreg [dreg:$0x15];
	[sflag:s5] =	ssyncadd.s32 $0xFFFF0000  }
0x262: {  	[hbm4b:s0+s2] =	stream.linear.scatter [tilespmem:s4], [sflag:$0x2], $0x10000, $0x38;
	[tilespmem:$0x14100] =	vst v63  }
0x263: {  	_ =	swait.ge [sflag:s3], $0x10000  }
0x264: {  	[sflag:s3] =	ssyncset.done $0x0  }
0x265: {  	s0 =	rddreg [dreg:$0x16];
	[sflag:s3] =	ssyncadd.s32 $0xFFFF0000  }
0x266: {  	[tilespmem:s8], [sflag:$0x2] =	stream.linear.gather [hbm4b:s0+s2], $0x40, $0x38;
	[tilespmem:$0x14100] =	vst v63  }
0x267: {  	_ =	swait.ge [sflag:s3], $0x40  }
0x268: {  	[sflag:s3] =	ssyncset.done $0x0  }
0x269: {  	[sflag:s3] =	ssyncadd.s32 $0xFFFFFFC0  }
0x26a: {  	[tilespmem:s4], [sflag:$0x2] =	stream.linear.gather [hbm4b:s11+s2], $0x10000, $0x38;
	[tilespmem:$0x14100] =	vst v63  }
0x26b: {  	_ =	swait.ge [sflag:s3], $0x10000  }
0x26c: {  	[sflag:s3] =	ssyncset.done $0x0  }
0x26d: {  	[sflag:s3] =	ssyncadd.s32 $0xFFFF0000  }
0x26e: {  	[tilespmem:s4], [sflag:$0x1] =	stream.indirect.gather.add.f32 [hbm:s9], $0x400, s8, s10, $0xb8;
	[tilespmem:$0x14100] =	vst v63  }
0x26f: {  	_ =	swait.ge [sflag:s5], $0x10000  }
0x270: {  	[sflag:s5] =	ssyncset.done $0x0  }
0x271: {  	s0 =	rddreg [dreg:$0x17];
	[sflag:s5] =	ssyncadd.s32 $0xFFFF0000  }
0x272: {  	[hbm4b:s0+s2] =	stream.linear.scatter [tilespmem:s4], [sflag:$0x2], $0x10000, $0x38;
	[tilespmem:$0x14100] =	vst v63  }
0x273: {  	_ =	swait.ge [sflag:s3], $0x10000  }
0x274: {  	[sflag:s3] =	ssyncset.done $0x0  }
0x275: {  	[sflag:s3] =	ssyncadd.s32 $0xFFFF0000  }
0x276: {  	[tilespmem:s8], [sflag:$0x2] =	stream.linear.gather [hbm4b:s12+s2], $0x40, $0x38;
	[tilespmem:$0x14100] =	vst v63  }
0x277: {  	_ =	swait.ge [sflag:s3], $0x40  }
0x278: {  	[sflag:s3] =	ssyncset.done $0x0  }
0x279: {  	[sflag:s3] =	ssyncadd.s32 $0xFFFFFFC0  }
0x27a: {  	[tilespmem:s4], [sflag:$0x2] =	stream.linear.gather [hbm4b:s13+s2], $0x10000, $0x38;
	[tilespmem:$0x14100] =	vst v63  }
0x27b: {  	_ =	swait.ge [sflag:s3], $0x10000  }
0x27c: {  	[sflag:s3] =	ssyncset.done $0x0  }
0x27d: {  	[sflag:s3] =	ssyncadd.s32 $0xFFFF0000  }
0x27e: {  	[tilespmem:s4], [sflag:$0x1] =	stream.indirect.gather.add.f32 [hbm:s6], $0x400, s8, s10, $0xb8;
	[tilespmem:$0x14100] =	vst v63  }
0x27f: {  	_ =	swait.ge [sflag:s5], $0x10000  }
0x280: {  	[sflag:s5] =	ssyncset.done $0x0  }
0x281: {  	s0 =	rddreg [dreg:$0x18];
	[sflag:s5] =	ssyncadd.s32 $0xFFFF0000  }
0x282: {  	[hbm4b:s0+s2] =	stream.linear.scatter [tilespmem:s4], [sflag:$0x2], $0x10000, $0x38;
	[tilespmem:$0x14100] =	vst v63  }
0x283: {  	_ =	swait.ge [sflag:s3], $0x10000  }
0x284: {  	[sflag:s3] =	ssyncset.done $0x0  }
0x285: {  	s0 =	rddreg [dreg:$0x19];
	[sflag:s3] =	ssyncadd.s32 $0xFFFF0000  }
0x286: {  	[tilespmem:s8], [sflag:$0x2] =	stream.linear.gather [hbm4b:s0+s2], $0x40, $0x38;
	[tilespmem:$0x14100] =	vst v63  }
0x287: {  	_ =	swait.ge [sflag:s3], $0x40  }
0x288: {  	[sflag:s3] =	ssyncset.done $0x0  }
0x289: {  	[sflag:s3] =	ssyncadd.s32 $0xFFFFFFC0  }
0x28a: {  	[tilespmem:s4], [sflag:$0x2] =	stream.linear.gather [hbm4b:s13+s2], $0x10000, $0x38;
	[tilespmem:$0x14100] =	vst v63  }
0x28b: {  	_ =	swait.ge [sflag:s3], $0x10000  }
0x28c: {  	[sflag:s3] =	ssyncset.done $0x0  }
0x28d: {  	[sflag:s3] =	ssyncadd.s32 $0xFFFF0000  }
0x28e: {  	[tilespmem:s4], [sflag:$0x1] =	stream.indirect.gather.add.f32 [hbm:s6], $0x400, s8, s10, $0xb8;
	[tilespmem:$0x14100] =	vst v63  }
0x28f: {  	_ =	swait.ge [sflag:s5], $0x10000  }
0x290: {  	[sflag:s5] =	ssyncset.done $0x0  }
0x291: {  	s0 =	rddreg [dreg:$0x1a];
	[sflag:s5] =	ssyncadd.s32 $0xFFFF0000  }
0x292: {  	[hbm4b:s0+s2] =	stream.linear.scatter [tilespmem:s4], [sflag:$0x2], $0x10000, $0x38;
	[tilespmem:$0x14100] =	vst v63  }
0x293: {  	_ =	swait.ge [sflag:s3], $0x10000  }
0x294: {  	[sflag:s3] =	ssyncset.done $0x0  }
0x295: {  	s0 =	rddreg [dreg:$0x1b];
	[sflag:s3] =	ssyncadd.s32 $0xFFFF0000  }
0x296: {  	[tilespmem:s8], [sflag:$0x2] =	stream.linear.gather [hbm4b:s0+s2], $0x40, $0x38;
	[tilespmem:$0x14100] =	vst v63  }
0x297: {  	_ =	swait.ge [sflag:s3], $0x40  }
0x298: {  	[sflag:s3] =	ssyncset.done $0x0  }
0x299: {  	[sflag:s3] =	ssyncadd.s32 $0xFFFFFFC0  }
0x29a: {  	[tilespmem:s4], [sflag:$0x2] =	stream.linear.gather [hbm4b:s13+s2], $0x10000, $0x38;
	[tilespmem:$0x14100] =	vst v63  }
0x29b: {  	_ =	swait.ge [sflag:s3], $0x10000  }
0x29c: {  	[sflag:s3] =	ssyncset.done $0x0  }
0x29d: {  	[sflag:s3] =	ssyncadd.s32 $0xFFFF0000  }
0x29e: {  	[tilespmem:s4], [sflag:$0x1] =	stream.indirect.gather.add.f32 [hbm:s6], $0x400, s8, s10, $0xb8;
	[tilespmem:$0x14100] =	vst v63  }
0x29f: {  	_ =	swait.ge [sflag:s5], $0x10000  }
0x2a0: {  	[sflag:s5] =	ssyncset.done $0x0  }
0x2a1: {  	s0 =	rddreg [dreg:$0x1c];
	[sflag:s5] =	ssyncadd.s32 $0xFFFF0000  }
0x2a2: {  	[hbm4b:s0+s2] =	stream.linear.scatter [tilespmem:s4], [sflag:$0x2], $0x10000, $0x38;
	[tilespmem:$0x14100] =	vst v63  }
0x2a3: {  	_ =	swait.ge [sflag:s3], $0x10000  }
0x2a4: {  	[sflag:s3] =	ssyncset.done $0x0  }
0x2a5: {  	s0 =	rddreg [dreg:$0x1d];
	[sflag:s3] =	ssyncadd.s32 $0xFFFF0000  }
0x2a6: {  	[tilespmem:s8], [sflag:$0x2] =	stream.linear.gather [hbm4b:s0+s2], $0x40, $0x38;
	[tilespmem:$0x14100] =	vst v63  }
0x2a7: {  	_ =	swait.ge [sflag:s3], $0x40  }
0x2a8: {  	[sflag:s3] =	ssyncset.done $0x0  }
0x2a9: {  	[sflag:s3] =	ssyncadd.s32 $0xFFFFFFC0  }
0x2aa: {  	[tilespmem:s4], [sflag:$0x2] =	stream.linear.gather [hbm4b:s13+s2], $0x10000, $0x38;
	[tilespmem:$0x14100] =	vst v63  }
0x2ab: {  	_ =	swait.ge [sflag:s3], $0x10000  }
0x2ac: {  	[sflag:s3] =	ssyncset.done $0x0  }
0x2ad: {  	[sflag:s3] =	ssyncadd.s32 $0xFFFF0000  }
0x2ae: {  	[tilespmem:s4], [sflag:$0x1] =	stream.indirect.gather.add.f32 [hbm:s6], $0x400, s8, s10, $0xb8;
	[tilespmem:$0x14100] =	vst v63  }
0x2af: {  	_ =	swait.ge [sflag:s5], $0x10000  }
0x2b0: {  	[sflag:s5] =	ssyncset.done $0x0  }
0x2b1: {  	s0 =	rddreg [dreg:$0x1e];
	[sflag:s5] =	ssyncadd.s32 $0xFFFF0000  }
0x2b2: {  	[hbm4b:s0+s2] =	stream.linear.scatter [tilespmem:s4], [sflag:$0x2], $0x10000, $0x38;
	[tilespmem:$0x14100] =	vst v63  }
0x2b3: {  	_ =	swait.ge [sflag:s3], $0x10000  }
0x2b4: {  	[sflag:s3] =	ssyncset.done $0x0  }
0x2b5: {  	s0 =	rddreg [dreg:$0x1f];
	[sflag:s3] =	ssyncadd.s32 $0xFFFF0000  }
0x2b6: {  	[tilespmem:s8], [sflag:$0x2] =	stream.linear.gather [hbm4b:s0+s2], $0x40, $0x38;
	[tilespmem:$0x14100] =	vst v63  }
0x2b7: {  	_ =	swait.ge [sflag:s3], $0x40  }
0x2b8: {  	[sflag:s3] =	ssyncset.done $0x0  }
0x2b9: {  	[sflag:s3] =	ssyncadd.s32 $0xFFFFFFC0  }
0x2ba: {  	[tilespmem:s4], [sflag:$0x2] =	stream.linear.gather [hbm4b:s13+s2], $0x10000, $0x38;
	[tilespmem:$0x14100] =	vst v63  }
0x2bb: {  	_ =	swait.ge [sflag:s3], $0x10000  }
0x2bc: {  	[sflag:s3] =	ssyncset.done $0x0  }
0x2bd: {  	[sflag:s3] =	ssyncadd.s32 $0xFFFF0000  }
0x2be: {  	[tilespmem:s4], [sflag:$0x1] =	stream.indirect.gather.add.f32 [hbm:s6], $0x400, s8, s10, $0xb8;
	[tilespmem:$0x14100] =	vst v63  }
0x2bf: {  	_ =	swait.ge [sflag:s5], $0x10000  }
0x2c0: {  	s0 =	sld [smem:$0x7F8]  }
0x2c1: {  	[sflag:s5] =	ssyncset.done $0x0  }
0x2c2: {  	[sflag:s5] =	ssyncadd.s32 $0xFFFF0000  }
0x2c3: {  	[hbm4b:s0+s2] =	stream.linear.scatter [tilespmem:s4], [sflag:$0x2], $0x10000, $0x38;
	[tilespmem:$0x14100] =	vst v63  }
0x2c4: {  	_ =	swait.ge [sflag:s3], $0x10000  }
0x2c5: {  	s0 =	sld [smem:$0x7F9]  }
0x2c6: {  	[sflag:s3] =	ssyncset.done $0x0  }
0x2c7: {  	[sflag:s3] =	ssyncadd.s32 $0xFFFF0000  }
0x2c8: {  	[tilespmem:s8], [sflag:$0x2] =	stream.linear.gather [hbm4b:s0+s2], $0x40, $0x38;
	[tilespmem:$0x14100] =	vst v63  }
0x2c9: {  	_ =	swait.ge [sflag:s3], $0x40  }
0x2ca: {  	[sflag:s3] =	ssyncset.done $0x0  }
0x2cb: {  	[sflag:s3] =	ssyncadd.s32 $0xFFFFFFC0  }
0x2cc: {  	[tilespmem:s4], [sflag:$0x2] =	stream.linear.gather [hbm4b:s13+s2], $0x10000, $0x38;
	[tilespmem:$0x14100] =	vst v63  }
0x2cd: {  	_ =	swait.ge [sflag:s3], $0x10000  }
0x2ce: {  	[sflag:s3] =	ssyncset.done $0x0  }
0x2cf: {  	[sflag:s3] =	ssyncadd.s32 $0xFFFF0000  }
0x2d0: {  	[tilespmem:s4], [sflag:$0x1] =	stream.indirect.gather.add.f32 [hbm:s6], $0x400, s8, s10, $0xb8;
	[tilespmem:$0x14100] =	vst v63  }
0x2d1: {  	_ =	swait.ge [sflag:s5], $0x10000  }
0x2d2: {  	s0 =	sld [smem:$0x7FA]  }
0x2d3: {  	[sflag:s5] =	ssyncset.done $0x0  }
0x2d4: {  	[sflag:s5] =	ssyncadd.s32 $0xFFFF0000  }
0x2d5: {  	[hbm4b:s0+s2] =	stream.linear.scatter [tilespmem:s4], [sflag:$0x2], $0x10000, $0x38;
	[tilespmem:$0x14100] =	vst v63  }
0x2d6: {  	_ =	swait.ge [sflag:s3], $0x10000  }
0x2d7: {  	s0 =	sld [smem:$0x7FB]  }
0x2d8: {  	[sflag:s3] =	ssyncset.done $0x0  }
0x2d9: {  	[sflag:s3] =	ssyncadd.s32 $0xFFFF0000  }
0x2da: {  	[tilespmem:s8], [sflag:$0x2] =	stream.linear.gather [hbm4b:s0+s2], $0x40, $0x38;
	[tilespmem:$0x14100] =	vst v63  }
0x2db: {  	_ =	swait.ge [sflag:s3], $0x40  }
0x2dc: {  	[sflag:s3] =	ssyncset.done $0x0  }
0x2dd: {  	[sflag:s3] =	ssyncadd.s32 $0xFFFFFFC0  }
0x2de: {  	[tilespmem:s4], [sflag:$0x2] =	stream.linear.gather [hbm4b:s13+s2], $0x10000, $0x38;
	[tilespmem:$0x14100] =	vst v63  }
0x2df: {  	_ =	swait.ge [sflag:s3], $0x10000  }
0x2e0: {  	[sflag:s3] =	ssyncset.done $0x0  }
0x2e1: {  	[sflag:s3] =	ssyncadd.s32 $0xFFFF0000  }
0x2e2: {  	[tilespmem:s4], [sflag:$0x1] =	stream.indirect.gather.add.f32 [hbm:s6], $0x400, s8, s10, $0xb8;
	[tilespmem:$0x14100] =	vst v63  }
0x2e3: {  	_ =	swait.ge [sflag:s5], $0x10000  }
0x2e4: {  	s0 =	sld [smem:$0x7FC]  }
0x2e5: {  	[sflag:s5] =	ssyncset.done $0x0  }
0x2e6: {  	[sflag:s5] =	ssyncadd.s32 $0xFFFF0000  }
0x2e7: {  	[hbm4b:s0+s2] =	stream.linear.scatter [tilespmem:s4], [sflag:$0x2], $0x10000, $0x38;
	[tilespmem:$0x14100] =	vst v63  }
0x2e8: {  	_ =	swait.ge [sflag:s3], $0x10000  }
0x2e9: {  	s0 =	sld [smem:$0x7FD]  }
0x2ea: {  	[sflag:s3] =	ssyncset.done $0x0  }
0x2eb: {  	[sflag:s3] =	ssyncadd.s32 $0xFFFF0000  }
0x2ec: {  	[tilespmem:s8], [sflag:$0x2] =	stream.linear.gather [hbm4b:s0+s2], $0x40, $0x38;
	[tilespmem:$0x14100] =	vst v63  }
0x2ed: {  	_ =	swait.ge [sflag:s3], $0x40  }
0x2ee: {  	[sflag:s3] =	ssyncset.done $0x0  }
0x2ef: {  	[sflag:s3] =	ssyncadd.s32 $0xFFFFFFC0  }
0x2f0: {  	[tilespmem:s4], [sflag:$0x2] =	stream.linear.gather [hbm4b:s13+s2], $0x10000, $0x38;
	[tilespmem:$0x14100] =	vst v63  }
0x2f1: {  	_ =	swait.ge [sflag:s3], $0x10000  }
0x2f2: {  	[sflag:s3] =	ssyncset.done $0x0  }
0x2f3: {  	[sflag:s3] =	ssyncadd.s32 $0xFFFF0000  }
0x2f4: {  	[tilespmem:s4], [sflag:$0x1] =	stream.indirect.gather.add.f32 [hbm:s6], $0x400, s8, s10, $0xb8;
	[tilespmem:$0x14100] =	vst v63  }
0x2f5: {  	_ =	swait.ge [sflag:s5], $0x10000  }
0x2f6: {  	[sflag:s5] =	ssyncset.done $0x0  }
0x2f7: {  	[sflag:s5] =	ssyncadd.s32 $0xFFFF0000  }
0x2f8: {  	[hbm4b:s14+s2] =	stream.linear.scatter [tilespmem:s4], [sflag:$0x2], $0x10000, $0x38;
	[tilespmem:$0x14100] =	vst v63  }
0x2f9: {  	_ =	swait.ge [sflag:s3], $0x10000  }
0x2fa: {  	[sflag:s3] =	ssyncset.done $0x0  }
0x2fb: {  	[sflag:s3] =	ssyncadd.s32 $0xFFFF0000  }
0x2fc: {  	[tilespmem:s8], [sflag:$0x2] =	stream.linear.gather [hbm4b:s15+s2], $0x40, $0x38;
	[tilespmem:$0x14100] =	vst v63  }
0x2fd: {  	_ =	swait.ge [sflag:s3], $0x40  }
0x2fe: {  	[sflag:s3] =	ssyncset.done $0x0  }
0x2ff: {  	[sflag:s3] =	ssyncadd.s32 $0xFFFFFFC0  }
0x300: {  	[tilespmem:s4], [sflag:$0x2] =	stream.linear.gather [hbm4b:s13+s2], $0x10000, $0x38;
	[tilespmem:$0x14100] =	vst v63  }
0x301: {  	_ =	swait.ge [sflag:s3], $0x10000  }
0x302: {  	[sflag:s3] =	ssyncset.done $0x0  }
0x303: {  	[sflag:s3] =	ssyncadd.s32 $0xFFFF0000  }
0x304: {  	[tilespmem:s4], [sflag:$0x1] =	stream.indirect.gather.add.f32 [hbm:s6], $0x400, s8, s10, $0xb8;
	[tilespmem:$0x14100] =	vst v63  }
0x305: {  	_ =	swait.ge [sflag:s5], $0x10000  }
0x306: {  	[sflag:s5] =	ssyncset.done $0x0  }
0x307: {  	[sflag:s5] =	ssyncadd.s32 $0xFFFF0000  }
0x308: {  	[hbm4b:s16+s2] =	stream.linear.scatter [tilespmem:s4], [sflag:$0x2], $0x10000, $0x38;
	[tilespmem:$0x14100] =	vst v63  }
0x309: {  	_ =	swait.ge [sflag:s3], $0x10000  }
0x30a: {  	[sflag:s3] =	ssyncset.done $0x0  }
0x30b: {  	[sflag:s3] =	ssyncadd.s32 $0xFFFF0000  }
0x30c: {  	[tilespmem:s8], [sflag:$0x2] =	stream.linear.gather [hbm4b:s17+s2], $0x40, $0x38;
	[tilespmem:$0x14100] =	vst v63  }
0x30d: {  	_ =	swait.ge [sflag:s3], $0x40  }
0x30e: {  	[sflag:s3] =	ssyncset.done $0x0  }
0x30f: {  	[sflag:s3] =	ssyncadd.s32 $0xFFFFFFC0  }
0x310: {  	[tilespmem:s4], [sflag:$0x2] =	stream.linear.gather [hbm4b:s13+s2], $0x10000, $0x38;
	[tilespmem:$0x14100] =	vst v63  }
0x311: {  	_ =	swait.ge [sflag:s3], $0x10000  }
0x312: {  	[sflag:s3] =	ssyncset.done $0x0  }
0x313: {  	[sflag:s3] =	ssyncadd.s32 $0xFFFF0000  }
0x314: {  	[tilespmem:s4], [sflag:$0x1] =	stream.indirect.gather.add.f32 [hbm:s6], $0x400, s8, s10, $0xb8;
	[tilespmem:$0x14100] =	vst v63  }
0x315: {  	_ =	swait.ge [sflag:s5], $0x10000  }
0x316: {  	[sflag:s5] =	ssyncset.done $0x0  }
0x317: {  	[sflag:s5] =	ssyncadd.s32 $0xFFFF0000  }
0x318: {  	[hbm4b:s18+s2] =	stream.linear.scatter [tilespmem:s4], [sflag:$0x2], $0x10000, $0x38;
	[tilespmem:$0x14100] =	vst v63  }
0x319: {  	_ =	swait.ge [sflag:s3], $0x10000  }
0x31a: {  	[sflag:s3] =	ssyncset.done $0x0  }
0x31b: {  	[sflag:s3] =	ssyncadd.s32 $0xFFFF0000  }
0x31c: {  	[tilespmem:s8], [sflag:$0x2] =	stream.linear.gather [hbm4b:s19+s2], $0x40, $0x38;
	[tilespmem:$0x14100] =	vst v63  }
0x31d: {  	_ =	swait.ge [sflag:s3], $0x40  }
0x31e: {  	[sflag:s3] =	ssyncset.done $0x0  }
0x31f: {  	[sflag:s3] =	ssyncadd.s32 $0xFFFFFFC0  }
0x320: {  	[tilespmem:s4], [sflag:$0x2] =	stream.linear.gather [hbm4b:s13+s2], $0x10000, $0x38;
	[tilespmem:$0x14100] =	vst v63  }
0x321: {  	_ =	swait.ge [sflag:s3], $0x10000  }
0x322: {  	[sflag:s3] =	ssyncset.done $0x0  }
0x323: {  	[sflag:s3] =	ssyncadd.s32 $0xFFFF0000  }
0x324: {  	[tilespmem:s4], [sflag:$0x1] =	stream.indirect.gather.add.f32 [hbm:s6], $0x400, s8, s10, $0xb8;
	[tilespmem:$0x14100] =	vst v63  }
0x325: {  	_ =	swait.ge [sflag:s5], $0x10000  }
0x326: {  	[sflag:s5] =	ssyncset.done $0x0  }
0x327: {  	[sflag:s5] =	ssyncadd.s32 $0xFFFF0000  }
0x328: {  	[hbm4b:s20+s2] =	stream.linear.scatter [tilespmem:s4], [sflag:$0x2], $0x10000, $0x38;
	[tilespmem:$0x14100] =	vst v63  }
0x329: {  	_ =	swait.ge [sflag:s3], $0x10000  }
0x32a: {  	[sflag:s3] =	ssyncset.done $0x0  }
0x32b: {  	[sflag:s3] =	ssyncadd.s32 $0xFFFF0000  }
0x32c: {  	[tilespmem:s8], [sflag:$0x2] =	stream.linear.gather [hbm4b:s21+s2], $0x40, $0x38;
	[tilespmem:$0x14100] =	vst v63  }
0x32d: {  	_ =	swait.ge [sflag:s3], $0x40  }
0x32e: {  	[sflag:s3] =	ssyncset.done $0x0  }
0x32f: {  	[sflag:s3] =	ssyncadd.s32 $0xFFFFFFC0  }
0x330: {  	[tilespmem:s4], [sflag:$0x2] =	stream.linear.gather [hbm4b:s13+s2], $0x10000, $0x38;
	[tilespmem:$0x14100] =	vst v63  }
0x331: {  	_ =	swait.ge [sflag:s3], $0x10000  }
0x332: {  	[sflag:s3] =	ssyncset.done $0x0  }
0x333: {  	[sflag:s3] =	ssyncadd.s32 $0xFFFF0000  }
0x334: {  	[tilespmem:s4], [sflag:$0x1] =	stream.indirect.gather.add.f32 [hbm:s6], $0x400, s8, s10, $0xb8;
	[tilespmem:$0x14100] =	vst v63  }
0x335: {  	_ =	swait.ge [sflag:s5], $0x10000  }
0x336: {  	[sflag:s5] =	ssyncset.done $0x0  }
0x337: {  	[sflag:s5] =	ssyncadd.s32 $0xFFFF0000  }
0x338: {  	[hbm4b:s22+s2] =	stream.linear.scatter [tilespmem:s4], [sflag:$0x2], $0x10000, $0x38;
	[tilespmem:$0x14100] =	vst v63  }
0x339: {  	_ =	swait.ge [sflag:s3], $0x10000  }
0x33a: {  	[sflag:s3] =	ssyncset.done $0x0  }
0x33b: {  	[sflag:s3] =	ssyncadd.s32 $0xFFFF0000  }
0x33c: {  	[tilespmem:s8], [sflag:$0x2] =	stream.linear.gather [hbm4b:s23+s2], $0x40, $0x38;
	[tilespmem:$0x14100] =	vst v63  }
0x33d: {  	_ =	swait.ge [sflag:s3], $0x40  }
0x33e: {  	[sflag:s3] =	ssyncset.done $0x0  }
0x33f: {  	[sflag:s3] =	ssyncadd.s32 $0xFFFFFFC0  }
0x340: {  	[tilespmem:s4], [sflag:$0x2] =	stream.linear.gather [hbm4b:s13+s2], $0x10000, $0x38;
	[tilespmem:$0x14100] =	vst v63  }
0x341: {  	_ =	swait.ge [sflag:s3], $0x10000  }
0x342: {  	[sflag:s3] =	ssyncset.done $0x0  }
0x343: {  	[sflag:s3] =	ssyncadd.s32 $0xFFFF0000  }
0x344: {  	[tilespmem:s4], [sflag:$0x1] =	stream.indirect.gather.add.f32 [hbm:s6], $0x400, s8, s10, $0xb8;
	[tilespmem:$0x14100] =	vst v63  }
0x345: {  	_ =	swait.ge [sflag:s5], $0x10000  }
0x346: {  	[sflag:s5] =	ssyncset.done $0x0  }
0x347: {  	[sflag:s5] =	ssyncadd.s32 $0xFFFF0000  }
0x348: {  	[hbm4b:s24+s2] =	stream.linear.scatter [tilespmem:s4], [sflag:$0x2], $0x10000, $0x38;
	[tilespmem:$0x14100] =	vst v63  }
0x349: {  	_ =	swait.ge [sflag:s3], $0x10000  }
0x34a: {  	[sflag:s3] =	ssyncset.done $0x0  }
0x34b: {  	[sflag:s3] =	ssyncadd.s32 $0xFFFF0000  }
0x34c: {  	[tilespmem:s8], [sflag:$0x2] =	stream.linear.gather [hbm4b:s25+s2], $0x40, $0x38;
	[tilespmem:$0x14100] =	vst v63  }
0x34d: {  	_ =	swait.ge [sflag:s3], $0x40  }
0x34e: {  	[sflag:s3] =	ssyncset.done $0x0  }
0x34f: {  	[sflag:s3] =	ssyncadd.s32 $0xFFFFFFC0  }
0x350: {  	[tilespmem:s4], [sflag:$0x2] =	stream.linear.gather [hbm4b:s13+s2], $0x10000, $0x38;
	[tilespmem:$0x14100] =	vst v63  }
0x351: {  	_ =	swait.ge [sflag:s3], $0x10000  }
0x352: {  	[sflag:s3] =	ssyncset.done $0x0  }
0x353: {  	[sflag:s3] =	ssyncadd.s32 $0xFFFF0000  }
0x354: {  	[tilespmem:s4], [sflag:$0x1] =	stream.indirect.gather.add.f32 [hbm:s6], $0x400, s8, s10, $0xb8;
	[tilespmem:$0x14100] =	vst v63  }
0x355: {  	_ =	swait.ge [sflag:s5], $0x10000  }
0x356: {  	[sflag:s5] =	ssyncset.done $0x0  }
0x357: {  	[sflag:s5] =	ssyncadd.s32 $0xFFFF0000  }
0x358: {  	[hbm4b:s26+s2] =	stream.linear.scatter [tilespmem:s4], [sflag:$0x2], $0x10000, $0x38;
	[tilespmem:$0x14100] =	vst v63  }
0x359: {  	_ =	swait.ge [sflag:s3], $0x10000  }
0x35a: {  	[sflag:s3] =	ssyncset.done $0x0  }
0x35b: {  	[sflag:s3] =	ssyncadd.s32 $0xFFFF0000  }
0x35c: {  	[tilespmem:s8], [sflag:$0x2] =	stream.linear.gather [hbm4b:s28+s2], $0x40, $0x38;
	[tilespmem:$0x14100] =	vst v63  }
0x35d: {  	_ =	swait.ge [sflag:s3], $0x40  }
0x35e: {  	[sflag:s3] =	ssyncset.done $0x0  }
0x35f: {  	[sflag:s3] =	ssyncadd.s32 $0xFFFFFFC0  }
0x360: {  	[tilespmem:s4], [sflag:$0x2] =	stream.linear.gather [hbm4b:s13+s2], $0x10000, $0x38;
	[tilespmem:$0x14100] =	vst v63  }
0x361: {  	_ =	swait.ge [sflag:s3], $0x10000  }
0x362: {  	[sflag:s3] =	ssyncset.done $0x0  }
0x363: {  	[sflag:s3] =	ssyncadd.s32 $0xFFFF0000  }
0x364: {  	[tilespmem:s4], [sflag:$0x1] =	stream.indirect.gather.add.f32 [hbm:s6], $0x400, s8, s10, $0xb8;
	[tilespmem:$0x14100] =	vst v63  }
0x365: {  	_ =	swait.ge [sflag:s5], $0x10000  }
0x366: {  	[sflag:s5] =	ssyncset.done $0x0  }
0x367: {  	[sflag:s5] =	ssyncadd.s32 $0xFFFF0000  }
0x368: {  	[hbm4b:s29+s2] =	stream.linear.scatter [tilespmem:s4], [sflag:$0x2], $0x10000, $0x38;
	[tilespmem:$0x14100] =	vst v63  }
0x369: {  	_ =	swait.ge [sflag:s3], $0x10000  }
0x36a: {  	[sflag:s3] =	ssyncset.done $0x0  }
0x36b: {  	[sflag:s3] =	ssyncadd.s32 $0xFFFF0000  }
0x36c: {  	[tilespmem:s8], [sflag:$0x2] =	stream.linear.gather [hbm4b:s30+s2], $0x40, $0x38;
	[tilespmem:$0x14100] =	vst v63  }
0x36d: {  	_ =	swait.ge [sflag:s3], $0x40  }
0x36e: {  	[sflag:s3] =	ssyncset.done $0x0  }
0x36f: {  	[sflag:s3] =	ssyncadd.s32 $0xFFFFFFC0  }
0x370: {  	[tilespmem:s4], [sflag:$0x2] =	stream.linear.gather [hbm4b:s13+s2], $0x10000, $0x38;
	[tilespmem:$0x14100] =	vst v63  }
0x371: {  	_ =	swait.ge [sflag:s3], $0x10000  }
0x372: {  	[sflag:s3] =	ssyncset.done $0x0  }
0x373: {  	p0 =	sne.s32 s1, $0x1;
	[sflag:s3] =	ssyncadd.s32 $0xFFFF0000  }
0x374: {  	[tilespmem:s4], [sflag:$0x1] =	stream.indirect.gather.add.f32 [hbm:s6], $0x400, s8, s10, $0xb8;
	[tilespmem:$0x14100] =	vst v63  }
.Ltmp1:
0x375: {  	_ =	swait.ge [sflag:s5], $0x10000;
	(pc) =	sbr.rel @p0 .LBB2_1-.Ltmp1, $4  }
0x376: {  	[sflag:s5] =	ssyncset.done $0x0  }
0x377: {  	[sflag:s5] =	ssyncadd.s32 $0xFFFF0000  }
0x378: {  	[hbm4b:s31+s2] =	stream.linear.scatter [tilespmem:s4], [sflag:$0x2], $0x10000, $0x38;
	[tilespmem:$0x14100] =	vst v63  }
0x379: {  	s1 =	sadd.s32 $0xFFFFFFFF, s1;
	_ =	swait.ge [sflag:s3], $0x10000  }
.LBB2_2:
0x37a: {  	[sflag:s3] =	ssyncset.done $0x0  }
0x37b: {  	[sflag:s3] =	ssyncadd.s32 $0xFFFF0000  }
0x37c: {  	_ =	sfence.sel $0x180000  }
0x37d: {  	[bflag:$0x0] =	sbarrier.arrive $0xFFFF  }
0x37e: {  	_ =	strace $0x9000004A  }
0x37f: {  	s0 =	stileid.u32;
	[bflag:$0x2] =	sbarrier.arrive $0xFFFF  }
0x380: {  	p0 =	sne.s32 s0, $0x0;
	s0 =	rddreg [dreg:$0x1]  }
0x381: {  	s0 =	sadd.s32 @!p0 $0x100000, s0  }
0x382: {  	[sflag:s0] =	ssyncadd.tile.s32 @!p0 $0x1;
	_ =	shalt  }
.Lfunc_end2:
_tile_overlayer_lowered:
.L_overlay_start_2:
0x383: {  	(tag) =	ssettag $0x2  }
0x384: {  	s0 =	rddreg [dreg:$0x0];
	s2 =	stileid.u32  }
0x385: {  	s1 =	rddreg [dreg:$0x1];
	p0 =	sne.s32 s2, $0x0  }
0x386: {  	s3 =	rddreg [dreg:$0x2];
	[bflag:$0x3] =	sbarrier.arrive $0xFFFF;
	s2 =	simm.s32 @!p0 $0x1C02  }
0x387: {  	[timem:s3], [sflag:s2] =	dma.local @!p0 [hbm:s0], s1  }
0x388: {  	s0 =	simm.s32 @!p0 $0x2  }
0x389: {  	_ =	swait.ge @!p0 [sflag:s0], s1  }
0x38a: {  	s1 =	ssub.s32 @!p0 $0x0, s1;
	[sflag:s0] =	ssyncset.done @!p0 $0x0  }
0x38b: {  	[sflag:s0] =	ssyncadd.s32 @!p0 s1  }
0x38c: {  	[bflag:$0x3] =	sbarrier.arrive $0xFFFF  }
0x38d: {  	_ =	shalt  }

// kernel: sparse-core-data-format-call.cloned.1.call-start
scs
called_computation_lowered:
.L_overlay_start_0:
0x0: {  	s2 =	sld [smem:$0x3FD9]  }
0x1: {  	s3 =	sld [smem:$0x3FFE];
	_ =	sdelay $0x1  }
0x2: {  	s1 =	srdreg.scid  }
0x3: {  	s0 =	sand.u32 $0x1, s1  }
0x4: {  	s16 =	sshll.u32 s0, $0xA;
	s2 =	sadd.s32 s3, s2  }
0x5: {  	s2 =	sadd.s32 s2, s16  }
0x6: {  	[smem:$0x3FBB] =	sst s2  }
0x7: {  	_ = 	snop  }
0x8: {  	s2 =	sld [smem:$0x3FD0];
	_ =	sdelay $0x2  }
0x9: {  	s4 =	simm.s32 $0xA;
	s5 =	simm.s32 $0x10;
	s17 =	sld [smem:$0x3FC3]  }
0xa: {  	[smem:s5], [sflag:s4] =	dma.local [hbm:s2], $0x1  }
0xb: {  	_ =	swait.eq [sflag:s4], $0x1  }
0xc: {  	[sflag:s4] =	ssyncset.done $0x0  }
0xd: {  	[sflag:s4] =	ssyncadd.s32 $0xFFFFFFFF  }
0xe: {  	s18 =	sld [smem:$0x10];
	(tm) =	ssettm $0x1  }
0xf: {  	s19 =	sld [smem:$0x3FFB];
	_ =	sdelay $0x3  }
0x10: {  	_ =	strace s19  }
0x11: {  	s4 =	sld [smem:$0x3FFC];
	_ =	sdelay $0x3  }
0x12: {  	_ =	strace s4  }
0x13: {  	s4 =	sld [smem:$0x3FFD];
	_ =	sdelay $0x3  }
0x14: {  	_ =	strace s4  }
0x15: {  	_ =	strace $0x8FFFFFFF  }
0x16: {  	s20 =	sld [smem:$0x3FDB];
	_ =	sdelay $0x1  }
0x17: {  	s21 =	simm.s32 $_scs_section_size  }
0x18: {  	s6 =	simm.s32 $_size__tile_overlayer_lowered;
	s7 =	simm.s32 $_tile_overlayer_lowered  }
0x19: {  	s24 =	simm.s32 $0x1BFF;
	s23 =	sshll.u32 s7, $0x1;
	s4 =	sadd.s32 s21, s20  }
0x1a: {  	s8 =	simm.s32 $0x0;
	s22 =	sshll.u32 s6, $0x1;
	s6 =	sadd.s32 s23, s4  }
0x1b: {  	[timem:s8], [sflag:s24] =	dma.local [hbm:s6], s22  }
0x1c: {  	_ =	swait.ge [sflag:s24], s22  }
0x1d: {  	s5 =	ssub.s32 $0x0, s22;
	[sflag:s24] =	ssyncset.done $0x0  }
0x1e: {  	[sflag:s24] =	ssyncadd.s32 s5;
	_ =	sdelay $0x1  }
0x1f: {  	s25 =	simm.s32 $0x1B8B  }
0x20: {  	_ =	swait.ge [sflag:s25], $0x1  }
0x21: {  	[sflag:s25] =	ssyncset.done $0x0  }
0x22: {  	s26 =	simm.s32 $0x1B8E;
	[sflag:s25] =	ssyncadd.s32 $0xFFFFFFFF  }
0x23: {  	s27 =	simm.s32 $execute0_lowered;
	[smem:$0x3FD2] =	sst s26  }
0x24: {  	s5 =	sshll.u32 s27, $0x1;
	_ =	strace $0x80000046;
	[dreg:$0x1] =	wrdreg $0xFFFFFFFF  }
0x25: {  	s28 =	simm.s32 $_size_execute0_lowered;
	s4 =	sadd.s32 s4, s5;
	[dreg:$0x0] =	wrdreg $0x0  }
0x26: {  	s5 =	sshll.u32 s28, $0x1;
	[dreg:$0x2] =	wrdreg s4  }
0x27: {  	[dreg:$0x3] =	wrdreg s5  }
0x28: {  	[dreg:$0x4] =	wrdreg $0xC0  }
0x29: {  	_ =	task [dreg:s8], $0x5FFFF  }
0x2a: {  	[dreg:$0x1] =	wrdreg $0xFFFFFFFF  }
0x2b: {  	[dreg:$0x0] =	wrdreg $0x60  }
0x2c: {  	[dreg:$0x2] =	wrdreg s17  }
0x2d: {  	[dreg:$0x3] =	wrdreg s18  }
0x2e: {  	[dreg:$0x4] =	wrdreg $0x9  }
0x2f: {  	_ =	task.clear_ibuf [dreg:s8], $0x5FFFF;
	_ =	strace $0x90000046  }
0x30: {  	s29 =	simm.s32 $0x9;
	_ =	strace $0x80000048  }
0x31: {  	_ =	swait.ge [sflag:s29], $0x1  }
0x32: {  	[sflag:s29] =	ssyncadd.s32 $0xFFFFFFFF  }
0x33: {  	_ =	strace $0x90000048  }
0x34: {  	_ =	sfence  }
0x35: {  	s30 =	sld [smem:$0x0];
	_ =	sdelay $0x2  }
0x36: {  	s31 =	sshll.u32 s1, $0xD;
	s1 =	sshrl.u32 s1, $0x2  }
0x37: {  	s3 =	sand.u32 $0x4000, s31;
	s1 =	sadd.s32 s1, s30  }
0x38: {  	s0 =	sor.u32 s3, s0;
	s1 =	sshll.u32 s1, $0x11  }
0x39: {  	s0 =	sor.u32 s1, s0  }
0x3a: {  	s0 =	sadd.s32 $0x8F2B, s0  }
0x3b: {  	[sflag:s0] =	ssyncadd.remote.s32 $0x1  }
0x3c: {  	_ =	sfence.sel $0xFFFF  }
0x3d: {  	[dreg:$0x0] =	wrdreg $0xFFFFFFFF;
	(pc) =	sbr.abs _section_cstart, $3  }
0x3e: {  	[dreg:$0x1] =	wrdreg $0xFFFFFFFF  }
0x3f: {  	_ =	task.clear_ibuf [dreg:s8], $0x2FFFF;
	_ =	strace $0x9FFFFFFF  }
0x40: {  	(tm) =	ssettm $0x7FFFFFFF  }
0x41: {  	_ =	shalt  }
tec
execute0_lowered:
.L_overlay_start_1:
0x0: {  	(tag) =	ssettag $0x1  }
0x1: {  	s2 =	rddreg [dreg:$0x0]  }
0x2: {  	s0 =	srdreg.scid;
	s3 =	rddreg [dreg:$0x1]  }
0x3: {  	s1 =	stileid.u32;
	s5 =	simm.s32 $0x1;
	s0 =	sshll.u32 s0, $0x4  }
0x4: {  	s6 =	simm.s32 $0x2;
	s8 =	simm.s32 $0x0;
	s4 =	sand.u32 $0x10, s0  }
.Ltmp0:
0x5: {  	s9 =	simm.s32 $0x0;
	s4 =	sor.u32 s1, s4;
	(pc) =	sbr.rel .LBB1_1-.Ltmp0, $4  }
0x6: {  	s0 =	rddreg [dreg:$0x2];
	_ =	strace $0x80000047;
	s4 =	sshll.u32 s4, $0x1  }
0x7: {  	s13 =	simm.s32 $0x0;
	[sflag:s5] =	ssyncpa.u1 $0x0;
	s7 =	ssub.s32 $0x400, s4  }
0x8: {  	s10 =	simm.s32 $0x0;
	[sflag:s6] =	ssyncpa.u1 $0x0;
	s6 =	sshrl.u32 s7, $0x6  }
0x9: {  	s12 =	simm.s32 $0x0;
	s11 =	smov.u32 s4;
	s7 =	sadd.s32 $0x2, s6  }
.LBB1_9:
0xa: {  	s15 =	sshll.u32 s12, $0xE  }
0xb: {  	s16 =	sshll.u32 s10, $0xA;
	s15 =	sand.u32 $0x4000, s15  }
0xc: {  	s16 =	sadd.s32 s3, s16;
	s15 =	sor.u32 $0x8000, s15  }
0xd: {  	[hbm4b:s16+s8] =	stream.linear.scatter [tilespmem:s15], [sflag:$0x2], s14, $0x38;
	[tilespmem:$0x10000] =	vst v63  }
.LBB1_10:
0xe: {  	p0 =	slt.u32 s12, $0x2  }
0xf: {  	p1 =	sgt.s32 @!p0 s13, $0x3FF  }
0x10: {  	s14 =	smov.u32 s13;
	s15 =	sshra.s32 @!p0 s13, $0x1F;
	p1 =	por !p1, p0  }
0x11: {  	s13 =	sand.u32 @!p0 s15, s13;
	s14 =	simm.s32 @p1 $0x3FF  }
0x12: {  	s13 =	ssub.s32 @!p0 s14, s13  }
0x13: {  	s13 =	sadd.s32 @!p0 $0xFFFFFC01, s13  }
0x14: {  	s14 =	sshll.u32 @!p0 s13, $0xF  }
0x15: {  	p1 =	sgt.s32 @!p0 s13, $0x1;
	s13 =	ssub.s32 @!p0 $0x10000, s14  }
0x16: {  	s15 =	sadd.s32 $0x40, s11;
	p1 =	por !p1, p0;
	s13 =	sshrl.u32 @!p0 s13, $0x2  }
0x17: {  	s13 =	simm.s32 @!p1 $0x0;
	p1 =	sgt.s32 s15, $0x400  }
0x18: {  	s15 =	smov.u32 @p1 s4;
	p1 =	sne.s32 s12, s7  }
.Ltmp1:
0x19: {  	_ = 	snop;
	(pc) =	sbr.rel @!p1 .LBB1_11-.Ltmp1, $4  }
0x1a: {  	s14 =	simm.s32 @!p0 $0x2  }
0x1b: {  	s9 =	sadd.s32 $0x4000, s9;
	_ =	swait.ge @!p0 [sflag:s14], s13;
	s16 =	ssub.s32 @!p0 $0x0, s13  }
0x1c: {  	s13 =	smov.u32 s10;
	s12 =	sadd.s32 $0x1, s12;
	[sflag:s14] =	ssyncset.done @!p0 $0x0  }
0x1d: {  	s10 =	smov.u32 s11;
	s11 =	smov.u32 s15;
	[sflag:s14] =	ssyncadd.s32 @!p0 s16  }
.LBB1_1:
0x1e: {  	p0 =	sgt.u32 s12, s6  }
0x1f: {  	p1 =	sgt.s32 @!p0 s11, $0x3FF  }
0x20: {  	s14 =	smov.u32 s11;
	s15 =	sshra.s32 @!p0 s11, $0x1F;
	p1 =	por !p1, p0  }
0x21: {  	s15 =	sand.u32 @!p0 s15, s11;
	s14 =	simm.s32 @p1 $0x3FF  }
0x22: {  	s14 =	ssub.s32 @!p0 s14, s15  }
0x23: {  	s14 =	sadd.s32 @!p0 $0xFFFFFC01, s14  }
0x24: {  	s17 =	simm.s32 @!p0 $0x0;
	s15 =	sxor.u32 @!p0 $0xFFFFFFFF, s12;
	s16 =	sshll.u32 @!p0 s14, $0xF  }
0x25: {  	s15 =	sshll.u32 @!p0 s15, $0xE;
	p1 =	sgt.s32 @!p0 s14, $0x1;
	s14 =	ssub.s32 @!p0 $0x10000, s16  }
0x26: {  	p1 =	por !p1, p0;
	s16 =	sshll.u32 @!p0 s11, $0xA;
	s14 =	sshrl.u32 @!p0 s14, $0x2  }
0x27: {  	s15 =	sand.u32 @!p0 $0x4000, s15;
	s16 =	sadd.s32 @!p0 s2, s16;
	s14 =	simm.s32 @!p1 $0x0  }
0x28: {  	[tilespmem:s15], [sflag:$0x1] =	stream.linear.gather @!p0 [hbm4b:s16+s17], s14, $0x38;
	[tilespmem:$0x10000] =	vst v63  }
0x29: {  	p0 =	seq.s32 s12, $0x0  }
0x2a: {  	p1 =	sge.u32 @!p0 s12, s7  }
0x2b: {  	p0 =	por p0, p1  }
.Ltmp2:
0x2c: {  	_ = 	snop;
	(pc) =	sbr.rel @p0 .LBB1_10-.Ltmp2, $1  }
0x2d: {  	_ =	sdelay $0x3  }
0x2e: {  	p0 =	sgt.s32 s10, $0x3FF;
	s14 =	smov.u32 s10;
	s15 =	sshra.s32 s10, $0x1F  }
0x2f: {  	s14 =	simm.s32 @!p0 $0x3FF;
	s15 =	sand.u32 s15, s10  }
0x30: {  	s14 =	ssub.s32 s14, s15  }
0x31: {  	s16 =	sadd.s32 $0x2, s10;
	s14 =	sadd.s32 $0xFFFFFC01, s14  }
0x32: {  	p1 =	slt.s32 s16, $0x401;
	s30 =	sshll.u32 s14, $0xF  }
0x33: {  	s16 =	simm.s32 @!p1 $0x401;
	s15 =	ssub.s32 $0x10000, s30  }
0x34: {  	p0 =	sgt.s32 s14, $0x1;
	s14 =	sshrl.u32 s15, $0x2;
	s15 =	ssub.s32 s16, s10  }
0x35: {  	s14 =	simm.s32 @p0 $0x0;
	p0 =	slt.s32 s15, $0x1  }
.Ltmp3:
0x36: {  	_ = 	snop;
	(pc) =	sbr.rel @p0 .LBB1_9-.Ltmp3, $4  }
0x37: {  	_ = 	snop  }
0x38: {  	_ =	swait.ge [sflag:s5], s14  }
0x39: {  	s31 =	ssub.s32 $0x0, s14;
	[sflag:s5] =	ssyncset.done $0x0  }
0x3a: {  	[sflag:s5] =	ssyncadd.s32 s31  }
0x3b: {  	s17 =	sand.u32 $0x4000, s9  }
0x3c: {  	s18 =	simm.s32 $0x0;
	s16 =	sor.u32 $0x8040, s17;
	s17 =	sor.u32 $0x40, s17  }
.LBB1_4:
0x3d: {  	s19 =	smov.u32 s17;
	s20 =	smov.u32 s16;
	s21 =	simm.s32 $0x0  }
.LBB1_5:
0x3e: {  	v0 =	vmov s19;
	_ =	sdelay $0x3  }
0x3f: {  	s23 =	simm.s32 $0x0  }
0x40: {  	v6 =	vld.idx.msk [tilespmem:v0+s23+$0x30 ss:$0x1], $0xffff  }
0x41: {  	v7 =	vld.idx.msk [tilespmem:v0+s23+$0xFFFFFFC0 ss:$0x1], $0xffff  }
0x42: {  	v5 =	vld.idx.msk [tilespmem:v0+s23+$0xFFFFFFD0 ss:$0x1], $0xffff  }
0x43: {  	v4 =	vld.idx.msk [tilespmem:v0+s23+$0xFFFFFFE0 ss:$0x1], $0xffff  }
0x44: {  	v3 =	vld.idx.msk [tilespmem:v0+s23+$0xFFFFFFF0 ss:$0x1], $0xffff  }
0x45: {  	v1 =	vld.idx.msk [tilespmem:v0+s23+$0x0 ss:$0x1], $0xffff  }
0x46: {  	v2 =	vld.idx.msk [tilespmem:v0+s23+$0x10 ss:$0x1], $0xffff;
	[tilespmem:s20+$0x30] =	vst v6  }
0x47: {  	s22 =	simm.s32 $0x80;
	s24 =	simm.s32 $0x400;
	[tilespmem:s20+$0xFFFFFFC0] =	vst v7;
	v6 =	vld.idx.msk [tilespmem:v0+s23+$0x20 ss:$0x1], $0xffff;
	s23 =	smov.u32 s20  }
.LBB1_6:
0x48: {  	p0 =	sne.s32 s24, $0xE00;
	v7 =	vld.idx.msk [tilespmem:v0+s22+$0x30 ss:$0x1], $0xffff;
	[tilespmem:s23+$0xFFFFFFD0] =	vst v5  }
0x49: {  	v8 =	vld.idx.msk [tilespmem:v0+s22+$0xFFFFFFC0 ss:$0x1], $0xffff;
	[tilespmem:s23+$0xFFFFFFE0] =	vst v4  }
0x4a: {  	v5 =	vld.idx.msk [tilespmem:v0+s22+$0xFFFFFFD0 ss:$0x1], $0xffff;
	[tilespmem:s23+$0xFFFFFFF0] =	vst v3  }
.Ltmp4:
0x4b: {  	v4 =	vld.idx.msk [tilespmem:v0+s22+$0xFFFFFFE0 ss:$0x1], $0xffff;
	[tilespmem:s23+$0x0] =	vst v1;
	(pc) =	sbr.rel @p0 .LBB1_6-.Ltmp4, $4  }
0x4c: {  	v3 =	vld.idx.msk [tilespmem:v0+s22+$0xFFFFFFF0 ss:$0x1], $0xffff;
	[tilespmem:s23+$0x10] =	vst v2  }
0x4d: {  	v1 =	vld.idx.msk [tilespmem:v0+s22+$0x0 ss:$0x1], $0xffff;
	[tilespmem:s23+$0x20] =	vst v6;
	s23 =	sadd.s32 $0x400, s23  }
0x4e: {  	v2 =	vld.idx.msk [tilespmem:v0+s22+$0x10 ss:$0x1], $0xffff;
	[tilespmem:s23+$0x30] =	vst v7  }
0x4f: {  	[tilespmem:s23+$0xFFFFFFC0] =	vst v8;
	v6 =	vld.idx.msk [tilespmem:v0+s22+$0x20 ss:$0x1], $0xffff;
	s22 =	sshra.s32 s24, $0x2;
	s24 =	sadd.s32 $0x200, s24  }
0x50: {  	_ =	sdelay $0x2  }
0x51: {  	[tilespmem:s23+$0xFFFFFFD0] =	vst v5  }
0x52: {  	v56 =	vld.idx.msk [tilespmem:v0+s22+$0x30 ss:$0x1], $0xffff;
	[tilespmem:s23+$0xFFFFFFE0] =	vst v4  }
0x53: {  	v57 =	vld.idx.msk [tilespmem:v0+s22+$0xFFFFFFC0 ss:$0x1], $0xffff;
	[tilespmem:s23+$0xFFFFFFF0] =	vst v3  }
0x54: {  	v58 =	vld.idx.msk [tilespmem:v0+s22+$0xFFFFFFD0 ss:$0x1], $0xffff;
	[tilespmem:s23+$0x0] =	vst v1  }
0x55: {  	v59 =	vld.idx.msk [tilespmem:v0+s22+$0xFFFFFFE0 ss:$0x1], $0xffff;
	[tilespmem:s23+$0x10] =	vst v2  }
0x56: {  	v60 =	vld.idx.msk [tilespmem:v0+s22+$0xFFFFFFF0 ss:$0x1], $0xffff;
	s31 =	sadd.s32 $0x400, s23;
	[tilespmem:s23+$0x20] =	vst v6  }
0x57: {  	v61 =	vld.idx.msk [tilespmem:v0+s22+$0x0 ss:$0x1], $0xffff;
	[tilespmem:s31+$0x30] =	vst v56  }
0x58: {  	v62 =	vld.idx.msk [tilespmem:v0+s22+$0x10 ss:$0x1], $0xffff;
	s21 =	sadd.s32 $0x1, s21;
	[tilespmem:s31+$0xFFFFFFC0] =	vst v57  }
0x59: {  	v63 =	vld.idx.msk [tilespmem:v0+s22+$0x20 ss:$0x1], $0xffff;
	p0 =	sne.s32 s21, $0x8;
	[tilespmem:s31+$0xFFFFFFD0] =	vst v58  }
.Ltmp5:
0x5a: {  	[tilespmem:s31+$0xFFFFFFE0] =	vst v59;
	(pc) =	sbr.rel @p0 .LBB1_5-.Ltmp5, $4  }
0x5b: {  	[tilespmem:s31+$0xFFFFFFF0] =	vst v60  }
0x5c: {  	[tilespmem:s31+$0x0] =	vst v61  }
0x5d: {  	[tilespmem:s31+$0x10] =	vst v62  }
0x5e: {  	s20 =	sadd.s32 $0x80, s20;
	s19 =	sadd.s32 $0x400, s19;
	[tilespmem:s31+$0x20] =	vst v63  }
0x5f: {  	s18 =	sadd.s32 $0x1, s18  }
0x60: {  	p0 =	sne.s32 s18, s15  }
.Ltmp6:
0x61: {  	_ = 	snop;
	(pc) =	sbr.rel @p0 .LBB1_4-.Ltmp6, $4  }
.Ltmp7:
0x62: {  	_ = 	snop;
	(pc) =	sbr.rel @!p0 .LBB1_9-.Ltmp7, $4  }
0x63: {  	_ = 	snop  }
0x64: {  	_ = 	snop  }
0x65: {  	s16 =	sadd.s32 $0x2000, s16;
	s17 =	sadd.s32 $0x2000, s17  }
0x66: {  	_ = 	snop  }
.LBB1_11:
0x67: {  	_ =	sfence.sel $0x180000  }
0x68: {  	s2 =	simm.s32 $0x1;
	[bflag:$0x0] =	sbarrier.arrive $0xFFFF  }
0x69: {  	s31 =	simm.s32 $0x2;
	[sflag:s2] =	ssyncpa.u1 $0x1  }
0x6a: {  	[sflag:s31] =	ssyncpa.u1 $0x1  }
0x6b: {  	p0 =	sne.s32 s1, $0x0;
	_ =	strace $0x90000047  }
0x6c: {  	s0 =	sadd.s32 @!p0 $0x100000, s0;
	[bflag:$0x2] =	sbarrier.arrive $0xFFFF  }
0x6d: {  	[sflag:s0] =	ssyncadd.tile.s32 @!p0 $0x1;
	_ =	shalt  }
.Lfunc_end1:
_tile_overlayer_lowered:
.L_overlay_start_2:
0x6e: {  	(tag) =	ssettag $0x2  }
0x6f: {  	s0 =	rddreg [dreg:$0x0];
	s2 =	stileid.u32  }
0x70: {  	s1 =	rddreg [dreg:$0x1];
	p0 =	sne.s32 s2, $0x0  }
0x71: {  	s3 =	rddreg [dreg:$0x2];
	[bflag:$0x3] =	sbarrier.arrive $0xFFFF;
	s2 =	simm.s32 @!p0 $0x1C01  }
0x72: {  	[timem:s3], [sflag:s2] =	dma.local @!p0 [hbm:s0], s1  }
0x73: {  	s0 =	simm.s32 @!p0 $0x1  }
0x74: {  	_ =	swait.ge @!p0 [sflag:s0], s1  }
0x75: {  	s1 =	ssub.s32 @!p0 $0x0, s1;
	[sflag:s0] =	ssyncset.done @!p0 $0x0  }
0x76: {  	[sflag:s0] =	ssyncadd.s32 @!p0 s1  }
0x77: {  	[bflag:$0x3] =	sbarrier.arrive $0xFFFF  }
0x78: {  	_ =	shalt  }

</sc_bundles>
